<compile_context>
chip_gen: v7x
topology: tpu7x:2x2x1
jax: 0.10.2.dev20260603
libtpu: 0.0.44.dev20260713+nightly
codegen_flags: <defaults>
</compile_context>

<pallas_src>
import functools

import jax
import jax.numpy as jnp
from jax import lax
from jax.experimental import pallas as pl
from jax.experimental.pallas import tpu as pltpu
from jax.experimental.pallas import tpu_sc as plsc

B, N, S, D1, D2 = 16, 4096, 1024, 64, 128
MLP0, MLP1 = 128, 128
R = B * N

NC, NS, LANES = 2, 16, 16
NW = NC * NS
RPW = R // NW
CHUNK = 128
SUB = 16

NB1 = 1024
NB3 = 1024
NB4 = 1024
NB5 = 2048


def _nn3_body(xyz1_ref, x2t_ref, i1, i2, i3, w1, w2, w3):
    b = pl.program_id(0)
    x1 = xyz1_ref[0]
    x2 = x2t_ref[0]
    n1 = (x1[0:1, :] * x1[0:1, :] + x1[1:2, :] * x1[1:2, :]) \
        + x1[2:3, :] * x1[2:3, :]
    n2 = (x2[:, 0:1] * x2[:, 0:1] + x2[:, 1:2] * x2[:, 1:2]) \
        + x2[:, 2:3] * x2[:, 2:3]
    ab = lax.dot_general(x2, x1, (((1,), (0,)), ((), ())),
                         preferred_element_type=jnp.float32)
    d = -2.0 * ab
    d = d + n1
    d = d + n2

    iota = lax.broadcasted_iota(jnp.int32, (S, NB1), 0)
    ms, js = [], []
    for k in range(3):
        m = jnp.min(d, axis=0, keepdims=True)
        eq = d == m
        cand = jnp.where(eq, iota, S)
        j = jnp.min(cand, axis=0, keepdims=True)
        ms.append(m)
        js.append(j)
        if k < 2:
            d = jnp.where(cand == j, jnp.float32(jnp.inf), d)

    r1 = 1.0 / (ms[0] + 1e-8)
    r2 = 1.0 / (ms[1] + 1e-8)
    r3 = 1.0 / (ms[2] + 1e-8)
    norm = r1 + r2 + r3
    w1[0] = r1 / norm
    w2[0] = r2 / norm
    w3[0] = r3 / norm
    base = b * S
    i1[0] = js[0] + base
    i2[0] = js[1] + base
    i3[0] = js[2] + base


def _nn3(xyz1, x2t):
    grid = (B, N // NB1)
    out = pl.pallas_call(
        _nn3_body,
        grid=grid,
        in_specs=[
            pl.BlockSpec((1, 3, NB1), lambda b, n: (b, 0, n)),
            pl.BlockSpec((1, S, 3), lambda b, n: (b, 0, 0)),
        ],
        out_specs=[pl.BlockSpec((1, 1, NB1), lambda b, n: (b, 0, n))] * 6,
        out_shape=[jax.ShapeDtypeStruct((B, 1, N), jnp.int32)] * 3
        + [jax.ShapeDtypeStruct((B, 1, N), jnp.float32)] * 3,
    )(xyz1, x2t)
    return out


def _sc_interp_body(p2_hbm, i1_hbm, i2_hbm, i3_hbm, w1_hbm, w2_hbm, w3_hbm,
                    out_hbm, i1_v, i2_v, i3_v, w1_v, w2_v, w3_v,
                    r1_v, r2_v, r3_v, o_v, sem):
    wid = lax.axis_index("s") * NC + lax.axis_index("c")
    base = wid * RPW
    pltpu.sync_copy(i1_hbm.at[pl.ds(base, RPW)], i1_v)
    pltpu.sync_copy(i2_hbm.at[pl.ds(base, RPW)], i2_v)
    pltpu.sync_copy(i3_hbm.at[pl.ds(base, RPW)], i3_v)
    pltpu.sync_copy(w1_hbm.at[pl.ds(base, RPW)], w1_v)
    pltpu.sync_copy(w2_hbm.at[pl.ds(base, RPW)], w2_v)
    pltpu.sync_copy(w3_hbm.at[pl.ds(base, RPW)], w3_v)

    def round_body(g, _):
        off = g * CHUNK
        cp1 = pltpu.async_copy(p2_hbm.at[i1_v.at[pl.ds(off, CHUNK)]], r1_v, sem)
        cp2 = pltpu.async_copy(p2_hbm.at[i2_v.at[pl.ds(off, CHUNK)]], r2_v, sem)
        cp3 = pltpu.async_copy(p2_hbm.at[i3_v.at[pl.ds(off, CHUNK)]], r3_v, sem)
        cp1.wait()
        cp2.wait()
        cp3.wait()

        def sub_body(t, _):
            r0 = t * SUB
            wv1 = w1_v[pl.ds(off + r0, SUB)]
            wv2 = w2_v[pl.ds(off + r0, SUB)]
            wv3 = w3_v[pl.ds(off + r0, SUB)]
            for r in range(SUB):
                ids = jnp.full((LANES,), r, jnp.int32)
                a1 = wv1.at[ids].get(mode="promise_in_bounds")
                a2 = wv2.at[ids].get(mode="promise_in_bounds")
                a3 = wv3.at[ids].get(mode="promise_in_bounds")
                row = r0 + r
                for c in range(D2 // LANES):
                    sl = pl.ds(c * LANES, LANES)
                    o_v[row, sl] = (a1 * r1_v[row, sl]
                                    + a2 * r2_v[row, sl]
                                    + a3 * r3_v[row, sl])
            return _

        lax.fori_loop(0, CHUNK // SUB, sub_body, 0, unroll=False)
        pltpu.sync_copy(o_v, out_hbm.at[pl.ds(base + off, CHUNK)])
        return _

    lax.fori_loop(0, RPW // CHUNK, round_body, 0, unroll=False)


def _sc_interp(p2_flat, i1, i2, i3, w1, w2, w3):
    mesh = plsc.VectorSubcoreMesh(core_axis_name="c", subcore_axis_name="s")
    fn = functools.partial(
        pl.kernel,
        out_type=jax.ShapeDtypeStruct((R, D2), jnp.float32),
        mesh=mesh,
        scratch_types=[
            pltpu.VMEM((RPW,), jnp.int32),
            pltpu.VMEM((RPW,), jnp.int32),
            pltpu.VMEM((RPW,), jnp.int32),
            pltpu.VMEM((RPW,), jnp.float32),
            pltpu.VMEM((RPW,), jnp.float32),
            pltpu.VMEM((RPW,), jnp.float32),
            pltpu.VMEM((CHUNK, D2), jnp.float32),
            pltpu.VMEM((CHUNK, D2), jnp.float32),
            pltpu.VMEM((CHUNK, D2), jnp.float32),
            pltpu.VMEM((CHUNK, D2), jnp.float32),
            pltpu.SemaphoreType.DMA,
        ],
    )(_sc_interp_body)
    return fn(p2_flat, i1, i2, i3, w1, w2, w3)


def _conv0_body(p1_ref, it_ref, w0_ref, b0_ref, y_ref, st_ref):
    first = (pl.program_id(0) == 0) & (pl.program_id(1) == 0)

    @pl.when(first)
    def _():
        st_ref[...] = jnp.zeros_like(st_ref)

    w0a = w0_ref[:, :D1]
    w0b = w0_ref[:, D1:]
    t1 = lax.dot_general(w0a, p1_ref[0], (((1,), (0,)), ((), ())),
                         preferred_element_type=jnp.float32)
    t2 = lax.dot_general(w0b, it_ref[0], (((1,), (1,)), ((), ())),
                         preferred_element_type=jnp.float32)
    y = t1 + t2 + b0_ref[...]
    y_ref[0] = y
    st_ref[:, 0:1] += jnp.sum(y, axis=1, keepdims=True)
    st_ref[:, 1:2] += jnp.sum(y * y, axis=1, keepdims=True)


def _conv0(points1, interp3d, W0, b0c):
    grid = (B, N // NB3)
    return pl.pallas_call(
        _conv0_body,
        grid=grid,
        in_specs=[
            pl.BlockSpec((1, D1, NB3), lambda b, n: (b, 0, n)),
            pl.BlockSpec((1, NB3, D2), lambda b, n: (b, n, 0)),
            pl.BlockSpec((MLP0, D1 + D2), lambda b, n: (0, 0)),
            pl.BlockSpec((MLP0, 1), lambda b, n: (0, 0)),
        ],
        out_specs=[
            pl.BlockSpec((1, MLP0, NB3), lambda b, n: (b, 0, n)),
            pl.BlockSpec((MLP0, 128), lambda b, n: (0, 0)),
        ],
        out_shape=[
            jax.ShapeDtypeStruct((B, MLP0, N), jnp.float32),
            jax.ShapeDtypeStruct((MLP0, 128), jnp.float32),
        ],
    )(points1, interp3d, W0, b0c)


def _conv1_body(y0_ref, st0_ref, g0_ref, be0_ref, w1_ref, b1_ref,
                y_ref, st_ref):
    first = (pl.program_id(0) == 0) & (pl.program_id(1) == 0)

    @pl.when(first)
    def _():
        st_ref[...] = jnp.zeros_like(st_ref)

    cnt = jnp.float32(B * N)
    mean = st0_ref[:, 0:1] / cnt
    var = st0_ref[:, 1:2] / cnt - mean * mean
    inv = lax.rsqrt(var + 1e-5)
    scale = g0_ref[...] * inv
    shift = be0_ref[...] - mean * scale
    h = jnp.maximum(y0_ref[0] * scale + shift, 0.0)
    y = lax.dot_general(w1_ref[...], h, (((1,), (0,)), ((), ())),
                        preferred_element_type=jnp.float32) + b1_ref[...]
    y_ref[0] = y
    st_ref[:, 0:1] += jnp.sum(y, axis=1, keepdims=True)
    st_ref[:, 1:2] += jnp.sum(y * y, axis=1, keepdims=True)


def _conv1(y0, st0, g0c, beta0c, W1, b1c):
    grid = (B, N // NB4)
    return pl.pallas_call(
        _conv1_body,
        grid=grid,
        in_specs=[
            pl.BlockSpec((1, MLP0, NB4), lambda b, n: (b, 0, n)),
            pl.BlockSpec((MLP0, 128), lambda b, n: (0, 0)),
            pl.BlockSpec((MLP0, 1), lambda b, n: (0, 0)),
            pl.BlockSpec((MLP0, 1), lambda b, n: (0, 0)),
            pl.BlockSpec((MLP1, MLP0), lambda b, n: (0, 0)),
            pl.BlockSpec((MLP1, 1), lambda b, n: (0, 0)),
        ],
        out_specs=[
            pl.BlockSpec((1, MLP1, NB4), lambda b, n: (b, 0, n)),
            pl.BlockSpec((MLP1, 128), lambda b, n: (0, 0)),
        ],
        out_shape=[
            jax.ShapeDtypeStruct((B, MLP1, N), jnp.float32),
            jax.ShapeDtypeStruct((MLP1, 128), jnp.float32),
        ],
    )(y0, st0, g0c, beta0c, W1, b1c)


def _bn1_body(y1_ref, st1_ref, g1_ref, be1_ref, out_ref):
    cnt = jnp.float32(B * N)
    mean = st1_ref[:, 0:1] / cnt
    var = st1_ref[:, 1:2] / cnt - mean * mean
    inv = lax.rsqrt(var + 1e-5)
    scale = g1_ref[...] * inv
    shift = be1_ref[...] - mean * scale
    out_ref[0] = jnp.maximum(y1_ref[0] * scale + shift, 0.0)


def _bn1(y1, st1, g1c, beta1c):
    grid = (B, N // NB5)
    return pl.pallas_call(
        _bn1_body,
        grid=grid,
        in_specs=[
            pl.BlockSpec((1, MLP1, NB5), lambda b, n: (b, 0, n)),
            pl.BlockSpec((MLP1, 128), lambda b, n: (0, 0)),
            pl.BlockSpec((MLP1, 1), lambda b, n: (0, 0)),
            pl.BlockSpec((MLP1, 1), lambda b, n: (0, 0)),
        ],
        out_specs=pl.BlockSpec((1, MLP1, NB5), lambda b, n: (b, 0, n)),
        out_shape=jax.ShapeDtypeStruct((B, MLP1, N), jnp.float32),
    )(y1, st1, g1c, beta1c)


@jax.jit
def kernel(xyz1, xyz2, points1, points2, W0, b0, g0, beta0, W1, b1, g1, beta1):
    i1, i2, i3, w1, w2, w3 = _nn3(xyz1, jnp.transpose(xyz2, (0, 2, 1)))
    p2_flat = jnp.transpose(points2, (0, 2, 1)).reshape(B * S, D2)
    interp = _sc_interp(
        p2_flat,
        i1.reshape(R), i2.reshape(R), i3.reshape(R),
        w1.reshape(R), w2.reshape(R), w3.reshape(R),
    )
    interp3d = interp.reshape(B, N, D2)
    y0, st0 = _conv0(points1, interp3d, W0, b0.reshape(MLP0, 1))
    y1, st1 = _conv1(y0, st0, g0.reshape(MLP0, 1), beta0.reshape(MLP0, 1),
                     W1, b1.reshape(MLP1, 1))
    return _bn1(y1, st1, g1.reshape(MLP1, 1), beta1.reshape(MLP1, 1))

# --- scband reference (transcript-rebuilt; emitter-appended) ---
"""Pipeline reference for scband-point-net-feature-propagation-72129680769837 (READ-ONLY COPY).

The authoritative reference and input builder live on the scoring server;
editing this copy changes nothing except your own understanding.
"""

import jax, jax.numpy as jnp
import numpy as np

B, N, S, D1, D2 = 16, 4096, 1024, 64, 128
CIN = D1 + D2
MLP0, MLP1 = 128, 128


def setup_inputs(seed: int = 0) -> dict:
    key = jax.random.key(seed)
    ks = jax.random.split(key, 8)
    inp = {
        "xyz1": jax.random.normal(ks[0], (B, 3, N), dtype=jnp.float32),
        "xyz2": jax.random.normal(ks[1], (B, 3, S), dtype=jnp.float32),
        "points1": jax.random.normal(ks[2], (B, D1, N), dtype=jnp.float32),
        "points2": jax.random.normal(ks[3], (B, D2, S), dtype=jnp.float32),
        "W0": jax.random.normal(ks[4], (MLP0, CIN), dtype=jnp.float32) * (1.0 / np.sqrt(CIN)),
        "b0": jnp.zeros((MLP0,), dtype=jnp.float32),
        "g0": jnp.ones((MLP0,), dtype=jnp.float32),
        "beta0": jnp.zeros((MLP0,), dtype=jnp.float32),
        "W1": jax.random.normal(ks[5], (MLP1, MLP0), dtype=jnp.float32) * (1.0 / np.sqrt(MLP0)),
        "b1": jnp.zeros((MLP1,), dtype=jnp.float32),
        "g1": jnp.ones((MLP1,), dtype=jnp.float32),
        "beta1": jnp.zeros((MLP1,), dtype=jnp.float32),
    }
    return inp


def _bn_relu(x, g, beta):
    # BatchNorm1d in training mode: normalize over (batch, spatial) dims of [B, C, N]
    mean = jnp.mean(x, axis=(0, 2), keepdims=True)
    var = jnp.var(x, axis=(0, 2), keepdims=True)
    xh = (x - mean) / jnp.sqrt(var + 1e-5)
    return jax.nn.relu(xh * g[None, :, None] + beta[None, :, None])


def reference(xyz1, xyz2, points1, points2, W0, b0, g0, beta0, W1, b1, g1, beta1):
    x1 = jnp.transpose(xyz1, (0, 2, 1))  # [B, N, 3]
    x2 = jnp.transpose(xyz2, (0, 2, 1))  # [B, S, 3]
    # square_distance: [B, N, S]
    dist = -2.0 * jnp.einsum('bnc,bmc->bnm', x1, x2)
    dist = dist + jnp.sum(x1 ** 2, axis=-1)[:, :, None]
    dist = dist + jnp.sum(x2 ** 2, axis=-1)[:, None, :]
    # three_nn: 3 smallest distances (ascending) == top_k of negated distances
    negd, idx = jax.lax.top_k(-dist, 3)
    d3 = -negd  # [B, N, 3]
    dist_recip = 1.0 / (d3 + 1e-8)
    norm = jnp.sum(dist_recip, axis=2, keepdims=True)
    weight = dist_recip / norm  # [B, N, 3]
    # three_interpolate: gather 3 neighbors from points2 and weighted-sum
    p2 = jnp.transpose(points2, (0, 2, 1))  # [B, S, D2]
    gathered = jax.vmap(lambda pts, ix: pts[ix])(p2, idx)  # [B, N, 3, D2]
    interp = jnp.sum(gathered * weight[..., None], axis=2)  # [B, N, D2]
    interp = jnp.transpose(interp, (0, 2, 1))  # [B, D2, N]
    new_points = jnp.concatenate([points1, interp], axis=1)  # [B, D1+D2, N]
    y = jnp.einsum('oc,bcn->bon', W0, new_points) + b0[None, :, None]
    y = _bn_relu(y, g0, beta0)
    y = jnp.einsum('oc,bcn->bon', W1, y) + b1[None, :, None]
    y = _bn_relu(y, g1, beta1)
    return y

if __name__ == "__main__":
    import jax
    _d = setup_inputs()
    print(jax.jit(kernel)(*tuple(_d.values())))

</pallas_src>

<mosaic_0001>
#map = affine_map<(d0, d1) -> (0, 0)>
#map1 = affine_map<(d0, d1) -> (0)>
module attributes {stable_mosaic.version = 14 : i64} {
  func.func @_sc_interp_body(%arg0: i32, %arg1: i32, %arg2: memref<16384x128xf32, #tpu.memory_space<hbm>>, %arg3: memref<65536xi32, #tpu.memory_space<hbm>>, %arg4: memref<65536xi32, #tpu.memory_space<hbm>>, %arg5: memref<65536xi32, #tpu.memory_space<hbm>>, %arg6: memref<65536xf32, #tpu.memory_space<hbm>>, %arg7: memref<65536xf32, #tpu.memory_space<hbm>>, %arg8: memref<65536xf32, #tpu.memory_space<hbm>>, %arg9: memref<65536x128xf32, #tpu.memory_space<hbm>>, %arg10: memref<2048xi32, #tpu.memory_space<vmem>>, %arg11: memref<2048xi32, #tpu.memory_space<vmem>>, %arg12: memref<2048xi32, #tpu.memory_space<vmem>>, %arg13: memref<2048xf32, #tpu.memory_space<vmem>>, %arg14: memref<2048xf32, #tpu.memory_space<vmem>>, %arg15: memref<2048xf32, #tpu.memory_space<vmem>>, %arg16: memref<128x128xf32, #tpu.memory_space<vmem>>, %arg17: memref<128x128xf32, #tpu.memory_space<vmem>>, %arg18: memref<128x128xf32, #tpu.memory_space<vmem>>, %arg19: memref<128x128xf32, #tpu.memory_space<vmem>>, %arg20: memref<!tpu.dma_semaphore, #tpu.memory_space<semaphore_mem>>) attributes {dimension_semantics = [#tpu.dimension_semantics<core_parallel>, #tpu.dimension_semantics<subcore_parallel>], iteration_bounds = array<i64: 2, 16>, scalar_prefetch = 0 : i64, scratch_operands = 11 : i64, tpu.core_type = #tpu.core_type<sc_vector_subcore>, window_params = [{transform_indices = #map}, {transform_indices = #map1}, {transform_indices = #map1}, {transform_indices = #map1}, {transform_indices = #map1}, {transform_indices = #map1}, {transform_indices = #map1}, {transform_indices = #map}]} {
    %mul3A = arith.constant 2 : i32
    %mul3A_0 = arith.muli %arg1, %mul3A : i32
    %add3A = arith.addi %mul3A_0, %arg0 : i32
    %mul3A_1 = arith.constant 2048 : i32
    %mul3A_2 = arith.muli %add3A, %mul3A_1 : i32
    "tpu.region"() ({
      %run_scoped3A = tpu.sem_alloc : memref<!tpu.dma_semaphore, #tpu.memory_space<semaphore_mem>>
      %dma_start3A = tpu.memref_slice %arg3[%mul3A_2] : memref<65536xi32, #tpu.memory_space<hbm>> -> memref<2048xi32, #tpu.memory_space<hbm>>
      %dma_start3A_8 = tpu.memref_slice %arg3[%mul3A_2] : memref<65536xi32, #tpu.memory_space<hbm>> -> memref<2048xi32, #tpu.memory_space<hbm>>
      tpu.enqueue_dma source(%dma_start3A_8 : memref<2048xi32, #tpu.memory_space<hbm>>) target(%arg10 : memref<2048xi32, #tpu.memory_space<vmem>>) target_semaphore(%run_scoped3A : memref<!tpu.dma_semaphore, #tpu.memory_space<semaphore_mem>>)
      %dma_wait3A = tpu.memref_slice %arg3[%mul3A_2] : memref<65536xi32, #tpu.memory_space<hbm>> -> memref<2048xi32, #tpu.memory_space<hbm>>
      %dma_wait3A_9 = tpu.memref_slice %arg3[%mul3A_2] : memref<65536xi32, #tpu.memory_space<hbm>> -> memref<2048xi32, #tpu.memory_space<hbm>>
      tpu.wait_dma2 semaphore(%run_scoped3A : memref<!tpu.dma_semaphore, #tpu.memory_space<semaphore_mem>>) src(%dma_wait3A_9 : memref<2048xi32, #tpu.memory_space<hbm>>) dst(%arg10 : memref<2048xi32, #tpu.memory_space<vmem>>)
      tpu.yield
    }) : () -> ()
    "tpu.region"() ({
      %run_scoped3A = tpu.sem_alloc : memref<!tpu.dma_semaphore, #tpu.memory_space<semaphore_mem>>
      %dma_start3A = tpu.memref_slice %arg4[%mul3A_2] : memref<65536xi32, #tpu.memory_space<hbm>> -> memref<2048xi32, #tpu.memory_space<hbm>>
      %dma_start3A_8 = tpu.memref_slice %arg4[%mul3A_2] : memref<65536xi32, #tpu.memory_space<hbm>> -> memref<2048xi32, #tpu.memory_space<hbm>>
      tpu.enqueue_dma source(%dma_start3A_8 : memref<2048xi32, #tpu.memory_space<hbm>>) target(%arg11 : memref<2048xi32, #tpu.memory_space<vmem>>) target_semaphore(%run_scoped3A : memref<!tpu.dma_semaphore, #tpu.memory_space<semaphore_mem>>)
      %dma_wait3A = tpu.memref_slice %arg4[%mul3A_2] : memref<65536xi32, #tpu.memory_space<hbm>> -> memref<2048xi32, #tpu.memory_space<hbm>>
      %dma_wait3A_9 = tpu.memref_slice %arg4[%mul3A_2] : memref<65536xi32, #tpu.memory_space<hbm>> -> memref<2048xi32, #tpu.memory_space<hbm>>
      tpu.wait_dma2 semaphore(%run_scoped3A : memref<!tpu.dma_semaphore, #tpu.memory_space<semaphore_mem>>) src(%dma_wait3A_9 : memref<2048xi32, #tpu.memory_space<hbm>>) dst(%arg11 : memref<2048xi32, #tpu.memory_space<vmem>>)
      tpu.yield
    }) : () -> ()
    "tpu.region"() ({
      %run_scoped3A = tpu.sem_alloc : memref<!tpu.dma_semaphore, #tpu.memory_space<semaphore_mem>>
      %dma_start3A = tpu.memref_slice %arg5[%mul3A_2] : memref<65536xi32, #tpu.memory_space<hbm>> -> memref<2048xi32, #tpu.memory_space<hbm>>
      %dma_start3A_8 = tpu.memref_slice %arg5[%mul3A_2] : memref<65536xi32, #tpu.memory_space<hbm>> -> memref<2048xi32, #tpu.memory_space<hbm>>
      tpu.enqueue_dma source(%dma_start3A_8 : memref<2048xi32, #tpu.memory_space<hbm>>) target(%arg12 : memref<2048xi32, #tpu.memory_space<vmem>>) target_semaphore(%run_scoped3A : memref<!tpu.dma_semaphore, #tpu.memory_space<semaphore_mem>>)
      %dma_wait3A = tpu.memref_slice %arg5[%mul3A_2] : memref<65536xi32, #tpu.memory_space<hbm>> -> memref<2048xi32, #tpu.memory_space<hbm>>
      %dma_wait3A_9 = tpu.memref_slice %arg5[%mul3A_2] : memref<65536xi32, #tpu.memory_space<hbm>> -> memref<2048xi32, #tpu.memory_space<hbm>>
      tpu.wait_dma2 semaphore(%run_scoped3A : memref<!tpu.dma_semaphore, #tpu.memory_space<semaphore_mem>>) src(%dma_wait3A_9 : memref<2048xi32, #tpu.memory_space<hbm>>) dst(%arg12 : memref<2048xi32, #tpu.memory_space<vmem>>)
      tpu.yield
    }) : () -> ()
    "tpu.region"() ({
      %run_scoped3A = tpu.sem_alloc : memref<!tpu.dma_semaphore, #tpu.memory_space<semaphore_mem>>
      %dma_start3A = tpu.memref_slice %arg6[%mul3A_2] : memref<65536xf32, #tpu.memory_space<hbm>> -> memref<2048xf32, #tpu.memory_space<hbm>>
      %dma_start3A_8 = tpu.memref_slice %arg6[%mul3A_2] : memref<65536xf32, #tpu.memory_space<hbm>> -> memref<2048xf32, #tpu.memory_space<hbm>>
      tpu.enqueue_dma source(%dma_start3A_8 : memref<2048xf32, #tpu.memory_space<hbm>>) target(%arg13 : memref<2048xf32, #tpu.memory_space<vmem>>) target_semaphore(%run_scoped3A : memref<!tpu.dma_semaphore, #tpu.memory_space<semaphore_mem>>)
      %dma_wait3A = tpu.memref_slice %arg6[%mul3A_2] : memref<65536xf32, #tpu.memory_space<hbm>> -> memref<2048xf32, #tpu.memory_space<hbm>>
      %dma_wait3A_9 = tpu.memref_slice %arg6[%mul3A_2] : memref<65536xf32, #tpu.memory_space<hbm>> -> memref<2048xf32, #tpu.memory_space<hbm>>
      tpu.wait_dma2 semaphore(%run_scoped3A : memref<!tpu.dma_semaphore, #tpu.memory_space<semaphore_mem>>) src(%dma_wait3A_9 : memref<2048xf32, #tpu.memory_space<hbm>>) dst(%arg13 : memref<2048xf32, #tpu.memory_space<vmem>>)
      tpu.yield
    }) : () -> ()
    "tpu.region"() ({
      %run_scoped3A = tpu.sem_alloc : memref<!tpu.dma_semaphore, #tpu.memory_space<semaphore_mem>>
      %dma_start3A = tpu.memref_slice %arg7[%mul3A_2] : memref<65536xf32, #tpu.memory_space<hbm>> -> memref<2048xf32, #tpu.memory_space<hbm>>
      %dma_start3A_8 = tpu.memref_slice %arg7[%mul3A_2] : memref<65536xf32, #tpu.memory_space<hbm>> -> memref<2048xf32, #tpu.memory_space<hbm>>
      tpu.enqueue_dma source(%dma_start3A_8 : memref<2048xf32, #tpu.memory_space<hbm>>) target(%arg14 : memref<2048xf32, #tpu.memory_space<vmem>>) target_semaphore(%run_scoped3A : memref<!tpu.dma_semaphore, #tpu.memory_space<semaphore_mem>>)
      %dma_wait3A = tpu.memref_slice %arg7[%mul3A_2] : memref<65536xf32, #tpu.memory_space<hbm>> -> memref<2048xf32, #tpu.memory_space<hbm>>
      %dma_wait3A_9 = tpu.memref_slice %arg7[%mul3A_2] : memref<65536xf32, #tpu.memory_space<hbm>> -> memref<2048xf32, #tpu.memory_space<hbm>>
      tpu.wait_dma2 semaphore(%run_scoped3A : memref<!tpu.dma_semaphore, #tpu.memory_space<semaphore_mem>>) src(%dma_wait3A_9 : memref<2048xf32, #tpu.memory_space<hbm>>) dst(%arg14 : memref<2048xf32, #tpu.memory_space<vmem>>)
      tpu.yield
    }) : () -> ()
    "tpu.region"() ({
      %run_scoped3A = tpu.sem_alloc : memref<!tpu.dma_semaphore, #tpu.memory_space<semaphore_mem>>
      %dma_start3A = tpu.memref_slice %arg8[%mul3A_2] : memref<65536xf32, #tpu.memory_space<hbm>> -> memref<2048xf32, #tpu.memory_space<hbm>>
      %dma_start3A_8 = tpu.memref_slice %arg8[%mul3A_2] : memref<65536xf32, #tpu.memory_space<hbm>> -> memref<2048xf32, #tpu.memory_space<hbm>>
      tpu.enqueue_dma source(%dma_start3A_8 : memref<2048xf32, #tpu.memory_space<hbm>>) target(%arg15 : memref<2048xf32, #tpu.memory_space<vmem>>) target_semaphore(%run_scoped3A : memref<!tpu.dma_semaphore, #tpu.memory_space<semaphore_mem>>)
      %dma_wait3A = tpu.memref_slice %arg8[%mul3A_2] : memref<65536xf32, #tpu.memory_space<hbm>> -> memref<2048xf32, #tpu.memory_space<hbm>>
      %dma_wait3A_9 = tpu.memref_slice %arg8[%mul3A_2] : memref<65536xf32, #tpu.memory_space<hbm>> -> memref<2048xf32, #tpu.memory_space<hbm>>
      tpu.wait_dma2 semaphore(%run_scoped3A : memref<!tpu.dma_semaphore, #tpu.memory_space<semaphore_mem>>) src(%dma_wait3A_9 : memref<2048xf32, #tpu.memory_space<hbm>>) dst(%arg15 : memref<2048xf32, #tpu.memory_space<vmem>>)
      tpu.yield
    }) : () -> ()
    %scan3A = arith.constant 0 : i32
    %scan3A_3 = arith.constant 0 : i32
    %scan3A_4 = arith.constant 16 : i32
    %scan3A_5 = arith.addi %scan3A_3, %scan3A_4 : i32
    %scan3A_6 = arith.constant 1 : i32
    scf.for %scan3A_8 = %scan3A_3 to %scan3A_5 step %scan3A_6  : i32 {
      %mul3A_9 = arith.constant 128 : i32
      %mul3A_10 = arith.muli %scan3A_8, %mul3A_9 : i32
      %dma_start3A = tpu.memref_slice %arg10[%mul3A_10] : memref<2048xi32, #tpu.memory_space<vmem>> -> memref<128xi32, #tpu.memory_space<vmem>>
      %dma_start3A_11 = arith.constant 0 : i32
      %dma_start3A_12 = arith.constant 0 : i32
      %dma_start3A_13 = tpu.memref_slice %arg2[%dma_start3A_11, %dma_start3A_12] : memref<16384x128xf32, #tpu.memory_space<hbm>> -> memref<16384x128xf32, #tpu.memory_space<hbm>>
      tpu.enqueue_indirect_dma source(%dma_start3A_13 : memref<16384x128xf32, #tpu.memory_space<hbm>>) target(%arg16 : memref<128x128xf32, #tpu.memory_space<vmem>>) offsets(%dma_start3A : memref<128xi32, #tpu.memory_space<vmem>>) semaphore(%arg20 : memref<!tpu.dma_semaphore, #tpu.memory_space<semaphore_mem>>)
      %dma_start3A_14 = tpu.memref_slice %arg11[%mul3A_10] : memref<2048xi32, #tpu.memory_space<vmem>> -> memref<128xi32, #tpu.memory_space<vmem>>
      %dma_start3A_15 = arith.constant 0 : i32
      %dma_start3A_16 = arith.constant 0 : i32
      %dma_start3A_17 = tpu.memref_slice %arg2[%dma_start3A_15, %dma_start3A_16] : memref<16384x128xf32, #tpu.memory_space<hbm>> -> memref<16384x128xf32, #tpu.memory_space<hbm>>
      tpu.enqueue_indirect_dma source(%dma_start3A_17 : memref<16384x128xf32, #tpu.memory_space<hbm>>) target(%arg17 : memref<128x128xf32, #tpu.memory_space<vmem>>) offsets(%dma_start3A_14 : memref<128xi32, #tpu.memory_space<vmem>>) semaphore(%arg20 : memref<!tpu.dma_semaphore, #tpu.memory_space<semaphore_mem>>)
      %dma_start3A_18 = tpu.memref_slice %arg12[%mul3A_10] : memref<2048xi32, #tpu.memory_space<vmem>> -> memref<128xi32, #tpu.memory_space<vmem>>
      %dma_start3A_19 = arith.constant 0 : i32
      %dma_start3A_20 = arith.constant 0 : i32
      %dma_start3A_21 = tpu.memref_slice %arg2[%dma_start3A_19, %dma_start3A_20] : memref<16384x128xf32, #tpu.memory_space<hbm>> -> memref<16384x128xf32, #tpu.memory_space<hbm>>
      tpu.enqueue_indirect_dma source(%dma_start3A_21 : memref<16384x128xf32, #tpu.memory_space<hbm>>) target(%arg18 : memref<128x128xf32, #tpu.memory_space<vmem>>) offsets(%dma_start3A_18 : memref<128xi32, #tpu.memory_space<vmem>>) semaphore(%arg20 : memref<!tpu.dma_semaphore, #tpu.memory_space<semaphore_mem>>)
      %dma_wait3A = tpu.memref_slice %arg10[%mul3A_10] : memref<2048xi32, #tpu.memory_space<vmem>> -> memref<128xi32, #tpu.memory_space<vmem>>
      %dma_wait3A_22 = arith.constant 0 : i32
      %dma_wait3A_23 = arith.constant 0 : i32
      %dma_wait3A_24 = tpu.memref_slice %arg2[%dma_wait3A_22, %dma_wait3A_23] : memref<16384x128xf32, #tpu.memory_space<hbm>> -> memref<16384x128xf32, #tpu.memory_space<hbm>>
      tpu.wait_indirect_dma semaphore(%arg20 : memref<!tpu.dma_semaphore, #tpu.memory_space<semaphore_mem>>) src(%dma_wait3A_24 : memref<16384x128xf32, #tpu.memory_space<hbm>>) dst(%arg16 : memref<128x128xf32, #tpu.memory_space<vmem>>)
      %dma_wait3A_25 = tpu.memref_slice %arg11[%mul3A_10] : memref<2048xi32, #tpu.memory_space<vmem>> -> memref<128xi32, #tpu.memory_space<vmem>>
      %dma_wait3A_26 = arith.constant 0 : i32
      %dma_wait3A_27 = arith.constant 0 : i32
      %dma_wait3A_28 = tpu.memref_slice %arg2[%dma_wait3A_26, %dma_wait3A_27] : memref<16384x128xf32, #tpu.memory_space<hbm>> -> memref<16384x128xf32, #tpu.memory_space<hbm>>
      tpu.wait_indirect_dma semaphore(%arg20 : memref<!tpu.dma_semaphore, #tpu.memory_space<semaphore_mem>>) src(%dma_wait3A_28 : memref<16384x128xf32, #tpu.memory_space<hbm>>) dst(%arg17 : memref<128x128xf32, #tpu.memory_space<vmem>>)
      %dma_wait3A_29 = tpu.memref_slice %arg12[%mul3A_10] : memref<2048xi32, #tpu.memory_space<vmem>> -> memref<128xi32, #tpu.memory_space<vmem>>
      %dma_wait3A_30 = arith.constant 0 : i32
      %dma_wait3A_31 = arith.constant 0 : i32
      %dma_wait3A_32 = tpu.memref_slice %arg2[%dma_wait3A_30, %dma_wait3A_31] : memref<16384x128xf32, #tpu.memory_space<hbm>> -> memref<16384x128xf32, #tpu.memory_space<hbm>>
      tpu.wait_indirect_dma semaphore(%arg20 : memref<!tpu.dma_semaphore, #tpu.memory_space<semaphore_mem>>) src(%dma_wait3A_32 : memref<16384x128xf32, #tpu.memory_space<hbm>>) dst(%arg18 : memref<128x128xf32, #tpu.memory_space<vmem>>)
      %scan3A_33 = arith.constant 0 : i32
      %scan3A_34 = arith.constant 0 : i32
      %scan3A_35 = arith.constant 8 : i32
      %scan3A_36 = arith.addi %scan3A_34, %scan3A_35 : i32
      %scan3A_37 = arith.constant 1 : i32
      scf.for %scan3A_40 = %scan3A_34 to %scan3A_36 step %scan3A_37  : i32 {
        %mul3A_41 = arith.constant 16 : i32
        %mul3A_42 = arith.muli %scan3A_40, %mul3A_41 : i32
        %add3A_43 = arith.addi %mul3A_10, %mul3A_42 : i32
        %get3A = arith.index_cast %add3A_43 : i32 to index
        %get3A_44 = tpu.vector_load %arg13[%get3A] {strides = array<i32>} : memref<2048xf32, #tpu.memory_space<vmem>>, vector<16xf32>,
        %get3A_45 = vector.shape_cast %get3A_44 : vector<16xf32> to vector<16xf32>
        %add3A_46 = arith.addi %mul3A_10, %mul3A_42 : i32
        %get3A_47 = arith.index_cast %add3A_46 : i32 to index
        %get3A_48 = tpu.vector_load %arg14[%get3A_47] {strides = array<i32>} : memref<2048xf32, #tpu.memory_space<vmem>>, vector<16xf32>,
        %get3A_49 = vector.shape_cast %get3A_48 : vector<16xf32> to vector<16xf32>
        %add3A_50 = arith.addi %mul3A_10, %mul3A_42 : i32
        %get3A_51 = arith.index_cast %add3A_50 : i32 to index
        %get3A_52 = tpu.vector_load %arg15[%get3A_51] {strides = array<i32>} : memref<2048xf32, #tpu.memory_space<vmem>>, vector<16xf32>,
        %get3A_53 = vector.shape_cast %get3A_52 : vector<16xf32> to vector<16xf32>
        %broadcast_in_dim3A = arith.constant 0 : i32
        %broadcast_in_dim3A_54 = vector.broadcast %broadcast_in_dim3A : i32 to vector<16xi32>
        %lt3A = arith.constant 0 : i32
        %lt3A_55 = vector.broadcast %lt3A : i32 to vector<16xi32>
        %lt3A_56 = arith.cmpi slt, %broadcast_in_dim3A_54, %lt3A_55 : vector<16xi32>
        %add3A_57 = arith.constant 16 : i32
        %add3A_58 = vector.broadcast %add3A_57 : i32 to vector<16xi32>
        %add3A_59 = arith.addi %broadcast_in_dim3A_54, %add3A_58 : vector<16xi32>
        %select_n3A = arith.select %lt3A_56, %add3A_59, %broadcast_in_dim3A_54 : vector<16xi1>, vector<16xi32>
        %broadcast_in_dim3A_60 = vector.shape_cast %select_n3A : vector<16xi32> to vector<16x1xi32>
        %gather3A = vector.shape_cast %broadcast_in_dim3A_60 : vector<16x1xi32> to vector<16xi32>
        %gather3A_61 = tpu.dynamic_gather %get3A_45[%gather3A] in [0] : vector<16xf32>, vector<16xi32> -> vector<16xf32>
        %lt3A_62 = arith.constant 0 : i32
        %lt3A_63 = vector.broadcast %lt3A_62 : i32 to vector<16xi32>
        %lt3A_64 = arith.cmpi slt, %broadcast_in_dim3A_54, %lt3A_63 : vector<16xi32>
        %add3A_65 = arith.constant 16 : i32
        %add3A_66 = vector.broadcast %add3A_65 : i32 to vector<16xi32>
        %add3A_67 = arith.addi %broadcast_in_dim3A_54, %add3A_66 : vector<16xi32>
        %select_n3A_68 = arith.select %lt3A_64, %add3A_67, %broadcast_in_dim3A_54 : vector<16xi1>, vector<16xi32>
        %broadcast_in_dim3A_69 = vector.shape_cast %select_n3A_68 : vector<16xi32> to vector<16x1xi32>
        %gather3A_70 = vector.shape_cast %broadcast_in_dim3A_69 : vector<16x1xi32> to vector<16xi32>
        %gather3A_71 = tpu.dynamic_gather %get3A_49[%gather3A_70] in [0] : vector<16xf32>, vector<16xi32> -> vector<16xf32>
        %lt3A_72 = arith.constant 0 : i32
        %lt3A_73 = vector.broadcast %lt3A_72 : i32 to vector<16xi32>
        %lt3A_74 = arith.cmpi slt, %broadcast_in_dim3A_54, %lt3A_73 : vector<16xi32>
        %add3A_75 = arith.constant 16 : i32
        %add3A_76 = vector.broadcast %add3A_75 : i32 to vector<16xi32>
        %add3A_77 = arith.addi %broadcast_in_dim3A_54, %add3A_76 : vector<16xi32>
        %select_n3A_78 = arith.select %lt3A_74, %add3A_77, %broadcast_in_dim3A_54 : vector<16xi1>, vector<16xi32>
        %broadcast_in_dim3A_79 = vector.shape_cast %select_n3A_78 : vector<16xi32> to vector<16x1xi32>
        %gather3A_80 = vector.shape_cast %broadcast_in_dim3A_79 : vector<16x1xi32> to vector<16xi32>
        %gather3A_81 = tpu.dynamic_gather %get3A_53[%gather3A_80] in [0] : vector<16xf32>, vector<16xi32> -> vector<16xf32>
        %add3A_82 = arith.constant 0 : i32
        %add3A_83 = arith.addi %mul3A_42, %add3A_82 : i32
        %get3A_84 = arith.index_cast %add3A_83 : i32 to index
        %get3A_85 = arith.constant 0 : index
        %get3A_86 = tpu.vector_load %arg16[%get3A_84, %get3A_85] {strides = array<i32>} : memref<128x128xf32, #tpu.memory_space<vmem>>, vector<1x16xf32>,
        %get3A_87 = vector.shape_cast %get3A_86 : vector<1x16xf32> to vector<16xf32>
        %mul3A_88 = arith.mulf %gather3A_61, %get3A_87 : vector<16xf32>
        %get3A_89 = arith.index_cast %add3A_83 : i32 to index
        %get3A_90 = arith.constant 0 : index
        %get3A_91 = tpu.vector_load %arg17[%get3A_89, %get3A_90] {strides = array<i32>} : memref<128x128xf32, #tpu.memory_space<vmem>>, vector<1x16xf32>,
        %get3A_92 = vector.shape_cast %get3A_91 : vector<1x16xf32> to vector<16xf32>
        %mul3A_93 = arith.mulf %gather3A_71, %get3A_92 : vector<16xf32>
        %add3A_94 = arith.addf %mul3A_88, %mul3A_93 : vector<16xf32>
        %get3A_95 = arith.index_cast %add3A_83 : i32 to index
        %get3A_96 = arith.constant 0 : index
        %get3A_97 = tpu.vector_load %arg18[%get3A_95, %get3A_96] {strides = array<i32>} : memref<128x128xf32, #tpu.memory_space<vmem>>, vector<1x16xf32>,
        %get3A_98 = vector.shape_cast %get3A_97 : vector<1x16xf32> to vector<16xf32>
        %mul3A_99 = arith.mulf %gather3A_81, %get3A_98 : vector<16xf32>
        %add3A_100 = arith.addf %add3A_94, %mul3A_99 : vector<16xf32>
        %swap3A = arith.index_cast %add3A_83 : i32 to index
        %swap3A_101 = arith.constant 0 : index
        %swap3A_102 = tpu.vector_load %arg19[%swap3A, %swap3A_101] {strides = array<i32>} : memref<128x128xf32, #tpu.memory_space<vmem>>, vector<1x16xf32>,
        %swap3A_103 = vector.shape_cast %swap3A_102 : vector<1x16xf32> to vector<16xf32>
        %swap3A_104 = vector.shape_cast %add3A_100 : vector<16xf32> to vector<1x16xf32>
        tpu.vector_store %arg19[%swap3A, %swap3A_101], %swap3A_104 {strides = array<i32>} : memref<128x128xf32, #tpu.memory_space<vmem>>, vector<1x16xf32>,
        %get3A_105 = arith.index_cast %add3A_83 : i32 to index
        %get3A_106 = arith.constant 16 : index
        %get3A_107 = tpu.vector_load %arg16[%get3A_105, %get3A_106] {strides = array<i32>} : memref<128x128xf32, #tpu.memory_space<vmem>>, vector<1x16xf32>,
        %get3A_108 = vector.shape_cast %get3A_107 : vector<1x16xf32> to vector<16xf32>
        %mul3A_109 = arith.mulf %gather3A_61, %get3A_108 : vector<16xf32>
        %get3A_110 = arith.index_cast %add3A_83 : i32 to index
        %get3A_111 = arith.constant 16 : index
        %get3A_112 = tpu.vector_load %arg17[%get3A_110, %get3A_111] {strides = array<i32>} : memref<128x128xf32, #tpu.memory_space<vmem>>, vector<1x16xf32>,
        %get3A_113 = vector.shape_cast %get3A_112 : vector<1x16xf32> to vector<16xf32>
        %mul3A_114 = arith.mulf %gather3A_71, %get3A_113 : vector<16xf32>
        %add3A_115 = arith.addf %mul3A_109, %mul3A_114 : vector<16xf32>
        %get3A_116 = arith.index_cast %add3A_83 : i32 to index
        %get3A_117 = arith.constant 16 : index
        %get3A_118 = tpu.vector_load %arg18[%get3A_116, %get3A_117] {strides = array<i32>} : memref<128x128xf32, #tpu.memory_space<vmem>>, vector<1x16xf32>,
        %get3A_119 = vector.shape_cast %get3A_118 : vector<1x16xf32> to vector<16xf32>
        %mul3A_120 = arith.mulf %gather3A_81, %get3A_119 : vector<16xf32>
        %add3A_121 = arith.addf %add3A_115, %mul3A_120 : vector<16xf32>
        %swap3A_122 = arith.index_cast %add3A_83 : i32 to index
        %swap3A_123 = arith.constant 16 : index
        %swap3A_124 = tpu.vector_load %arg19[%swap3A_122, %swap3A_123] {strides = array<i32>} : memref<128x128xf32, #tpu.memory_space<vmem>>, vector<1x16xf32>,
        %swap3A_125 = vector.shape_cast %swap3A_124 : vector<1x16xf32> to vector<16xf32>
        %swap3A_126 = vector.shape_cast %add3A_121 : vector<16xf32> to vector<1x16xf32>
        tpu.vector_store %arg19[%swap3A_122, %swap3A_123], %swap3A_126 {strides = array<i32>} : memref<128x128xf32, #tpu.memory_space<vmem>>, vector<1x16xf32>,
        %get3A_127 = arith.index_cast %add3A_83 : i32 to index
        %get3A_128 = arith.constant 32 : index
        %get3A_129 = tpu.vector_load %arg16[%get3A_127, %get3A_128] {strides = array<i32>} : memref<128x128xf32, #tpu.memory_space<vmem>>, vector<1x16xf32>,
        %get3A_130 = vector.shape_cast %get3A_129 : vector<1x16xf32> to vector<16xf32>
        %mul3A_131 = arith.mulf %gather3A_61, %get3A_130 : vector<16xf32>
        %get3A_132 = arith.index_cast %add3A_83 : i32 to index
        %get3A_133 = arith.constant 32 : index
        %get3A_134 = tpu.vector_load %arg17[%get3A_132, %get3A_133] {strides = array<i32>} : memref<128x128xf32, #tpu.memory_space<vmem>>, vector<1x16xf32>,
        %get3A_135 = vector.shape_cast %get3A_134 : vector<1x16xf32> to vector<16xf32>
        %mul3A_136 = arith.mulf %gather3A_71, %get3A_135 : vector<16xf32>
        %add3A_137 = arith.addf %mul3A_131, %mul3A_136 : vector<16xf32>
        %get3A_138 = arith.index_cast %add3A_83 : i32 to index
        %get3A_139 = arith.constant 32 : index
        %get3A_140 = tpu.vector_load %arg18[%get3A_138, %get3A_139] {strides = array<i32>} : memref<128x128xf32, #tpu.memory_space<vmem>>, vector<1x16xf32>,
        %get3A_141 = vector.shape_cast %get3A_140 : vector<1x16xf32> to vector<16xf32>
        %mul3A_142 = arith.mulf %gather3A_81, %get3A_141 : vector<16xf32>
        %add3A_143 = arith.addf %add3A_137, %mul3A_142 : vector<16xf32>
        %swap3A_144 = arith.index_cast %add3A_83 : i32 to index
        %swap3A_145 = arith.constant 32 : index
        %swap3A_146 = tpu.vector_load %arg19[%swap3A_144, %swap3A_145] {strides = array<i32>} : memref<128x128xf32, #tpu.memory_space<vmem>>, vector<1x16xf32>,
        %swap3A_147 = vector.shape_cast %swap3A_146 : vector<1x16xf32> to vector<16xf32>
        %swap3A_148 = vector.shape_cast %add3A_143 : vector<16xf32> to vector<1x16xf32>
        tpu.vector_store %arg19[%swap3A_144, %swap3A_145], %swap3A_148 {strides = array<i32>} : memref<128x128xf32, #tpu.memory_space<vmem>>, vector<1x16xf32>,
        %get3A_149 = arith.index_cast %add3A_83 : i32 to index
        %get3A_150 = arith.constant 48 : index
        %get3A_151 = tpu.vector_load %arg16[%get3A_149, %get3A_150] {strides = array<i32>} : memref<128x128xf32, #tpu.memory_space<vmem>>, vector<1x16xf32>,
        %get3A_152 = vector.shape_cast %get3A_151 : vector<1x16xf32> to vector<16xf32>
        %mul3A_153 = arith.mulf %gather3A_61, %get3A_152 : vector<16xf32>
        %get3A_154 = arith.index_cast %add3A_83 : i32 to index
        %get3A_155 = arith.constant 48 : index
        %get3A_156 = tpu.vector_load %arg17[%get3A_154, %get3A_155] {strides = array<i32>} : memref<128x128xf32, #tpu.memory_space<vmem>>, vector<1x16xf32>,
        %get3A_157 = vector.shape_cast %get3A_156 : vector<1x16xf32> to vector<16xf32>
        %mul3A_158 = arith.mulf %gather3A_71, %get3A_157 : vector<16xf32>
        %add3A_159 = arith.addf %mul3A_153, %mul3A_158 : vector<16xf32>
        %get3A_160 = arith.index_cast %add3A_83 : i32 to index
        %get3A_161 = arith.constant 48 : index
        %get3A_162 = tpu.vector_load %arg18[%get3A_160, %get3A_161] {strides = array<i32>} : memref<128x128xf32, #tpu.memory_space<vmem>>, vector<1x16xf32>,
        %get3A_163 = vector.shape_cast %get3A_162 : vector<1x16xf32> to vector<16xf32>
        %mul3A_164 = arith.mulf %gather3A_81, %get3A_163 : vector<16xf32>
        %add3A_165 = arith.addf %add3A_159, %mul3A_164 : vector<16xf32>
        %swap3A_166 = arith.index_cast %add3A_83 : i32 to index
        %swap3A_167 = arith.constant 48 : index
        %swap3A_168 = tpu.vector_load %arg19[%swap3A_166, %swap3A_167] {strides = array<i32>} : memref<128x128xf32, #tpu.memory_space<vmem>>, vector<1x16xf32>,
        %swap3A_169 = vector.shape_cast %swap3A_168 : vector<1x16xf32> to vector<16xf32>
        %swap3A_170 = vector.shape_cast %add3A_165 : vector<16xf32> to vector<1x16xf32>
        tpu.vector_store %arg19[%swap3A_166, %swap3A_167], %swap3A_170 {strides = array<i32>} : memref<128x128xf32, #tpu.memory_space<vmem>>, vector<1x16xf32>,
        %get3A_171 = arith.index_cast %add3A_83 : i32 to index
        %get3A_172 = arith.constant 64 : index
        %get3A_173 = tpu.vector_load %arg16[%get3A_171, %get3A_172] {strides = array<i32>} : memref<128x128xf32, #tpu.memory_space<vmem>>, vector<1x16xf32>,
        %get3A_174 = vector.shape_cast %get3A_173 : vector<1x16xf32> to vector<16xf32>
        %mul3A_175 = arith.mulf %gather3A_61, %get3A_174 : vector<16xf32>
        %get3A_176 = arith.index_cast %add3A_83 : i32 to index
        %get3A_177 = arith.constant 64 : index
        %get3A_178 = tpu.vector_load %arg17[%get3A_176, %get3A_177] {strides = array<i32>} : memref<128x128xf32, #tpu.memory_space<vmem>>, vector<1x16xf32>,
        %get3A_179 = vector.shape_cast %get3A_178 : vector<1x16xf32> to vector<16xf32>
        %mul3A_180 = arith.mulf %gather3A_71, %get3A_179 : vector<16xf32>
        %add3A_181 = arith.addf %mul3A_175, %mul3A_180 : vector<16xf32>
        %get3A_182 = arith.index_cast %add3A_83 : i32 to index
        %get3A_183 = arith.constant 64 : index
        %get3A_184 = tpu.vector_load %arg18[%get3A_182, %get3A_183] {strides = array<i32>} : memref<128x128xf32, #tpu.memory_space<vmem>>, vector<1x16xf32>,
        %get3A_185 = vector.shape_cast %get3A_184 : vector<1x16xf32> to vector<16xf32>
        %mul3A_186 = arith.mulf %gather3A_81, %get3A_185 : vector<16xf32>
        %add3A_187 = arith.addf %add3A_181, %mul3A_186 : vector<16xf32>
        %swap3A_188 = arith.index_cast %add3A_83 : i32 to index
        %swap3A_189 = arith.constant 64 : index
        %swap3A_190 = tpu.vector_load %arg19[%swap3A_188, %swap3A_189] {strides = array<i32>} : memref<128x128xf32, #tpu.memory_space<vmem>>, vector<1x16xf32>,
        %swap3A_191 = vector.shape_cast %swap3A_190 : vector<1x16xf32> to vector<16xf32>
        %swap3A_192 = vector.shape_cast %add3A_187 : vector<16xf32> to vector<1x16xf32>
        tpu.vector_store %arg19[%swap3A_188, %swap3A_189], %swap3A_192 {strides = array<i32>} : memref<128x128xf32, #tpu.memory_space<vmem>>, vector<1x16xf32>,
        %get3A_193 = arith.index_cast %add3A_83 : i32 to index
        %get3A_194 = arith.constant 80 : index
        %get3A_195 = tpu.vector_load %arg16[%get3A_193, %get3A_194] {strides = array<i32>} : memref<128x128xf32, #tpu.memory_space<vmem>>, vector<1x16xf32>,
        %get3A_196 = vector.shape_cast %get3A_195 : vector<1x16xf32> to vector<16xf32>
        %mul3A_197 = arith.mulf %gather3A_61, %get3A_196 : vector<16xf32>
        %get3A_198 = arith.index_cast %add3A_83 : i32 to index
        %get3A_199 = arith.constant 80 : index
        %get3A_200 = tpu.vector_load %arg17[%get3A_198, %get3A_199] {strides = array<i32>} : memref<128x128xf32, #tpu.memory_space<vmem>>, vector<1x16xf32>,
        %get3A_201 = vector.shape_cast %get3A_200 : vector<1x16xf32> to vector<16xf32>
        %mul3A_202 = arith.mulf %gather3A_71, %get3A_201 : vector<16xf32>
        %add3A_203 = arith.addf %mul3A_197, %mul3A_202 : vector<16xf32>
        %get3A_204 = arith.index_cast %add3A_83 : i32 to index
        %get3A_205 = arith.constant 80 : index
        %get3A_206 = tpu.vector_load %arg18[%get3A_204, %get3A_205] {strides = array<i32>} : memref<128x128xf32, #tpu.memory_space<vmem>>, vector<1x16xf32>,
        %get3A_207 = vector.shape_cast %get3A_206 : vector<1x16xf32> to vector<16xf32>
        %mul3A_208 = arith.mulf %gather3A_81, %get3A_207 : vector<16xf32>
        %add3A_209 = arith.addf %add3A_203, %mul3A_208 : vector<16xf32>
        %swap3A_210 = arith.index_cast %add3A_83 : i32 to index
        %swap3A_211 = arith.constant 80 : index
        %swap3A_212 = tpu.vector_load %arg19[%swap3A_210, %swap3A_211] {strides = array<i32>} : memref<128x128xf32, #tpu.memory_space<vmem>>, vector<1x16xf32>,
        %swap3A_213 = vector.shape_cast %swap3A_212 : vector<1x16xf32> to vector<16xf32>
        %swap3A_214 = vector.shape_cast %add3A_209 : vector<16xf32> to vector<1x16xf32>
        tpu.vector_store %arg19[%swap3A_210, %swap3A_211], %swap3A_214 {strides = array<i32>} : memref<128x128xf32, #tpu.memory_space<vmem>>, vector<1x16xf32>,
        %get3A_215 = arith.index_cast %add3A_83 : i32 to index
        %get3A_216 = arith.constant 96 : index
        %get3A_217 = tpu.vector_load %arg16[%get3A_215, %get3A_216] {strides = array<i32>} : memref<128x128xf32, #tpu.memory_space<vmem>>, vector<1x16xf32>,
        %get3A_218 = vector.shape_cast %get3A_217 : vector<1x16xf32> to vector<16xf32>
        %mul3A_219 = arith.mulf %gather3A_61, %get3A_218 : vector<16xf32>
        %get3A_220 = arith.index_cast %add3A_83 : i32 to index
        %get3A_221 = arith.constant 96 : index
        %get3A_222 = tpu.vector_load %arg17[%get3A_220, %get3A_221] {strides = array<i32>} : memref<128x128xf32, #tpu.memory_space<vmem>>, vector<1x16xf32>,
        %get3A_223 = vector.shape_cast %get3A_222 : vector<1x16xf32> to vector<16xf32>
        %mul3A_224 = arith.mulf %gather3A_71, %get3A_223 : vector<16xf32>
        %add3A_225 = arith.addf %mul3A_219, %mul3A_224 : vector<16xf32>
        %get3A_226 = arith.index_cast %add3A_83 : i32 to index
        %get3A_227 = arith.constant 96 : index
        %get3A_228 = tpu.vector_load %arg18[%get3A_226, %get3A_227] {strides = array<i32>} : memref<128x128xf32, #tpu.memory_space<vmem>>, vector<1x16xf32>,
        %get3A_229 = vector.shape_cast %get3A_228 : vector<1x16xf32> to vector<16xf32>
        %mul3A_230 = arith.mulf %gather3A_81, %get3A_229 : vector<16xf32>
        %add3A_231 = arith.addf %add3A_225, %mul3A_230 : vector<16xf32>
        %swap3A_232 = arith.index_cast %add3A_83 : i32 to index
        %swap3A_233 = arith.constant 96 : index
        %swap3A_234 = tpu.vector_load %arg19[%swap3A_232, %swap3A_233] {strides = array<i32>} : memref<128x128xf32, #tpu.memory_space<vmem>>, vector<1x16xf32>,
        %swap3A_235 = vector.shape_cast %swap3A_234 : vector<1x16xf32> to vector<16xf32>
        %swap3A_236 = vector.shape_cast %add3A_231 : vector<16xf32> to vector<1x16xf32>
        tpu.vector_store %arg19[%swap3A_232, %swap3A_233], %swap3A_236 {strides = array<i32>} : memref<128x128xf32, #tpu.memory_space<vmem>>, vector<1x16xf32>,
        %get3A_237 = arith.index_cast %add3A_83 : i32 to index
        %get3A_238 = arith.constant 112 : index
        %get3A_239 = tpu.vector_load %arg16[%get3A_237, %get3A_238] {strides = array<i32>} : memref<128x128xf32, #tpu.memory_space<vmem>>, vector<1x16xf32>,
        %get3A_240 = vector.shape_cast %get3A_239 : vector<1x16xf32> to vector<16xf32>
        %mul3A_241 = arith.mulf %gather3A_61, %get3A_240 : vector<16xf32>
        %get3A_242 = arith.index_cast %add3A_83 : i32 to index
        %get3A_243 = arith.constant 112 : index
        %get3A_244 = tpu.vector_load %arg17[%get3A_242, %get3A_243] {strides = array<i32>} : memref<128x128xf32, #tpu.memory_space<vmem>>, vector<1x16xf32>,
        %get3A_245 = vector.shape_cast %get3A_244 : vector<1x16xf32> to vector<16xf32>
        %mul3A_246 = arith.mulf %gather3A_71, %get3A_245 : vector<16xf32>
        %add3A_247 = arith.addf %mul3A_241, %mul3A_246 : vector<16xf32>
        %get3A_248 = arith.index_cast %add3A_83 : i32 to index
        %get3A_249 = arith.constant 112 : index
        %get3A_250 = tpu.vector_load %arg18[%get3A_248, %get3A_249] {strides = array<i32>} : memref<128x128xf32, #tpu.memory_space<vmem>>, vector<1x16xf32>,
        %get3A_251 = vector.shape_cast %get3A_250 : vector<1x16xf32> to vector<16xf32>
        %mul3A_252 = arith.mulf %gather3A_81, %get3A_251 : vector<16xf32>
        %add3A_253 = arith.addf %add3A_247, %mul3A_252 : vector<16xf32>
        %swap3A_254 = arith.index_cast %add3A_83 : i32 to index
        %swap3A_255 = arith.constant 112 : index
        %swap3A_256 = tpu.vector_load %arg19[%swap3A_254, %swap3A_255] {strides = array<i32>} : memref<128x128xf32, #tpu.memory_space<vmem>>, vector<1x16xf32>,
        %swap3A_257 = vector.shape_cast %swap3A_256 : vector<1x16xf32> to vector<16xf32>
        %swap3A_258 = vector.shape_cast %add3A_253 : vector<16xf32> to vector<1x16xf32>
        tpu.vector_store %arg19[%swap3A_254, %swap3A_255], %swap3A_258 {strides = array<i32>} : memref<128x128xf32, #tpu.memory_space<vmem>>, vector<1x16xf32>,
        %broadcast_in_dim3A_259 = arith.constant 1 : i32
        %broadcast_in_dim3A_260 = vector.broadcast %broadcast_in_dim3A_259 : i32 to vector<16xi32>
        %lt3A_261 = arith.constant 0 : i32
        %lt3A_262 = vector.broadcast %lt3A_261 : i32 to vector<16xi32>
        %lt3A_263 = arith.cmpi slt, %broadcast_in_dim3A_260, %lt3A_262 : vector<16xi32>
        %add3A_264 = arith.constant 16 : i32
        %add3A_265 = vector.broadcast %add3A_264 : i32 to vector<16xi32>
        %add3A_266 = arith.addi %broadcast_in_dim3A_260, %add3A_265 : vector<16xi32>
        %select_n3A_267 = arith.select %lt3A_263, %add3A_266, %broadcast_in_dim3A_260 : vector<16xi1>, vector<16xi32>
        %broadcast_in_dim3A_268 = vector.shape_cast %select_n3A_267 : vector<16xi32> to vector<16x1xi32>
        %gather3A_269 = vector.shape_cast %broadcast_in_dim3A_268 : vector<16x1xi32> to vector<16xi32>
        %gather3A_270 = tpu.dynamic_gather %get3A_45[%gather3A_269] in [0] : vector<16xf32>, vector<16xi32> -> vector<16xf32>
        %lt3A_271 = arith.constant 0 : i32
        %lt3A_272 = vector.broadcast %lt3A_271 : i32 to vector<16xi32>
        %lt3A_273 = arith.cmpi slt, %broadcast_in_dim3A_260, %lt3A_272 : vector<16xi32>
        %add3A_274 = arith.constant 16 : i32
        %add3A_275 = vector.broadcast %add3A_274 : i32 to vector<16xi32>
        %add3A_276 = arith.addi %broadcast_in_dim3A_260, %add3A_275 : vector<16xi32>
        %select_n3A_277 = arith.select %lt3A_273, %add3A_276, %broadcast_in_dim3A_260 : vector<16xi1>, vector<16xi32>
        %broadcast_in_dim3A_278 = vector.shape_cast %select_n3A_277 : vector<16xi32> to vector<16x1xi32>
        %gather3A_279 = vector.shape_cast %broadcast_in_dim3A_278 : vector<16x1xi32> to vector<16xi32>
        %gather3A_280 = tpu.dynamic_gather %get3A_49[%gather3A_279] in [0] : vector<16xf32>, vector<16xi32> -> vector<16xf32>
        %lt3A_281 = arith.constant 0 : i32
        %lt3A_282 = vector.broadcast %lt3A_281 : i32 to vector<16xi32>
        %lt3A_283 = arith.cmpi slt, %broadcast_in_dim3A_260, %lt3A_282 : vector<16xi32>
        %add3A_284 = arith.constant 16 : i32
        %add3A_285 = vector.broadcast %add3A_284 : i32 to vector<16xi32>
        %add3A_286 = arith.addi %broadcast_in_dim3A_260, %add3A_285 : vector<16xi32>
        %select_n3A_287 = arith.select %lt3A_283, %add3A_286, %broadcast_in_dim3A_260 : vector<16xi1>, vector<16xi32>
        %broadcast_in_dim3A_288 = vector.shape_cast %select_n3A_287 : vector<16xi32> to vector<16x1xi32>
        %gather3A_289 = vector.shape_cast %broadcast_in_dim3A_288 : vector<16x1xi32> to vector<16xi32>
        %gather3A_290 = tpu.dynamic_gather %get3A_53[%gather3A_289] in [0] : vector<16xf32>, vector<16xi32> -> vector<16xf32>
        %add3A_291 = arith.constant 1 : i32
        %add3A_292 = arith.addi %mul3A_42, %add3A_291 : i32
        %get3A_293 = arith.index_cast %add3A_292 : i32 to index
        %get3A_294 = arith.constant 0 : index
        %get3A_295 = tpu.vector_load %arg16[%get3A_293, %get3A_294] {strides = array<i32>} : memref<128x128xf32, #tpu.memory_space<vmem>>, vector<1x16xf32>,
        %get3A_296 = vector.shape_cast %get3A_295 : vector<1x16xf32> to vector<16xf32>
        %mul3A_297 = arith.mulf %gather3A_270, %get3A_296 : vector<16xf32>
        %get3A_298 = arith.index_cast %add3A_292 : i32 to index
        %get3A_299 = arith.constant 0 : index
        %get3A_300 = tpu.vector_load %arg17[%get3A_298, %get3A_299] {strides = array<i32>} : memref<128x128xf32, #tpu.memory_space<vmem>>, vector<1x16xf32>,
        %get3A_301 = vector.shape_cast %get3A_300 : vector<1x16xf32> to vector<16xf32>
        %mul3A_302 = arith.mulf %gather3A_280, %get3A_301 : vector<16xf32>
        %add3A_303 = arith.addf %mul3A_297, %mul3A_302 : vector<16xf32>
        %get3A_304 = arith.index_cast %add3A_292 : i32 to index
        %get3A_305 = arith.constant 0 : index
        %get3A_306 = tpu.vector_load %arg18[%get3A_304, %get3A_305] {strides = array<i32>} : memref<128x128xf32, #tpu.memory_space<vmem>>, vector<1x16xf32>,
        %get3A_307 = vector.shape_cast %get3A_306 : vector<1x16xf32> to vector<16xf32>
        %mul3A_308 = arith.mulf %gather3A_290, %get3A_307 : vector<16xf32>
        %add3A_309 = arith.addf %add3A_303, %mul3A_308 : vector<16xf32>
        %swap3A_310 = arith.index_cast %add3A_292 : i32 to index
        %swap3A_311 = arith.constant 0 : index
        %swap3A_312 = tpu.vector_load %arg19[%swap3A_310, %swap3A_311] {strides = array<i32>} : memref<128x128xf32, #tpu.memory_space<vmem>>, vector<1x16xf32>,
        %swap3A_313 = vector.shape_cast %swap3A_312 : vector<1x16xf32> to vector<16xf32>
        %swap3A_314 = vector.shape_cast %add3A_309 : vector<16xf32> to vector<1x16xf32>
        tpu.vector_store %arg19[%swap3A_310, %swap3A_311], %swap3A_314 {strides = array<i32>} : memref<128x128xf32, #tpu.memory_space<vmem>>, vector<1x16xf32>,
        %get3A_315 = arith.index_cast %add3A_292 : i32 to index
        %get3A_316 = arith.constant 16 : index
        %get3A_317 = tpu.vector_load %arg16[%get3A_315, %get3A_316] {strides = array<i32>} : memref<128x128xf32, #tpu.memory_space<vmem>>, vector<1x16xf32>,
        %get3A_318 = vector.shape_cast %get3A_317 : vector<1x16xf32> to vector<16xf32>
        %mul3A_319 = arith.mulf %gather3A_270, %get3A_318 : vector<16xf32>
        %get3A_320 = arith.index_cast %add3A_292 : i32 to index
        %get3A_321 = arith.constant 16 : index
        %get3A_322 = tpu.vector_load %arg17[%get3A_320, %get3A_321] {strides = array<i32>} : memref<128x128xf32, #tpu.memory_space<vmem>>, vector<1x16xf32>,
        %get3A_323 = vector.shape_cast %get3A_322 : vector<1x16xf32> to vector<16xf32>
        %mul3A_324 = arith.mulf %gather3A_280, %get3A_323 : vector<16xf32>
        %add3A_325 = arith.addf %mul3A_319, %mul3A_324 : vector<16xf32>
        %get3A_326 = arith.index_cast %add3A_292 : i32 to index
        %get3A_327 = arith.constant 16 : index
        %get3A_328 = tpu.vector_load %arg18[%get3A_326, %get3A_327] {strides = array<i32>} : memref<128x128xf32, #tpu.memory_space<vmem>>, vector<1x16xf32>,
        %get3A_329 = vector.shape_cast %get3A_328 : vector<1x16xf32> to vector<16xf32>
        %mul3A_330 = arith.mulf %gather3A_290, %get3A_329 : vector<16xf32>
        %add3A_331 = arith.addf %add3A_325, %mul3A_330 : vector<16xf32>
        %swap3A_332 = arith.index_cast %add3A_292 : i32 to index
        %swap3A_333 = arith.constant 16 : index
        %swap3A_334 = tpu.vector_load %arg19[%swap3A_332, %swap3A_333] {strides = array<i32>} : memref<128x128xf32, #tpu.memory_space<vmem>>, vector<1x16xf32>,
        %swap3A_335 = vector.shape_cast %swap3A_334 : vector<1x16xf32> to vector<16xf32>
        %swap3A_336 = vector.shape_cast %add3A_331 : vector<16xf32> to vector<1x16xf32>
        tpu.vector_store %arg19[%swap3A_332, %swap3A_333], %swap3A_336 {strides = array<i32>} : memref<128x128xf32, #tpu.memory_space<vmem>>, vector<1x16xf32>,
        %get3A_337 = arith.index_cast %add3A_292 : i32 to index
        %get3A_338 = arith.constant 32 : index
        %get3A_339 = tpu.vector_load %arg16[%get3A_337, %get3A_338] {strides = array<i32>} : memref<128x128xf32, #tpu.memory_space<vmem>>, vector<1x16xf32>,
        %get3A_340 = vector.shape_cast %get3A_339 : vector<1x16xf32> to vector<16xf32>
        %mul3A_341 = arith.mulf %gather3A_270, %get3A_340 : vector<16xf32>
        %get3A_342 = arith.index_cast %add3A_292 : i32 to index
        %get3A_343 = arith.constant 32 : index
        %get3A_344 = tpu.vector_load %arg17[%get3A_342, %get3A_343] {strides = array<i32>} : memref<128x128xf32, #tpu.memory_space<vmem>>, vector<1x16xf32>,
        %get3A_345 = vector.shape_cast %get3A_344 : vector<1x16xf32> to vector<16xf32>
        %mul3A_346 = arith.mulf %gather3A_280, %get3A_345 : vector<16xf32>
        %add3A_347 = arith.addf %mul3A_341, %mul3A_346 : vector<16xf32>
        %get3A_348 = arith.index_cast %add3A_292 : i32 to index
        %get3A_349 = arith.constant 32 : index
        %get3A_350 = tpu.vector_load %arg18[%get3A_348, %get3A_349] {strides = array<i32>} : memref<128x128xf32, #tpu.memory_space<vmem>>, vector<1x16xf32>,
        %get3A_351 = vector.shape_cast %get3A_350 : vector<1x16xf32> to vector<16xf32>
        %mul3A_352 = arith.mulf %gather3A_290, %get3A_351 : vector<16xf32>
        %add3A_353 = arith.addf %add3A_347, %mul3A_352 : vector<16xf32>
        %swap3A_354 = arith.index_cast %add3A_292 : i32 to index
        %swap3A_355 = arith.constant 32 : index
        %swap3A_356 = tpu.vector_load %arg19[%swap3A_354, %swap3A_355] {strides = array<i32>} : memref<128x128xf32, #tpu.memory_space<vmem>>, vector<1x16xf32>,
        %swap3A_357 = vector.shape_cast %swap3A_356 : vector<1x16xf32> to vector<16xf32>
        %swap3A_358 = vector.shape_cast %add3A_353 : vector<16xf32> to vector<1x16xf32>
        tpu.vector_store %arg19[%swap3A_354, %swap3A_355], %swap3A_358 {strides = array<i32>} : memref<128x128xf32, #tpu.memory_space<vmem>>, vector<1x16xf32>,
        %get3A_359 = arith.index_cast %add3A_292 : i32 to index
        %get3A_360 = arith.constant 48 : index
        %get3A_361 = tpu.vector_load %arg16[%get3A_359, %get3A_360] {strides = array<i32>} : memref<128x128xf32, #tpu.memory_space<vmem>>, vector<1x16xf32>,
        %get3A_362 = vector.shape_cast %get3A_361 : vector<1x16xf32> to vector<16xf32>
        %mul3A_363 = arith.mulf %gather3A_270, %get3A_362 : vector<16xf32>
        %get3A_364 = arith.index_cast %add3A_292 : i32 to index
        %get3A_365 = arith.constant 48 : index
        %get3A_366 = tpu.vector_load %arg17[%get3A_364, %get3A_365] {strides = array<i32>} : memref<128x128xf32, #tpu.memory_space<vmem>>, vector<1x16xf32>,
        %get3A_367 = vector.shape_cast %get3A_366 : vector<1x16xf32> to vector<16xf32>
        %mul3A_368 = arith.mulf %gather3A_280, %get3A_367 : vector<16xf32>
        %add3A_369 = arith.addf %mul3A_363, %mul3A_368 : vector<16xf32>
        %get3A_370 = arith.index_cast %add3A_292 : i32 to index
        %get3A_371 = arith.constant 48 : index
        %get3A_372 = tpu.vector_load %arg18[%get3A_370, %get3A_371] {strides = array<i32>} : memref<128x128xf32, #tpu.memory_space<vmem>>, vector<1x16xf32>,
        %get3A_373 = vector.shape_cast %get3A_372 : vector<1x16xf32> to vector<16xf32>
        %mul3A_374 = arith.mulf %gather3A_290, %get3A_373 : vector<16xf32>
        %add3A_375 = arith.addf %add3A_369, %mul3A_374 : vector<16xf32>
        %swap3A_376 = arith.index_cast %add3A_292 : i32 to index
        %swap3A_377 = arith.constant 48 : index
        %swap3A_378 = tpu.vector_load %arg19[%swap3A_376, %swap3A_377] {strides = array<i32>} : memref<128x128xf32, #tpu.memory_space<vmem>>, vector<1x16xf32>,
        %swap3A_379 = vector.shape_cast %swap3A_378 : vector<1x16xf32> to vector<16xf32>
        %swap3A_380 = vector.shape_cast %add3A_375 : vector<16xf32> to vector<1x16xf32>
        tpu.vector_store %arg19[%swap3A_376, %swap3A_377], %swap3A_380 {strides = array<i32>} : memref<128x128xf32, #tpu.memory_space<vmem>>, vector<1x16xf32>,
        %get3A_381 = arith.index_cast %add3A_292 : i32 to index
        %get3A_382 = arith.constant 64 : index
        %get3A_383 = tpu.vector_load %arg16[%get3A_381, %get3A_382] {strides = array<i32>} : memref<128x128xf32, #tpu.memory_space<vmem>>, vector<1x16xf32>,
        %get3A_384 = vector.shape_cast %get3A_383 : vector<1x16xf32> to vector<16xf32>
        %mul3A_385 = arith.mulf %gather3A_270, %get3A_384 : vector<16xf32>
        %get3A_386 = arith.index_cast %add3A_292 : i32 to index
        %get3A_387 = arith.constant 64 : index
        %get3A_388 = tpu.vector_load %arg17[%get3A_386, %get3A_387] {strides = array<i32>} : memref<128x128xf32, #tpu.memory_space<vmem>>, vector<1x16xf32>,
        %get3A_389 = vector.shape_cast %get3A_388 : vector<1x16xf32> to vector<16xf32>
        %mul3A_390 = arith.mulf %gather3A_280, %get3A_389 : vector<16xf32>
        %add3A_391 = arith.addf %mul3A_385, %mul3A_390 : vector<16xf32>
        %get3A_392 = arith.index_cast %add3A_292 : i32 to index
        %get3A_393 = arith.constant 64 : index
        %get3A_394 = tpu.vector_load %arg18[%get3A_392, %get3A_393] {strides = array<i32>} : memref<128x128xf32, #tpu.memory_space<vmem>>, vector<1x16xf32>,
        %get3A_395 = vector.shape_cast %get3A_394 : vector<1x16xf32> to vector<16xf32>
        %mul3A_396 = arith.mulf %gather3A_290, %get3A_395 : vector<16xf32>
        %add3A_397 = arith.addf %add3A_391, %mul3A_396 : vector<16xf32>
        %swap3A_398 = arith.index_cast %add3A_292 : i32 to index
        %swap3A_399 = arith.constant 64 : index
        %swap3A_400 = tpu.vector_load %arg19[%swap3A_398, %swap3A_399] {strides = array<i32>} : memref<128x128xf32, #tpu.memory_space<vmem>>, vector<1x16xf32>,
        %swap3A_401 = vector.shape_cast %swap3A_400 : vector<1x16xf32> to vector<16xf32>
        %swap3A_402 = vector.shape_cast %add3A_397 : vector<16xf32> to vector<1x16xf32>
        tpu.vector_store %arg19[%swap3A_398, %swap3A_399], %swap3A_402 {strides = array<i32>} : memref<128x128xf32, #tpu.memory_space<vmem>>, vector<1x16xf32>,
        %get3A_403 = arith.index_cast %add3A_292 : i32 to index
        %get3A_404 = arith.constant 80 : index
        %get3A_405 = tpu.vector_load %arg16[%get3A_403, %get3A_404] {strides = array<i32>} : memref<128x128xf32, #tpu.memory_space<vmem>>, vector<1x16xf32>,
        %get3A_406 = vector.shape_cast %get3A_405 : vector<1x16xf32> to vector<16xf32>
        %mul3A_407 = arith.mulf %gather3A_270, %get3A_406 : vector<16xf32>
        %get3A_408 = arith.index_cast %add3A_292 : i32 to index
        %get3A_409 = arith.constant 80 : index
        %get3A_410 = tpu.vector_load %arg17[%get3A_408, %get3A_409] {strides = array<i32>} : memref<128x128xf32, #tpu.memory_space<vmem>>, vector<1x16xf32>,
        %get3A_411 = vector.shape_cast %get3A_410 : vector<1x16xf32> to vector<16xf32>
        %mul3A_412 = arith.mulf %gather3A_280, %get3A_411 : vector<16xf32>
        %add3A_413 = arith.addf %mul3A_407, %mul3A_412 : vector<16xf32>
        %get3A_414 = arith.index_cast %add3A_292 : i32 to index
        %get3A_415 = arith.constant 80 : index
        %get3A_416 = tpu.vector_load %arg18[%get3A_414, %get3A_415] {strides = array<i32>} : memref<128x128xf32, #tpu.memory_space<vmem>>, vector<1x16xf32>,
        %get3A_417 = vector.shape_cast %get3A_416 : vector<1x16xf32> to vector<16xf32>
        %mul3A_418 = arith.mulf %gather3A_290, %get3A_417 : vector<16xf32>
        %add3A_419 = arith.addf %add3A_413, %mul3A_418 : vector<16xf32>
        %swap3A_420 = arith.index_cast %add3A_292 : i32 to index
        %swap3A_421 = arith.constant 80 : index
        %swap3A_422 = tpu.vector_load %arg19[%swap3A_420, %swap3A_421] {strides = array<i32>} : memref<128x128xf32, #tpu.memory_space<vmem>>, vector<1x16xf32>,
        %swap3A_423 = vector.shape_cast %swap3A_422 : vector<1x16xf32> to vector<16xf32>
        %swap3A_424 = vector.shape_cast %add3A_419 : vector<16xf32> to vector<1x16xf32>
        tpu.vector_store %arg19[%swap3A_420, %swap3A_421], %swap3A_424 {strides = array<i32>} : memref<128x128xf32, #tpu.memory_space<vmem>>, vector<1x16xf32>,
        %get3A_425 = arith.index_cast %add3A_292 : i32 to index
        %get3A_426 = arith.constant 96 : index
        %get3A_427 = tpu.vector_load %arg16[%get3A_425, %get3A_426] {strides = array<i32>} : memref<128x128xf32, #tpu.memory_space<vmem>>, vector<1x16xf32>,
        %get3A_428 = vector.shape_cast %get3A_427 : vector<1x16xf32> to vector<16xf32>
        %mul3A_429 = arith.mulf %gather3A_270, %get3A_428 : vector<16xf32>
        %get3A_430 = arith.index_cast %add3A_292 : i32 to index
        %get3A_431 = arith.constant 96 : index
        %get3A_432 = tpu.vector_load %arg17[%get3A_430, %get3A_431] {strides = array<i32>} : memref<128x128xf32, #tpu.memory_space<vmem>>, vector<1x16xf32>,
        %get3A_433 = vector.shape_cast %get3A_432 : vector<1x16xf32> to vector<16xf32>
        %mul3A_434 = arith.mulf %gather3A_280, %get3A_433 : vector<16xf32>
        %add3A_435 = arith.addf %mul3A_429, %mul3A_434 : vector<16xf32>
        %get3A_436 = arith.index_cast %add3A_292 : i32 to index
        %get3A_437 = arith.constant 96 : index
        %get3A_438 = tpu.vector_load %arg18[%get3A_436, %get3A_437] {strides = array<i32>} : memref<128x128xf32, #tpu.memory_space<vmem>>, vector<1x16xf32>,
        %get3A_439 = vector.shape_cast %get3A_438 : vector<1x16xf32> to vector<16xf32>
        %mul3A_440 = arith.mulf %gather3A_290, %get3A_439 : vector<16xf32>
        %add3A_441 = arith.addf %add3A_435, %mul3A_440 : vector<16xf32>
        %swap3A_442 = arith.index_cast %add3A_292 : i32 to index
        %swap3A_443 = arith.constant 96 : index
        %swap3A_444 = tpu.vector_load %arg19[%swap3A_442, %swap3A_443] {strides = array<i32>} : memref<128x128xf32, #tpu.memory_space<vmem>>, vector<1x16xf32>,
        %swap3A_445 = vector.shape_cast %swap3A_444 : vector<1x16xf32> to vector<16xf32>
        %swap3A_446 = vector.shape_cast %add3A_441 : vector<16xf32> to vector<1x16xf32>
        tpu.vector_store %arg19[%swap3A_442, %swap3A_443], %swap3A_446 {strides = array<i32>} : memref<128x128xf32, #tpu.memory_space<vmem>>, vector<1x16xf32>,
        %get3A_447 = arith.index_cast %add3A_292 : i32 to index
        %get3A_448 = arith.constant 112 : index
        %get3A_449 = tpu.vector_load %arg16[%get3A_447, %get3A_448] {strides = array<i32>} : memref<128x128xf32, #tpu.memory_space<vmem>>, vector<1x16xf32>,
        %get3A_450 = vector.shape_cast %get3A_449 : vector<1x16xf32> to vector<16xf32>
        %mul3A_451 = arith.mulf %gather3A_270, %get3A_450 : vector<16xf32>
        %get3A_452 = arith.index_cast %add3A_292 : i32 to index
        %get3A_453 = arith.constant 112 : index
        %get3A_454 = tpu.vector_load %arg17[%get3A_452, %get3A_453] {strides = array<i32>} : memref<128x128xf32, #tpu.memory_space<vmem>>, vector<1x16xf32>,
        %get3A_455 = vector.shape_cast %get3A_454 : vector<1x16xf32> to vector<16xf32>
        %mul3A_456 = arith.mulf %gather3A_280, %get3A_455 : vector<16xf32>
        %add3A_457 = arith.addf %mul3A_451, %mul3A_456 : vector<16xf32>
        %get3A_458 = arith.index_cast %add3A_292 : i32 to index
        %get3A_459 = arith.constant 112 : index
        %get3A_460 = tpu.vector_load %arg18[%get3A_458, %get3A_459] {strides = array<i32>} : memref<128x128xf32, #tpu.memory_space<vmem>>, vector<1x16xf32>,
        %get3A_461 = vector.shape_cast %get3A_460 : vector<1x16xf32> to vector<16xf32>
        %mul3A_462 = arith.mulf %gather3A_290, %get3A_461 : vector<16xf32>
        %add3A_463 = arith.addf %add3A_457, %mul3A_462 : vector<16xf32>
        %swap3A_464 = arith.index_cast %add3A_292 : i32 to index
        %swap3A_465 = arith.constant 112 : index
        %swap3A_466 = tpu.vector_load %arg19[%swap3A_464, %swap3A_465] {strides = array<i32>} : memref<128x128xf32, #tpu.memory_space<vmem>>, vector<1x16xf32>,
        %swap3A_467 = vector.shape_cast %swap3A_466 : vector<1x16xf32> to vector<16xf32>
        %swap3A_468 = vector.shape_cast %add3A_463 : vector<16xf32> to vector<1x16xf32>
        tpu.vector_store %arg19[%swap3A_464, %swap3A_465], %swap3A_468 {strides = array<i32>} : memref<128x128xf32, #tpu.memory_space<vmem>>, vector<1x16xf32>,
        %broadcast_in_dim3A_469 = arith.constant 2 : i32
        %broadcast_in_dim3A_470 = vector.broadcast %broadcast_in_dim3A_469 : i32 to vector<16xi32>
        %lt3A_471 = arith.constant 0 : i32
        %lt3A_472 = vector.broadcast %lt3A_471 : i32 to vector<16xi32>
        %lt3A_473 = arith.cmpi slt, %broadcast_in_dim3A_470, %lt3A_472 : vector<16xi32>
        %add3A_474 = arith.constant 16 : i32
        %add3A_475 = vector.broadcast %add3A_474 : i32 to vector<16xi32>
        %add3A_476 = arith.addi %broadcast_in_dim3A_470, %add3A_475 : vector<16xi32>
        %select_n3A_477 = arith.select %lt3A_473, %add3A_476, %broadcast_in_dim3A_470 : vector<16xi1>, vector<16xi32>
        %broadcast_in_dim3A_478 = vector.shape_cast %select_n3A_477 : vector<16xi32> to vector<16x1xi32>
        %gather3A_479 = vector.shape_cast %broadcast_in_dim3A_478 : vector<16x1xi32> to vector<16xi32>
        %gather3A_480 = tpu.dynamic_gather %get3A_45[%gather3A_479] in [0] : vector<16xf32>, vector<16xi32> -> vector<16xf32>
        %lt3A_481 = arith.constant 0 : i32
        %lt3A_482 = vector.broadcast %lt3A_481 : i32 to vector<16xi32>
        %lt3A_483 = arith.cmpi slt, %broadcast_in_dim3A_470, %lt3A_482 : vector<16xi32>
        %add3A_484 = arith.constant 16 : i32
        %add3A_485 = vector.broadcast %add3A_484 : i32 to vector<16xi32>
        %add3A_486 = arith.addi %broadcast_in_dim3A_470, %add3A_485 : vector<16xi32>
        %select_n3A_487 = arith.select %lt3A_483, %add3A_486, %broadcast_in_dim3A_470 : vector<16xi1>, vector<16xi32>
        %broadcast_in_dim3A_488 = vector.shape_cast %select_n3A_487 : vector<16xi32> to vector<16x1xi32>
        %gather3A_489 = vector.shape_cast %broadcast_in_dim3A_488 : vector<16x1xi32> to vector<16xi32>
        %gather3A_490 = tpu.dynamic_gather %get3A_49[%gather3A_489] in [0] : vector<16xf32>, vector<16xi32> -> vector<16xf32>
        %lt3A_491 = arith.constant 0 : i32
        %lt3A_492 = vector.broadcast %lt3A_491 : i32 to vector<16xi32>
        %lt3A_493 = arith.cmpi slt, %broadcast_in_dim3A_470, %lt3A_492 : vector<16xi32>
        %add3A_494 = arith.constant 16 : i32
        %add3A_495 = vector.broadcast %add3A_494 : i32 to vector<16xi32>
        %add3A_496 = arith.addi %broadcast_in_dim3A_470, %add3A_495 : vector<16xi32>
        %select_n3A_497 = arith.select %lt3A_493, %add3A_496, %broadcast_in_dim3A_470 : vector<16xi1>, vector<16xi32>
        %broadcast_in_dim3A_498 = vector.shape_cast %select_n3A_497 : vector<16xi32> to vector<16x1xi32>
        %gather3A_499 = vector.shape_cast %broadcast_in_dim3A_498 : vector<16x1xi32> to vector<16xi32>
        %gather3A_500 = tpu.dynamic_gather %get3A_53[%gather3A_499] in [0] : vector<16xf32>, vector<16xi32> -> vector<16xf32>
        %add3A_501 = arith.constant 2 : i32
        %add3A_502 = arith.addi %mul3A_42, %add3A_501 : i32
        %get3A_503 = arith.index_cast %add3A_502 : i32 to index
        %get3A_504 = arith.constant 0 : index
        %get3A_505 = tpu.vector_load %arg16[%get3A_503, %get3A_504] {strides = array<i32>} : memref<128x128xf32, #tpu.memory_space<vmem>>, vector<1x16xf32>,
        %get3A_506 = vector.shape_cast %get3A_505 : vector<1x16xf32> to vector<16xf32>
        %mul3A_507 = arith.mulf %gather3A_480, %get3A_506 : vector<16xf32>
        %get3A_508 = arith.index_cast %add3A_502 : i32 to index
        %get3A_509 = arith.constant 0 : index
        %get3A_510 = tpu.vector_load %arg17[%get3A_508, %get3A_509] {strides = array<i32>} : memref<128x128xf32, #tpu.memory_space<vmem>>, vector<1x16xf32>,
        %get3A_511 = vector.shape_cast %get3A_510 : vector<1x16xf32> to vector<16xf32>
        %mul3A_512 = arith.mulf %gather3A_490, %get3A_511 : vector<16xf32>
        %add3A_513 = arith.addf %mul3A_507, %mul3A_512 : vector<16xf32>
        %get3A_514 = arith.index_cast %add3A_502 : i32 to index
        %get3A_515 = arith.constant 0 : index
        %get3A_516 = tpu.vector_load %arg18[%get3A_514, %get3A_515] {strides = array<i32>} : memref<128x128xf32, #tpu.memory_space<vmem>>, vector<1x16xf32>,
        %get3A_517 = vector.shape_cast %get3A_516 : vector<1x16xf32> to vector<16xf32>
        %mul3A_518 = arith.mulf %gather3A_500, %get3A_517 : vector<16xf32>
        %add3A_519 = arith.addf %add3A_513, %mul3A_518 : vector<16xf32>
        %swap3A_520 = arith.index_cast %add3A_502 : i32 to index
        %swap3A_521 = arith.constant 0 : index
        %swap3A_522 = tpu.vector_load %arg19[%swap3A_520, %swap3A_521] {strides = array<i32>} : memref<128x128xf32, #tpu.memory_space<vmem>>, vector<1x16xf32>,
        %swap3A_523 = vector.shape_cast %swap3A_522 : vector<1x16xf32> to vector<16xf32>
        %swap3A_524 = vector.shape_cast %add3A_519 : vector<16xf32> to vector<1x16xf32>
        tpu.vector_store %arg19[%swap3A_520, %swap3A_521], %swap3A_524 {strides = array<i32>} : memref<128x128xf32, #tpu.memory_space<vmem>>, vector<1x16xf32>,
        %get3A_525 = arith.index_cast %add3A_502 : i32 to index
        %get3A_526 = arith.constant 16 : index
        %get3A_527 = tpu.vector_load %arg16[%get3A_525, %get3A_526] {strides = array<i32>} : memref<128x128xf32, #tpu.memory_space<vmem>>, vector<1x16xf32>,
        %get3A_528 = vector.shape_cast %get3A_527 : vector<1x16xf32> to vector<16xf32>
        %mul3A_529 = arith.mulf %gather3A_480, %get3A_528 : vector<16xf32>
        %get3A_530 = arith.index_cast %add3A_502 : i32 to index
        %get3A_531 = arith.constant 16 : index
        %get3A_532 = tpu.vector_load %arg17[%get3A_530, %get3A_531] {strides = array<i32>} : memref<128x128xf32, #tpu.memory_space<vmem>>, vector<1x16xf32>,
        %get3A_533 = vector.shape_cast %get3A_532 : vector<1x16xf32> to vector<16xf32>
        %mul3A_534 = arith.mulf %gather3A_490, %get3A_533 : vector<16xf32>
        %add3A_535 = arith.addf %mul3A_529, %mul3A_534 : vector<16xf32>
        %get3A_536 = arith.index_cast %add3A_502 : i32 to index
        %get3A_537 = arith.constant 16 : index
        %get3A_538 = tpu.vector_load %arg18[%get3A_536, %get3A_537] {strides = array<i32>} : memref<128x128xf32, #tpu.memory_space<vmem>>, vector<1x16xf32>,
        %get3A_539 = vector.shape_cast %get3A_538 : vector<1x16xf32> to vector<16xf32>
        %mul3A_540 = arith.mulf %gather3A_500, %get3A_539 : vector<16xf32>
        %add3A_541 = arith.addf %add3A_535, %mul3A_540 : vector<16xf32>
        %swap3A_542 = arith.index_cast %add3A_502 : i32 to index
        %swap3A_543 = arith.constant 16 : index
        %swap3A_544 = tpu.vector_load %arg19[%swap3A_542, %swap3A_543] {strides = array<i32>} : memref<128x128xf32, #tpu.memory_space<vmem>>, vector<1x16xf32>,
        %swap3A_545 = vector.shape_cast %swap3A_544 : vector<1x16xf32> to vector<16xf32>
        %swap3A_546 = vector.shape_cast %add3A_541 : vector<16xf32> to vector<1x16xf32>
        tpu.vector_store %arg19[%swap3A_542, %swap3A_543], %swap3A_546 {strides = array<i32>} : memref<128x128xf32, #tpu.memory_space<vmem>>, vector<1x16xf32>,
        %get3A_547 = arith.index_cast %add3A_502 : i32 to index
        %get3A_548 = arith.constant 32 : index
        %get3A_549 = tpu.vector_load %arg16[%get3A_547, %get3A_548] {strides = array<i32>} : memref<128x128xf32, #tpu.memory_space<vmem>>, vector<1x16xf32>,
        %get3A_550 = vector.shape_cast %get3A_549 : vector<1x16xf32> to vector<16xf32>
        %mul3A_551 = arith.mulf %gather3A_480, %get3A_550 : vector<16xf32>
        %get3A_552 = arith.index_cast %add3A_502 : i32 to index
        %get3A_553 = arith.constant 32 : index
        %get3A_554 = tpu.vector_load %arg17[%get3A_552, %get3A_553] {strides = array<i32>} : memref<128x128xf32, #tpu.memory_space<vmem>>, vector<1x16xf32>,
        %get3A_555 = vector.shape_cast %get3A_554 : vector<1x16xf32> to vector<16xf32>
        %mul3A_556 = arith.mulf %gather3A_490, %get3A_555 : vector<16xf32>
        %add3A_557 = arith.addf %mul3A_551, %mul3A_556 : vector<16xf32>
        %get3A_558 = arith.index_cast %add3A_502 : i32 to index
        %get3A_559 = arith.constant 32 : index
        %get3A_560 = tpu.vector_load %arg18[%get3A_558, %get3A_559] {strides = array<i32>} : memref<128x128xf32, #tpu.memory_space<vmem>>, vector<1x16xf32>,
        %get3A_561 = vector.shape_cast %get3A_560 : vector<1x16xf32> to vector<16xf32>
        %mul3A_562 = arith.mulf %gather3A_500, %get3A_561 : vector<16xf32>
        %add3A_563 = arith.addf %add3A_557, %mul3A_562 : vector<16xf32>
        %swap3A_564 = arith.index_cast %add3A_502 : i32 to index
        %swap3A_565 = arith.constant 32 : index
        %swap3A_566 = tpu.vector_load %arg19[%swap3A_564, %swap3A_565] {strides = array<i32>} : memref<128x128xf32, #tpu.memory_space<vmem>>, vector<1x16xf32>,
        %swap3A_567 = vector.shape_cast %swap3A_566 : vector<1x16xf32> to vector<16xf32>
        %swap3A_568 = vector.shape_cast %add3A_563 : vector<16xf32> to vector<1x16xf32>
        tpu.vector_store %arg19[%swap3A_564, %swap3A_565], %swap3A_568 {strides = array<i32>} : memref<128x128xf32, #tpu.memory_space<vmem>>, vector<1x16xf32>,
        %get3A_569 = arith.index_cast %add3A_502 : i32 to index
        %get3A_570 = arith.constant 48 : index
        %get3A_571 = tpu.vector_load %arg16[%get3A_569, %get3A_570] {strides = array<i32>} : memref<128x128xf32, #tpu.memory_space<vmem>>, vector<1x16xf32>,
        %get3A_572 = vector.shape_cast %get3A_571 : vector<1x16xf32> to vector<16xf32>
        %mul3A_573 = arith.mulf %gather3A_480, %get3A_572 : vector<16xf32>
        %get3A_574 = arith.index_cast %add3A_502 : i32 to index
        %get3A_575 = arith.constant 48 : index
        %get3A_576 = tpu.vector_load %arg17[%get3A_574, %get3A_575] {strides = array<i32>} : memref<128x128xf32, #tpu.memory_space<vmem>>, vector<1x16xf32>,
        %get3A_577 = vector.shape_cast %get3A_576 : vector<1x16xf32> to vector<16xf32>
        %mul3A_578 = arith.mulf %gather3A_490, %get3A_577 : vector<16xf32>
        %add3A_579 = arith.addf %mul3A_573, %mul3A_578 : vector<16xf32>
        %get3A_580 = arith.index_cast %add3A_502 : i32 to index
        %get3A_581 = arith.constant 48 : index
        %get3A_582 = tpu.vector_load %arg18[%get3A_580, %get3A_581] {strides = array<i32>} : memref<128x128xf32, #tpu.memory_space<vmem>>, vector<1x16xf32>,
        %get3A_583 = vector.shape_cast %get3A_582 : vector<1x16xf32> to vector<16xf32>
        %mul3A_584 = arith.mulf %gather3A_500, %get3A_583 : vector<16xf32>
        %add3A_585 = arith.addf %add3A_579, %mul3A_584 : vector<16xf32>
        %swap3A_586 = arith.index_cast %add3A_502 : i32 to index
        %swap3A_587 = arith.constant 48 : index
        %swap3A_588 = tpu.vector_load %arg19[%swap3A_586, %swap3A_587] {strides = array<i32>} : memref<128x128xf32, #tpu.memory_space<vmem>>, vector<1x16xf32>,
        %swap3A_589 = vector.shape_cast %swap3A_588 : vector<1x16xf32> to vector<16xf32>
        %swap3A_590 = vector.shape_cast %add3A_585 : vector<16xf32> to vector<1x16xf32>
        tpu.vector_store %arg19[%swap3A_586, %swap3A_587], %swap3A_590 {strides = array<i32>} : memref<128x128xf32, #tpu.memory_space<vmem>>, vector<1x16xf32>,
        %get3A_591 = arith.index_cast %add3A_502 : i32 to index
        %get3A_592 = arith.constant 64 : index
        %get3A_593 = tpu.vector_load %arg16[%get3A_591, %get3A_592] {strides = array<i32>} : memref<128x128xf32, #tpu.memory_space<vmem>>, vector<1x16xf32>,
        %get3A_594 = vector.shape_cast %get3A_593 : vector<1x16xf32> to vector<16xf32>
        %mul3A_595 = arith.mulf %gather3A_480, %get3A_594 : vector<16xf32>
        %get3A_596 = arith.index_cast %add3A_502 : i32 to index
        %get3A_597 = arith.constant 64 : index
        %get3A_598 = tpu.vector_load %arg17[%get3A_596, %get3A_597] {strides = array<i32>} : memref<128x128xf32, #tpu.memory_space<vmem>>, vector<1x16xf32>,
        %get3A_599 = vector.shape_cast %get3A_598 : vector<1x16xf32> to vector<16xf32>
        %mul3A_600 = arith.mulf %gather3A_490, %get3A_599 : vector<16xf32>
        %add3A_601 = arith.addf %mul3A_595, %mul3A_600 : vector<16xf32>
        %get3A_602 = arith.index_cast %add3A_502 : i32 to index
        %get3A_603 = arith.constant 64 : index
        %get3A_604 = tpu.vector_load %arg18[%get3A_602, %get3A_603] {strides = array<i32>} : memref<128x128xf32, #tpu.memory_space<vmem>>, vector<1x16xf32>,
        %get3A_605 = vector.shape_cast %get3A_604 : vector<1x16xf32> to vector<16xf32>
        %mul3A_606 = arith.mulf %gather3A_500, %get3A_605 : vector<16xf32>
        %add3A_607 = arith.addf %add3A_601, %mul3A_606 : vector<16xf32>
        %swap3A_608 = arith.index_cast %add3A_502 : i32 to index
        %swap3A_609 = arith.constant 64 : index
        %swap3A_610 = tpu.vector_load %arg19[%swap3A_608, %swap3A_609] {strides = array<i32>} : memref<128x128xf32, #tpu.memory_space<vmem>>, vector<1x16xf32>,
        %swap3A_611 = vector.shape_cast %swap3A_610 : vector<1x16xf32> to vector<16xf32>
        %swap3A_612 = vector.shape_cast %add3A_607 : vector<16xf32> to vector<1x16xf32>
        tpu.vector_store %arg19[%swap3A_608, %swap3A_609], %swap3A_612 {strides = array<i32>} : memref<128x128xf32, #tpu.memory_space<vmem>>, vector<1x16xf32>,
        %get3A_613 = arith.index_cast %add3A_502 : i32 to index
        %get3A_614 = arith.constant 80 : index
        %get3A_615 = tpu.vector_load %arg16[%get3A_613, %get3A_614] {strides = array<i32>} : memref<128x128xf32, #tpu.memory_space<vmem>>, vector<1x16xf32>,
        %get3A_616 = vector.shape_cast %get3A_615 : vector<1x16xf32> to vector<16xf32>
        %mul3A_617 = arith.mulf %gather3A_480, %get3A_616 : vector<16xf32>
        %get3A_618 = arith.index_cast %add3A_502 : i32 to index
        %get3A_619 = arith.constant 80 : index
        %get3A_620 = tpu.vector_load %arg17[%get3A_618, %get3A_619] {strides = array<i32>} : memref<128x128xf32, #tpu.memory_space<vmem>>, vector<1x16xf32>,
        %get3A_621 = vector.shape_cast %get3A_620 : vector<1x16xf32> to vector<16xf32>
        %mul3A_622 = arith.mulf %gather3A_490, %get3A_621 : vector<16xf32>
        %add3A_623 = arith.addf %mul3A_617, %mul3A_622 : vector<16xf32>
        %get3A_624 = arith.index_cast %add3A_502 : i32 to index
        %get3A_625 = arith.constant 80 : index
        %get3A_626 = tpu.vector_load %arg18[%get3A_624, %get3A_625] {strides = array<i32>} : memref<128x128xf32, #tpu.memory_space<vmem>>, vector<1x16xf32>,
        %get3A_627 = vector.shape_cast %get3A_626 : vector<1x16xf32> to vector<16xf32>
        %mul3A_628 = arith.mulf %gather3A_500, %get3A_627 : vector<16xf32>
        %add3A_629 = arith.addf %add3A_623, %mul3A_628 : vector<16xf32>
        %swap3A_630 = arith.index_cast %add3A_502 : i32 to index
        %swap3A_631 = arith.constant 80 : index
        %swap3A_632 = tpu.vector_load %arg19[%swap3A_630, %swap3A_631] {strides = array<i32>} : memref<128x128xf32, #tpu.memory_space<vmem>>, vector<1x16xf32>,
        %swap3A_633 = vector.shape_cast %swap3A_632 : vector<1x16xf32> to vector<16xf32>
        %swap3A_634 = vector.shape_cast %add3A_629 : vector<16xf32> to vector<1x16xf32>
        tpu.vector_store %arg19[%swap3A_630, %swap3A_631], %swap3A_634 {strides = array<i32>} : memref<128x128xf32, #tpu.memory_space<vmem>>, vector<1x16xf32>,
        %get3A_635 = arith.index_cast %add3A_502 : i32 to index
        %get3A_636 = arith.constant 96 : index
        %get3A_637 = tpu.vector_load %arg16[%get3A_635, %get3A_636] {strides = array<i32>} : memref<128x128xf32, #tpu.memory_space<vmem>>, vector<1x16xf32>,
        %get3A_638 = vector.shape_cast %get3A_637 : vector<1x16xf32> to vector<16xf32>
        %mul3A_639 = arith.mulf %gather3A_480, %get3A_638 : vector<16xf32>
        %get3A_640 = arith.index_cast %add3A_502 : i32 to index
        %get3A_641 = arith.constant 96 : index
        %get3A_642 = tpu.vector_load %arg17[%get3A_640, %get3A_641] {strides = array<i32>} : memref<128x128xf32, #tpu.memory_space<vmem>>, vector<1x16xf32>,
        %get3A_643 = vector.shape_cast %get3A_642 : vector<1x16xf32> to vector<16xf32>
        %mul3A_644 = arith.mulf %gather3A_490, %get3A_643 : vector<16xf32>
        %add3A_645 = arith.addf %mul3A_639, %mul3A_644 : vector<16xf32>
        %get3A_646 = arith.index_cast %add3A_502 : i32 to index
        %get3A_647 = arith.constant 96 : index
        %get3A_648 = tpu.vector_load %arg18[%get3A_646, %get3A_647] {strides = array<i32>} : memref<128x128xf32, #tpu.memory_space<vmem>>, vector<1x16xf32>,
        %get3A_649 = vector.shape_cast %get3A_648 : vector<1x16xf32> to vector<16xf32>
        %mul3A_650 = arith.mulf %gather3A_500, %get3A_649 : vector<16xf32>
        %add3A_651 = arith.addf %add3A_645, %mul3A_650 : vector<16xf32>
        %swap3A_652 = arith.index_cast %add3A_502 : i32 to index
        %swap3A_653 = arith.constant 96 : index
        %swap3A_654 = tpu.vector_load %arg19[%swap3A_652, %swap3A_653] {strides = array<i32>} : memref<128x128xf32, #tpu.memory_space<vmem>>, vector<1x16xf32>,
        %swap3A_655 = vector.shape_cast %swap3A_654 : vector<1x16xf32> to vector<16xf32>
        %swap3A_656 = vector.shape_cast %add3A_651 : vector<16xf32> to vector<1x16xf32>
        tpu.vector_store %arg19[%swap3A_652, %swap3A_653], %swap3A_656 {strides = array<i32>} : memref<128x128xf32, #tpu.memory_space<vmem>>, vector<1x16xf32>,
        %get3A_657 = arith.index_cast %add3A_502 : i32 to index
        %get3A_658 = arith.constant 112 : index
        %get3A_659 = tpu.vector_load %arg16[%get3A_657, %get3A_658] {strides = array<i32>} : memref<128x128xf32, #tpu.memory_space<vmem>>, vector<1x16xf32>,
        %get3A_660 = vector.shape_cast %get3A_659 : vector<1x16xf32> to vector<16xf32>
        %mul3A_661 = arith.mulf %gather3A_480, %get3A_660 : vector<16xf32>
        %get3A_662 = arith.index_cast %add3A_502 : i32 to index
        %get3A_663 = arith.constant 112 : index
        %get3A_664 = tpu.vector_load %arg17[%get3A_662, %get3A_663] {strides = array<i32>} : memref<128x128xf32, #tpu.memory_space<vmem>>, vector<1x16xf32>,
        %get3A_665 = vector.shape_cast %get3A_664 : vector<1x16xf32> to vector<16xf32>
        %mul3A_666 = arith.mulf %gather3A_490, %get3A_665 : vector<16xf32>
        %add3A_667 = arith.addf %mul3A_661, %mul3A_666 : vector<16xf32>
        %get3A_668 = arith.index_cast %add3A_502 : i32 to index
        %get3A_669 = arith.constant 112 : index
        %get3A_670 = tpu.vector_load %arg18[%get3A_668, %get3A_669] {strides = array<i32>} : memref<128x128xf32, #tpu.memory_space<vmem>>, vector<1x16xf32>,
        %get3A_671 = vector.shape_cast %get3A_670 : vector<1x16xf32> to vector<16xf32>
        %mul3A_672 = arith.mulf %gather3A_500, %get3A_671 : vector<16xf32>
        %add3A_673 = arith.addf %add3A_667, %mul3A_672 : vector<16xf32>
        %swap3A_674 = arith.index_cast %add3A_502 : i32 to index
        %swap3A_675 = arith.constant 112 : index
        %swap3A_676 = tpu.vector_load %arg19[%swap3A_674, %swap3A_675] {strides = array<i32>} : memref<128x128xf32, #tpu.memory_space<vmem>>, vector<1x16xf32>,
        %swap3A_677 = vector.shape_cast %swap3A_676 : vector<1x16xf32> to vector<16xf32>
        %swap3A_678 = vector.shape_cast %add3A_673 : vector<16xf32> to vector<1x16xf32>
        tpu.vector_store %arg19[%swap3A_674, %swap3A_675], %swap3A_678 {strides = array<i32>} : memref<128x128xf32, #tpu.memory_space<vmem>>, vector<1x16xf32>,
        %broadcast_in_dim3A_679 = arith.constant 3 : i32
        %broadcast_in_dim3A_680 = vector.broadcast %broadcast_in_dim3A_679 : i32 to vector<16xi32>
        %lt3A_681 = arith.constant 0 : i32
        %lt3A_682 = vector.broadcast %lt3A_681 : i32 to vector<16xi32>
        %lt3A_683 = arith.cmpi slt, %broadcast_in_dim3A_680, %lt3A_682 : vector<16xi32>
        %add3A_684 = arith.constant 16 : i32
        %add3A_685 = vector.broadcast %add3A_684 : i32 to vector<16xi32>
        %add3A_686 = arith.addi %broadcast_in_dim3A_680, %add3A_685 : vector<16xi32>
        %select_n3A_687 = arith.select %lt3A_683, %add3A_686, %broadcast_in_dim3A_680 : vector<16xi1>, vector<16xi32>
        %broadcast_in_dim3A_688 = vector.shape_cast %select_n3A_687 : vector<16xi32> to vector<16x1xi32>
        %gather3A_689 = vector.shape_cast %broadcast_in_dim3A_688 : vector<16x1xi32> to vector<16xi32>
        %gather3A_690 = tpu.dynamic_gather %get3A_45[%gather3A_689] in [0] : vector<16xf32>, vector<16xi32> -> vector<16xf32>
        %lt3A_691 = arith.constant 0 : i32
        %lt3A_692 = vector.broadcast %lt3A_691 : i32 to vector<16xi32>
        %lt3A_693 = arith.cmpi slt, %broadcast_in_dim3A_680, %lt3A_692 : vector<16xi32>
        %add3A_694 = arith.constant 16 : i32
        %add3A_695 = vector.broadcast %add3A_694 : i32 to vector<16xi32>
        %add3A_696 = arith.addi %broadcast_in_dim3A_680, %add3A_695 : vector<16xi32>
        %select_n3A_697 = arith.select %lt3A_693, %add3A_696, %broadcast_in_dim3A_680 : vector<16xi1>, vector<16xi32>
        %broadcast_in_dim3A_698 = vector.shape_cast %select_n3A_697 : vector<16xi32> to vector<16x1xi32>
        %gather3A_699 = vector.shape_cast %broadcast_in_dim3A_698 : vector<16x1xi32> to vector<16xi32>
        %gather3A_700 = tpu.dynamic_gather %get3A_49[%gather3A_699] in [0] : vector<16xf32>, vector<16xi32> -> vector<16xf32>
        %lt3A_701 = arith.constant 0 : i32
        %lt3A_702 = vector.broadcast %lt3A_701 : i32 to vector<16xi32>
        %lt3A_703 = arith.cmpi slt, %broadcast_in_dim3A_680, %lt3A_702 : vector<16xi32>
        %add3A_704 = arith.constant 16 : i32
        %add3A_705 = vector.broadcast %add3A_704 : i32 to vector<16xi32>
        %add3A_706 = arith.addi %broadcast_in_dim3A_680, %add3A_705 : vector<16xi32>
        %select_n3A_707 = arith.select %lt3A_703, %add3A_706, %broadcast_in_dim3A_680 : vector<16xi1>, vector<16xi32>
        %broadcast_in_dim3A_708 = vector.shape_cast %select_n3A_707 : vector<16xi32> to vector<16x1xi32>
        %gather3A_709 = vector.shape_cast %broadcast_in_dim3A_708 : vector<16x1xi32> to vector<16xi32>
        %gather3A_710 = tpu.dynamic_gather %get3A_53[%gather3A_709] in [0] : vector<16xf32>, vector<16xi32> -> vector<16xf32>
        %add3A_711 = arith.constant 3 : i32
        %add3A_712 = arith.addi %mul3A_42, %add3A_711 : i32
        %get3A_713 = arith.index_cast %add3A_712 : i32 to index
        %get3A_714 = arith.constant 0 : index
        %get3A_715 = tpu.vector_load %arg16[%get3A_713, %get3A_714] {strides = array<i32>} : memref<128x128xf32, #tpu.memory_space<vmem>>, vector<1x16xf32>,
        %get3A_716 = vector.shape_cast %get3A_715 : vector<1x16xf32> to vector<16xf32>
        %mul3A_717 = arith.mulf %gather3A_690, %get3A_716 : vector<16xf32>
        %get3A_718 = arith.index_cast %add3A_712 : i32 to index
        %get3A_719 = arith.constant 0 : index
        %get3A_720 = tpu.vector_load %arg17[%get3A_718, %get3A_719] {strides = array<i32>} : memref<128x128xf32, #tpu.memory_space<vmem>>, vector<1x16xf32>,
        %get3A_721 = vector.shape_cast %get3A_720 : vector<1x16xf32> to vector<16xf32>
        %mul3A_722 = arith.mulf %gather3A_700, %get3A_721 : vector<16xf32>
        %add3A_723 = arith.addf %mul3A_717, %mul3A_722 : vector<16xf32>
        %get3A_724 = arith.index_cast %add3A_712 : i32 to index
        %get3A_725 = arith.constant 0 : index
        %get3A_726 = tpu.vector_load %arg18[%get3A_724, %get3A_725] {strides = array<i32>} : memref<128x128xf32, #tpu.memory_space<vmem>>, vector<1x16xf32>,
        %get3A_727 = vector.shape_cast %get3A_726 : vector<1x16xf32> to vector<16xf32>
        %mul3A_728 = arith.mulf %gather3A_710, %get3A_727 : vector<16xf32>
        %add3A_729 = arith.addf %add3A_723, %mul3A_728 : vector<16xf32>
        %swap3A_730 = arith.index_cast %add3A_712 : i32 to index
        %swap3A_731 = arith.constant 0 : index
        %swap3A_732 = tpu.vector_load %arg19[%swap3A_730, %swap3A_731] {strides = array<i32>} : memref<128x128xf32, #tpu.memory_space<vmem>>, vector<1x16xf32>,
        %swap3A_733 = vector.shape_cast %swap3A_732 : vector<1x16xf32> to vector<16xf32>
        %swap3A_734 = vector.shape_cast %add3A_729 : vector<16xf32> to vector<1x16xf32>
        tpu.vector_store %arg19[%swap3A_730, %swap3A_731], %swap3A_734 {strides = array<i32>} : memref<128x128xf32, #tpu.memory_space<vmem>>, vector<1x16xf32>,
        %get3A_735 = arith.index_cast %add3A_712 : i32 to index
        %get3A_736 = arith.constant 16 : index
        %get3A_737 = tpu.vector_load %arg16[%get3A_735, %get3A_736] {strides = array<i32>} : memref<128x128xf32, #tpu.memory_space<vmem>>, vector<1x16xf32>,
        %get3A_738 = vector.shape_cast %get3A_737 : vector<1x16xf32> to vector<16xf32>
        %mul3A_739 = arith.mulf %gather3A_690, %get3A_738 : vector<16xf32>
        %get3A_740 = arith.index_cast %add3A_712 : i32 to index
        %get3A_741 = arith.constant 16 : index
        %get3A_742 = tpu.vector_load %arg17[%get3A_740, %get3A_741] {strides = array<i32>} : memref<128x128xf32, #tpu.memory_space<vmem>>, vector<1x16xf32>,
        %get3A_743 = vector.shape_cast %get3A_742 : vector<1x16xf32> to vector<16xf32>
        %mul3A_744 = arith.mulf %gather3A_700, %get3A_743 : vector<16xf32>
        %add3A_745 = arith.addf %mul3A_739, %mul3A_744 : vector<16xf32>
        %get3A_746 = arith.index_cast %add3A_712 : i32 to index
        %get3A_747 = arith.constant 16 : index
        %get3A_748 = tpu.vector_load %arg18[%get3A_746, %get3A_747] {strides = array<i32>} : memref<128x128xf32, #tpu.memory_space<vmem>>, vector<1x16xf32>,
        %get3A_749 = vector.shape_cast %get3A_748 : vector<1x16xf32> to vector<16xf32>
        %mul3A_750 = arith.mulf %gather3A_710, %get3A_749 : vector<16xf32>
        %add3A_751 = arith.addf %add3A_745, %mul3A_750 : vector<16xf32>
        %swap3A_752 = arith.index_cast %add3A_712 : i32 to index
        %swap3A_753 = arith.constant 16 : index
        %swap3A_754 = tpu.vector_load %arg19[%swap3A_752, %swap3A_753] {strides = array<i32>} : memref<128x128xf32, #tpu.memory_space<vmem>>, vector<1x16xf32>,
        %swap3A_755 = vector.shape_cast %swap3A_754 : vector<1x16xf32> to vector<16xf32>
        %swap3A_756 = vector.shape_cast %add3A_751 : vector<16xf32> to vector<1x16xf32>
        tpu.vector_store %arg19[%swap3A_752, %swap3A_753], %swap3A_756 {strides = array<i32>} : memref<128x128xf32, #tpu.memory_space<vmem>>, vector<1x16xf32>,
        %get3A_757 = arith.index_cast %add3A_712 : i32 to index
        %get3A_758 = arith.constant 32 : index
        %get3A_759 = tpu.vector_load %arg16[%get3A_757, %get3A_758] {strides = array<i32>} : memref<128x128xf32, #tpu.memory_space<vmem>>, vector<1x16xf32>,
        %get3A_760 = vector.shape_cast %get3A_759 : vector<1x16xf32> to vector<16xf32>
        %mul3A_761 = arith.mulf %gather3A_690, %get3A_760 : vector<16xf32>
        %get3A_762 = arith.index_cast %add3A_712 : i32 to index
        %get3A_763 = arith.constant 32 : index
        %get3A_764 = tpu.vector_load %arg17[%get3A_762, %get3A_763] {strides = array<i32>} : memref<128x128xf32, #tpu.memory_space<vmem>>, vector<1x16xf32>,
        %get3A_765 = vector.shape_cast %get3A_764 : vector<1x16xf32> to vector<16xf32>
        %mul3A_766 = arith.mulf %gather3A_700, %get3A_765 : vector<16xf32>
        %add3A_767 = arith.addf %mul3A_761, %mul3A_766 : vector<16xf32>
        %get3A_768 = arith.index_cast %add3A_712 : i32 to index
        %get3A_769 = arith.constant 32 : index
        %get3A_770 = tpu.vector_load %arg18[%get3A_768, %get3A_769] {strides = array<i32>} : memref<128x128xf32, #tpu.memory_space<vmem>>, vector<1x16xf32>,
        %get3A_771 = vector.shape_cast %get3A_770 : vector<1x16xf32> to vector<16xf32>
        %mul3A_772 = arith.mulf %gather3A_710, %get3A_771 : vector<16xf32>
        %add3A_773 = arith.addf %add3A_767, %mul3A_772 : vector<16xf32>
        %swap3A_774 = arith.index_cast %add3A_712 : i32 to index
        %swap3A_775 = arith.constant 32 : index
        %swap3A_776 = tpu.vector_load %arg19[%swap3A_774, %swap3A_775] {strides = array<i32>} : memref<128x128xf32, #tpu.memory_space<vmem>>, vector<1x16xf32>,
        %swap3A_777 = vector.shape_cast %swap3A_776 : vector<1x16xf32> to vector<16xf32>
        %swap3A_778 = vector.shape_cast %add3A_773 : vector<16xf32> to vector<1x16xf32>
        tpu.vector_store %arg19[%swap3A_774, %swap3A_775], %swap3A_778 {strides = array<i32>} : memref<128x128xf32, #tpu.memory_space<vmem>>, vector<1x16xf32>,
        %get3A_779 = arith.index_cast %add3A_712 : i32 to index
        %get3A_780 = arith.constant 48 : index
        %get3A_781 = tpu.vector_load %arg16[%get3A_779, %get3A_780] {strides = array<i32>} : memref<128x128xf32, #tpu.memory_space<vmem>>, vector<1x16xf32>,
        %get3A_782 = vector.shape_cast %get3A_781 : vector<1x16xf32> to vector<16xf32>
        %mul3A_783 = arith.mulf %gather3A_690, %get3A_782 : vector<16xf32>
        %get3A_784 = arith.index_cast %add3A_712 : i32 to index
        %get3A_785 = arith.constant 48 : index
        %get3A_786 = tpu.vector_load %arg17[%get3A_784, %get3A_785] {strides = array<i32>} : memref<128x128xf32, #tpu.memory_space<vmem>>, vector<1x16xf32>,
        %get3A_787 = vector.shape_cast %get3A_786 : vector<1x16xf32> to vector<16xf32>
        %mul3A_788 = arith.mulf %gather3A_700, %get3A_787 : vector<16xf32>
        %add3A_789 = arith.addf %mul3A_783, %mul3A_788 : vector<16xf32>
        %get3A_790 = arith.index_cast %add3A_712 : i32 to index
        %get3A_791 = arith.constant 48 : index
        %get3A_792 = tpu.vector_load %arg18[%get3A_790, %get3A_791] {strides = array<i32>} : memref<128x128xf32, #tpu.memory_space<vmem>>, vector<1x16xf32>,
        %get3A_793 = vector.shape_cast %get3A_792 : vector<1x16xf32> to vector<16xf32>
        %mul3A_794 = arith.mulf %gather3A_710, %get3A_793 : vector<16xf32>
        %add3A_795 = arith.addf %add3A_789, %mul3A_794 : vector<16xf32>
        %swap3A_796 = arith.index_cast %add3A_712 : i32 to index
        %swap3A_797 = arith.constant 48 : index
        %swap3A_798 = tpu.vector_load %arg19[%swap3A_796, %swap3A_797] {strides = array<i32>} : memref<128x128xf32, #tpu.memory_space<vmem>>, vector<1x16xf32>,
        %swap3A_799 = vector.shape_cast %swap3A_798 : vector<1x16xf32> to vector<16xf32>
        %swap3A_800 = vector.shape_cast %add3A_795 : vector<16xf32> to vector<1x16xf32>
        tpu.vector_store %arg19[%swap3A_796, %swap3A_797], %swap3A_800 {strides = array<i32>} : memref<128x128xf32, #tpu.memory_space<vmem>>, vector<1x16xf32>,
        %get3A_801 = arith.index_cast %add3A_712 : i32 to index
        %get3A_802 = arith.constant 64 : index
        %get3A_803 = tpu.vector_load %arg16[%get3A_801, %get3A_802] {strides = array<i32>} : memref<128x128xf32, #tpu.memory_space<vmem>>, vector<1x16xf32>,
        %get3A_804 = vector.shape_cast %get3A_803 : vector<1x16xf32> to vector<16xf32>
        %mul3A_805 = arith.mulf %gather3A_690, %get3A_804 : vector<16xf32>
        %get3A_806 = arith.index_cast %add3A_712 : i32 to index
        %get3A_807 = arith.constant 64 : index
        %get3A_808 = tpu.vector_load %arg17[%get3A_806, %get3A_807] {strides = array<i32>} : memref<128x128xf32, #tpu.memory_space<vmem>>, vector<1x16xf32>,
        %get3A_809 = vector.shape_cast %get3A_808 : vector<1x16xf32> to vector<16xf32>
        %mul3A_810 = arith.mulf %gather3A_700, %get3A_809 : vector<16xf32>
        %add3A_811 = arith.addf %mul3A_805, %mul3A_810 : vector<16xf32>
        %get3A_812 = arith.index_cast %add3A_712 : i32 to index
        %get3A_813 = arith.constant 64 : index
        %get3A_814 = tpu.vector_load %arg18[%get3A_812, %get3A_813] {strides = array<i32>} : memref<128x128xf32, #tpu.memory_space<vmem>>, vector<1x16xf32>,
        %get3A_815 = vector.shape_cast %get3A_814 : vector<1x16xf32> to vector<16xf32>
        %mul3A_816 = arith.mulf %gather3A_710, %get3A_815 : vector<16xf32>
        %add3A_817 = arith.addf %add3A_811, %mul3A_816 : vector<16xf32>
        %swap3A_818 = arith.index_cast %add3A_712 : i32 to index
        %swap3A_819 = arith.constant 64 : index
        %swap3A_820 = tpu.vector_load %arg19[%swap3A_818, %swap3A_819] {strides = array<i32>} : memref<128x128xf32, #tpu.memory_space<vmem>>, vector<1x16xf32>,
        %swap3A_821 = vector.shape_cast %swap3A_820 : vector<1x16xf32> to vector<16xf32>
        %swap3A_822 = vector.shape_cast %add3A_817 : vector<16xf32> to vector<1x16xf32>
        tpu.vector_store %arg19[%swap3A_818, %swap3A_819], %swap3A_822 {strides = array<i32>} : memref<128x128xf32, #tpu.memory_space<vmem>>, vector<1x16xf32>,
        %get3A_823 = arith.index_cast %add3A_712 : i32 to index
        %get3A_824 = arith.constant 80 : index
        %get3A_825 = tpu.vector_load %arg16[%get3A_823, %get3A_824] {strides = array<i32>} : memref<128x128xf32, #tpu.memory_space<vmem>>, vector<1x16xf32>,
        %get3A_826 = vector.shape_cast %get3A_825 : vector<1x16xf32> to vector<16xf32>
        %mul3A_827 = arith.mulf %gather3A_690, %get3A_826 : vector<16xf32>
        %get3A_828 = arith.index_cast %add3A_712 : i32 to index
        %get3A_829 = arith.constant 80 : index
        %get3A_830 = tpu.vector_load %arg17[%get3A_828, %get3A_829] {strides = array<i32>} : memref<128x128xf32, #tpu.memory_space<vmem>>, vector<1x16xf32>,
        %get3A_831 = vector.shape_cast %get3A_830 : vector<1x16xf32> to vector<16xf32>
        %mul3A_832 = arith.mulf %gather3A_700, %get3A_831 : vector<16xf32>
        %add3A_833 = arith.addf %mul3A_827, %mul3A_832 : vector<16xf32>
        %get3A_834 = arith.index_cast %add3A_712 : i32 to index
        %get3A_835 = arith.constant 80 : index
        %get3A_836 = tpu.vector_load %arg18[%get3A_834, %get3A_835] {strides = array<i32>} : memref<128x128xf32, #tpu.memory_space<vmem>>, vector<1x16xf32>,
        %get3A_837 = vector.shape_cast %get3A_836 : vector<1x16xf32> to vector<16xf32>
        %mul3A_838 = arith.mulf %gather3A_710, %get3A_837 : vector<16xf32>
        %add3A_839 = arith.addf %add3A_833, %mul3A_838 : vector<16xf32>
        %swap3A_840 = arith.index_cast %add3A_712 : i32 to index
        %swap3A_841 = arith.constant 80 : index
        %swap3A_842 = tpu.vector_load %arg19[%swap3A_840, %swap3A_841] {strides = array<i32>} : memref<128x128xf32, #tpu.memory_space<vmem>>, vector<1x16xf32>,
        %swap3A_843 = vector.shape_cast %swap3A_842 : vector<1x16xf32> to vector<16xf32>
        %swap3A_844 = vector.shape_cast %add3A_839 : vector<16xf32> to vector<1x16xf32>
        tpu.vector_store %arg19[%swap3A_840, %swap3A_841], %swap3A_844 {strides = array<i32>} : memref<128x128xf32, #tpu.memory_space<vmem>>, vector<1x16xf32>,
        %get3A_845 = arith.index_cast %add3A_712 : i32 to index
        %get3A_846 = arith.constant 96 : index
        %get3A_847 = tpu.vector_load %arg16[%get3A_845, %get3A_846] {strides = array<i32>} : memref<128x128xf32, #tpu.memory_space<vmem>>, vector<1x16xf32>,
        %get3A_848 = vector.shape_cast %get3A_847 : vector<1x16xf32> to vector<16xf32>
        %mul3A_849 = arith.mulf %gather3A_690, %get3A_848 : vector<16xf32>
        %get3A_850 = arith.index_cast %add3A_712 : i32 to index
        %get3A_851 = arith.constant 96 : index
        %get3A_852 = tpu.vector_load %arg17[%get3A_850, %get3A_851] {strides = array<i32>} : memref<128x128xf32, #tpu.memory_space<vmem>>, vector<1x16xf32>,
        %get3A_853 = vector.shape_cast %get3A_852 : vector<1x16xf32> to vector<16xf32>
        %mul3A_854 = arith.mulf %gather3A_700, %get3A_853 : vector<16xf32>
        %add3A_855 = arith.addf %mul3A_849, %mul3A_854 : vector<16xf32>
        %get3A_856 = arith.index_cast %add3A_712 : i32 to index
        %get3A_857 = arith.constant 96 : index
        %get3A_858 = tpu.vector_load %arg18[%get3A_856, %get3A_857] {strides = array<i32>} : memref<128x128xf32, #tpu.memory_space<vmem>>, vector<1x16xf32>,
        %get3A_859 = vector.shape_cast %get3A_858 : vector<1x16xf32> to vector<16xf32>
        %mul3A_860 = arith.mulf %gather3A_710, %get3A_859 : vector<16xf32>
        %add3A_861 = arith.addf %add3A_855, %mul3A_860 : vector<16xf32>
        %swap3A_862 = arith.index_cast %add3A_712 : i32 to index
        %swap3A_863 = arith.constant 96 : index
        %swap3A_864 = tpu.vector_load %arg19[%swap3A_862, %swap3A_863] {strides = array<i32>} : memref<128x128xf32, #tpu.memory_space<vmem>>, vector<1x16xf32>,
        %swap3A_865 = vector.shape_cast %swap3A_864 : vector<1x16xf32> to vector<16xf32>
        %swap3A_866 = vector.shape_cast %add3A_861 : vector<16xf32> to vector<1x16xf32>
        tpu.vector_store %arg19[%swap3A_862, %swap3A_863], %swap3A_866 {strides = array<i32>} : memref<128x128xf32, #tpu.memory_space<vmem>>, vector<1x16xf32>,
        %get3A_867 = arith.index_cast %add3A_712 : i32 to index
        %get3A_868 = arith.constant 112 : index
        %get3A_869 = tpu.vector_load %arg16[%get3A_867, %get3A_868] {strides = array<i32>} : memref<128x128xf32, #tpu.memory_space<vmem>>, vector<1x16xf32>,
        %get3A_870 = vector.shape_cast %get3A_869 : vector<1x16xf32> to vector<16xf32>
        %mul3A_871 = arith.mulf %gather3A_690, %get3A_870 : vector<16xf32>
        %get3A_872 = arith.index_cast %add3A_712 : i32 to index
        %get3A_873 = arith.constant 112 : index
        %get3A_874 = tpu.vector_load %arg17[%get3A_872, %get3A_873] {strides = array<i32>} : memref<128x128xf32, #tpu.memory_space<vmem>>, vector<1x16xf32>,
        %get3A_875 = vector.shape_cast %get3A_874 : vector<1x16xf32> to vector<16xf32>
        %mul3A_876 = arith.mulf %gather3A_700, %get3A_875 : vector<16xf32>
        %add3A_877 = arith.addf %mul3A_871, %mul3A_876 : vector<16xf32>
        %get3A_878 = arith.index_cast %add3A_712 : i32 to index
        %get3A_879 = arith.constant 112 : index
        %get3A_880 = tpu.vector_load %arg18[%get3A_878, %get3A_879] {strides = array<i32>} : memref<128x128xf32, #tpu.memory_space<vmem>>, vector<1x16xf32>,
        %get3A_881 = vector.shape_cast %get3A_880 : vector<1x16xf32> to vector<16xf32>
        %mul3A_882 = arith.mulf %gather3A_710, %get3A_881 : vector<16xf32>
        %add3A_883 = arith.addf %add3A_877, %mul3A_882 : vector<16xf32>
        %swap3A_884 = arith.index_cast %add3A_712 : i32 to index
        %swap3A_885 = arith.constant 112 : index
        %swap3A_886 = tpu.vector_load %arg19[%swap3A_884, %swap3A_885] {strides = array<i32>} : memref<128x128xf32, #tpu.memory_space<vmem>>, vector<1x16xf32>,
        %swap3A_887 = vector.shape_cast %swap3A_886 : vector<1x16xf32> to vector<16xf32>
        %swap3A_888 = vector.shape_cast %add3A_883 : vector<16xf32> to vector<1x16xf32>
        tpu.vector_store %arg19[%swap3A_884, %swap3A_885], %swap3A_888 {strides = array<i32>} : memref<128x128xf32, #tpu.memory_space<vmem>>, vector<1x16xf32>,
        %broadcast_in_dim3A_889 = arith.constant 4 : i32
        %broadcast_in_dim3A_890 = vector.broadcast %broadcast_in_dim3A_889 : i32 to vector<16xi32>
        %lt3A_891 = arith.constant 0 : i32
        %lt3A_892 = vector.broadcast %lt3A_891 : i32 to vector<16xi32>
        %lt3A_893 = arith.cmpi slt, %broadcast_in_dim3A_890, %lt3A_892 : vector<16xi32>
        %add3A_894 = arith.constant 16 : i32
        %add3A_895 = vector.broadcast %add3A_894 : i32 to vector<16xi32>
        %add3A_896 = arith.addi %broadcast_in_dim3A_890, %add3A_895 : vector<16xi32>
        %select_n3A_897 = arith.select %lt3A_893, %add3A_896, %broadcast_in_dim3A_890 : vector<16xi1>, vector<16xi32>
        %broadcast_in_dim3A_898 = vector.shape_cast %select_n3A_897 : vector<16xi32> to vector<16x1xi32>
        %gather3A_899 = vector.shape_cast %broadcast_in_dim3A_898 : vector<16x1xi32> to vector<16xi32>
        %gather3A_900 = tpu.dynamic_gather %get3A_45[%gather3A_899] in [0] : vector<16xf32>, vector<16xi32> -> vector<16xf32>
        %lt3A_901 = arith.constant 0 : i32
        %lt3A_902 = vector.broadcast %lt3A_901 : i32 to vector<16xi32>
        %lt3A_903 = arith.cmpi slt, %broadcast_in_dim3A_890, %lt3A_902 : vector<16xi32>
        %add3A_904 = arith.constant 16 : i32
        %add3A_905 = vector.broadcast %add3A_904 : i32 to vector<16xi32>
        %add3A_906 = arith.addi %broadcast_in_dim3A_890, %add3A_905 : vector<16xi32>
        %select_n3A_907 = arith.select %lt3A_903, %add3A_906, %broadcast_in_dim3A_890 : vector<16xi1>, vector<16xi32>
        %broadcast_in_dim3A_908 = vector.shape_cast %select_n3A_907 : vector<16xi32> to vector<16x1xi32>
        %gather3A_909 = vector.shape_cast %broadcast_in_dim3A_908 : vector<16x1xi32> to vector<16xi32>
        %gather3A_910 = tpu.dynamic_gather %get3A_49[%gather3A_909] in [0] : vector<16xf32>, vector<16xi32> -> vector<16xf32>
        %lt3A_911 = arith.constant 0 : i32
        %lt3A_912 = vector.broadcast %lt3A_911 : i32 to vector<16xi32>
        %lt3A_913 = arith.cmpi slt, %broadcast_in_dim3A_890, %lt3A_912 : vector<16xi32>
        %add3A_914 = arith.constant 16 : i32
        %add3A_915 = vector.broadcast %add3A_914 : i32 to vector<16xi32>
        %add3A_916 = arith.addi %broadcast_in_dim3A_890, %add3A_915 : vector<16xi32>
        %select_n3A_917 = arith.select %lt3A_913, %add3A_916, %broadcast_in_dim3A_890 : vector<16xi1>, vector<16xi32>
        %broadcast_in_dim3A_918 = vector.shape_cast %select_n3A_917 : vector<16xi32> to vector<16x1xi32>
        %gather3A_919 = vector.shape_cast %broadcast_in_dim3A_918 : vector<16x1xi32> to vector<16xi32>
        %gather3A_920 = tpu.dynamic_gather %get3A_53[%gather3A_919] in [0] : vector<16xf32>, vector<16xi32> -> vector<16xf32>
        %add3A_921 = arith.constant 4 : i32
        %add3A_922 = arith.addi %mul3A_42, %add3A_921 : i32
        %get3A_923 = arith.index_cast %add3A_922 : i32 to index
        %get3A_924 = arith.constant 0 : index
        %get3A_925 = tpu.vector_load %arg16[%get3A_923, %get3A_924] {strides = array<i32>} : memref<128x128xf32, #tpu.memory_space<vmem>>, vector<1x16xf32>,
        %get3A_926 = vector.shape_cast %get3A_925 : vector<1x16xf32> to vector<16xf32>
        %mul3A_927 = arith.mulf %gather3A_900, %get3A_926 : vector<16xf32>
        %get3A_928 = arith.index_cast %add3A_922 : i32 to index
        %get3A_929 = arith.constant 0 : index
        %get3A_930 = tpu.vector_load %arg17[%get3A_928, %get3A_929] {strides = array<i32>} : memref<128x128xf32, #tpu.memory_space<vmem>>, vector<1x16xf32>,
        %get3A_931 = vector.shape_cast %get3A_930 : vector<1x16xf32> to vector<16xf32>
        %mul3A_932 = arith.mulf %gather3A_910, %get3A_931 : vector<16xf32>
        %add3A_933 = arith.addf %mul3A_927, %mul3A_932 : vector<16xf32>
        %get3A_934 = arith.index_cast %add3A_922 : i32 to index
        %get3A_935 = arith.constant 0 : index
        %get3A_936 = tpu.vector_load %arg18[%get3A_934, %get3A_935] {strides = array<i32>} : memref<128x128xf32, #tpu.memory_space<vmem>>, vector<1x16xf32>,
        %get3A_937 = vector.shape_cast %get3A_936 : vector<1x16xf32> to vector<16xf32>
        %mul3A_938 = arith.mulf %gather3A_920, %get3A_937 : vector<16xf32>
        %add3A_939 = arith.addf %add3A_933, %mul3A_938 : vector<16xf32>
        %swap3A_940 = arith.index_cast %add3A_922 : i32 to index
        %swap3A_941 = arith.constant 0 : index
        %swap3A_942 = tpu.vector_load %arg19[%swap3A_940, %swap3A_941] {strides = array<i32>} : memref<128x128xf32, #tpu.memory_space<vmem>>, vector<1x16xf32>,
        %swap3A_943 = vector.shape_cast %swap3A_942 : vector<1x16xf32> to vector<16xf32>
        %swap3A_944 = vector.shape_cast %add3A_939 : vector<16xf32> to vector<1x16xf32>
        tpu.vector_store %arg19[%swap3A_940, %swap3A_941], %swap3A_944 {strides = array<i32>} : memref<128x128xf32, #tpu.memory_space<vmem>>, vector<1x16xf32>,
        %get3A_945 = arith.index_cast %add3A_922 : i32 to index
        %get3A_946 = arith.constant 16 : index
        %get3A_947 = tpu.vector_load %arg16[%get3A_945, %get3A_946] {strides = array<i32>} : memref<128x128xf32, #tpu.memory_space<vmem>>, vector<1x16xf32>,
        %get3A_948 = vector.shape_cast %get3A_947 : vector<1x16xf32> to vector<16xf32>
        %mul3A_949 = arith.mulf %gather3A_900, %get3A_948 : vector<16xf32>
        %get3A_950 = arith.index_cast %add3A_922 : i32 to index
        %get3A_951 = arith.constant 16 : index
        %get3A_952 = tpu.vector_load %arg17[%get3A_950, %get3A_951] {strides = array<i32>} : memref<128x128xf32, #tpu.memory_space<vmem>>, vector<1x16xf32>,
        %get3A_953 = vector.shape_cast %get3A_952 : vector<1x16xf32> to vector<16xf32>
        %mul3A_954 = arith.mulf %gather3A_910, %get3A_953 : vector<16xf32>
        %add3A_955 = arith.addf %mul3A_949, %mul3A_954 : vector<16xf32>
        %get3A_956 = arith.index_cast %add3A_922 : i32 to index
        %get3A_957 = arith.constant 16 : index
        %get3A_958 = tpu.vector_load %arg18[%get3A_956, %get3A_957] {strides = array<i32>} : memref<128x128xf32, #tpu.memory_space<vmem>>, vector<1x16xf32>,
        %get3A_959 = vector.shape_cast %get3A_958 : vector<1x16xf32> to vector<16xf32>
        %mul3A_960 = arith.mulf %gather3A_920, %get3A_959 : vector<16xf32>
        %add3A_961 = arith.addf %add3A_955, %mul3A_960 : vector<16xf32>
        %swap3A_962 = arith.index_cast %add3A_922 : i32 to index
        %swap3A_963 = arith.constant 16 : index
        %swap3A_964 = tpu.vector_load %arg19[%swap3A_962, %swap3A_963] {strides = array<i32>} : memref<128x128xf32, #tpu.memory_space<vmem>>, vector<1x16xf32>,
        %swap3A_965 = vector.shape_cast %swap3A_964 : vector<1x16xf32> to vector<16xf32>
        %swap3A_966 = vector.shape_cast %add3A_961 : vector<16xf32> to vector<1x16xf32>
        tpu.vector_store %arg19[%swap3A_962, %swap3A_963], %swap3A_966 {strides = array<i32>} : memref<128x128xf32, #tpu.memory_space<vmem>>, vector<1x16xf32>,
        %get3A_967 = arith.index_cast %add3A_922 : i32 to index
        %get3A_968 = arith.constant 32 : index
        %get3A_969 = tpu.vector_load %arg16[%get3A_967, %get3A_968] {strides = array<i32>} : memref<128x128xf32, #tpu.memory_space<vmem>>, vector<1x16xf32>,
        %get3A_970 = vector.shape_cast %get3A_969 : vector<1x16xf32> to vector<16xf32>
        %mul3A_971 = arith.mulf %gather3A_900, %get3A_970 : vector<16xf32>
        %get3A_972 = arith.index_cast %add3A_922 : i32 to index
        %get3A_973 = arith.constant 32 : index
        %get3A_974 = tpu.vector_load %arg17[%get3A_972, %get3A_973] {strides = array<i32>} : memref<128x128xf32, #tpu.memory_space<vmem>>, vector<1x16xf32>,
        %get3A_975 = vector.shape_cast %get3A_974 : vector<1x16xf32> to vector<16xf32>
        %mul3A_976 = arith.mulf %gather3A_910, %get3A_975 : vector<16xf32>
        %add3A_977 = arith.addf %mul3A_971, %mul3A_976 : vector<16xf32>
        %get3A_978 = arith.index_cast %add3A_922 : i32 to index
        %get3A_979 = arith.constant 32 : index
        %get3A_980 = tpu.vector_load %arg18[%get3A_978, %get3A_979] {strides = array<i32>} : memref<128x128xf32, #tpu.memory_space<vmem>>, vector<1x16xf32>,
        %get3A_981 = vector.shape_cast %get3A_980 : vector<1x16xf32> to vector<16xf32>
        %mul3A_982 = arith.mulf %gather3A_920, %get3A_981 : vector<16xf32>
        %add3A_983 = arith.addf %add3A_977, %mul3A_982 : vector<16xf32>
        %swap3A_984 = arith.index_cast %add3A_922 : i32 to index
        %swap3A_985 = arith.constant 32 : index
        %swap3A_986 = tpu.vector_load %arg19[%swap3A_984, %swap3A_985] {strides = array<i32>} : memref<128x128xf32, #tpu.memory_space<vmem>>, vector<1x16xf32>,
        %swap3A_987 = vector.shape_cast %swap3A_986 : vector<1x16xf32> to vector<16xf32>
        %swap3A_988 = vector.shape_cast %add3A_983 : vector<16xf32> to vector<1x16xf32>
        tpu.vector_store %arg19[%swap3A_984, %swap3A_985], %swap3A_988 {strides = array<i32>} : memref<128x128xf32, #tpu.memory_space<vmem>>, vector<1x16xf32>,
        %get3A_989 = arith.index_cast %add3A_922 : i32 to index
        %get3A_990 = arith.constant 48 : index
        %get3A_991 = tpu.vector_load %arg16[%get3A_989, %get3A_990] {strides = array<i32>} : memref<128x128xf32, #tpu.memory_space<vmem>>, vector<1x16xf32>,
        %get3A_992 = vector.shape_cast %get3A_991 : vector<1x16xf32> to vector<16xf32>
        %mul3A_993 = arith.mulf %gather3A_900, %get3A_992 : vector<16xf32>
        %get3A_994 = arith.index_cast %add3A_922 : i32 to index
        %get3A_995 = arith.constant 48 : index
        %get3A_996 = tpu.vector_load %arg17[%get3A_994, %get3A_995] {strides = array<i32>} : memref<128x128xf32, #tpu.memory_space<vmem>>, vector<1x16xf32>,
        %get3A_997 = vector.shape_cast %get3A_996 : vector<1x16xf32> to vector<16xf32>
        %mul3A_998 = arith.mulf %gather3A_910, %get3A_997 : vector<16xf32>
        %add3A_999 = arith.addf %mul3A_993, %mul3A_998 : vector<16xf32>
        %get3A_1000 = arith.index_cast %add3A_922 : i32 to index
        %get3A_1001 = arith.constant 48 : index
        %get3A_1002 = tpu.vector_load %arg18[%get3A_1000, %get3A_1001] {strides = array<i32>} : memref<128x128xf32, #tpu.memory_space<vmem>>, vector<1x16xf32>,
        %get3A_1003 = vector.shape_cast %get3A_1002 : vector<1x16xf32> to vector<16xf32>
        %mul3A_1004 = arith.mulf %gather3A_920, %get3A_1003 : vector<16xf32>
        %add3A_1005 = arith.addf %add3A_999, %mul3A_1004 : vector<16xf32>
        %swap3A_1006 = arith.index_cast %add3A_922 : i32 to index
        %swap3A_1007 = arith.constant 48 : index
        %swap3A_1008 = tpu.vector_load %arg19[%swap3A_1006, %swap3A_1007] {strides = array<i32>} : memref<128x128xf32, #tpu.memory_space<vmem>>, vector<1x16xf32>,
        %swap3A_1009 = vector.shape_cast %swap3A_1008 : vector<1x16xf32> to vector<16xf32>
        %swap3A_1010 = vector.shape_cast %add3A_1005 : vector<16xf32> to vector<1x16xf32>
        tpu.vector_store %arg19[%swap3A_1006, %swap3A_1007], %swap3A_1010 {strides = array<i32>} : memref<128x128xf32, #tpu.memory_space<vmem>>, vector<1x16xf32>,
        %get3A_1011 = arith.index_cast %add3A_922 : i32 to index
        %get3A_1012 = arith.constant 64 : index
        %get3A_1013 = tpu.vector_load %arg16[%get3A_1011, %get3A_1012] {strides = array<i32>} : memref<128x128xf32, #tpu.memory_space<vmem>>, vector<1x16xf32>,
        %get3A_1014 = vector.shape_cast %get3A_1013 : vector<1x16xf32> to vector<16xf32>
        %mul3A_1015 = arith.mulf %gather3A_900, %get3A_1014 : vector<16xf32>
        %get3A_1016 = arith.index_cast %add3A_922 : i32 to index
        %get3A_1017 = arith.constant 64 : index
        %get3A_1018 = tpu.vector_load %arg17[%get3A_1016, %get3A_1017] {strides = array<i32>} : memref<128x128xf32, #tpu.memory_space<vmem>>, vector<1x16xf32>,
        %get3A_1019 = vector.shape_cast %get3A_1018 : vector<1x16xf32> to vector<16xf32>
        %mul3A_1020 = arith.mulf %gather3A_910, %get3A_1019 : vector<16xf32>
        %add3A_1021 = arith.addf %mul3A_1015, %mul3A_1020 : vector<16xf32>
        %get3A_1022 = arith.index_cast %add3A_922 : i32 to index
        %get3A_1023 = arith.constant 64 : index
        %get3A_1024 = tpu.vector_load %arg18[%get3A_1022, %get3A_1023] {strides = array<i32>} : memref<128x128xf32, #tpu.memory_space<vmem>>, vector<1x16xf32>,
        %get3A_1025 = vector.shape_cast %get3A_1024 : vector<1x16xf32> to vector<16xf32>
        %mul3A_1026 = arith.mulf %gather3A_920, %get3A_1025 : vector<16xf32>
        %add3A_1027 = arith.addf %add3A_1021, %mul3A_1026 : vector<16xf32>
        %swap3A_1028 = arith.index_cast %add3A_922 : i32 to index
        %swap3A_1029 = arith.constant 64 : index
        %swap3A_1030 = tpu.vector_load %arg19[%swap3A_1028, %swap3A_1029] {strides = array<i32>} : memref<128x128xf32, #tpu.memory_space<vmem>>, vector<1x16xf32>,
        %swap3A_1031 = vector.shape_cast %swap3A_1030 : vector<1x16xf32> to vector<16xf32>
        %swap3A_1032 = vector.shape_cast %add3A_1027 : vector<16xf32> to vector<1x16xf32>
        tpu.vector_store %arg19[%swap3A_1028, %swap3A_1029], %swap3A_1032 {strides = array<i32>} : memref<128x128xf32, #tpu.memory_space<vmem>>, vector<1x16xf32>,
        %get3A_1033 = arith.index_cast %add3A_922 : i32 to index
        %get3A_1034 = arith.constant 80 : index
        %get3A_1035 = tpu.vector_load %arg16[%get3A_1033, %get3A_1034] {strides = array<i32>} : memref<128x128xf32, #tpu.memory_space<vmem>>, vector<1x16xf32>,
        %get3A_1036 = vector.shape_cast %get3A_1035 : vector<1x16xf32> to vector<16xf32>
        %mul3A_1037 = arith.mulf %gather3A_900, %get3A_1036 : vector<16xf32>
        %get3A_1038 = arith.index_cast %add3A_922 : i32 to index
        %get3A_1039 = arith.constant 80 : index
        %get3A_1040 = tpu.vector_load %arg17[%get3A_1038, %get3A_1039] {strides = array<i32>} : memref<128x128xf32, #tpu.memory_space<vmem>>, vector<1x16xf32>,
        %get3A_1041 = vector.shape_cast %get3A_1040 : vector<1x16xf32> to vector<16xf32>
        %mul3A_1042 = arith.mulf %gather3A_910, %get3A_1041 : vector<16xf32>
        %add3A_1043 = arith.addf %mul3A_1037, %mul3A_1042 : vector<16xf32>
        %get3A_1044 = arith.index_cast %add3A_922 : i32 to index
        %get3A_1045 = arith.constant 80 : index
        %get3A_1046 = tpu.vector_load %arg18[%get3A_1044, %get3A_1045] {strides = array<i32>} : memref<128x128xf32, #tpu.memory_space<vmem>>, vector<1x16xf32>,
        %get3A_1047 = vector.shape_cast %get3A_1046 : vector<1x16xf32> to vector<16xf32>
        %mul3A_1048 = arith.mulf %gather3A_920, %get3A_1047 : vector<16xf32>
        %add3A_1049 = arith.addf %add3A_1043, %mul3A_1048 : vector<16xf32>
        %swap3A_1050 = arith.index_cast %add3A_922 : i32 to index
        %swap3A_1051 = arith.constant 80 : index
        %swap3A_1052 = tpu.vector_load %arg19[%swap3A_1050, %swap3A_1051] {strides = array<i32>} : memref<128x128xf32, #tpu.memory_space<vmem>>, vector<1x16xf32>,
        %swap3A_1053 = vector.shape_cast %swap3A_1052 : vector<1x16xf32> to vector<16xf32>
        %swap3A_1054 = vector.shape_cast %add3A_1049 : vector<16xf32> to vector<1x16xf32>
        tpu.vector_store %arg19[%swap3A_1050, %swap3A_1051], %swap3A_1054 {strides = array<i32>} : memref<128x128xf32, #tpu.memory_space<vmem>>, vector<1x16xf32>,
        %get3A_1055 = arith.index_cast %add3A_922 : i32 to index
        %get3A_1056 = arith.constant 96 : index
        %get3A_1057 = tpu.vector_load %arg16[%get3A_1055, %get3A_1056] {strides = array<i32>} : memref<128x128xf32, #tpu.memory_space<vmem>>, vector<1x16xf32>,
        %get3A_1058 = vector.shape_cast %get3A_1057 : vector<1x16xf32> to vector<16xf32>
        %mul3A_1059 = arith.mulf %gather3A_900, %get3A_1058 : vector<16xf32>
        %get3A_1060 = arith.index_cast %add3A_922 : i32 to index
        %get3A_1061 = arith.constant 96 : index
        %get3A_1062 = tpu.vector_load %arg17[%get3A_1060, %get3A_1061] {strides = array<i32>} : memref<128x128xf32, #tpu.memory_space<vmem>>, vector<1x16xf32>,
        %get3A_1063 = vector.shape_cast %get3A_1062 : vector<1x16xf32> to vector<16xf32>
        %mul3A_1064 = arith.mulf %gather3A_910, %get3A_1063 : vector<16xf32>
        %add3A_1065 = arith.addf %mul3A_1059, %mul3A_1064 : vector<16xf32>
        %get3A_1066 = arith.index_cast %add3A_922 : i32 to index
        %get3A_1067 = arith.constant 96 : index
        %get3A_1068 = tpu.vector_load %arg18[%get3A_1066, %get3A_1067] {strides = array<i32>} : memref<128x128xf32, #tpu.memory_space<vmem>>, vector<1x16xf32>,
        %get3A_1069 = vector.shape_cast %get3A_1068 : vector<1x16xf32> to vector<16xf32>
        %mul3A_1070 = arith.mulf %gather3A_920, %get3A_1069 : vector<16xf32>
        %add3A_1071 = arith.addf %add3A_1065, %mul3A_1070 : vector<16xf32>
        %swap3A_1072 = arith.index_cast %add3A_922 : i32 to index
        %swap3A_1073 = arith.constant 96 : index
        %swap3A_1074 = tpu.vector_load %arg19[%swap3A_1072, %swap3A_1073] {strides = array<i32>} : memref<128x128xf32, #tpu.memory_space<vmem>>, vector<1x16xf32>,
        %swap3A_1075 = vector.shape_cast %swap3A_1074 : vector<1x16xf32> to vector<16xf32>
        %swap3A_1076 = vector.shape_cast %add3A_1071 : vector<16xf32> to vector<1x16xf32>
        tpu.vector_store %arg19[%swap3A_1072, %swap3A_1073], %swap3A_1076 {strides = array<i32>} : memref<128x128xf32, #tpu.memory_space<vmem>>, vector<1x16xf32>,
        %get3A_1077 = arith.index_cast %add3A_922 : i32 to index
        %get3A_1078 = arith.constant 112 : index
        %get3A_1079 = tpu.vector_load %arg16[%get3A_1077, %get3A_1078] {strides = array<i32>} : memref<128x128xf32, #tpu.memory_space<vmem>>, vector<1x16xf32>,
        %get3A_1080 = vector.shape_cast %get3A_1079 : vector<1x16xf32> to vector<16xf32>
        %mul3A_1081 = arith.mulf %gather3A_900, %get3A_1080 : vector<16xf32>
        %get3A_1082 = arith.index_cast %add3A_922 : i32 to index
        %get3A_1083 = arith.constant 112 : index
        %get3A_1084 = tpu.vector_load %arg17[%get3A_1082, %get3A_1083] {strides = array<i32>} : memref<128x128xf32, #tpu.memory_space<vmem>>, vector<1x16xf32>,
        %get3A_1085 = vector.shape_cast %get3A_1084 : vector<1x16xf32> to vector<16xf32>
        %mul3A_1086 = arith.mulf %gather3A_910, %get3A_1085 : vector<16xf32>
        %add3A_1087 = arith.addf %mul3A_1081, %mul3A_1086 : vector<16xf32>
        %get3A_1088 = arith.index_cast %add3A_922 : i32 to index
        %get3A_1089 = arith.constant 112 : index
        %get3A_1090 = tpu.vector_load %arg18[%get3A_1088, %get3A_1089] {strides = array<i32>} : memref<128x128xf32, #tpu.memory_space<vmem>>, vector<1x16xf32>,
        %get3A_1091 = vector.shape_cast %get3A_1090 : vector<1x16xf32> to vector<16xf32>
        %mul3A_1092 = arith.mulf %gather3A_920, %get3A_1091 : vector<16xf32>
        %add3A_1093 = arith.addf %add3A_1087, %mul3A_1092 : vector<16xf32>
        %swap3A_1094 = arith.index_cast %add3A_922 : i32 to index
        %swap3A_1095 = arith.constant 112 : index
        %swap3A_1096 = tpu.vector_load %arg19[%swap3A_1094, %swap3A_1095] {strides = array<i32>} : memref<128x128xf32, #tpu.memory_space<vmem>>, vector<1x16xf32>,
        %swap3A_1097 = vector.shape_cast %swap3A_1096 : vector<1x16xf32> to vector<16xf32>
        %swap3A_1098 = vector.shape_cast %add3A_1093 : vector<16xf32> to vector<1x16xf32>
        tpu.vector_store %arg19[%swap3A_1094, %swap3A_1095], %swap3A_1098 {strides = array<i32>} : memref<128x128xf32, #tpu.memory_space<vmem>>, vector<1x16xf32>,
        %broadcast_in_dim3A_1099 = arith.constant 5 : i32
        %broadcast_in_dim3A_1100 = vector.broadcast %broadcast_in_dim3A_1099 : i32 to vector<16xi32>
        %lt3A_1101 = arith.constant 0 : i32
        %lt3A_1102 = vector.broadcast %lt3A_1101 : i32 to vector<16xi32>
        %lt3A_1103 = arith.cmpi slt, %broadcast_in_dim3A_1100, %lt3A_1102 : vector<16xi32>
        %add3A_1104 = arith.constant 16 : i32
        %add3A_1105 = vector.broadcast %add3A_1104 : i32 to vector<16xi32>
        %add3A_1106 = arith.addi %broadcast_in_dim3A_1100, %add3A_1105 : vector<16xi32>
        %select_n3A_1107 = arith.select %lt3A_1103, %add3A_1106, %broadcast_in_dim3A_1100 : vector<16xi1>, vector<16xi32>
        %broadcast_in_dim3A_1108 = vector.shape_cast %select_n3A_1107 : vector<16xi32> to vector<16x1xi32>
        %gather3A_1109 = vector.shape_cast %broadcast_in_dim3A_1108 : vector<16x1xi32> to vector<16xi32>
        %gather3A_1110 = tpu.dynamic_gather %get3A_45[%gather3A_1109] in [0] : vector<16xf32>, vector<16xi32> -> vector<16xf32>
        %lt3A_1111 = arith.constant 0 : i32
        %lt3A_1112 = vector.broadcast %lt3A_1111 : i32 to vector<16xi32>
        %lt3A_1113 = arith.cmpi slt, %broadcast_in_dim3A_1100, %lt3A_1112 : vector<16xi32>
        %add3A_1114 = arith.constant 16 : i32
        %add3A_1115 = vector.broadcast %add3A_1114 : i32 to vector<16xi32>
        %add3A_1116 = arith.addi %broadcast_in_dim3A_1100, %add3A_1115 : vector<16xi32>
        %select_n3A_1117 = arith.select %lt3A_1113, %add3A_1116, %broadcast_in_dim3A_1100 : vector<16xi1>, vector<16xi32>
        %broadcast_in_dim3A_1118 = vector.shape_cast %select_n3A_1117 : vector<16xi32> to vector<16x1xi32>
        %gather3A_1119 = vector.shape_cast %broadcast_in_dim3A_1118 : vector<16x1xi32> to vector<16xi32>
        %gather3A_1120 = tpu.dynamic_gather %get3A_49[%gather3A_1119] in [0] : vector<16xf32>, vector<16xi32> -> vector<16xf32>
        %lt3A_1121 = arith.constant 0 : i32
        %lt3A_1122 = vector.broadcast %lt3A_1121 : i32 to vector<16xi32>
        %lt3A_1123 = arith.cmpi slt, %broadcast_in_dim3A_1100, %lt3A_1122 : vector<16xi32>
        %add3A_1124 = arith.constant 16 : i32
        %add3A_1125 = vector.broadcast %add3A_1124 : i32 to vector<16xi32>
        %add3A_1126 = arith.addi %broadcast_in_dim3A_1100, %add3A_1125 : vector<16xi32>
        %select_n3A_1127 = arith.select %lt3A_1123, %add3A_1126, %broadcast_in_dim3A_1100 : vector<16xi1>, vector<16xi32>
        %broadcast_in_dim3A_1128 = vector.shape_cast %select_n3A_1127 : vector<16xi32> to vector<16x1xi32>
        %gather3A_1129 = vector.shape_cast %broadcast_in_dim3A_1128 : vector<16x1xi32> to vector<16xi32>
        %gather3A_1130 = tpu.dynamic_gather %get3A_53[%gather3A_1129] in [0] : vector<16xf32>, vector<16xi32> -> vector<16xf32>
        %add3A_1131 = arith.constant 5 : i32
        %add3A_1132 = arith.addi %mul3A_42, %add3A_1131 : i32
        %get3A_1133 = arith.index_cast %add3A_1132 : i32 to index
        %get3A_1134 = arith.constant 0 : index
        %get3A_1135 = tpu.vector_load %arg16[%get3A_1133, %get3A_1134] {strides = array<i32>} : memref<128x128xf32, #tpu.memory_space<vmem>>, vector<1x16xf32>,
        %get3A_1136 = vector.shape_cast %get3A_1135 : vector<1x16xf32> to vector<16xf32>
        %mul3A_1137 = arith.mulf %gather3A_1110, %get3A_1136 : vector<16xf32>
        %get3A_1138 = arith.index_cast %add3A_1132 : i32 to index
        %get3A_1139 = arith.constant 0 : index
        %get3A_1140 = tpu.vector_load %arg17[%get3A_1138, %get3A_1139] {strides = array<i32>} : memref<128x128xf32, #tpu.memory_space<vmem>>, vector<1x16xf32>,
        %get3A_1141 = vector.shape_cast %get3A_1140 : vector<1x16xf32> to vector<16xf32>
        %mul3A_1142 = arith.mulf %gather3A_1120, %get3A_1141 : vector<16xf32>
        %add3A_1143 = arith.addf %mul3A_1137, %mul3A_1142 : vector<16xf32>
        %get3A_1144 = arith.index_cast %add3A_1132 : i32 to index
        %get3A_1145 = arith.constant 0 : index
        %get3A_1146 = tpu.vector_load %arg18[%get3A_1144, %get3A_1145] {strides = array<i32>} : memref<128x128xf32, #tpu.memory_space<vmem>>, vector<1x16xf32>,
        %get3A_1147 = vector.shape_cast %get3A_1146 : vector<1x16xf32> to vector<16xf32>
        %mul3A_1148 = arith.mulf %gather3A_1130, %get3A_1147 : vector<16xf32>
        %add3A_1149 = arith.addf %add3A_1143, %mul3A_1148 : vector<16xf32>
        %swap3A_1150 = arith.index_cast %add3A_1132 : i32 to index
        %swap3A_1151 = arith.constant 0 : index
        %swap3A_1152 = tpu.vector_load %arg19[%swap3A_1150, %swap3A_1151] {strides = array<i32>} : memref<128x128xf32, #tpu.memory_space<vmem>>, vector<1x16xf32>,
        %swap3A_1153 = vector.shape_cast %swap3A_1152 : vector<1x16xf32> to vector<16xf32>
        %swap3A_1154 = vector.shape_cast %add3A_1149 : vector<16xf32> to vector<1x16xf32>
        tpu.vector_store %arg19[%swap3A_1150, %swap3A_1151], %swap3A_1154 {strides = array<i32>} : memref<128x128xf32, #tpu.memory_space<vmem>>, vector<1x16xf32>,
        %get3A_1155 = arith.index_cast %add3A_1132 : i32 to index
        %get3A_1156 = arith.constant 16 : index
        %get3A_1157 = tpu.vector_load %arg16[%get3A_1155, %get3A_1156] {strides = array<i32>} : memref<128x128xf32, #tpu.memory_space<vmem>>, vector<1x16xf32>,
        %get3A_1158 = vector.shape_cast %get3A_1157 : vector<1x16xf32> to vector<16xf32>
        %mul3A_1159 = arith.mulf %gather3A_1110, %get3A_1158 : vector<16xf32>
        %get3A_1160 = arith.index_cast %add3A_1132 : i32 to index
        %get3A_1161 = arith.constant 16 : index
        %get3A_1162 = tpu.vector_load %arg17[%get3A_1160, %get3A_1161] {strides = array<i32>} : memref<128x128xf32, #tpu.memory_space<vmem>>, vector<1x16xf32>,
        %get3A_1163 = vector.shape_cast %get3A_1162 : vector<1x16xf32> to vector<16xf32>
        %mul3A_1164 = arith.mulf %gather3A_1120, %get3A_1163 : vector<16xf32>
        %add3A_1165 = arith.addf %mul3A_1159, %mul3A_1164 : vector<16xf32>
        %get3A_1166 = arith.index_cast %add3A_1132 : i32 to index
        %get3A_1167 = arith.constant 16 : index
        %get3A_1168 = tpu.vector_load %arg18[%get3A_1166, %get3A_1167] {strides = array<i32>} : memref<128x128xf32, #tpu.memory_space<vmem>>, vector<1x16xf32>,
        %get3A_1169 = vector.shape_cast %get3A_1168 : vector<1x16xf32> to vector<16xf32>
        %mul3A_1170 = arith.mulf %gather3A_1130, %get3A_1169 : vector<16xf32>
        %add3A_1171 = arith.addf %add3A_1165, %mul3A_1170 : vector<16xf32>
        %swap3A_1172 = arith.index_cast %add3A_1132 : i32 to index
        %swap3A_1173 = arith.constant 16 : index
        %swap3A_1174 = tpu.vector_load %arg19[%swap3A_1172, %swap3A_1173] {strides = array<i32>} : memref<128x128xf32, #tpu.memory_space<vmem>>, vector<1x16xf32>,
        %swap3A_1175 = vector.shape_cast %swap3A_1174 : vector<1x16xf32> to vector<16xf32>
        %swap3A_1176 = vector.shape_cast %add3A_1171 : vector<16xf32> to vector<1x16xf32>
        tpu.vector_store %arg19[%swap3A_1172, %swap3A_1173], %swap3A_1176 {strides = array<i32>} : memref<128x128xf32, #tpu.memory_space<vmem>>, vector<1x16xf32>,
        %get3A_1177 = arith.index_cast %add3A_1132 : i32 to index
        %get3A_1178 = arith.constant 32 : index
        %get3A_1179 = tpu.vector_load %arg16[%get3A_1177, %get3A_1178] {strides = array<i32>} : memref<128x128xf32, #tpu.memory_space<vmem>>, vector<1x16xf32>,
        %get3A_1180 = vector.shape_cast %get3A_1179 : vector<1x16xf32> to vector<16xf32>
        %mul3A_1181 = arith.mulf %gather3A_1110, %get3A_1180 : vector<16xf32>
        %get3A_1182 = arith.index_cast %add3A_1132 : i32 to index
        %get3A_1183 = arith.constant 32 : index
        %get3A_1184 = tpu.vector_load %arg17[%get3A_1182, %get3A_1183] {strides = array<i32>} : memref<128x128xf32, #tpu.memory_space<vmem>>, vector<1x16xf32>,
        %get3A_1185 = vector.shape_cast %get3A_1184 : vector<1x16xf32> to vector<16xf32>
        %mul3A_1186 = arith.mulf %gather3A_1120, %get3A_1185 : vector<16xf32>
        %add3A_1187 = arith.addf %mul3A_1181, %mul3A_1186 : vector<16xf32>
        %get3A_1188 = arith.index_cast %add3A_1132 : i32 to index
        %get3A_1189 = arith.constant 32 : index
        %get3A_1190 = tpu.vector_load %arg18[%get3A_1188, %get3A_1189] {strides = array<i32>} : memref<128x128xf32, #tpu.memory_space<vmem>>, vector<1x16xf32>,
        %get3A_1191 = vector.shape_cast %get3A_1190 : vector<1x16xf32> to vector<16xf32>
        %mul3A_1192 = arith.mulf %gather3A_1130, %get3A_1191 : vector<16xf32>
        %add3A_1193 = arith.addf %add3A_1187, %mul3A_1192 : vector<16xf32>
        %swap3A_1194 = arith.index_cast %add3A_1132 : i32 to index
        %swap3A_1195 = arith.constant 32 : index
        %swap3A_1196 = tpu.vector_load %arg19[%swap3A_1194, %swap3A_1195] {strides = array<i32>} : memref<128x128xf32, #tpu.memory_space<vmem>>, vector<1x16xf32>,
        %swap3A_1197 = vector.shape_cast %swap3A_1196 : vector<1x16xf32> to vector<16xf32>
        %swap3A_1198 = vector.shape_cast %add3A_1193 : vector<16xf32> to vector<1x16xf32>
        tpu.vector_store %arg19[%swap3A_1194, %swap3A_1195], %swap3A_1198 {strides = array<i32>} : memref<128x128xf32, #tpu.memory_space<vmem>>, vector<1x16xf32>,
        %get3A_1199 = arith.index_cast %add3A_1132 : i32 to index
        %get3A_1200 = arith.constant 48 : index
        %get3A_1201 = tpu.vector_load %arg16[%get3A_1199, %get3A_1200] {strides = array<i32>} : memref<128x128xf32, #tpu.memory_space<vmem>>, vector<1x16xf32>,
        %get3A_1202 = vector.shape_cast %get3A_1201 : vector<1x16xf32> to vector<16xf32>
        %mul3A_1203 = arith.mulf %gather3A_1110, %get3A_1202 : vector<16xf32>
        %get3A_1204 = arith.index_cast %add3A_1132 : i32 to index
        %get3A_1205 = arith.constant 48 : index
        %get3A_1206 = tpu.vector_load %arg17[%get3A_1204, %get3A_1205] {strides = array<i32>} : memref<128x128xf32, #tpu.memory_space<vmem>>, vector<1x16xf32>,
        %get3A_1207 = vector.shape_cast %get3A_1206 : vector<1x16xf32> to vector<16xf32>
        %mul3A_1208 = arith.mulf %gather3A_1120, %get3A_1207 : vector<16xf32>
        %add3A_1209 = arith.addf %mul3A_1203, %mul3A_1208 : vector<16xf32>
        %get3A_1210 = arith.index_cast %add3A_1132 : i32 to index
        %get3A_1211 = arith.constant 48 : index
        %get3A_1212 = tpu.vector_load %arg18[%get3A_1210, %get3A_1211] {strides = array<i32>} : memref<128x128xf32, #tpu.memory_space<vmem>>, vector<1x16xf32>,
        %get3A_1213 = vector.shape_cast %get3A_1212 : vector<1x16xf32> to vector<16xf32>
        %mul3A_1214 = arith.mulf %gather3A_1130, %get3A_1213 : vector<16xf32>
        %add3A_1215 = arith.addf %add3A_1209, %mul3A_1214 : vector<16xf32>
        %swap3A_1216 = arith.index_cast %add3A_1132 : i32 to index
        %swap3A_1217 = arith.constant 48 : index
        %swap3A_1218 = tpu.vector_load %arg19[%swap3A_1216, %swap3A_1217] {strides = array<i32>} : memref<128x128xf32, #tpu.memory_space<vmem>>, vector<1x16xf32>,
        %swap3A_1219 = vector.shape_cast %swap3A_1218 : vector<1x16xf32> to vector<16xf32>
        %swap3A_1220 = vector.shape_cast %add3A_1215 : vector<16xf32> to vector<1x16xf32>
        tpu.vector_store %arg19[%swap3A_1216, %swap3A_1217], %swap3A_1220 {strides = array<i32>} : memref<128x128xf32, #tpu.memory_space<vmem>>, vector<1x16xf32>,
        %get3A_1221 = arith.index_cast %add3A_1132 : i32 to index
        %get3A_1222 = arith.constant 64 : index
        %get3A_1223 = tpu.vector_load %arg16[%get3A_1221, %get3A_1222] {strides = array<i32>} : memref<128x128xf32, #tpu.memory_space<vmem>>, vector<1x16xf32>,
        %get3A_1224 = vector.shape_cast %get3A_1223 : vector<1x16xf32> to vector<16xf32>
        %mul3A_1225 = arith.mulf %gather3A_1110, %get3A_1224 : vector<16xf32>
        %get3A_1226 = arith.index_cast %add3A_1132 : i32 to index
        %get3A_1227 = arith.constant 64 : index
        %get3A_1228 = tpu.vector_load %arg17[%get3A_1226, %get3A_1227] {strides = array<i32>} : memref<128x128xf32, #tpu.memory_space<vmem>>, vector<1x16xf32>,
        %get3A_1229 = vector.shape_cast %get3A_1228 : vector<1x16xf32> to vector<16xf32>
        %mul3A_1230 = arith.mulf %gather3A_1120, %get3A_1229 : vector<16xf32>
        %add3A_1231 = arith.addf %mul3A_1225, %mul3A_1230 : vector<16xf32>
        %get3A_1232 = arith.index_cast %add3A_1132 : i32 to index
        %get3A_1233 = arith.constant 64 : index
        %get3A_1234 = tpu.vector_load %arg18[%get3A_1232, %get3A_1233] {strides = array<i32>} : memref<128x128xf32, #tpu.memory_space<vmem>>, vector<1x16xf32>,
        %get3A_1235 = vector.shape_cast %get3A_1234 : vector<1x16xf32> to vector<16xf32>
        %mul3A_1236 = arith.mulf %gather3A_1130, %get3A_1235 : vector<16xf32>
        %add3A_1237 = arith.addf %add3A_1231, %mul3A_1236 : vector<16xf32>
        %swap3A_1238 = arith.index_cast %add3A_1132 : i32 to index
        %swap3A_1239 = arith.constant 64 : index
        %swap3A_1240 = tpu.vector_load %arg19[%swap3A_1238, %swap3A_1239] {strides = array<i32>} : memref<128x128xf32, #tpu.memory_space<vmem>>, vector<1x16xf32>,
        %swap3A_1241 = vector.shape_cast %swap3A_1240 : vector<1x16xf32> to vector<16xf32>
        %swap3A_1242 = vector.shape_cast %add3A_1237 : vector<16xf32> to vector<1x16xf32>
        tpu.vector_store %arg19[%swap3A_1238, %swap3A_1239], %swap3A_1242 {strides = array<i32>} : memref<128x128xf32, #tpu.memory_space<vmem>>, vector<1x16xf32>,
        %get3A_1243 = arith.index_cast %add3A_1132 : i32 to index
        %get3A_1244 = arith.constant 80 : index
        %get3A_1245 = tpu.vector_load %arg16[%get3A_1243, %get3A_1244] {strides = array<i32>} : memref<128x128xf32, #tpu.memory_space<vmem>>, vector<1x16xf32>,
        %get3A_1246 = vector.shape_cast %get3A_1245 : vector<1x16xf32> to vector<16xf32>
        %mul3A_1247 = arith.mulf %gather3A_1110, %get3A_1246 : vector<16xf32>
        %get3A_1248 = arith.index_cast %add3A_1132 : i32 to index
        %get3A_1249 = arith.constant 80 : index
        %get3A_1250 = tpu.vector_load %arg17[%get3A_1248, %get3A_1249] {strides = array<i32>} : memref<128x128xf32, #tpu.memory_space<vmem>>, vector<1x16xf32>,
        %get3A_1251 = vector.shape_cast %get3A_1250 : vector<1x16xf32> to vector<16xf32>
        %mul3A_1252 = arith.mulf %gather3A_1120, %get3A_1251 : vector<16xf32>
        %add3A_1253 = arith.addf %mul3A_1247, %mul3A_1252 : vector<16xf32>
        %get3A_1254 = arith.index_cast %add3A_1132 : i32 to index
        %get3A_1255 = arith.constant 80 : index
        %get3A_1256 = tpu.vector_load %arg18[%get3A_1254, %get3A_1255] {strides = array<i32>} : memref<128x128xf32, #tpu.memory_space<vmem>>, vector<1x16xf32>,
        %get3A_1257 = vector.shape_cast %get3A_1256 : vector<1x16xf32> to vector<16xf32>
        %mul3A_1258 = arith.mulf %gather3A_1130, %get3A_1257 : vector<16xf32>
        %add3A_1259 = arith.addf %add3A_1253, %mul3A_1258 : vector<16xf32>
        %swap3A_1260 = arith.index_cast %add3A_1132 : i32 to index
        %swap3A_1261 = arith.constant 80 : index
        %swap3A_1262 = tpu.vector_load %arg19[%swap3A_1260, %swap3A_1261] {strides = array<i32>} : memref<128x128xf32, #tpu.memory_space<vmem>>, vector<1x16xf32>,
        %swap3A_1263 = vector.shape_cast %swap3A_1262 : vector<1x16xf32> to vector<16xf32>
        %swap3A_1264 = vector.shape_cast %add3A_1259 : vector<16xf32> to vector<1x16xf32>
        tpu.vector_store %arg19[%swap3A_1260, %swap3A_1261], %swap3A_1264 {strides = array<i32>} : memref<128x128xf32, #tpu.memory_space<vmem>>, vector<1x16xf32>,
        %get3A_1265 = arith.index_cast %add3A_1132 : i32 to index
        %get3A_1266 = arith.constant 96 : index
        %get3A_1267 = tpu.vector_load %arg16[%get3A_1265, %get3A_1266] {strides = array<i32>} : memref<128x128xf32, #tpu.memory_space<vmem>>, vector<1x16xf32>,
        %get3A_1268 = vector.shape_cast %get3A_1267 : vector<1x16xf32> to vector<16xf32>
        %mul3A_1269 = arith.mulf %gather3A_1110, %get3A_1268 : vector<16xf32>
        %get3A_1270 = arith.index_cast %add3A_1132 : i32 to index
        %get3A_1271 = arith.constant 96 : index
        %get3A_1272 = tpu.vector_load %arg17[%get3A_1270, %get3A_1271] {strides = array<i32>} : memref<128x128xf32, #tpu.memory_space<vmem>>, vector<1x16xf32>,
        %get3A_1273 = vector.shape_cast %get3A_1272 : vector<1x16xf32> to vector<16xf32>
        %mul3A_1274 = arith.mulf %gather3A_1120, %get3A_1273 : vector<16xf32>
        %add3A_1275 = arith.addf %mul3A_1269, %mul3A_1274 : vector<16xf32>
        %get3A_1276 = arith.index_cast %add3A_1132 : i32 to index
        %get3A_1277 = arith.constant 96 : index
        %get3A_1278 = tpu.vector_load %arg18[%get3A_1276, %get3A_1277] {strides = array<i32>} : memref<128x128xf32, #tpu.memory_space<vmem>>, vector<1x16xf32>,
        %get3A_1279 = vector.shape_cast %get3A_1278 : vector<1x16xf32> to vector<16xf32>
        %mul3A_1280 = arith.mulf %gather3A_1130, %get3A_1279 : vector<16xf32>
        %add3A_1281 = arith.addf %add3A_1275, %mul3A_1280 : vector<16xf32>
        %swap3A_1282 = arith.index_cast %add3A_1132 : i32 to index
        %swap3A_1283 = arith.constant 96 : index
        %swap3A_1284 = tpu.vector_load %arg19[%swap3A_1282, %swap3A_1283] {strides = array<i32>} : memref<128x128xf32, #tpu.memory_space<vmem>>, vector<1x16xf32>,
        %swap3A_1285 = vector.shape_cast %swap3A_1284 : vector<1x16xf32> to vector<16xf32>
        %swap3A_1286 = vector.shape_cast %add3A_1281 : vector<16xf32> to vector<1x16xf32>
        tpu.vector_store %arg19[%swap3A_1282, %swap3A_1283], %swap3A_1286 {strides = array<i32>} : memref<128x128xf32, #tpu.memory_space<vmem>>, vector<1x16xf32>,
        %get3A_1287 = arith.index_cast %add3A_1132 : i32 to index
        %get3A_1288 = arith.constant 112 : index
        %get3A_1289 = tpu.vector_load %arg16[%get3A_1287, %get3A_1288] {strides = array<i32>} : memref<128x128xf32, #tpu.memory_space<vmem>>, vector<1x16xf32>,
        %get3A_1290 = vector.shape_cast %get3A_1289 : vector<1x16xf32> to vector<16xf32>
        %mul3A_1291 = arith.mulf %gather3A_1110, %get3A_1290 : vector<16xf32>
        %get3A_1292 = arith.index_cast %add3A_1132 : i32 to index
        %get3A_1293 = arith.constant 112 : index
        %get3A_1294 = tpu.vector_load %arg17[%get3A_1292, %get3A_1293] {strides = array<i32>} : memref<128x128xf32, #tpu.memory_space<vmem>>, vector<1x16xf32>,
        %get3A_1295 = vector.shape_cast %get3A_1294 : vector<1x16xf32> to vector<16xf32>
        %mul3A_1296 = arith.mulf %gather3A_1120, %get3A_1295 : vector<16xf32>
        %add3A_1297 = arith.addf %mul3A_1291, %mul3A_1296 : vector<16xf32>
        %get3A_1298 = arith.index_cast %add3A_1132 : i32 to index
        %get3A_1299 = arith.constant 112 : index
        %get3A_1300 = tpu.vector_load %arg18[%get3A_1298, %get3A_1299] {strides = array<i32>} : memref<128x128xf32, #tpu.memory_space<vmem>>, vector<1x16xf32>,
        %get3A_1301 = vector.shape_cast %get3A_1300 : vector<1x16xf32> to vector<16xf32>
        %mul3A_1302 = arith.mulf %gather3A_1130, %get3A_1301 : vector<16xf32>
        %add3A_1303 = arith.addf %add3A_1297, %mul3A_1302 : vector<16xf32>
        %swap3A_1304 = arith.index_cast %add3A_1132 : i32 to index
        %swap3A_1305 = arith.constant 112 : index
        %swap3A_1306 = tpu.vector_load %arg19[%swap3A_1304, %swap3A_1305] {strides = array<i32>} : memref<128x128xf32, #tpu.memory_space<vmem>>, vector<1x16xf32>,
        %swap3A_1307 = vector.shape_cast %swap3A_1306 : vector<1x16xf32> to vector<16xf32>
        %swap3A_1308 = vector.shape_cast %add3A_1303 : vector<16xf32> to vector<1x16xf32>
        tpu.vector_store %arg19[%swap3A_1304, %swap3A_1305], %swap3A_1308 {strides = array<i32>} : memref<128x128xf32, #tpu.memory_space<vmem>>, vector<1x16xf32>,
        %broadcast_in_dim3A_1309 = arith.constant 6 : i32
        %broadcast_in_dim3A_1310 = vector.broadcast %broadcast_in_dim3A_1309 : i32 to vector<16xi32>
        %lt3A_1311 = arith.constant 0 : i32
        %lt3A_1312 = vector.broadcast %lt3A_1311 : i32 to vector<16xi32>
        %lt3A_1313 = arith.cmpi slt, %broadcast_in_dim3A_1310, %lt3A_1312 : vector<16xi32>
        %add3A_1314 = arith.constant 16 : i32
        %add3A_1315 = vector.broadcast %add3A_1314 : i32 to vector<16xi32>
        %add3A_1316 = arith.addi %broadcast_in_dim3A_1310, %add3A_1315 : vector<16xi32>
        %select_n3A_1317 = arith.select %lt3A_1313, %add3A_1316, %broadcast_in_dim3A_1310 : vector<16xi1>, vector<16xi32>
        %broadcast_in_dim3A_1318 = vector.shape_cast %select_n3A_1317 : vector<16xi32> to vector<16x1xi32>
        %gather3A_1319 = vector.shape_cast %broadcast_in_dim3A_1318 : vector<16x1xi32> to vector<16xi32>
        %gather3A_1320 = tpu.dynamic_gather %get3A_45[%gather3A_1319] in [0] : vector<16xf32>, vector<16xi32> -> vector<16xf32>
        %lt3A_1321 = arith.constant 0 : i32
        %lt3A_1322 = vector.broadcast %lt3A_1321 : i32 to vector<16xi32>
        %lt3A_1323 = arith.cmpi slt, %broadcast_in_dim3A_1310, %lt3A_1322 : vector<16xi32>
        %add3A_1324 = arith.constant 16 : i32
        %add3A_1325 = vector.broadcast %add3A_1324 : i32 to vector<16xi32>
        %add3A_1326 = arith.addi %broadcast_in_dim3A_1310, %add3A_1325 : vector<16xi32>
        %select_n3A_1327 = arith.select %lt3A_1323, %add3A_1326, %broadcast_in_dim3A_1310 : vector<16xi1>, vector<16xi32>
        %broadcast_in_dim3A_1328 = vector.shape_cast %select_n3A_1327 : vector<16xi32> to vector<16x1xi32>
        %gather3A_1329 = vector.shape_cast %broadcast_in_dim3A_1328 : vector<16x1xi32> to vector<16xi32>
        %gather3A_1330 = tpu.dynamic_gather %get3A_49[%gather3A_1329] in [0] : vector<16xf32>, vector<16xi32> -> vector<16xf32>
        %lt3A_1331 = arith.constant 0 : i32
        %lt3A_1332 = vector.broadcast %lt3A_1331 : i32 to vector<16xi32>
        %lt3A_1333 = arith.cmpi slt, %broadcast_in_dim3A_1310, %lt3A_1332 : vector<16xi32>
        %add3A_1334 = arith.constant 16 : i32
        %add3A_1335 = vector.broadcast %add3A_1334 : i32 to vector<16xi32>
        %add3A_1336 = arith.addi %broadcast_in_dim3A_1310, %add3A_1335 : vector<16xi32>
        %select_n3A_1337 = arith.select %lt3A_1333, %add3A_1336, %broadcast_in_dim3A_1310 : vector<16xi1>, vector<16xi32>
        %broadcast_in_dim3A_1338 = vector.shape_cast %select_n3A_1337 : vector<16xi32> to vector<16x1xi32>
        %gather3A_1339 = vector.shape_cast %broadcast_in_dim3A_1338 : vector<16x1xi32> to vector<16xi32>
        %gather3A_1340 = tpu.dynamic_gather %get3A_53[%gather3A_1339] in [0] : vector<16xf32>, vector<16xi32> -> vector<16xf32>
        %add3A_1341 = arith.constant 6 : i32
        %add3A_1342 = arith.addi %mul3A_42, %add3A_1341 : i32
        %get3A_1343 = arith.index_cast %add3A_1342 : i32 to index
        %get3A_1344 = arith.constant 0 : index
        %get3A_1345 = tpu.vector_load %arg16[%get3A_1343, %get3A_1344] {strides = array<i32>} : memref<128x128xf32, #tpu.memory_space<vmem>>, vector<1x16xf32>,
        %get3A_1346 = vector.shape_cast %get3A_1345 : vector<1x16xf32> to vector<16xf32>
        %mul3A_1347 = arith.mulf %gather3A_1320, %get3A_1346 : vector<16xf32>
        %get3A_1348 = arith.index_cast %add3A_1342 : i32 to index
        %get3A_1349 = arith.constant 0 : index
        %get3A_1350 = tpu.vector_load %arg17[%get3A_1348, %get3A_1349] {strides = array<i32>} : memref<128x128xf32, #tpu.memory_space<vmem>>, vector<1x16xf32>,
        %get3A_1351 = vector.shape_cast %get3A_1350 : vector<1x16xf32> to vector<16xf32>
        %mul3A_1352 = arith.mulf %gather3A_1330, %get3A_1351 : vector<16xf32>
        %add3A_1353 = arith.addf %mul3A_1347, %mul3A_1352 : vector<16xf32>
        %get3A_1354 = arith.index_cast %add3A_1342 : i32 to index
        %get3A_1355 = arith.constant 0 : index
        %get3A_1356 = tpu.vector_load %arg18[%get3A_1354, %get3A_1355] {strides = array<i32>} : memref<128x128xf32, #tpu.memory_space<vmem>>, vector<1x16xf32>,
        %get3A_1357 = vector.shape_cast %get3A_1356 : vector<1x16xf32> to vector<16xf32>
        %mul3A_1358 = arith.mulf %gather3A_1340, %get3A_1357 : vector<16xf32>
        %add3A_1359 = arith.addf %add3A_1353, %mul3A_1358 : vector<16xf32>
        %swap3A_1360 = arith.index_cast %add3A_1342 : i32 to index
        %swap3A_1361 = arith.constant 0 : index
        %swap3A_1362 = tpu.vector_load %arg19[%swap3A_1360, %swap3A_1361] {strides = array<i32>} : memref<128x128xf32, #tpu.memory_space<vmem>>, vector<1x16xf32>,
        %swap3A_1363 = vector.shape_cast %swap3A_1362 : vector<1x16xf32> to vector<16xf32>
        %swap3A_1364 = vector.shape_cast %add3A_1359 : vector<16xf32> to vector<1x16xf32>
        tpu.vector_store %arg19[%swap3A_1360, %swap3A_1361], %swap3A_1364 {strides = array<i32>} : memref<128x128xf32, #tpu.memory_space<vmem>>, vector<1x16xf32>,
        %get3A_1365 = arith.index_cast %add3A_1342 : i32 to index
        %get3A_1366 = arith.constant 16 : index
        %get3A_1367 = tpu.vector_load %arg16[%get3A_1365, %get3A_1366] {strides = array<i32>} : memref<128x128xf32, #tpu.memory_space<vmem>>, vector<1x16xf32>,
        %get3A_1368 = vector.shape_cast %get3A_1367 : vector<1x16xf32> to vector<16xf32>
        %mul3A_1369 = arith.mulf %gather3A_1320, %get3A_1368 : vector<16xf32>
        %get3A_1370 = arith.index_cast %add3A_1342 : i32 to index
        %get3A_1371 = arith.constant 16 : index
        %get3A_1372 = tpu.vector_load %arg17[%get3A_1370, %get3A_1371] {strides = array<i32>} : memref<128x128xf32, #tpu.memory_space<vmem>>, vector<1x16xf32>,
        %get3A_1373 = vector.shape_cast %get3A_1372 : vector<1x16xf32> to vector<16xf32>
        %mul3A_1374 = arith.mulf %gather3A_1330, %get3A_1373 : vector<16xf32>
        %add3A_1375 = arith.addf %mul3A_1369, %mul3A_1374 : vector<16xf32>
        %get3A_1376 = arith.index_cast %add3A_1342 : i32 to index
        %get3A_1377 = arith.constant 16 : index
        %get3A_1378 = tpu.vector_load %arg18[%get3A_1376, %get3A_1377] {strides = array<i32>} : memref<128x128xf32, #tpu.memory_space<vmem>>, vector<1x16xf32>,
        %get3A_1379 = vector.shape_cast %get3A_1378 : vector<1x16xf32> to vector<16xf32>
        %mul3A_1380 = arith.mulf %gather3A_1340, %get3A_1379 : vector<16xf32>
        %add3A_1381 = arith.addf %add3A_1375, %mul3A_1380 : vector<16xf32>
        %swap3A_1382 = arith.index_cast %add3A_1342 : i32 to index
        %swap3A_1383 = arith.constant 16 : index
        %swap3A_1384 = tpu.vector_load %arg19[%swap3A_1382, %swap3A_1383] {strides = array<i32>} : memref<128x128xf32, #tpu.memory_space<vmem>>, vector<1x16xf32>,
        %swap3A_1385 = vector.shape_cast %swap3A_1384 : vector<1x16xf32> to vector<16xf32>
        %swap3A_1386 = vector.shape_cast %add3A_1381 : vector<16xf32> to vector<1x16xf32>
        tpu.vector_store %arg19[%swap3A_1382, %swap3A_1383], %swap3A_1386 {strides = array<i32>} : memref<128x128xf32, #tpu.memory_space<vmem>>, vector<1x16xf32>,
        %get3A_1387 = arith.index_cast %add3A_1342 : i32 to index
        %get3A_1388 = arith.constant 32 : index
        %get3A_1389 = tpu.vector_load %arg16[%get3A_1387, %get3A_1388] {strides = array<i32>} : memref<128x128xf32, #tpu.memory_space<vmem>>, vector<1x16xf32>,
        %get3A_1390 = vector.shape_cast %get3A_1389 : vector<1x16xf32> to vector<16xf32>
        %mul3A_1391 = arith.mulf %gather3A_1320, %get3A_1390 : vector<16xf32>
        %get3A_1392 = arith.index_cast %add3A_1342 : i32 to index
        %get3A_1393 = arith.constant 32 : index
        %get3A_1394 = tpu.vector_load %arg17[%get3A_1392, %get3A_1393] {strides = array<i32>} : memref<128x128xf32, #tpu.memory_space<vmem>>, vector<1x16xf32>,
        %get3A_1395 = vector.shape_cast %get3A_1394 : vector<1x16xf32> to vector<16xf32>
        %mul3A_1396 = arith.mulf %gather3A_1330, %get3A_1395 : vector<16xf32>
        %add3A_1397 = arith.addf %mul3A_1391, %mul3A_1396 : vector<16xf32>
        %get3A_1398 = arith.index_cast %add3A_1342 : i32 to index
        %get3A_1399 = arith.constant 32 : index
        %get3A_1400 = tpu.vector_load %arg18[%get3A_1398, %get3A_1399] {strides = array<i32>} : memref<128x128xf32, #tpu.memory_space<vmem>>, vector<1x16xf32>,
        %get3A_1401 = vector.shape_cast %get3A_1400 : vector<1x16xf32> to vector<16xf32>
        %mul3A_1402 = arith.mulf %gather3A_1340, %get3A_1401 : vector<16xf32>
        %add3A_1403 = arith.addf %add3A_1397, %mul3A_1402 : vector<16xf32>
        %swap3A_1404 = arith.index_cast %add3A_1342 : i32 to index
        %swap3A_1405 = arith.constant 32 : index
        %swap3A_1406 = tpu.vector_load %arg19[%swap3A_1404, %swap3A_1405] {strides = array<i32>} : memref<128x128xf32, #tpu.memory_space<vmem>>, vector<1x16xf32>,
        %swap3A_1407 = vector.shape_cast %swap3A_1406 : vector<1x16xf32> to vector<16xf32>
        %swap3A_1408 = vector.shape_cast %add3A_1403 : vector<16xf32> to vector<1x16xf32>
        tpu.vector_store %arg19[%swap3A_1404, %swap3A_1405], %swap3A_1408 {strides = array<i32>} : memref<128x128xf32, #tpu.memory_space<vmem>>, vector<1x16xf32>,
        %get3A_1409 = arith.index_cast %add3A_1342 : i32 to index
        %get3A_1410 = arith.constant 48 : index
        %get3A_1411 = tpu.vector_load %arg16[%get3A_1409, %get3A_1410] {strides = array<i32>} : memref<128x128xf32, #tpu.memory_space<vmem>>, vector<1x16xf32>,
        %get3A_1412 = vector.shape_cast %get3A_1411 : vector<1x16xf32> to vector<16xf32>
        %mul3A_1413 = arith.mulf %gather3A_1320, %get3A_1412 : vector<16xf32>
        %get3A_1414 = arith.index_cast %add3A_1342 : i32 to index
        %get3A_1415 = arith.constant 48 : index
        %get3A_1416 = tpu.vector_load %arg17[%get3A_1414, %get3A_1415] {strides = array<i32>} : memref<128x128xf32, #tpu.memory_space<vmem>>, vector<1x16xf32>,
        %get3A_1417 = vector.shape_cast %get3A_1416 : vector<1x16xf32> to vector<16xf32>
        %mul3A_1418 = arith.mulf %gather3A_1330, %get3A_1417 : vector<16xf32>
        %add3A_1419 = arith.addf %mul3A_1413, %mul3A_1418 : vector<16xf32>
        %get3A_1420 = arith.index_cast %add3A_1342 : i32 to index
        %get3A_1421 = arith.constant 48 : index
        %get3A_1422 = tpu.vector_load %arg18[%get3A_1420, %get3A_1421] {strides = array<i32>} : memref<128x128xf32, #tpu.memory_space<vmem>>, vector<1x16xf32>,
        %get3A_1423 = vector.shape_cast %get3A_1422 : vector<1x16xf32> to vector<16xf32>
        %mul3A_1424 = arith.mulf %gather3A_1340, %get3A_1423 : vector<16xf32>
        %add3A_1425 = arith.addf %add3A_1419, %mul3A_1424 : vector<16xf32>
        %swap3A_1426 = arith.index_cast %add3A_1342 : i32 to index
        %swap3A_1427 = arith.constant 48 : index
        %swap3A_1428 = tpu.vector_load %arg19[%swap3A_1426, %swap3A_1427] {strides = array<i32>} : memref<128x128xf32, #tpu.memory_space<vmem>>, vector<1x16xf32>,
        %swap3A_1429 = vector.shape_cast %swap3A_1428 : vector<1x16xf32> to vector<16xf32>
        %swap3A_1430 = vector.shape_cast %add3A_1425 : vector<16xf32> to vector<1x16xf32>
        tpu.vector_store %arg19[%swap3A_1426, %swap3A_1427], %swap3A_1430 {strides = array<i32>} : memref<128x128xf32, #tpu.memory_space<vmem>>, vector<1x16xf32>,
        %get3A_1431 = arith.index_cast %add3A_1342 : i32 to index
        %get3A_1432 = arith.constant 64 : index
        %get3A_1433 = tpu.vector_load %arg16[%get3A_1431, %get3A_1432] {strides = array<i32>} : memref<128x128xf32, #tpu.memory_space<vmem>>, vector<1x16xf32>,
        %get3A_1434 = vector.shape_cast %get3A_1433 : vector<1x16xf32> to vector<16xf32>
        %mul3A_1435 = arith.mulf %gather3A_1320, %get3A_1434 : vector<16xf32>
        %get3A_1436 = arith.index_cast %add3A_1342 : i32 to index
        %get3A_1437 = arith.constant 64 : index
        %get3A_1438 = tpu.vector_load %arg17[%get3A_1436, %get3A_1437] {strides = array<i32>} : memref<128x128xf32, #tpu.memory_space<vmem>>, vector<1x16xf32>,
        %get3A_1439 = vector.shape_cast %get3A_1438 : vector<1x16xf32> to vector<16xf32>
        %mul3A_1440 = arith.mulf %gather3A_1330, %get3A_1439 : vector<16xf32>
        %add3A_1441 = arith.addf %mul3A_1435, %mul3A_1440 : vector<16xf32>
        %get3A_1442 = arith.index_cast %add3A_1342 : i32 to index
        %get3A_1443 = arith.constant 64 : index
        %get3A_1444 = tpu.vector_load %arg18[%get3A_1442, %get3A_1443] {strides = array<i32>} : memref<128x128xf32, #tpu.memory_space<vmem>>, vector<1x16xf32>,
        %get3A_1445 = vector.shape_cast %get3A_1444 : vector<1x16xf32> to vector<16xf32>
        %mul3A_1446 = arith.mulf %gather3A_1340, %get3A_1445 : vector<16xf32>
        %add3A_1447 = arith.addf %add3A_1441, %mul3A_1446 : vector<16xf32>
        %swap3A_1448 = arith.index_cast %add3A_1342 : i32 to index
        %swap3A_1449 = arith.constant 64 : index
        %swap3A_1450 = tpu.vector_load %arg19[%swap3A_1448, %swap3A_1449] {strides = array<i32>} : memref<128x128xf32, #tpu.memory_space<vmem>>, vector<1x16xf32>,
        %swap3A_1451 = vector.shape_cast %swap3A_1450 : vector<1x16xf32> to vector<16xf32>
        %swap3A_1452 = vector.shape_cast %add3A_1447 : vector<16xf32> to vector<1x16xf32>
        tpu.vector_store %arg19[%swap3A_1448, %swap3A_1449], %swap3A_1452 {strides = array<i32>} : memref<128x128xf32, #tpu.memory_space<vmem>>, vector<1x16xf32>,
        %get3A_1453 = arith.index_cast %add3A_1342 : i32 to index
        %get3A_1454 = arith.constant 80 : index
        %get3A_1455 = tpu.vector_load %arg16[%get3A_1453, %get3A_1454] {strides = array<i32>} : memref<128x128xf32, #tpu.memory_space<vmem>>, vector<1x16xf32>,
        %get3A_1456 = vector.shape_cast %get3A_1455 : vector<1x16xf32> to vector<16xf32>
        %mul3A_1457 = arith.mulf %gather3A_1320, %get3A_1456 : vector<16xf32>
        %get3A_1458 = arith.index_cast %add3A_1342 : i32 to index
        %get3A_1459 = arith.constant 80 : index
        %get3A_1460 = tpu.vector_load %arg17[%get3A_1458, %get3A_1459] {strides = array<i32>} : memref<128x128xf32, #tpu.memory_space<vmem>>, vector<1x16xf32>,
        %get3A_1461 = vector.shape_cast %get3A_1460 : vector<1x16xf32> to vector<16xf32>
        %mul3A_1462 = arith.mulf %gather3A_1330, %get3A_1461 : vector<16xf32>
        %add3A_1463 = arith.addf %mul3A_1457, %mul3A_1462 : vector<16xf32>
        %get3A_1464 = arith.index_cast %add3A_1342 : i32 to index
        %get3A_1465 = arith.constant 80 : index
        %get3A_1466 = tpu.vector_load %arg18[%get3A_1464, %get3A_1465] {strides = array<i32>} : memref<128x128xf32, #tpu.memory_space<vmem>>, vector<1x16xf32>,
        %get3A_1467 = vector.shape_cast %get3A_1466 : vector<1x16xf32> to vector<16xf32>
        %mul3A_1468 = arith.mulf %gather3A_1340, %get3A_1467 : vector<16xf32>
        %add3A_1469 = arith.addf %add3A_1463, %mul3A_1468 : vector<16xf32>
        %swap3A_1470 = arith.index_cast %add3A_1342 : i32 to index
        %swap3A_1471 = arith.constant 80 : index
        %swap3A_1472 = tpu.vector_load %arg19[%swap3A_1470, %swap3A_1471] {strides = array<i32>} : memref<128x128xf32, #tpu.memory_space<vmem>>, vector<1x16xf32>,
        %swap3A_1473 = vector.shape_cast %swap3A_1472 : vector<1x16xf32> to vector<16xf32>
        %swap3A_1474 = vector.shape_cast %add3A_1469 : vector<16xf32> to vector<1x16xf32>
        tpu.vector_store %arg19[%swap3A_1470, %swap3A_1471], %swap3A_1474 {strides = array<i32>} : memref<128x128xf32, #tpu.memory_space<vmem>>, vector<1x16xf32>,
        %get3A_1475 = arith.index_cast %add3A_1342 : i32 to index
        %get3A_1476 = arith.constant 96 : index
        %get3A_1477 = tpu.vector_load %arg16[%get3A_1475, %get3A_1476] {strides = array<i32>} : memref<128x128xf32, #tpu.memory_space<vmem>>, vector<1x16xf32>,
        %get3A_1478 = vector.shape_cast %get3A_1477 : vector<1x16xf32> to vector<16xf32>
        %mul3A_1479 = arith.mulf %gather3A_1320, %get3A_1478 : vector<16xf32>
        %get3A_1480 = arith.index_cast %add3A_1342 : i32 to index
        %get3A_1481 = arith.constant 96 : index
        %get3A_1482 = tpu.vector_load %arg17[%get3A_1480, %get3A_1481] {strides = array<i32>} : memref<128x128xf32, #tpu.memory_space<vmem>>, vector<1x16xf32>,
        %get3A_1483 = vector.shape_cast %get3A_1482 : vector<1x16xf32> to vector<16xf32>
        %mul3A_1484 = arith.mulf %gather3A_1330, %get3A_1483 : vector<16xf32>
        %add3A_1485 = arith.addf %mul3A_1479, %mul3A_1484 : vector<16xf32>
        %get3A_1486 = arith.index_cast %add3A_1342 : i32 to index
        %get3A_1487 = arith.constant 96 : index
        %get3A_1488 = tpu.vector_load %arg18[%get3A_1486, %get3A_1487] {strides = array<i32>} : memref<128x128xf32, #tpu.memory_space<vmem>>, vector<1x16xf32>,
        %get3A_1489 = vector.shape_cast %get3A_1488 : vector<1x16xf32> to vector<16xf32>
        %mul3A_1490 = arith.mulf %gather3A_1340, %get3A_1489 : vector<16xf32>
        %add3A_1491 = arith.addf %add3A_1485, %mul3A_1490 : vector<16xf32>
        %swap3A_1492 = arith.index_cast %add3A_1342 : i32 to index
        %swap3A_1493 = arith.constant 96 : index
        %swap3A_1494 = tpu.vector_load %arg19[%swap3A_1492, %swap3A_1493] {strides = array<i32>} : memref<128x128xf32, #tpu.memory_space<vmem>>, vector<1x16xf32>,
        %swap3A_1495 = vector.shape_cast %swap3A_1494 : vector<1x16xf32> to vector<16xf32>
        %swap3A_1496 = vector.shape_cast %add3A_1491 : vector<16xf32> to vector<1x16xf32>
        tpu.vector_store %arg19[%swap3A_1492, %swap3A_1493], %swap3A_1496 {strides = array<i32>} : memref<128x128xf32, #tpu.memory_space<vmem>>, vector<1x16xf32>,
        %get3A_1497 = arith.index_cast %add3A_1342 : i32 to index
        %get3A_1498 = arith.constant 112 : index
        %get3A_1499 = tpu.vector_load %arg16[%get3A_1497, %get3A_1498] {strides = array<i32>} : memref<128x128xf32, #tpu.memory_space<vmem>>, vector<1x16xf32>,
        %get3A_1500 = vector.shape_cast %get3A_1499 : vector<1x16xf32> to vector<16xf32>
        %mul3A_1501 = arith.mulf %gather3A_1320, %get3A_1500 : vector<16xf32>
        %get3A_1502 = arith.index_cast %add3A_1342 : i32 to index
        %get3A_1503 = arith.constant 112 : index
        %get3A_1504 = tpu.vector_load %arg17[%get3A_1502, %get3A_1503] {strides = array<i32>} : memref<128x128xf32, #tpu.memory_space<vmem>>, vector<1x16xf32>,
        %get3A_1505 = vector.shape_cast %get3A_1504 : vector<1x16xf32> to vector<16xf32>
        %mul3A_1506 = arith.mulf %gather3A_1330, %get3A_1505 : vector<16xf32>
        %add3A_1507 = arith.addf %mul3A_1501, %mul3A_1506 : vector<16xf32>
        %get3A_1508 = arith.index_cast %add3A_1342 : i32 to index
        %get3A_1509 = arith.constant 112 : index
        %get3A_1510 = tpu.vector_load %arg18[%get3A_1508, %get3A_1509] {strides = array<i32>} : memref<128x128xf32, #tpu.memory_space<vmem>>, vector<1x16xf32>,
        %get3A_1511 = vector.shape_cast %get3A_1510 : vector<1x16xf32> to vector<16xf32>
        %mul3A_1512 = arith.mulf %gather3A_1340, %get3A_1511 : vector<16xf32>
        %add3A_1513 = arith.addf %add3A_1507, %mul3A_1512 : vector<16xf32>
        %swap3A_1514 = arith.index_cast %add3A_1342 : i32 to index
        %swap3A_1515 = arith.constant 112 : index
        %swap3A_1516 = tpu.vector_load %arg19[%swap3A_1514, %swap3A_1515] {strides = array<i32>} : memref<128x128xf32, #tpu.memory_space<vmem>>, vector<1x16xf32>,
        %swap3A_1517 = vector.shape_cast %swap3A_1516 : vector<1x16xf32> to vector<16xf32>
        %swap3A_1518 = vector.shape_cast %add3A_1513 : vector<16xf32> to vector<1x16xf32>
        tpu.vector_store %arg19[%swap3A_1514, %swap3A_1515], %swap3A_1518 {strides = array<i32>} : memref<128x128xf32, #tpu.memory_space<vmem>>, vector<1x16xf32>,
        %broadcast_in_dim3A_1519 = arith.constant 7 : i32
        %broadcast_in_dim3A_1520 = vector.broadcast %broadcast_in_dim3A_1519 : i32 to vector<16xi32>
        %lt3A_1521 = arith.constant 0 : i32
        %lt3A_1522 = vector.broadcast %lt3A_1521 : i32 to vector<16xi32>
        %lt3A_1523 = arith.cmpi slt, %broadcast_in_dim3A_1520, %lt3A_1522 : vector<16xi32>
        %add3A_1524 = arith.constant 16 : i32
        %add3A_1525 = vector.broadcast %add3A_1524 : i32 to vector<16xi32>
        %add3A_1526 = arith.addi %broadcast_in_dim3A_1520, %add3A_1525 : vector<16xi32>
        %select_n3A_1527 = arith.select %lt3A_1523, %add3A_1526, %broadcast_in_dim3A_1520 : vector<16xi1>, vector<16xi32>
        %broadcast_in_dim3A_1528 = vector.shape_cast %select_n3A_1527 : vector<16xi32> to vector<16x1xi32>
        %gather3A_1529 = vector.shape_cast %broadcast_in_dim3A_1528 : vector<16x1xi32> to vector<16xi32>
        %gather3A_1530 = tpu.dynamic_gather %get3A_45[%gather3A_1529] in [0] : vector<16xf32>, vector<16xi32> -> vector<16xf32>
        %lt3A_1531 = arith.constant 0 : i32
        %lt3A_1532 = vector.broadcast %lt3A_1531 : i32 to vector<16xi32>
        %lt3A_1533 = arith.cmpi slt, %broadcast_in_dim3A_1520, %lt3A_1532 : vector<16xi32>
        %add3A_1534 = arith.constant 16 : i32
        %add3A_1535 = vector.broadcast %add3A_1534 : i32 to vector<16xi32>
        %add3A_1536 = arith.addi %broadcast_in_dim3A_1520, %add3A_1535 : vector<16xi32>
        %select_n3A_1537 = arith.select %lt3A_1533, %add3A_1536, %broadcast_in_dim3A_1520 : vector<16xi1>, vector<16xi32>
        %broadcast_in_dim3A_1538 = vector.shape_cast %select_n3A_1537 : vector<16xi32> to vector<16x1xi32>
        %gather3A_1539 = vector.shape_cast %broadcast_in_dim3A_1538 : vector<16x1xi32> to vector<16xi32>
        %gather3A_1540 = tpu.dynamic_gather %get3A_49[%gather3A_1539] in [0] : vector<16xf32>, vector<16xi32> -> vector<16xf32>
        %lt3A_1541 = arith.constant 0 : i32
        %lt3A_1542 = vector.broadcast %lt3A_1541 : i32 to vector<16xi32>
        %lt3A_1543 = arith.cmpi slt, %broadcast_in_dim3A_1520, %lt3A_1542 : vector<16xi32>
        %add3A_1544 = arith.constant 16 : i32
        %add3A_1545 = vector.broadcast %add3A_1544 : i32 to vector<16xi32>
        %add3A_1546 = arith.addi %broadcast_in_dim3A_1520, %add3A_1545 : vector<16xi32>
        %select_n3A_1547 = arith.select %lt3A_1543, %add3A_1546, %broadcast_in_dim3A_1520 : vector<16xi1>, vector<16xi32>
        %broadcast_in_dim3A_1548 = vector.shape_cast %select_n3A_1547 : vector<16xi32> to vector<16x1xi32>
        %gather3A_1549 = vector.shape_cast %broadcast_in_dim3A_1548 : vector<16x1xi32> to vector<16xi32>
        %gather3A_1550 = tpu.dynamic_gather %get3A_53[%gather3A_1549] in [0] : vector<16xf32>, vector<16xi32> -> vector<16xf32>
        %add3A_1551 = arith.constant 7 : i32
        %add3A_1552 = arith.addi %mul3A_42, %add3A_1551 : i32
        %get3A_1553 = arith.index_cast %add3A_1552 : i32 to index
        %get3A_1554 = arith.constant 0 : index
        %get3A_1555 = tpu.vector_load %arg16[%get3A_1553, %get3A_1554] {strides = array<i32>} : memref<128x128xf32, #tpu.memory_space<vmem>>, vector<1x16xf32>,
        %get3A_1556 = vector.shape_cast %get3A_1555 : vector<1x16xf32> to vector<16xf32>
        %mul3A_1557 = arith.mulf %gather3A_1530, %get3A_1556 : vector<16xf32>
        %get3A_1558 = arith.index_cast %add3A_1552 : i32 to index
        %get3A_1559 = arith.constant 0 : index
        %get3A_1560 = tpu.vector_load %arg17[%get3A_1558, %get3A_1559] {strides = array<i32>} : memref<128x128xf32, #tpu.memory_space<vmem>>, vector<1x16xf32>,
        %get3A_1561 = vector.shape_cast %get3A_1560 : vector<1x16xf32> to vector<16xf32>
        %mul3A_1562 = arith.mulf %gather3A_1540, %get3A_1561 : vector<16xf32>
        %add3A_1563 = arith.addf %mul3A_1557, %mul3A_1562 : vector<16xf32>
        %get3A_1564 = arith.index_cast %add3A_1552 : i32 to index
        %get3A_1565 = arith.constant 0 : index
        %get3A_1566 = tpu.vector_load %arg18[%get3A_1564, %get3A_1565] {strides = array<i32>} : memref<128x128xf32, #tpu.memory_space<vmem>>, vector<1x16xf32>,
        %get3A_1567 = vector.shape_cast %get3A_1566 : vector<1x16xf32> to vector<16xf32>
        %mul3A_1568 = arith.mulf %gather3A_1550, %get3A_1567 : vector<16xf32>
        %add3A_1569 = arith.addf %add3A_1563, %mul3A_1568 : vector<16xf32>
        %swap3A_1570 = arith.index_cast %add3A_1552 : i32 to index
        %swap3A_1571 = arith.constant 0 : index
        %swap3A_1572 = tpu.vector_load %arg19[%swap3A_1570, %swap3A_1571] {strides = array<i32>} : memref<128x128xf32, #tpu.memory_space<vmem>>, vector<1x16xf32>,
        %swap3A_1573 = vector.shape_cast %swap3A_1572 : vector<1x16xf32> to vector<16xf32>
        %swap3A_1574 = vector.shape_cast %add3A_1569 : vector<16xf32> to vector<1x16xf32>
        tpu.vector_store %arg19[%swap3A_1570, %swap3A_1571], %swap3A_1574 {strides = array<i32>} : memref<128x128xf32, #tpu.memory_space<vmem>>, vector<1x16xf32>,
        %get3A_1575 = arith.index_cast %add3A_1552 : i32 to index
        %get3A_1576 = arith.constant 16 : index
        %get3A_1577 = tpu.vector_load %arg16[%get3A_1575, %get3A_1576] {strides = array<i32>} : memref<128x128xf32, #tpu.memory_space<vmem>>, vector<1x16xf32>,
        %get3A_1578 = vector.shape_cast %get3A_1577 : vector<1x16xf32> to vector<16xf32>
        %mul3A_1579 = arith.mulf %gather3A_1530, %get3A_1578 : vector<16xf32>
        %get3A_1580 = arith.index_cast %add3A_1552 : i32 to index
        %get3A_1581 = arith.constant 16 : index
        %get3A_1582 = tpu.vector_load %arg17[%get3A_1580, %get3A_1581] {strides = array<i32>} : memref<128x128xf32, #tpu.memory_space<vmem>>, vector<1x16xf32>,
        %get3A_1583 = vector.shape_cast %get3A_1582 : vector<1x16xf32> to vector<16xf32>
        %mul3A_1584 = arith.mulf %gather3A_1540, %get3A_1583 : vector<16xf32>
        %add3A_1585 = arith.addf %mul3A_1579, %mul3A_1584 : vector<16xf32>
        %get3A_1586 = arith.index_cast %add3A_1552 : i32 to index
        %get3A_1587 = arith.constant 16 : index
        %get3A_1588 = tpu.vector_load %arg18[%get3A_1586, %get3A_1587] {strides = array<i32>} : memref<128x128xf32, #tpu.memory_space<vmem>>, vector<1x16xf32>,
        %get3A_1589 = vector.shape_cast %get3A_1588 : vector<1x16xf32> to vector<16xf32>
        %mul3A_1590 = arith.mulf %gather3A_1550, %get3A_1589 : vector<16xf32>
        %add3A_1591 = arith.addf %add3A_1585, %mul3A_1590 : vector<16xf32>
        %swap3A_1592 = arith.index_cast %add3A_1552 : i32 to index
        %swap3A_1593 = arith.constant 16 : index
        %swap3A_1594 = tpu.vector_load %arg19[%swap3A_1592, %swap3A_1593] {strides = array<i32>} : memref<128x128xf32, #tpu.memory_space<vmem>>, vector<1x16xf32>,
        %swap3A_1595 = vector.shape_cast %swap3A_1594 : vector<1x16xf32> to vector<16xf32>
        %swap3A_1596 = vector.shape_cast %add3A_1591 : vector<16xf32> to vector<1x16xf32>
        tpu.vector_store %arg19[%swap3A_1592, %swap3A_1593], %swap3A_1596 {strides = array<i32>} : memref<128x128xf32, #tpu.memory_space<vmem>>, vector<1x16xf32>,
        %get3A_1597 = arith.index_cast %add3A_1552 : i32 to index
        %get3A_1598 = arith.constant 32 : index
        %get3A_1599 = tpu.vector_load %arg16[%get3A_1597, %get3A_1598] {strides = array<i32>} : memref<128x128xf32, #tpu.memory_space<vmem>>, vector<1x16xf32>,
        %get3A_1600 = vector.shape_cast %get3A_1599 : vector<1x16xf32> to vector<16xf32>
        %mul3A_1601 = arith.mulf %gather3A_1530, %get3A_1600 : vector<16xf32>
        %get3A_1602 = arith.index_cast %add3A_1552 : i32 to index
        %get3A_1603 = arith.constant 32 : index
        %get3A_1604 = tpu.vector_load %arg17[%get3A_1602, %get3A_1603] {strides = array<i32>} : memref<128x128xf32, #tpu.memory_space<vmem>>, vector<1x16xf32>,
        %get3A_1605 = vector.shape_cast %get3A_1604 : vector<1x16xf32> to vector<16xf32>
        %mul3A_1606 = arith.mulf %gather3A_1540, %get3A_1605 : vector<16xf32>
        %add3A_1607 = arith.addf %mul3A_1601, %mul3A_1606 : vector<16xf32>
        %get3A_1608 = arith.index_cast %add3A_1552 : i32 to index
        %get3A_1609 = arith.constant 32 : index
        %get3A_1610 = tpu.vector_load %arg18[%get3A_1608, %get3A_1609] {strides = array<i32>} : memref<128x128xf32, #tpu.memory_space<vmem>>, vector<1x16xf32>,
        %get3A_1611 = vector.shape_cast %get3A_1610 : vector<1x16xf32> to vector<16xf32>
        %mul3A_1612 = arith.mulf %gather3A_1550, %get3A_1611 : vector<16xf32>
        %add3A_1613 = arith.addf %add3A_1607, %mul3A_1612 : vector<16xf32>
        %swap3A_1614 = arith.index_cast %add3A_1552 : i32 to index
        %swap3A_1615 = arith.constant 32 : index
        %swap3A_1616 = tpu.vector_load %arg19[%swap3A_1614, %swap3A_1615] {strides = array<i32>} : memref<128x128xf32, #tpu.memory_space<vmem>>, vector<1x16xf32>,
        %swap3A_1617 = vector.shape_cast %swap3A_1616 : vector<1x16xf32> to vector<16xf32>
        %swap3A_1618 = vector.shape_cast %add3A_1613 : vector<16xf32> to vector<1x16xf32>
        tpu.vector_store %arg19[%swap3A_1614, %swap3A_1615], %swap3A_1618 {strides = array<i32>} : memref<128x128xf32, #tpu.memory_space<vmem>>, vector<1x16xf32>,
        %get3A_1619 = arith.index_cast %add3A_1552 : i32 to index
        %get3A_1620 = arith.constant 48 : index
        %get3A_1621 = tpu.vector_load %arg16[%get3A_1619, %get3A_1620] {strides = array<i32>} : memref<128x128xf32, #tpu.memory_space<vmem>>, vector<1x16xf32>,
        %get3A_1622 = vector.shape_cast %get3A_1621 : vector<1x16xf32> to vector<16xf32>
        %mul3A_1623 = arith.mulf %gather3A_1530, %get3A_1622 : vector<16xf32>
        %get3A_1624 = arith.index_cast %add3A_1552 : i32 to index
        %get3A_1625 = arith.constant 48 : index
        %get3A_1626 = tpu.vector_load %arg17[%get3A_1624, %get3A_1625] {strides = array<i32>} : memref<128x128xf32, #tpu.memory_space<vmem>>, vector<1x16xf32>,
        %get3A_1627 = vector.shape_cast %get3A_1626 : vector<1x16xf32> to vector<16xf32>
        %mul3A_1628 = arith.mulf %gather3A_1540, %get3A_1627 : vector<16xf32>
        %add3A_1629 = arith.addf %mul3A_1623, %mul3A_1628 : vector<16xf32>
        %get3A_1630 = arith.index_cast %add3A_1552 : i32 to index
        %get3A_1631 = arith.constant 48 : index
        %get3A_1632 = tpu.vector_load %arg18[%get3A_1630, %get3A_1631] {strides = array<i32>} : memref<128x128xf32, #tpu.memory_space<vmem>>, vector<1x16xf32>,
        %get3A_1633 = vector.shape_cast %get3A_1632 : vector<1x16xf32> to vector<16xf32>
        %mul3A_1634 = arith.mulf %gather3A_1550, %get3A_1633 : vector<16xf32>
        %add3A_1635 = arith.addf %add3A_1629, %mul3A_1634 : vector<16xf32>
        %swap3A_1636 = arith.index_cast %add3A_1552 : i32 to index
        %swap3A_1637 = arith.constant 48 : index
        %swap3A_1638 = tpu.vector_load %arg19[%swap3A_1636, %swap3A_1637] {strides = array<i32>} : memref<128x128xf32, #tpu.memory_space<vmem>>, vector<1x16xf32>,
        %swap3A_1639 = vector.shape_cast %swap3A_1638 : vector<1x16xf32> to vector<16xf32>
        %swap3A_1640 = vector.shape_cast %add3A_1635 : vector<16xf32> to vector<1x16xf32>
        tpu.vector_store %arg19[%swap3A_1636, %swap3A_1637], %swap3A_1640 {strides = array<i32>} : memref<128x128xf32, #tpu.memory_space<vmem>>, vector<1x16xf32>,
        %get3A_1641 = arith.index_cast %add3A_1552 : i32 to index
        %get3A_1642 = arith.constant 64 : index
        %get3A_1643 = tpu.vector_load %arg16[%get3A_1641, %get3A_1642] {strides = array<i32>} : memref<128x128xf32, #tpu.memory_space<vmem>>, vector<1x16xf32>,
        %get3A_1644 = vector.shape_cast %get3A_1643 : vector<1x16xf32> to vector<16xf32>
        %mul3A_1645 = arith.mulf %gather3A_1530, %get3A_1644 : vector<16xf32>
        %get3A_1646 = arith.index_cast %add3A_1552 : i32 to index
        %get3A_1647 = arith.constant 64 : index
        %get3A_1648 = tpu.vector_load %arg17[%get3A_1646, %get3A_1647] {strides = array<i32>} : memref<128x128xf32, #tpu.memory_space<vmem>>, vector<1x16xf32>,
        %get3A_1649 = vector.shape_cast %get3A_1648 : vector<1x16xf32> to vector<16xf32>
        %mul3A_1650 = arith.mulf %gather3A_1540, %get3A_1649 : vector<16xf32>
        %add3A_1651 = arith.addf %mul3A_1645, %mul3A_1650 : vector<16xf32>
        %get3A_1652 = arith.index_cast %add3A_1552 : i32 to index
        %get3A_1653 = arith.constant 64 : index
        %get3A_1654 = tpu.vector_load %arg18[%get3A_1652, %get3A_1653] {strides = array<i32>} : memref<128x128xf32, #tpu.memory_space<vmem>>, vector<1x16xf32>,
        %get3A_1655 = vector.shape_cast %get3A_1654 : vector<1x16xf32> to vector<16xf32>
        %mul3A_1656 = arith.mulf %gather3A_1550, %get3A_1655 : vector<16xf32>
        %add3A_1657 = arith.addf %add3A_1651, %mul3A_1656 : vector<16xf32>
        %swap3A_1658 = arith.index_cast %add3A_1552 : i32 to index
        %swap3A_1659 = arith.constant 64 : index
        %swap3A_1660 = tpu.vector_load %arg19[%swap3A_1658, %swap3A_1659] {strides = array<i32>} : memref<128x128xf32, #tpu.memory_space<vmem>>, vector<1x16xf32>,
        %swap3A_1661 = vector.shape_cast %swap3A_1660 : vector<1x16xf32> to vector<16xf32>
        %swap3A_1662 = vector.shape_cast %add3A_1657 : vector<16xf32> to vector<1x16xf32>
        tpu.vector_store %arg19[%swap3A_1658, %swap3A_1659], %swap3A_1662 {strides = array<i32>} : memref<128x128xf32, #tpu.memory_space<vmem>>, vector<1x16xf32>,
        %get3A_1663 = arith.index_cast %add3A_1552 : i32 to index
        %get3A_1664 = arith.constant 80 : index
        %get3A_1665 = tpu.vector_load %arg16[%get3A_1663, %get3A_1664] {strides = array<i32>} : memref<128x128xf32, #tpu.memory_space<vmem>>, vector<1x16xf32>,
        %get3A_1666 = vector.shape_cast %get3A_1665 : vector<1x16xf32> to vector<16xf32>
        %mul3A_1667 = arith.mulf %gather3A_1530, %get3A_1666 : vector<16xf32>
        %get3A_1668 = arith.index_cast %add3A_1552 : i32 to index
        %get3A_1669 = arith.constant 80 : index
        %get3A_1670 = tpu.vector_load %arg17[%get3A_1668, %get3A_1669] {strides = array<i32>} : memref<128x128xf32, #tpu.memory_space<vmem>>, vector<1x16xf32>,
        %get3A_1671 = vector.shape_cast %get3A_1670 : vector<1x16xf32> to vector<16xf32>
        %mul3A_1672 = arith.mulf %gather3A_1540, %get3A_1671 : vector<16xf32>
        %add3A_1673 = arith.addf %mul3A_1667, %mul3A_1672 : vector<16xf32>
        %get3A_1674 = arith.index_cast %add3A_1552 : i32 to index
        %get3A_1675 = arith.constant 80 : index
        %get3A_1676 = tpu.vector_load %arg18[%get3A_1674, %get3A_1675] {strides = array<i32>} : memref<128x128xf32, #tpu.memory_space<vmem>>, vector<1x16xf32>,
        %get3A_1677 = vector.shape_cast %get3A_1676 : vector<1x16xf32> to vector<16xf32>
        %mul3A_1678 = arith.mulf %gather3A_1550, %get3A_1677 : vector<16xf32>
        %add3A_1679 = arith.addf %add3A_1673, %mul3A_1678 : vector<16xf32>
        %swap3A_1680 = arith.index_cast %add3A_1552 : i32 to index
        %swap3A_1681 = arith.constant 80 : index
        %swap3A_1682 = tpu.vector_load %arg19[%swap3A_1680, %swap3A_1681] {strides = array<i32>} : memref<128x128xf32, #tpu.memory_space<vmem>>, vector<1x16xf32>,
        %swap3A_1683 = vector.shape_cast %swap3A_1682 : vector<1x16xf32> to vector<16xf32>
        %swap3A_1684 = vector.shape_cast %add3A_1679 : vector<16xf32> to vector<1x16xf32>
        tpu.vector_store %arg19[%swap3A_1680, %swap3A_1681], %swap3A_1684 {strides = array<i32>} : memref<128x128xf32, #tpu.memory_space<vmem>>, vector<1x16xf32>,
        %get3A_1685 = arith.index_cast %add3A_1552 : i32 to index
        %get3A_1686 = arith.constant 96 : index
        %get3A_1687 = tpu.vector_load %arg16[%get3A_1685, %get3A_1686] {strides = array<i32>} : memref<128x128xf32, #tpu.memory_space<vmem>>, vector<1x16xf32>,
        %get3A_1688 = vector.shape_cast %get3A_1687 : vector<1x16xf32> to vector<16xf32>
        %mul3A_1689 = arith.mulf %gather3A_1530, %get3A_1688 : vector<16xf32>
        %get3A_1690 = arith.index_cast %add3A_1552 : i32 to index
        %get3A_1691 = arith.constant 96 : index
        %get3A_1692 = tpu.vector_load %arg17[%get3A_1690, %get3A_1691] {strides = array<i32>} : memref<128x128xf32, #tpu.memory_space<vmem>>, vector<1x16xf32>,
        %get3A_1693 = vector.shape_cast %get3A_1692 : vector<1x16xf32> to vector<16xf32>
        %mul3A_1694 = arith.mulf %gather3A_1540, %get3A_1693 : vector<16xf32>
        %add3A_1695 = arith.addf %mul3A_1689, %mul3A_1694 : vector<16xf32>
        %get3A_1696 = arith.index_cast %add3A_1552 : i32 to index
        %get3A_1697 = arith.constant 96 : index
        %get3A_1698 = tpu.vector_load %arg18[%get3A_1696, %get3A_1697] {strides = array<i32>} : memref<128x128xf32, #tpu.memory_space<vmem>>, vector<1x16xf32>,
        %get3A_1699 = vector.shape_cast %get3A_1698 : vector<1x16xf32> to vector<16xf32>
        %mul3A_1700 = arith.mulf %gather3A_1550, %get3A_1699 : vector<16xf32>
        %add3A_1701 = arith.addf %add3A_1695, %mul3A_1700 : vector<16xf32>
        %swap3A_1702 = arith.index_cast %add3A_1552 : i32 to index
        %swap3A_1703 = arith.constant 96 : index
        %swap3A_1704 = tpu.vector_load %arg19[%swap3A_1702, %swap3A_1703] {strides = array<i32>} : memref<128x128xf32, #tpu.memory_space<vmem>>, vector<1x16xf32>,
        %swap3A_1705 = vector.shape_cast %swap3A_1704 : vector<1x16xf32> to vector<16xf32>
        %swap3A_1706 = vector.shape_cast %add3A_1701 : vector<16xf32> to vector<1x16xf32>
        tpu.vector_store %arg19[%swap3A_1702, %swap3A_1703], %swap3A_1706 {strides = array<i32>} : memref<128x128xf32, #tpu.memory_space<vmem>>, vector<1x16xf32>,
        %get3A_1707 = arith.index_cast %add3A_1552 : i32 to index
        %get3A_1708 = arith.constant 112 : index
        %get3A_1709 = tpu.vector_load %arg16[%get3A_1707, %get3A_1708] {strides = array<i32>} : memref<128x128xf32, #tpu.memory_space<vmem>>, vector<1x16xf32>,
        %get3A_1710 = vector.shape_cast %get3A_1709 : vector<1x16xf32> to vector<16xf32>
        %mul3A_1711 = arith.mulf %gather3A_1530, %get3A_1710 : vector<16xf32>
        %get3A_1712 = arith.index_cast %add3A_1552 : i32 to index
        %get3A_1713 = arith.constant 112 : index
        %get3A_1714 = tpu.vector_load %arg17[%get3A_1712, %get3A_1713] {strides = array<i32>} : memref<128x128xf32, #tpu.memory_space<vmem>>, vector<1x16xf32>,
        %get3A_1715 = vector.shape_cast %get3A_1714 : vector<1x16xf32> to vector<16xf32>
        %mul3A_1716 = arith.mulf %gather3A_1540, %get3A_1715 : vector<16xf32>
        %add3A_1717 = arith.addf %mul3A_1711, %mul3A_1716 : vector<16xf32>
        %get3A_1718 = arith.index_cast %add3A_1552 : i32 to index
        %get3A_1719 = arith.constant 112 : index
        %get3A_1720 = tpu.vector_load %arg18[%get3A_1718, %get3A_1719] {strides = array<i32>} : memref<128x128xf32, #tpu.memory_space<vmem>>, vector<1x16xf32>,
        %get3A_1721 = vector.shape_cast %get3A_1720 : vector<1x16xf32> to vector<16xf32>
        %mul3A_1722 = arith.mulf %gather3A_1550, %get3A_1721 : vector<16xf32>
        %add3A_1723 = arith.addf %add3A_1717, %mul3A_1722 : vector<16xf32>
        %swap3A_1724 = arith.index_cast %add3A_1552 : i32 to index
        %swap3A_1725 = arith.constant 112 : index
        %swap3A_1726 = tpu.vector_load %arg19[%swap3A_1724, %swap3A_1725] {strides = array<i32>} : memref<128x128xf32, #tpu.memory_space<vmem>>, vector<1x16xf32>,
        %swap3A_1727 = vector.shape_cast %swap3A_1726 : vector<1x16xf32> to vector<16xf32>
        %swap3A_1728 = vector.shape_cast %add3A_1723 : vector<16xf32> to vector<1x16xf32>
        tpu.vector_store %arg19[%swap3A_1724, %swap3A_1725], %swap3A_1728 {strides = array<i32>} : memref<128x128xf32, #tpu.memory_space<vmem>>, vector<1x16xf32>,
        %broadcast_in_dim3A_1729 = arith.constant 8 : i32
        %broadcast_in_dim3A_1730 = vector.broadcast %broadcast_in_dim3A_1729 : i32 to vector<16xi32>
        %lt3A_1731 = arith.constant 0 : i32
        %lt3A_1732 = vector.broadcast %lt3A_1731 : i32 to vector<16xi32>
        %lt3A_1733 = arith.cmpi slt, %broadcast_in_dim3A_1730, %lt3A_1732 : vector<16xi32>
        %add3A_1734 = arith.constant 16 : i32
        %add3A_1735 = vector.broadcast %add3A_1734 : i32 to vector<16xi32>
        %add3A_1736 = arith.addi %broadcast_in_dim3A_1730, %add3A_1735 : vector<16xi32>
        %select_n3A_1737 = arith.select %lt3A_1733, %add3A_1736, %broadcast_in_dim3A_1730 : vector<16xi1>, vector<16xi32>
        %broadcast_in_dim3A_1738 = vector.shape_cast %select_n3A_1737 : vector<16xi32> to vector<16x1xi32>
        %gather3A_1739 = vector.shape_cast %broadcast_in_dim3A_1738 : vector<16x1xi32> to vector<16xi32>
        %gather3A_1740 = tpu.dynamic_gather %get3A_45[%gather3A_1739] in [0] : vector<16xf32>, vector<16xi32> -> vector<16xf32>
        %lt3A_1741 = arith.constant 0 : i32
        %lt3A_1742 = vector.broadcast %lt3A_1741 : i32 to vector<16xi32>
        %lt3A_1743 = arith.cmpi slt, %broadcast_in_dim3A_1730, %lt3A_1742 : vector<16xi32>
        %add3A_1744 = arith.constant 16 : i32
        %add3A_1745 = vector.broadcast %add3A_1744 : i32 to vector<16xi32>
        %add3A_1746 = arith.addi %broadcast_in_dim3A_1730, %add3A_1745 : vector<16xi32>
        %select_n3A_1747 = arith.select %lt3A_1743, %add3A_1746, %broadcast_in_dim3A_1730 : vector<16xi1>, vector<16xi32>
        %broadcast_in_dim3A_1748 = vector.shape_cast %select_n3A_1747 : vector<16xi32> to vector<16x1xi32>
        %gather3A_1749 = vector.shape_cast %broadcast_in_dim3A_1748 : vector<16x1xi32> to vector<16xi32>
        %gather3A_1750 = tpu.dynamic_gather %get3A_49[%gather3A_1749] in [0] : vector<16xf32>, vector<16xi32> -> vector<16xf32>
        %lt3A_1751 = arith.constant 0 : i32
        %lt3A_1752 = vector.broadcast %lt3A_1751 : i32 to vector<16xi32>
        %lt3A_1753 = arith.cmpi slt, %broadcast_in_dim3A_1730, %lt3A_1752 : vector<16xi32>
        %add3A_1754 = arith.constant 16 : i32
        %add3A_1755 = vector.broadcast %add3A_1754 : i32 to vector<16xi32>
        %add3A_1756 = arith.addi %broadcast_in_dim3A_1730, %add3A_1755 : vector<16xi32>
        %select_n3A_1757 = arith.select %lt3A_1753, %add3A_1756, %broadcast_in_dim3A_1730 : vector<16xi1>, vector<16xi32>
        %broadcast_in_dim3A_1758 = vector.shape_cast %select_n3A_1757 : vector<16xi32> to vector<16x1xi32>
        %gather3A_1759 = vector.shape_cast %broadcast_in_dim3A_1758 : vector<16x1xi32> to vector<16xi32>
        %gather3A_1760 = tpu.dynamic_gather %get3A_53[%gather3A_1759] in [0] : vector<16xf32>, vector<16xi32> -> vector<16xf32>
        %add3A_1761 = arith.constant 8 : i32
        %add3A_1762 = arith.addi %mul3A_42, %add3A_1761 : i32
        %get3A_1763 = arith.index_cast %add3A_1762 : i32 to index
        %get3A_1764 = arith.constant 0 : index
        %get3A_1765 = tpu.vector_load %arg16[%get3A_1763, %get3A_1764] {strides = array<i32>} : memref<128x128xf32, #tpu.memory_space<vmem>>, vector<1x16xf32>,
        %get3A_1766 = vector.shape_cast %get3A_1765 : vector<1x16xf32> to vector<16xf32>
        %mul3A_1767 = arith.mulf %gather3A_1740, %get3A_1766 : vector<16xf32>
        %get3A_1768 = arith.index_cast %add3A_1762 : i32 to index
        %get3A_1769 = arith.constant 0 : index
        %get3A_1770 = tpu.vector_load %arg17[%get3A_1768, %get3A_1769] {strides = array<i32>} : memref<128x128xf32, #tpu.memory_space<vmem>>, vector<1x16xf32>,
        %get3A_1771 = vector.shape_cast %get3A_1770 : vector<1x16xf32> to vector<16xf32>
        %mul3A_1772 = arith.mulf %gather3A_1750, %get3A_1771 : vector<16xf32>
        %add3A_1773 = arith.addf %mul3A_1767, %mul3A_1772 : vector<16xf32>
        %get3A_1774 = arith.index_cast %add3A_1762 : i32 to index
        %get3A_1775 = arith.constant 0 : index
        %get3A_1776 = tpu.vector_load %arg18[%get3A_1774, %get3A_1775] {strides = array<i32>} : memref<128x128xf32, #tpu.memory_space<vmem>>, vector<1x16xf32>,
        %get3A_1777 = vector.shape_cast %get3A_1776 : vector<1x16xf32> to vector<16xf32>
        %mul3A_1778 = arith.mulf %gather3A_1760, %get3A_1777 : vector<16xf32>
        %add3A_1779 = arith.addf %add3A_1773, %mul3A_1778 : vector<16xf32>
        %swap3A_1780 = arith.index_cast %add3A_1762 : i32 to index
        %swap3A_1781 = arith.constant 0 : index
        %swap3A_1782 = tpu.vector_load %arg19[%swap3A_1780, %swap3A_1781] {strides = array<i32>} : memref<128x128xf32, #tpu.memory_space<vmem>>, vector<1x16xf32>,
        %swap3A_1783 = vector.shape_cast %swap3A_1782 : vector<1x16xf32> to vector<16xf32>
        %swap3A_1784 = vector.shape_cast %add3A_1779 : vector<16xf32> to vector<1x16xf32>
        tpu.vector_store %arg19[%swap3A_1780, %swap3A_1781], %swap3A_1784 {strides = array<i32>} : memref<128x128xf32, #tpu.memory_space<vmem>>, vector<1x16xf32>,
        %get3A_1785 = arith.index_cast %add3A_1762 : i32 to index
        %get3A_1786 = arith.constant 16 : index
        %get3A_1787 = tpu.vector_load %arg16[%get3A_1785, %get3A_1786] {strides = array<i32>} : memref<128x128xf32, #tpu.memory_space<vmem>>, vector<1x16xf32>,
        %get3A_1788 = vector.shape_cast %get3A_1787 : vector<1x16xf32> to vector<16xf32>
        %mul3A_1789 = arith.mulf %gather3A_1740, %get3A_1788 : vector<16xf32>
        %get3A_1790 = arith.index_cast %add3A_1762 : i32 to index
        %get3A_1791 = arith.constant 16 : index
        %get3A_1792 = tpu.vector_load %arg17[%get3A_1790, %get3A_1791] {strides = array<i32>} : memref<128x128xf32, #tpu.memory_space<vmem>>, vector<1x16xf32>,
        %get3A_1793 = vector.shape_cast %get3A_1792 : vector<1x16xf32> to vector<16xf32>
        %mul3A_1794 = arith.mulf %gather3A_1750, %get3A_1793 : vector<16xf32>
        %add3A_1795 = arith.addf %mul3A_1789, %mul3A_1794 : vector<16xf32>
        %get3A_1796 = arith.index_cast %add3A_1762 : i32 to index
        %get3A_1797 = arith.constant 16 : index
        %get3A_1798 = tpu.vector_load %arg18[%get3A_1796, %get3A_1797] {strides = array<i32>} : memref<128x128xf32, #tpu.memory_space<vmem>>, vector<1x16xf32>,
        %get3A_1799 = vector.shape_cast %get3A_1798 : vector<1x16xf32> to vector<16xf32>
        %mul3A_1800 = arith.mulf %gather3A_1760, %get3A_1799 : vector<16xf32>
        %add3A_1801 = arith.addf %add3A_1795, %mul3A_1800 : vector<16xf32>
        %swap3A_1802 = arith.index_cast %add3A_1762 : i32 to index
        %swap3A_1803 = arith.constant 16 : index
        %swap3A_1804 = tpu.vector_load %arg19[%swap3A_1802, %swap3A_1803] {strides = array<i32>} : memref<128x128xf32, #tpu.memory_space<vmem>>, vector<1x16xf32>,
        %swap3A_1805 = vector.shape_cast %swap3A_1804 : vector<1x16xf32> to vector<16xf32>
        %swap3A_1806 = vector.shape_cast %add3A_1801 : vector<16xf32> to vector<1x16xf32>
        tpu.vector_store %arg19[%swap3A_1802, %swap3A_1803], %swap3A_1806 {strides = array<i32>} : memref<128x128xf32, #tpu.memory_space<vmem>>, vector<1x16xf32>,
        %get3A_1807 = arith.index_cast %add3A_1762 : i32 to index
        %get3A_1808 = arith.constant 32 : index
        %get3A_1809 = tpu.vector_load %arg16[%get3A_1807, %get3A_1808] {strides = array<i32>} : memref<128x128xf32, #tpu.memory_space<vmem>>, vector<1x16xf32>,
        %get3A_1810 = vector.shape_cast %get3A_1809 : vector<1x16xf32> to vector<16xf32>
        %mul3A_1811 = arith.mulf %gather3A_1740, %get3A_1810 : vector<16xf32>
        %get3A_1812 = arith.index_cast %add3A_1762 : i32 to index
        %get3A_1813 = arith.constant 32 : index
        %get3A_1814 = tpu.vector_load %arg17[%get3A_1812, %get3A_1813] {strides = array<i32>} : memref<128x128xf32, #tpu.memory_space<vmem>>, vector<1x16xf32>,
        %get3A_1815 = vector.shape_cast %get3A_1814 : vector<1x16xf32> to vector<16xf32>
        %mul3A_1816 = arith.mulf %gather3A_1750, %get3A_1815 : vector<16xf32>
        %add3A_1817 = arith.addf %mul3A_1811, %mul3A_1816 : vector<16xf32>
        %get3A_1818 = arith.index_cast %add3A_1762 : i32 to index
        %get3A_1819 = arith.constant 32 : index
        %get3A_1820 = tpu.vector_load %arg18[%get3A_1818, %get3A_1819] {strides = array<i32>} : memref<128x128xf32, #tpu.memory_space<vmem>>, vector<1x16xf32>,
        %get3A_1821 = vector.shape_cast %get3A_1820 : vector<1x16xf32> to vector<16xf32>
        %mul3A_1822 = arith.mulf %gather3A_1760, %get3A_1821 : vector<16xf32>
        %add3A_1823 = arith.addf %add3A_1817, %mul3A_1822 : vector<16xf32>
        %swap3A_1824 = arith.index_cast %add3A_1762 : i32 to index
        %swap3A_1825 = arith.constant 32 : index
        %swap3A_1826 = tpu.vector_load %arg19[%swap3A_1824, %swap3A_1825] {strides = array<i32>} : memref<128x128xf32, #tpu.memory_space<vmem>>, vector<1x16xf32>,
        %swap3A_1827 = vector.shape_cast %swap3A_1826 : vector<1x16xf32> to vector<16xf32>
        %swap3A_1828 = vector.shape_cast %add3A_1823 : vector<16xf32> to vector<1x16xf32>
        tpu.vector_store %arg19[%swap3A_1824, %swap3A_1825], %swap3A_1828 {strides = array<i32>} : memref<128x128xf32, #tpu.memory_space<vmem>>, vector<1x16xf32>,
        %get3A_1829 = arith.index_cast %add3A_1762 : i32 to index
        %get3A_1830 = arith.constant 48 : index
        %get3A_1831 = tpu.vector_load %arg16[%get3A_1829, %get3A_1830] {strides = array<i32>} : memref<128x128xf32, #tpu.memory_space<vmem>>, vector<1x16xf32>,
        %get3A_1832 = vector.shape_cast %get3A_1831 : vector<1x16xf32> to vector<16xf32>
        %mul3A_1833 = arith.mulf %gather3A_1740, %get3A_1832 : vector<16xf32>
        %get3A_1834 = arith.index_cast %add3A_1762 : i32 to index
        %get3A_1835 = arith.constant 48 : index
        %get3A_1836 = tpu.vector_load %arg17[%get3A_1834, %get3A_1835] {strides = array<i32>} : memref<128x128xf32, #tpu.memory_space<vmem>>, vector<1x16xf32>,
        %get3A_1837 = vector.shape_cast %get3A_1836 : vector<1x16xf32> to vector<16xf32>
        %mul3A_1838 = arith.mulf %gather3A_1750, %get3A_1837 : vector<16xf32>
        %add3A_1839 = arith.addf %mul3A_1833, %mul3A_1838 : vector<16xf32>
        %get3A_1840 = arith.index_cast %add3A_1762 : i32 to index
        %get3A_1841 = arith.constant 48 : index
        %get3A_1842 = tpu.vector_load %arg18[%get3A_1840, %get3A_1841] {strides = array<i32>} : memref<128x128xf32, #tpu.memory_space<vmem>>, vector<1x16xf32>,
        %get3A_1843 = vector.shape_cast %get3A_1842 : vector<1x16xf32> to vector<16xf32>
        %mul3A_1844 = arith.mulf %gather3A_1760, %get3A_1843 : vector<16xf32>
        %add3A_1845 = arith.addf %add3A_1839, %mul3A_1844 : vector<16xf32>
        %swap3A_1846 = arith.index_cast %add3A_1762 : i32 to index
        %swap3A_1847 = arith.constant 48 : index
        %swap3A_1848 = tpu.vector_load %arg19[%swap3A_1846, %swap3A_1847] {strides = array<i32>} : memref<128x128xf32, #tpu.memory_space<vmem>>, vector<1x16xf32>,
        %swap3A_1849 = vector.shape_cast %swap3A_1848 : vector<1x16xf32> to vector<16xf32>
        %swap3A_1850 = vector.shape_cast %add3A_1845 : vector<16xf32> to vector<1x16xf32>
        tpu.vector_store %arg19[%swap3A_1846, %swap3A_1847], %swap3A_1850 {strides = array<i32>} : memref<128x128xf32, #tpu.memory_space<vmem>>, vector<1x16xf32>,
        %get3A_1851 = arith.index_cast %add3A_1762 : i32 to index
        %get3A_1852 = arith.constant 64 : index
        %get3A_1853 = tpu.vector_load %arg16[%get3A_1851, %get3A_1852] {strides = array<i32>} : memref<128x128xf32, #tpu.memory_space<vmem>>, vector<1x16xf32>,
        %get3A_1854 = vector.shape_cast %get3A_1853 : vector<1x16xf32> to vector<16xf32>
        %mul3A_1855 = arith.mulf %gather3A_1740, %get3A_1854 : vector<16xf32>
        %get3A_1856 = arith.index_cast %add3A_1762 : i32 to index
        %get3A_1857 = arith.constant 64 : index
        %get3A_1858 = tpu.vector_load %arg17[%get3A_1856, %get3A_1857] {strides = array<i32>} : memref<128x128xf32, #tpu.memory_space<vmem>>, vector<1x16xf32>,
        %get3A_1859 = vector.shape_cast %get3A_1858 : vector<1x16xf32> to vector<16xf32>
        %mul3A_1860 = arith.mulf %gather3A_1750, %get3A_1859 : vector<16xf32>
        %add3A_1861 = arith.addf %mul3A_1855, %mul3A_1860 : vector<16xf32>
        %get3A_1862 = arith.index_cast %add3A_1762 : i32 to index
        %get3A_1863 = arith.constant 64 : index
        %get3A_1864 = tpu.vector_load %arg18[%get3A_1862, %get3A_1863] {strides = array<i32>} : memref<128x128xf32, #tpu.memory_space<vmem>>, vector<1x16xf32>,
        %get3A_1865 = vector.shape_cast %get3A_1864 : vector<1x16xf32> to vector<16xf32>
        %mul3A_1866 = arith.mulf %gather3A_1760, %get3A_1865 : vector<16xf32>
        %add3A_1867 = arith.addf %add3A_1861, %mul3A_1866 : vector<16xf32>
        %swap3A_1868 = arith.index_cast %add3A_1762 : i32 to index
        %swap3A_1869 = arith.constant 64 : index
        %swap3A_1870 = tpu.vector_load %arg19[%swap3A_1868, %swap3A_1869] {strides = array<i32>} : memref<128x128xf32, #tpu.memory_space<vmem>>, vector<1x16xf32>,
        %swap3A_1871 = vector.shape_cast %swap3A_1870 : vector<1x16xf32> to vector<16xf32>
        %swap3A_1872 = vector.shape_cast %add3A_1867 : vector<16xf32> to vector<1x16xf32>
        tpu.vector_store %arg19[%swap3A_1868, %swap3A_1869], %swap3A_1872 {strides = array<i32>} : memref<128x128xf32, #tpu.memory_space<vmem>>, vector<1x16xf32>,
        %get3A_1873 = arith.index_cast %add3A_1762 : i32 to index
        %get3A_1874 = arith.constant 80 : index
        %get3A_1875 = tpu.vector_load %arg16[%get3A_1873, %get3A_1874] {strides = array<i32>} : memref<128x128xf32, #tpu.memory_space<vmem>>, vector<1x16xf32>,
        %get3A_1876 = vector.shape_cast %get3A_1875 : vector<1x16xf32> to vector<16xf32>
        %mul3A_1877 = arith.mulf %gather3A_1740, %get3A_1876 : vector<16xf32>
        %get3A_1878 = arith.index_cast %add3A_1762 : i32 to index
        %get3A_1879 = arith.constant 80 : index
        %get3A_1880 = tpu.vector_load %arg17[%get3A_1878, %get3A_1879] {strides = array<i32>} : memref<128x128xf32, #tpu.memory_space<vmem>>, vector<1x16xf32>,
        %get3A_1881 = vector.shape_cast %get3A_1880 : vector<1x16xf32> to vector<16xf32>
        %mul3A_1882 = arith.mulf %gather3A_1750, %get3A_1881 : vector<16xf32>
        %add3A_1883 = arith.addf %mul3A_1877, %mul3A_1882 : vector<16xf32>
        %get3A_1884 = arith.index_cast %add3A_1762 : i32 to index
        %get3A_1885 = arith.constant 80 : index
        %get3A_1886 = tpu.vector_load %arg18[%get3A_1884, %get3A_1885] {strides = array<i32>} : memref<128x128xf32, #tpu.memory_space<vmem>>, vector<1x16xf32>,
        %get3A_1887 = vector.shape_cast %get3A_1886 : vector<1x16xf32> to vector<16xf32>
        %mul3A_1888 = arith.mulf %gather3A_1760, %get3A_1887 : vector<16xf32>
        %add3A_1889 = arith.addf %add3A_1883, %mul3A_1888 : vector<16xf32>
        %swap3A_1890 = arith.index_cast %add3A_1762 : i32 to index
        %swap3A_1891 = arith.constant 80 : index
        %swap3A_1892 = tpu.vector_load %arg19[%swap3A_1890, %swap3A_1891] {strides = array<i32>} : memref<128x128xf32, #tpu.memory_space<vmem>>, vector<1x16xf32>,
        %swap3A_1893 = vector.shape_cast %swap3A_1892 : vector<1x16xf32> to vector<16xf32>
        %swap3A_1894 = vector.shape_cast %add3A_1889 : vector<16xf32> to vector<1x16xf32>
        tpu.vector_store %arg19[%swap3A_1890, %swap3A_1891], %swap3A_1894 {strides = array<i32>} : memref<128x128xf32, #tpu.memory_space<vmem>>, vector<1x16xf32>,
        %get3A_1895 = arith.index_cast %add3A_1762 : i32 to index
        %get3A_1896 = arith.constant 96 : index
        %get3A_1897 = tpu.vector_load %arg16[%get3A_1895, %get3A_1896] {strides = array<i32>} : memref<128x128xf32, #tpu.memory_space<vmem>>, vector<1x16xf32>,
        %get3A_1898 = vector.shape_cast %get3A_1897 : vector<1x16xf32> to vector<16xf32>
        %mul3A_1899 = arith.mulf %gather3A_1740, %get3A_1898 : vector<16xf32>
        %get3A_1900 = arith.index_cast %add3A_1762 : i32 to index
        %get3A_1901 = arith.constant 96 : index
        %get3A_1902 = tpu.vector_load %arg17[%get3A_1900, %get3A_1901] {strides = array<i32>} : memref<128x128xf32, #tpu.memory_space<vmem>>, vector<1x16xf32>,
        %get3A_1903 = vector.shape_cast %get3A_1902 : vector<1x16xf32> to vector<16xf32>
        %mul3A_1904 = arith.mulf %gather3A_1750, %get3A_1903 : vector<16xf32>
        %add3A_1905 = arith.addf %mul3A_1899, %mul3A_1904 : vector<16xf32>
        %get3A_1906 = arith.index_cast %add3A_1762 : i32 to index
        %get3A_1907 = arith.constant 96 : index
        %get3A_1908 = tpu.vector_load %arg18[%get3A_1906, %get3A_1907] {strides = array<i32>} : memref<128x128xf32, #tpu.memory_space<vmem>>, vector<1x16xf32>,
        %get3A_1909 = vector.shape_cast %get3A_1908 : vector<1x16xf32> to vector<16xf32>
        %mul3A_1910 = arith.mulf %gather3A_1760, %get3A_1909 : vector<16xf32>
        %add3A_1911 = arith.addf %add3A_1905, %mul3A_1910 : vector<16xf32>
        %swap3A_1912 = arith.index_cast %add3A_1762 : i32 to index
        %swap3A_1913 = arith.constant 96 : index
        %swap3A_1914 = tpu.vector_load %arg19[%swap3A_1912, %swap3A_1913] {strides = array<i32>} : memref<128x128xf32, #tpu.memory_space<vmem>>, vector<1x16xf32>,
        %swap3A_1915 = vector.shape_cast %swap3A_1914 : vector<1x16xf32> to vector<16xf32>
        %swap3A_1916 = vector.shape_cast %add3A_1911 : vector<16xf32> to vector<1x16xf32>
        tpu.vector_store %arg19[%swap3A_1912, %swap3A_1913], %swap3A_1916 {strides = array<i32>} : memref<128x128xf32, #tpu.memory_space<vmem>>, vector<1x16xf32>,
        %get3A_1917 = arith.index_cast %add3A_1762 : i32 to index
        %get3A_1918 = arith.constant 112 : index
        %get3A_1919 = tpu.vector_load %arg16[%get3A_1917, %get3A_1918] {strides = array<i32>} : memref<128x128xf32, #tpu.memory_space<vmem>>, vector<1x16xf32>,
        %get3A_1920 = vector.shape_cast %get3A_1919 : vector<1x16xf32> to vector<16xf32>
        %mul3A_1921 = arith.mulf %gather3A_1740, %get3A_1920 : vector<16xf32>
        %get3A_1922 = arith.index_cast %add3A_1762 : i32 to index
        %get3A_1923 = arith.constant 112 : index
        %get3A_1924 = tpu.vector_load %arg17[%get3A_1922, %get3A_1923] {strides = array<i32>} : memref<128x128xf32, #tpu.memory_space<vmem>>, vector<1x16xf32>,
        %get3A_1925 = vector.shape_cast %get3A_1924 : vector<1x16xf32> to vector<16xf32>
        %mul3A_1926 = arith.mulf %gather3A_1750, %get3A_1925 : vector<16xf32>
        %add3A_1927 = arith.addf %mul3A_1921, %mul3A_1926 : vector<16xf32>
        %get3A_1928 = arith.index_cast %add3A_1762 : i32 to index
        %get3A_1929 = arith.constant 112 : index
        %get3A_1930 = tpu.vector_load %arg18[%get3A_1928, %get3A_1929] {strides = array<i32>} : memref<128x128xf32, #tpu.memory_space<vmem>>, vector<1x16xf32>,
        %get3A_1931 = vector.shape_cast %get3A_1930 : vector<1x16xf32> to vector<16xf32>
        %mul3A_1932 = arith.mulf %gather3A_1760, %get3A_1931 : vector<16xf32>
        %add3A_1933 = arith.addf %add3A_1927, %mul3A_1932 : vector<16xf32>
        %swap3A_1934 = arith.index_cast %add3A_1762 : i32 to index
        %swap3A_1935 = arith.constant 112 : index
        %swap3A_1936 = tpu.vector_load %arg19[%swap3A_1934, %swap3A_1935] {strides = array<i32>} : memref<128x128xf32, #tpu.memory_space<vmem>>, vector<1x16xf32>,
        %swap3A_1937 = vector.shape_cast %swap3A_1936 : vector<1x16xf32> to vector<16xf32>
        %swap3A_1938 = vector.shape_cast %add3A_1933 : vector<16xf32> to vector<1x16xf32>
        tpu.vector_store %arg19[%swap3A_1934, %swap3A_1935], %swap3A_1938 {strides = array<i32>} : memref<128x128xf32, #tpu.memory_space<vmem>>, vector<1x16xf32>,
        %broadcast_in_dim3A_1939 = arith.constant 9 : i32
        %broadcast_in_dim3A_1940 = vector.broadcast %broadcast_in_dim3A_1939 : i32 to vector<16xi32>
        %lt3A_1941 = arith.constant 0 : i32
        %lt3A_1942 = vector.broadcast %lt3A_1941 : i32 to vector<16xi32>
        %lt3A_1943 = arith.cmpi slt, %broadcast_in_dim3A_1940, %lt3A_1942 : vector<16xi32>
        %add3A_1944 = arith.constant 16 : i32
        %add3A_1945 = vector.broadcast %add3A_1944 : i32 to vector<16xi32>
        %add3A_1946 = arith.addi %broadcast_in_dim3A_1940, %add3A_1945 : vector<16xi32>
        %select_n3A_1947 = arith.select %lt3A_1943, %add3A_1946, %broadcast_in_dim3A_1940 : vector<16xi1>, vector<16xi32>
        %broadcast_in_dim3A_1948 = vector.shape_cast %select_n3A_1947 : vector<16xi32> to vector<16x1xi32>
        %gather3A_1949 = vector.shape_cast %broadcast_in_dim3A_1948 : vector<16x1xi32> to vector<16xi32>
        %gather3A_1950 = tpu.dynamic_gather %get3A_45[%gather3A_1949] in [0] : vector<16xf32>, vector<16xi32> -> vector<16xf32>
        %lt3A_1951 = arith.constant 0 : i32
        %lt3A_1952 = vector.broadcast %lt3A_1951 : i32 to vector<16xi32>
        %lt3A_1953 = arith.cmpi slt, %broadcast_in_dim3A_1940, %lt3A_1952 : vector<16xi32>
        %add3A_1954 = arith.constant 16 : i32
        %add3A_1955 = vector.broadcast %add3A_1954 : i32 to vector<16xi32>
        %add3A_1956 = arith.addi %broadcast_in_dim3A_1940, %add3A_1955 : vector<16xi32>
        %select_n3A_1957 = arith.select %lt3A_1953, %add3A_1956, %broadcast_in_dim3A_1940 : vector<16xi1>, vector<16xi32>
        %broadcast_in_dim3A_1958 = vector.shape_cast %select_n3A_1957 : vector<16xi32> to vector<16x1xi32>
        %gather3A_1959 = vector.shape_cast %broadcast_in_dim3A_1958 : vector<16x1xi32> to vector<16xi32>
        %gather3A_1960 = tpu.dynamic_gather %get3A_49[%gather3A_1959] in [0] : vector<16xf32>, vector<16xi32> -> vector<16xf32>
        %lt3A_1961 = arith.constant 0 : i32
        %lt3A_1962 = vector.broadcast %lt3A_1961 : i32 to vector<16xi32>
        %lt3A_1963 = arith.cmpi slt, %broadcast_in_dim3A_1940, %lt3A_1962 : vector<16xi32>
        %add3A_1964 = arith.constant 16 : i32
        %add3A_1965 = vector.broadcast %add3A_1964 : i32 to vector<16xi32>
        %add3A_1966 = arith.addi %broadcast_in_dim3A_1940, %add3A_1965 : vector<16xi32>
        %select_n3A_1967 = arith.select %lt3A_1963, %add3A_1966, %broadcast_in_dim3A_1940 : vector<16xi1>, vector<16xi32>
        %broadcast_in_dim3A_1968 = vector.shape_cast %select_n3A_1967 : vector<16xi32> to vector<16x1xi32>
        %gather3A_1969 = vector.shape_cast %broadcast_in_dim3A_1968 : vector<16x1xi32> to vector<16xi32>
        %gather3A_1970 = tpu.dynamic_gather %get3A_53[%gather3A_1969] in [0] : vector<16xf32>, vector<16xi32> -> vector<16xf32>
        %add3A_1971 = arith.constant 9 : i32
        %add3A_1972 = arith.addi %mul3A_42, %add3A_1971 : i32
        %get3A_1973 = arith.index_cast %add3A_1972 : i32 to index
        %get3A_1974 = arith.constant 0 : index
        %get3A_1975 = tpu.vector_load %arg16[%get3A_1973, %get3A_1974] {strides = array<i32>} : memref<128x128xf32, #tpu.memory_space<vmem>>, vector<1x16xf32>,
        %get3A_1976 = vector.shape_cast %get3A_1975 : vector<1x16xf32> to vector<16xf32>
        %mul3A_1977 = arith.mulf %gather3A_1950, %get3A_1976 : vector<16xf32>
        %get3A_1978 = arith.index_cast %add3A_1972 : i32 to index
        %get3A_1979 = arith.constant 0 : index
        %get3A_1980 = tpu.vector_load %arg17[%get3A_1978, %get3A_1979] {strides = array<i32>} : memref<128x128xf32, #tpu.memory_space<vmem>>, vector<1x16xf32>,
        %get3A_1981 = vector.shape_cast %get3A_1980 : vector<1x16xf32> to vector<16xf32>
        %mul3A_1982 = arith.mulf %gather3A_1960, %get3A_1981 : vector<16xf32>
        %add3A_1983 = arith.addf %mul3A_1977, %mul3A_1982 : vector<16xf32>
        %get3A_1984 = arith.index_cast %add3A_1972 : i32 to index
        %get3A_1985 = arith.constant 0 : index
        %get3A_1986 = tpu.vector_load %arg18[%get3A_1984, %get3A_1985] {strides = array<i32>} : memref<128x128xf32, #tpu.memory_space<vmem>>, vector<1x16xf32>,
        %get3A_1987 = vector.shape_cast %get3A_1986 : vector<1x16xf32> to vector<16xf32>
        %mul3A_1988 = arith.mulf %gather3A_1970, %get3A_1987 : vector<16xf32>
        %add3A_1989 = arith.addf %add3A_1983, %mul3A_1988 : vector<16xf32>
        %swap3A_1990 = arith.index_cast %add3A_1972 : i32 to index
        %swap3A_1991 = arith.constant 0 : index
        %swap3A_1992 = tpu.vector_load %arg19[%swap3A_1990, %swap3A_1991] {strides = array<i32>} : memref<128x128xf32, #tpu.memory_space<vmem>>, vector<1x16xf32>,
        %swap3A_1993 = vector.shape_cast %swap3A_1992 : vector<1x16xf32> to vector<16xf32>
        %swap3A_1994 = vector.shape_cast %add3A_1989 : vector<16xf32> to vector<1x16xf32>
        tpu.vector_store %arg19[%swap3A_1990, %swap3A_1991], %swap3A_1994 {strides = array<i32>} : memref<128x128xf32, #tpu.memory_space<vmem>>, vector<1x16xf32>,
        %get3A_1995 = arith.index_cast %add3A_1972 : i32 to index
        %get3A_1996 = arith.constant 16 : index
        %get3A_1997 = tpu.vector_load %arg16[%get3A_1995, %get3A_1996] {strides = array<i32>} : memref<128x128xf32, #tpu.memory_space<vmem>>, vector<1x16xf32>,
        %get3A_1998 = vector.shape_cast %get3A_1997 : vector<1x16xf32> to vector<16xf32>
        %mul3A_1999 = arith.mulf %gather3A_1950, %get3A_1998 : vector<16xf32>
        %get3A_2000 = arith.index_cast %add3A_1972 : i32 to index
        %get3A_2001 = arith.constant 16 : index
        %get3A_2002 = tpu.vector_load %arg17[%get3A_2000, %get3A_2001] {strides = array<i32>} : memref<128x128xf32, #tpu.memory_space<vmem>>, vector<1x16xf32>,
        %get3A_2003 = vector.shape_cast %get3A_2002 : vector<1x16xf32> to vector<16xf32>
        %mul3A_2004 = arith.mulf %gather3A_1960, %get3A_2003 : vector<16xf32>
        %add3A_2005 = arith.addf %mul3A_1999, %mul3A_2004 : vector<16xf32>
        %get3A_2006 = arith.index_cast %add3A_1972 : i32 to index
        %get3A_2007 = arith.constant 16 : index
        %get3A_2008 = tpu.vector_load %arg18[%get3A_2006, %get3A_2007] {strides = array<i32>} : memref<128x128xf32, #tpu.memory_space<vmem>>, vector<1x16xf32>,
        %get3A_2009 = vector.shape_cast %get3A_2008 : vector<1x16xf32> to vector<16xf32>
        %mul3A_2010 = arith.mulf %gather3A_1970, %get3A_2009 : vector<16xf32>
        %add3A_2011 = arith.addf %add3A_2005, %mul3A_2010 : vector<16xf32>
        %swap3A_2012 = arith.index_cast %add3A_1972 : i32 to index
        %swap3A_2013 = arith.constant 16 : index
        %swap3A_2014 = tpu.vector_load %arg19[%swap3A_2012, %swap3A_2013] {strides = array<i32>} : memref<128x128xf32, #tpu.memory_space<vmem>>, vector<1x16xf32>,
        %swap3A_2015 = vector.shape_cast %swap3A_2014 : vector<1x16xf32> to vector<16xf32>
        %swap3A_2016 = vector.shape_cast %add3A_2011 : vector<16xf32> to vector<1x16xf32>
        tpu.vector_store %arg19[%swap3A_2012, %swap3A_2013], %swap3A_2016 {strides = array<i32>} : memref<128x128xf32, #tpu.memory_space<vmem>>, vector<1x16xf32>,
        %get3A_2017 = arith.index_cast %add3A_1972 : i32 to index
        %get3A_2018 = arith.constant 32 : index
        %get3A_2019 = tpu.vector_load %arg16[%get3A_2017, %get3A_2018] {strides = array<i32>} : memref<128x128xf32, #tpu.memory_space<vmem>>, vector<1x16xf32>,
        %get3A_2020 = vector.shape_cast %get3A_2019 : vector<1x16xf32> to vector<16xf32>
        %mul3A_2021 = arith.mulf %gather3A_1950, %get3A_2020 : vector<16xf32>
        %get3A_2022 = arith.index_cast %add3A_1972 : i32 to index
        %get3A_2023 = arith.constant 32 : index
        %get3A_2024 = tpu.vector_load %arg17[%get3A_2022, %get3A_2023] {strides = array<i32>} : memref<128x128xf32, #tpu.memory_space<vmem>>, vector<1x16xf32>,
        %get3A_2025 = vector.shape_cast %get3A_2024 : vector<1x16xf32> to vector<16xf32>
        %mul3A_2026 = arith.mulf %gather3A_1960, %get3A_2025 : vector<16xf32>
        %add3A_2027 = arith.addf %mul3A_2021, %mul3A_2026 : vector<16xf32>
        %get3A_2028 = arith.index_cast %add3A_1972 : i32 to index
        %get3A_2029 = arith.constant 32 : index
        %get3A_2030 = tpu.vector_load %arg18[%get3A_2028, %get3A_2029] {strides = array<i32>} : memref<128x128xf32, #tpu.memory_space<vmem>>, vector<1x16xf32>,
        %get3A_2031 = vector.shape_cast %get3A_2030 : vector<1x16xf32> to vector<16xf32>
        %mul3A_2032 = arith.mulf %gather3A_1970, %get3A_2031 : vector<16xf32>
        %add3A_2033 = arith.addf %add3A_2027, %mul3A_2032 : vector<16xf32>
        %swap3A_2034 = arith.index_cast %add3A_1972 : i32 to index
        %swap3A_2035 = arith.constant 32 : index
        %swap3A_2036 = tpu.vector_load %arg19[%swap3A_2034, %swap3A_2035] {strides = array<i32>} : memref<128x128xf32, #tpu.memory_space<vmem>>, vector<1x16xf32>,
        %swap3A_2037 = vector.shape_cast %swap3A_2036 : vector<1x16xf32> to vector<16xf32>
        %swap3A_2038 = vector.shape_cast %add3A_2033 : vector<16xf32> to vector<1x16xf32>
        tpu.vector_store %arg19[%swap3A_2034, %swap3A_2035], %swap3A_2038 {strides = array<i32>} : memref<128x128xf32, #tpu.memory_space<vmem>>, vector<1x16xf32>,
        %get3A_2039 = arith.index_cast %add3A_1972 : i32 to index
        %get3A_2040 = arith.constant 48 : index
        %get3A_2041 = tpu.vector_load %arg16[%get3A_2039, %get3A_2040] {strides = array<i32>} : memref<128x128xf32, #tpu.memory_space<vmem>>, vector<1x16xf32>,
        %get3A_2042 = vector.shape_cast %get3A_2041 : vector<1x16xf32> to vector<16xf32>
        %mul3A_2043 = arith.mulf %gather3A_1950, %get3A_2042 : vector<16xf32>
        %get3A_2044 = arith.index_cast %add3A_1972 : i32 to index
        %get3A_2045 = arith.constant 48 : index
        %get3A_2046 = tpu.vector_load %arg17[%get3A_2044, %get3A_2045] {strides = array<i32>} : memref<128x128xf32, #tpu.memory_space<vmem>>, vector<1x16xf32>,
        %get3A_2047 = vector.shape_cast %get3A_2046 : vector<1x16xf32> to vector<16xf32>
        %mul3A_2048 = arith.mulf %gather3A_1960, %get3A_2047 : vector<16xf32>
        %add3A_2049 = arith.addf %mul3A_2043, %mul3A_2048 : vector<16xf32>
        %get3A_2050 = arith.index_cast %add3A_1972 : i32 to index
        %get3A_2051 = arith.constant 48 : index
        %get3A_2052 = tpu.vector_load %arg18[%get3A_2050, %get3A_2051] {strides = array<i32>} : memref<128x128xf32, #tpu.memory_space<vmem>>, vector<1x16xf32>,
        %get3A_2053 = vector.shape_cast %get3A_2052 : vector<1x16xf32> to vector<16xf32>
        %mul3A_2054 = arith.mulf %gather3A_1970, %get3A_2053 : vector<16xf32>
        %add3A_2055 = arith.addf %add3A_2049, %mul3A_2054 : vector<16xf32>
        %swap3A_2056 = arith.index_cast %add3A_1972 : i32 to index
        %swap3A_2057 = arith.constant 48 : index
        %swap3A_2058 = tpu.vector_load %arg19[%swap3A_2056, %swap3A_2057] {strides = array<i32>} : memref<128x128xf32, #tpu.memory_space<vmem>>, vector<1x16xf32>,
        %swap3A_2059 = vector.shape_cast %swap3A_2058 : vector<1x16xf32> to vector<16xf32>
        %swap3A_2060 = vector.shape_cast %add3A_2055 : vector<16xf32> to vector<1x16xf32>
        tpu.vector_store %arg19[%swap3A_2056, %swap3A_2057], %swap3A_2060 {strides = array<i32>} : memref<128x128xf32, #tpu.memory_space<vmem>>, vector<1x16xf32>,
        %get3A_2061 = arith.index_cast %add3A_1972 : i32 to index
        %get3A_2062 = arith.constant 64 : index
        %get3A_2063 = tpu.vector_load %arg16[%get3A_2061, %get3A_2062] {strides = array<i32>} : memref<128x128xf32, #tpu.memory_space<vmem>>, vector<1x16xf32>,
        %get3A_2064 = vector.shape_cast %get3A_2063 : vector<1x16xf32> to vector<16xf32>
        %mul3A_2065 = arith.mulf %gather3A_1950, %get3A_2064 : vector<16xf32>
        %get3A_2066 = arith.index_cast %add3A_1972 : i32 to index
        %get3A_2067 = arith.constant 64 : index
        %get3A_2068 = tpu.vector_load %arg17[%get3A_2066, %get3A_2067] {strides = array<i32>} : memref<128x128xf32, #tpu.memory_space<vmem>>, vector<1x16xf32>,
        %get3A_2069 = vector.shape_cast %get3A_2068 : vector<1x16xf32> to vector<16xf32>
        %mul3A_2070 = arith.mulf %gather3A_1960, %get3A_2069 : vector<16xf32>
        %add3A_2071 = arith.addf %mul3A_2065, %mul3A_2070 : vector<16xf32>
        %get3A_2072 = arith.index_cast %add3A_1972 : i32 to index
        %get3A_2073 = arith.constant 64 : index
        %get3A_2074 = tpu.vector_load %arg18[%get3A_2072, %get3A_2073] {strides = array<i32>} : memref<128x128xf32, #tpu.memory_space<vmem>>, vector<1x16xf32>,
        %get3A_2075 = vector.shape_cast %get3A_2074 : vector<1x16xf32> to vector<16xf32>
        %mul3A_2076 = arith.mulf %gather3A_1970, %get3A_2075 : vector<16xf32>
        %add3A_2077 = arith.addf %add3A_2071, %mul3A_2076 : vector<16xf32>
        %swap3A_2078 = arith.index_cast %add3A_1972 : i32 to index
        %swap3A_2079 = arith.constant 64 : index
        %swap3A_2080 = tpu.vector_load %arg19[%swap3A_2078, %swap3A_2079] {strides = array<i32>} : memref<128x128xf32, #tpu.memory_space<vmem>>, vector<1x16xf32>,
        %swap3A_2081 = vector.shape_cast %swap3A_2080 : vector<1x16xf32> to vector<16xf32>
        %swap3A_2082 = vector.shape_cast %add3A_2077 : vector<16xf32> to vector<1x16xf32>
        tpu.vector_store %arg19[%swap3A_2078, %swap3A_2079], %swap3A_2082 {strides = array<i32>} : memref<128x128xf32, #tpu.memory_space<vmem>>, vector<1x16xf32>,
        %get3A_2083 = arith.index_cast %add3A_1972 : i32 to index
        %get3A_2084 = arith.constant 80 : index
        %get3A_2085 = tpu.vector_load %arg16[%get3A_2083, %get3A_2084] {strides = array<i32>} : memref<128x128xf32, #tpu.memory_space<vmem>>, vector<1x16xf32>,
        %get3A_2086 = vector.shape_cast %get3A_2085 : vector<1x16xf32> to vector<16xf32>
        %mul3A_2087 = arith.mulf %gather3A_1950, %get3A_2086 : vector<16xf32>
        %get3A_2088 = arith.index_cast %add3A_1972 : i32 to index
        %get3A_2089 = arith.constant 80 : index
        %get3A_2090 = tpu.vector_load %arg17[%get3A_2088, %get3A_2089] {strides = array<i32>} : memref<128x128xf32, #tpu.memory_space<vmem>>, vector<1x16xf32>,
        %get3A_2091 = vector.shape_cast %get3A_2090 : vector<1x16xf32> to vector<16xf32>
        %mul3A_2092 = arith.mulf %gather3A_1960, %get3A_2091 : vector<16xf32>
        %add3A_2093 = arith.addf %mul3A_2087, %mul3A_2092 : vector<16xf32>
        %get3A_2094 = arith.index_cast %add3A_1972 : i32 to index
        %get3A_2095 = arith.constant 80 : index
        %get3A_2096 = tpu.vector_load %arg18[%get3A_2094, %get3A_2095] {strides = array<i32>} : memref<128x128xf32, #tpu.memory_space<vmem>>, vector<1x16xf32>,
        %get3A_2097 = vector.shape_cast %get3A_2096 : vector<1x16xf32> to vector<16xf32>
        %mul3A_2098 = arith.mulf %gather3A_1970, %get3A_2097 : vector<16xf32>
        %add3A_2099 = arith.addf %add3A_2093, %mul3A_2098 : vector<16xf32>
        %swap3A_2100 = arith.index_cast %add3A_1972 : i32 to index
        %swap3A_2101 = arith.constant 80 : index
        %swap3A_2102 = tpu.vector_load %arg19[%swap3A_2100, %swap3A_2101] {strides = array<i32>} : memref<128x128xf32, #tpu.memory_space<vmem>>, vector<1x16xf32>,
        %swap3A_2103 = vector.shape_cast %swap3A_2102 : vector<1x16xf32> to vector<16xf32>
        %swap3A_2104 = vector.shape_cast %add3A_2099 : vector<16xf32> to vector<1x16xf32>
        tpu.vector_store %arg19[%swap3A_2100, %swap3A_2101], %swap3A_2104 {strides = array<i32>} : memref<128x128xf32, #tpu.memory_space<vmem>>, vector<1x16xf32>,
        %get3A_2105 = arith.index_cast %add3A_1972 : i32 to index
        %get3A_2106 = arith.constant 96 : index
        %get3A_2107 = tpu.vector_load %arg16[%get3A_2105, %get3A_2106] {strides = array<i32>} : memref<128x128xf32, #tpu.memory_space<vmem>>, vector<1x16xf32>,
        %get3A_2108 = vector.shape_cast %get3A_2107 : vector<1x16xf32> to vector<16xf32>
        %mul3A_2109 = arith.mulf %gather3A_1950, %get3A_2108 : vector<16xf32>
        %get3A_2110 = arith.index_cast %add3A_1972 : i32 to index
        %get3A_2111 = arith.constant 96 : index
        %get3A_2112 = tpu.vector_load %arg17[%get3A_2110, %get3A_2111] {strides = array<i32>} : memref<128x128xf32, #tpu.memory_space<vmem>>, vector<1x16xf32>,
        %get3A_2113 = vector.shape_cast %get3A_2112 : vector<1x16xf32> to vector<16xf32>
        %mul3A_2114 = arith.mulf %gather3A_1960, %get3A_2113 : vector<16xf32>
        %add3A_2115 = arith.addf %mul3A_2109, %mul3A_2114 : vector<16xf32>
        %get3A_2116 = arith.index_cast %add3A_1972 : i32 to index
        %get3A_2117 = arith.constant 96 : index
        %get3A_2118 = tpu.vector_load %arg18[%get3A_2116, %get3A_2117] {strides = array<i32>} : memref<128x128xf32, #tpu.memory_space<vmem>>, vector<1x16xf32>,
        %get3A_2119 = vector.shape_cast %get3A_2118 : vector<1x16xf32> to vector<16xf32>
        %mul3A_2120 = arith.mulf %gather3A_1970, %get3A_2119 : vector<16xf32>
        %add3A_2121 = arith.addf %add3A_2115, %mul3A_2120 : vector<16xf32>
        %swap3A_2122 = arith.index_cast %add3A_1972 : i32 to index
        %swap3A_2123 = arith.constant 96 : index
        %swap3A_2124 = tpu.vector_load %arg19[%swap3A_2122, %swap3A_2123] {strides = array<i32>} : memref<128x128xf32, #tpu.memory_space<vmem>>, vector<1x16xf32>,
        %swap3A_2125 = vector.shape_cast %swap3A_2124 : vector<1x16xf32> to vector<16xf32>
        %swap3A_2126 = vector.shape_cast %add3A_2121 : vector<16xf32> to vector<1x16xf32>
        tpu.vector_store %arg19[%swap3A_2122, %swap3A_2123], %swap3A_2126 {strides = array<i32>} : memref<128x128xf32, #tpu.memory_space<vmem>>, vector<1x16xf32>,
        %get3A_2127 = arith.index_cast %add3A_1972 : i32 to index
        %get3A_2128 = arith.constant 112 : index
        %get3A_2129 = tpu.vector_load %arg16[%get3A_2127, %get3A_2128] {strides = array<i32>} : memref<128x128xf32, #tpu.memory_space<vmem>>, vector<1x16xf32>,
        %get3A_2130 = vector.shape_cast %get3A_2129 : vector<1x16xf32> to vector<16xf32>
        %mul3A_2131 = arith.mulf %gather3A_1950, %get3A_2130 : vector<16xf32>
        %get3A_2132 = arith.index_cast %add3A_1972 : i32 to index
        %get3A_2133 = arith.constant 112 : index
        %get3A_2134 = tpu.vector_load %arg17[%get3A_2132, %get3A_2133] {strides = array<i32>} : memref<128x128xf32, #tpu.memory_space<vmem>>, vector<1x16xf32>,
        %get3A_2135 = vector.shape_cast %get3A_2134 : vector<1x16xf32> to vector<16xf32>
        %mul3A_2136 = arith.mulf %gather3A_1960, %get3A_2135 : vector<16xf32>
        %add3A_2137 = arith.addf %mul3A_2131, %mul3A_2136 : vector<16xf32>
        %get3A_2138 = arith.index_cast %add3A_1972 : i32 to index
        %get3A_2139 = arith.constant 112 : index
        %get3A_2140 = tpu.vector_load %arg18[%get3A_2138, %get3A_2139] {strides = array<i32>} : memref<128x128xf32, #tpu.memory_space<vmem>>, vector<1x16xf32>,
        %get3A_2141 = vector.shape_cast %get3A_2140 : vector<1x16xf32> to vector<16xf32>
        %mul3A_2142 = arith.mulf %gather3A_1970, %get3A_2141 : vector<16xf32>
        %add3A_2143 = arith.addf %add3A_2137, %mul3A_2142 : vector<16xf32>
        %swap3A_2144 = arith.index_cast %add3A_1972 : i32 to index
        %swap3A_2145 = arith.constant 112 : index
        %swap3A_2146 = tpu.vector_load %arg19[%swap3A_2144, %swap3A_2145] {strides = array<i32>} : memref<128x128xf32, #tpu.memory_space<vmem>>, vector<1x16xf32>,
        %swap3A_2147 = vector.shape_cast %swap3A_2146 : vector<1x16xf32> to vector<16xf32>
        %swap3A_2148 = vector.shape_cast %add3A_2143 : vector<16xf32> to vector<1x16xf32>
        tpu.vector_store %arg19[%swap3A_2144, %swap3A_2145], %swap3A_2148 {strides = array<i32>} : memref<128x128xf32, #tpu.memory_space<vmem>>, vector<1x16xf32>,
        %broadcast_in_dim3A_2149 = arith.constant 10 : i32
        %broadcast_in_dim3A_2150 = vector.broadcast %broadcast_in_dim3A_2149 : i32 to vector<16xi32>
        %lt3A_2151 = arith.constant 0 : i32
        %lt3A_2152 = vector.broadcast %lt3A_2151 : i32 to vector<16xi32>
        %lt3A_2153 = arith.cmpi slt, %broadcast_in_dim3A_2150, %lt3A_2152 : vector<16xi32>
        %add3A_2154 = arith.constant 16 : i32
        %add3A_2155 = vector.broadcast %add3A_2154 : i32 to vector<16xi32>
        %add3A_2156 = arith.addi %broadcast_in_dim3A_2150, %add3A_2155 : vector<16xi32>
        %select_n3A_2157 = arith.select %lt3A_2153, %add3A_2156, %broadcast_in_dim3A_2150 : vector<16xi1>, vector<16xi32>
        %broadcast_in_dim3A_2158 = vector.shape_cast %select_n3A_2157 : vector<16xi32> to vector<16x1xi32>
        %gather3A_2159 = vector.shape_cast %broadcast_in_dim3A_2158 : vector<16x1xi32> to vector<16xi32>
        %gather3A_2160 = tpu.dynamic_gather %get3A_45[%gather3A_2159] in [0] : vector<16xf32>, vector<16xi32> -> vector<16xf32>
        %lt3A_2161 = arith.constant 0 : i32
        %lt3A_2162 = vector.broadcast %lt3A_2161 : i32 to vector<16xi32>
        %lt3A_2163 = arith.cmpi slt, %broadcast_in_dim3A_2150, %lt3A_2162 : vector<16xi32>
        %add3A_2164 = arith.constant 16 : i32
        %add3A_2165 = vector.broadcast %add3A_2164 : i32 to vector<16xi32>
        %add3A_2166 = arith.addi %broadcast_in_dim3A_2150, %add3A_2165 : vector<16xi32>
        %select_n3A_2167 = arith.select %lt3A_2163, %add3A_2166, %broadcast_in_dim3A_2150 : vector<16xi1>, vector<16xi32>
        %broadcast_in_dim3A_2168 = vector.shape_cast %select_n3A_2167 : vector<16xi32> to vector<16x1xi32>
        %gather3A_2169 = vector.shape_cast %broadcast_in_dim3A_2168 : vector<16x1xi32> to vector<16xi32>
        %gather3A_2170 = tpu.dynamic_gather %get3A_49[%gather3A_2169] in [0] : vector<16xf32>, vector<16xi32> -> vector<16xf32>
        %lt3A_2171 = arith.constant 0 : i32
        %lt3A_2172 = vector.broadcast %lt3A_2171 : i32 to vector<16xi32>
        %lt3A_2173 = arith.cmpi slt, %broadcast_in_dim3A_2150, %lt3A_2172 : vector<16xi32>
        %add3A_2174 = arith.constant 16 : i32
        %add3A_2175 = vector.broadcast %add3A_2174 : i32 to vector<16xi32>
        %add3A_2176 = arith.addi %broadcast_in_dim3A_2150, %add3A_2175 : vector<16xi32>
        %select_n3A_2177 = arith.select %lt3A_2173, %add3A_2176, %broadcast_in_dim3A_2150 : vector<16xi1>, vector<16xi32>
        %broadcast_in_dim3A_2178 = vector.shape_cast %select_n3A_2177 : vector<16xi32> to vector<16x1xi32>
        %gather3A_2179 = vector.shape_cast %broadcast_in_dim3A_2178 : vector<16x1xi32> to vector<16xi32>
        %gather3A_2180 = tpu.dynamic_gather %get3A_53[%gather3A_2179] in [0] : vector<16xf32>, vector<16xi32> -> vector<16xf32>
        %add3A_2181 = arith.constant 10 : i32
        %add3A_2182 = arith.addi %mul3A_42, %add3A_2181 : i32
        %get3A_2183 = arith.index_cast %add3A_2182 : i32 to index
        %get3A_2184 = arith.constant 0 : index
        %get3A_2185 = tpu.vector_load %arg16[%get3A_2183, %get3A_2184] {strides = array<i32>} : memref<128x128xf32, #tpu.memory_space<vmem>>, vector<1x16xf32>,
        %get3A_2186 = vector.shape_cast %get3A_2185 : vector<1x16xf32> to vector<16xf32>
        %mul3A_2187 = arith.mulf %gather3A_2160, %get3A_2186 : vector<16xf32>
        %get3A_2188 = arith.index_cast %add3A_2182 : i32 to index
        %get3A_2189 = arith.constant 0 : index
        %get3A_2190 = tpu.vector_load %arg17[%get3A_2188, %get3A_2189] {strides = array<i32>} : memref<128x128xf32, #tpu.memory_space<vmem>>, vector<1x16xf32>,
        %get3A_2191 = vector.shape_cast %get3A_2190 : vector<1x16xf32> to vector<16xf32>
        %mul3A_2192 = arith.mulf %gather3A_2170, %get3A_2191 : vector<16xf32>
        %add3A_2193 = arith.addf %mul3A_2187, %mul3A_2192 : vector<16xf32>
        %get3A_2194 = arith.index_cast %add3A_2182 : i32 to index
        %get3A_2195 = arith.constant 0 : index
        %get3A_2196 = tpu.vector_load %arg18[%get3A_2194, %get3A_2195] {strides = array<i32>} : memref<128x128xf32, #tpu.memory_space<vmem>>, vector<1x16xf32>,
        %get3A_2197 = vector.shape_cast %get3A_2196 : vector<1x16xf32> to vector<16xf32>
        %mul3A_2198 = arith.mulf %gather3A_2180, %get3A_2197 : vector<16xf32>
        %add3A_2199 = arith.addf %add3A_2193, %mul3A_2198 : vector<16xf32>
        %swap3A_2200 = arith.index_cast %add3A_2182 : i32 to index
        %swap3A_2201 = arith.constant 0 : index
        %swap3A_2202 = tpu.vector_load %arg19[%swap3A_2200, %swap3A_2201] {strides = array<i32>} : memref<128x128xf32, #tpu.memory_space<vmem>>, vector<1x16xf32>,
        %swap3A_2203 = vector.shape_cast %swap3A_2202 : vector<1x16xf32> to vector<16xf32>
        %swap3A_2204 = vector.shape_cast %add3A_2199 : vector<16xf32> to vector<1x16xf32>
        tpu.vector_store %arg19[%swap3A_2200, %swap3A_2201], %swap3A_2204 {strides = array<i32>} : memref<128x128xf32, #tpu.memory_space<vmem>>, vector<1x16xf32>,
        %get3A_2205 = arith.index_cast %add3A_2182 : i32 to index
        %get3A_2206 = arith.constant 16 : index
        %get3A_2207 = tpu.vector_load %arg16[%get3A_2205, %get3A_2206] {strides = array<i32>} : memref<128x128xf32, #tpu.memory_space<vmem>>, vector<1x16xf32>,
        %get3A_2208 = vector.shape_cast %get3A_2207 : vector<1x16xf32> to vector<16xf32>
        %mul3A_2209 = arith.mulf %gather3A_2160, %get3A_2208 : vector<16xf32>
        %get3A_2210 = arith.index_cast %add3A_2182 : i32 to index
        %get3A_2211 = arith.constant 16 : index
        %get3A_2212 = tpu.vector_load %arg17[%get3A_2210, %get3A_2211] {strides = array<i32>} : memref<128x128xf32, #tpu.memory_space<vmem>>, vector<1x16xf32>,
        %get3A_2213 = vector.shape_cast %get3A_2212 : vector<1x16xf32> to vector<16xf32>
        %mul3A_2214 = arith.mulf %gather3A_2170, %get3A_2213 : vector<16xf32>
        %add3A_2215 = arith.addf %mul3A_2209, %mul3A_2214 : vector<16xf32>
        %get3A_2216 = arith.index_cast %add3A_2182 : i32 to index
        %get3A_2217 = arith.constant 16 : index
        %get3A_2218 = tpu.vector_load %arg18[%get3A_2216, %get3A_2217] {strides = array<i32>} : memref<128x128xf32, #tpu.memory_space<vmem>>, vector<1x16xf32>,
        %get3A_2219 = vector.shape_cast %get3A_2218 : vector<1x16xf32> to vector<16xf32>
        %mul3A_2220 = arith.mulf %gather3A_2180, %get3A_2219 : vector<16xf32>
        %add3A_2221 = arith.addf %add3A_2215, %mul3A_2220 : vector<16xf32>
        %swap3A_2222 = arith.index_cast %add3A_2182 : i32 to index
        %swap3A_2223 = arith.constant 16 : index
        %swap3A_2224 = tpu.vector_load %arg19[%swap3A_2222, %swap3A_2223] {strides = array<i32>} : memref<128x128xf32, #tpu.memory_space<vmem>>, vector<1x16xf32>,
        %swap3A_2225 = vector.shape_cast %swap3A_2224 : vector<1x16xf32> to vector<16xf32>
        %swap3A_2226 = vector.shape_cast %add3A_2221 : vector<16xf32> to vector<1x16xf32>
        tpu.vector_store %arg19[%swap3A_2222, %swap3A_2223], %swap3A_2226 {strides = array<i32>} : memref<128x128xf32, #tpu.memory_space<vmem>>, vector<1x16xf32>,
        %get3A_2227 = arith.index_cast %add3A_2182 : i32 to index
        %get3A_2228 = arith.constant 32 : index
        %get3A_2229 = tpu.vector_load %arg16[%get3A_2227, %get3A_2228] {strides = array<i32>} : memref<128x128xf32, #tpu.memory_space<vmem>>, vector<1x16xf32>,
        %get3A_2230 = vector.shape_cast %get3A_2229 : vector<1x16xf32> to vector<16xf32>
        %mul3A_2231 = arith.mulf %gather3A_2160, %get3A_2230 : vector<16xf32>
        %get3A_2232 = arith.index_cast %add3A_2182 : i32 to index
        %get3A_2233 = arith.constant 32 : index
        %get3A_2234 = tpu.vector_load %arg17[%get3A_2232, %get3A_2233] {strides = array<i32>} : memref<128x128xf32, #tpu.memory_space<vmem>>, vector<1x16xf32>,
        %get3A_2235 = vector.shape_cast %get3A_2234 : vector<1x16xf32> to vector<16xf32>
        %mul3A_2236 = arith.mulf %gather3A_2170, %get3A_2235 : vector<16xf32>
        %add3A_2237 = arith.addf %mul3A_2231, %mul3A_2236 : vector<16xf32>
        %get3A_2238 = arith.index_cast %add3A_2182 : i32 to index
        %get3A_2239 = arith.constant 32 : index
        %get3A_2240 = tpu.vector_load %arg18[%get3A_2238, %get3A_2239] {strides = array<i32>} : memref<128x128xf32, #tpu.memory_space<vmem>>, vector<1x16xf32>,
        %get3A_2241 = vector.shape_cast %get3A_2240 : vector<1x16xf32> to vector<16xf32>
        %mul3A_2242 = arith.mulf %gather3A_2180, %get3A_2241 : vector<16xf32>
        %add3A_2243 = arith.addf %add3A_2237, %mul3A_2242 : vector<16xf32>
        %swap3A_2244 = arith.index_cast %add3A_2182 : i32 to index
        %swap3A_2245 = arith.constant 32 : index
        %swap3A_2246 = tpu.vector_load %arg19[%swap3A_2244, %swap3A_2245] {strides = array<i32>} : memref<128x128xf32, #tpu.memory_space<vmem>>, vector<1x16xf32>,
        %swap3A_2247 = vector.shape_cast %swap3A_2246 : vector<1x16xf32> to vector<16xf32>
        %swap3A_2248 = vector.shape_cast %add3A_2243 : vector<16xf32> to vector<1x16xf32>
        tpu.vector_store %arg19[%swap3A_2244, %swap3A_2245], %swap3A_2248 {strides = array<i32>} : memref<128x128xf32, #tpu.memory_space<vmem>>, vector<1x16xf32>,
        %get3A_2249 = arith.index_cast %add3A_2182 : i32 to index
        %get3A_2250 = arith.constant 48 : index
        %get3A_2251 = tpu.vector_load %arg16[%get3A_2249, %get3A_2250] {strides = array<i32>} : memref<128x128xf32, #tpu.memory_space<vmem>>, vector<1x16xf32>,
        %get3A_2252 = vector.shape_cast %get3A_2251 : vector<1x16xf32> to vector<16xf32>
        %mul3A_2253 = arith.mulf %gather3A_2160, %get3A_2252 : vector<16xf32>
        %get3A_2254 = arith.index_cast %add3A_2182 : i32 to index
        %get3A_2255 = arith.constant 48 : index
        %get3A_2256 = tpu.vector_load %arg17[%get3A_2254, %get3A_2255] {strides = array<i32>} : memref<128x128xf32, #tpu.memory_space<vmem>>, vector<1x16xf32>,
        %get3A_2257 = vector.shape_cast %get3A_2256 : vector<1x16xf32> to vector<16xf32>
        %mul3A_2258 = arith.mulf %gather3A_2170, %get3A_2257 : vector<16xf32>
        %add3A_2259 = arith.addf %mul3A_2253, %mul3A_2258 : vector<16xf32>
        %get3A_2260 = arith.index_cast %add3A_2182 : i32 to index
        %get3A_2261 = arith.constant 48 : index
        %get3A_2262 = tpu.vector_load %arg18[%get3A_2260, %get3A_2261] {strides = array<i32>} : memref<128x128xf32, #tpu.memory_space<vmem>>, vector<1x16xf32>,
        %get3A_2263 = vector.shape_cast %get3A_2262 : vector<1x16xf32> to vector<16xf32>
        %mul3A_2264 = arith.mulf %gather3A_2180, %get3A_2263 : vector<16xf32>
        %add3A_2265 = arith.addf %add3A_2259, %mul3A_2264 : vector<16xf32>
        %swap3A_2266 = arith.index_cast %add3A_2182 : i32 to index
        %swap3A_2267 = arith.constant 48 : index
        %swap3A_2268 = tpu.vector_load %arg19[%swap3A_2266, %swap3A_2267] {strides = array<i32>} : memref<128x128xf32, #tpu.memory_space<vmem>>, vector<1x16xf32>,
        %swap3A_2269 = vector.shape_cast %swap3A_2268 : vector<1x16xf32> to vector<16xf32>
        %swap3A_2270 = vector.shape_cast %add3A_2265 : vector<16xf32> to vector<1x16xf32>
        tpu.vector_store %arg19[%swap3A_2266, %swap3A_2267], %swap3A_2270 {strides = array<i32>} : memref<128x128xf32, #tpu.memory_space<vmem>>, vector<1x16xf32>,
        %get3A_2271 = arith.index_cast %add3A_2182 : i32 to index
        %get3A_2272 = arith.constant 64 : index
        %get3A_2273 = tpu.vector_load %arg16[%get3A_2271, %get3A_2272] {strides = array<i32>} : memref<128x128xf32, #tpu.memory_space<vmem>>, vector<1x16xf32>,
        %get3A_2274 = vector.shape_cast %get3A_2273 : vector<1x16xf32> to vector<16xf32>
        %mul3A_2275 = arith.mulf %gather3A_2160, %get3A_2274 : vector<16xf32>
        %get3A_2276 = arith.index_cast %add3A_2182 : i32 to index
        %get3A_2277 = arith.constant 64 : index
        %get3A_2278 = tpu.vector_load %arg17[%get3A_2276, %get3A_2277] {strides = array<i32>} : memref<128x128xf32, #tpu.memory_space<vmem>>, vector<1x16xf32>,
        %get3A_2279 = vector.shape_cast %get3A_2278 : vector<1x16xf32> to vector<16xf32>
        %mul3A_2280 = arith.mulf %gather3A_2170, %get3A_2279 : vector<16xf32>
        %add3A_2281 = arith.addf %mul3A_2275, %mul3A_2280 : vector<16xf32>
        %get3A_2282 = arith.index_cast %add3A_2182 : i32 to index
        %get3A_2283 = arith.constant 64 : index
        %get3A_2284 = tpu.vector_load %arg18[%get3A_2282, %get3A_2283] {strides = array<i32>} : memref<128x128xf32, #tpu.memory_space<vmem>>, vector<1x16xf32>,
        %get3A_2285 = vector.shape_cast %get3A_2284 : vector<1x16xf32> to vector<16xf32>
        %mul3A_2286 = arith.mulf %gather3A_2180, %get3A_2285 : vector<16xf32>
        %add3A_2287 = arith.addf %add3A_2281, %mul3A_2286 : vector<16xf32>
        %swap3A_2288 = arith.index_cast %add3A_2182 : i32 to index
        %swap3A_2289 = arith.constant 64 : index
        %swap3A_2290 = tpu.vector_load %arg19[%swap3A_2288, %swap3A_2289] {strides = array<i32>} : memref<128x128xf32, #tpu.memory_space<vmem>>, vector<1x16xf32>,
        %swap3A_2291 = vector.shape_cast %swap3A_2290 : vector<1x16xf32> to vector<16xf32>
        %swap3A_2292 = vector.shape_cast %add3A_2287 : vector<16xf32> to vector<1x16xf32>
        tpu.vector_store %arg19[%swap3A_2288, %swap3A_2289], %swap3A_2292 {strides = array<i32>} : memref<128x128xf32, #tpu.memory_space<vmem>>, vector<1x16xf32>,
        %get3A_2293 = arith.index_cast %add3A_2182 : i32 to index
        %get3A_2294 = arith.constant 80 : index
        %get3A_2295 = tpu.vector_load %arg16[%get3A_2293, %get3A_2294] {strides = array<i32>} : memref<128x128xf32, #tpu.memory_space<vmem>>, vector<1x16xf32>,
        %get3A_2296 = vector.shape_cast %get3A_2295 : vector<1x16xf32> to vector<16xf32>
        %mul3A_2297 = arith.mulf %gather3A_2160, %get3A_2296 : vector<16xf32>
        %get3A_2298 = arith.index_cast %add3A_2182 : i32 to index
        %get3A_2299 = arith.constant 80 : index
        %get3A_2300 = tpu.vector_load %arg17[%get3A_2298, %get3A_2299] {strides = array<i32>} : memref<128x128xf32, #tpu.memory_space<vmem>>, vector<1x16xf32>,
        %get3A_2301 = vector.shape_cast %get3A_2300 : vector<1x16xf32> to vector<16xf32>
        %mul3A_2302 = arith.mulf %gather3A_2170, %get3A_2301 : vector<16xf32>
        %add3A_2303 = arith.addf %mul3A_2297, %mul3A_2302 : vector<16xf32>
        %get3A_2304 = arith.index_cast %add3A_2182 : i32 to index
        %get3A_2305 = arith.constant 80 : index
        %get3A_2306 = tpu.vector_load %arg18[%get3A_2304, %get3A_2305] {strides = array<i32>} : memref<128x128xf32, #tpu.memory_space<vmem>>, vector<1x16xf32>,
        %get3A_2307 = vector.shape_cast %get3A_2306 : vector<1x16xf32> to vector<16xf32>
        %mul3A_2308 = arith.mulf %gather3A_2180, %get3A_2307 : vector<16xf32>
        %add3A_2309 = arith.addf %add3A_2303, %mul3A_2308 : vector<16xf32>
        %swap3A_2310 = arith.index_cast %add3A_2182 : i32 to index
        %swap3A_2311 = arith.constant 80 : index
        %swap3A_2312 = tpu.vector_load %arg19[%swap3A_2310, %swap3A_2311] {strides = array<i32>} : memref<128x128xf32, #tpu.memory_space<vmem>>, vector<1x16xf32>,
        %swap3A_2313 = vector.shape_cast %swap3A_2312 : vector<1x16xf32> to vector<16xf32>
        %swap3A_2314 = vector.shape_cast %add3A_2309 : vector<16xf32> to vector<1x16xf32>
        tpu.vector_store %arg19[%swap3A_2310, %swap3A_2311], %swap3A_2314 {strides = array<i32>} : memref<128x128xf32, #tpu.memory_space<vmem>>, vector<1x16xf32>,
        %get3A_2315 = arith.index_cast %add3A_2182 : i32 to index
        %get3A_2316 = arith.constant 96 : index
        %get3A_2317 = tpu.vector_load %arg16[%get3A_2315, %get3A_2316] {strides = array<i32>} : memref<128x128xf32, #tpu.memory_space<vmem>>, vector<1x16xf32>,
        %get3A_2318 = vector.shape_cast %get3A_2317 : vector<1x16xf32> to vector<16xf32>
        %mul3A_2319 = arith.mulf %gather3A_2160, %get3A_2318 : vector<16xf32>
        %get3A_2320 = arith.index_cast %add3A_2182 : i32 to index
        %get3A_2321 = arith.constant 96 : index
        %get3A_2322 = tpu.vector_load %arg17[%get3A_2320, %get3A_2321] {strides = array<i32>} : memref<128x128xf32, #tpu.memory_space<vmem>>, vector<1x16xf32>,
        %get3A_2323 = vector.shape_cast %get3A_2322 : vector<1x16xf32> to vector<16xf32>
        %mul3A_2324 = arith.mulf %gather3A_2170, %get3A_2323 : vector<16xf32>
        %add3A_2325 = arith.addf %mul3A_2319, %mul3A_2324 : vector<16xf32>
        %get3A_2326 = arith.index_cast %add3A_2182 : i32 to index
        %get3A_2327 = arith.constant 96 : index
        %get3A_2328 = tpu.vector_load %arg18[%get3A_2326, %get3A_2327] {strides = array<i32>} : memref<128x128xf32, #tpu.memory_space<vmem>>, vector<1x16xf32>,
        %get3A_2329 = vector.shape_cast %get3A_2328 : vector<1x16xf32> to vector<16xf32>
        %mul3A_2330 = arith.mulf %gather3A_2180, %get3A_2329 : vector<16xf32>
        %add3A_2331 = arith.addf %add3A_2325, %mul3A_2330 : vector<16xf32>
        %swap3A_2332 = arith.index_cast %add3A_2182 : i32 to index
        %swap3A_2333 = arith.constant 96 : index
        %swap3A_2334 = tpu.vector_load %arg19[%swap3A_2332, %swap3A_2333] {strides = array<i32>} : memref<128x128xf32, #tpu.memory_space<vmem>>, vector<1x16xf32>,
        %swap3A_2335 = vector.shape_cast %swap3A_2334 : vector<1x16xf32> to vector<16xf32>
        %swap3A_2336 = vector.shape_cast %add3A_2331 : vector<16xf32> to vector<1x16xf32>
        tpu.vector_store %arg19[%swap3A_2332, %swap3A_2333], %swap3A_2336 {strides = array<i32>} : memref<128x128xf32, #tpu.memory_space<vmem>>, vector<1x16xf32>,
        %get3A_2337 = arith.index_cast %add3A_2182 : i32 to index
        %get3A_2338 = arith.constant 112 : index
        %get3A_2339 = tpu.vector_load %arg16[%get3A_2337, %get3A_2338] {strides = array<i32>} : memref<128x128xf32, #tpu.memory_space<vmem>>, vector<1x16xf32>,
        %get3A_2340 = vector.shape_cast %get3A_2339 : vector<1x16xf32> to vector<16xf32>
        %mul3A_2341 = arith.mulf %gather3A_2160, %get3A_2340 : vector<16xf32>
        %get3A_2342 = arith.index_cast %add3A_2182 : i32 to index
        %get3A_2343 = arith.constant 112 : index
        %get3A_2344 = tpu.vector_load %arg17[%get3A_2342, %get3A_2343] {strides = array<i32>} : memref<128x128xf32, #tpu.memory_space<vmem>>, vector<1x16xf32>,
        %get3A_2345 = vector.shape_cast %get3A_2344 : vector<1x16xf32> to vector<16xf32>
        %mul3A_2346 = arith.mulf %gather3A_2170, %get3A_2345 : vector<16xf32>
        %add3A_2347 = arith.addf %mul3A_2341, %mul3A_2346 : vector<16xf32>
        %get3A_2348 = arith.index_cast %add3A_2182 : i32 to index
        %get3A_2349 = arith.constant 112 : index
        %get3A_2350 = tpu.vector_load %arg18[%get3A_2348, %get3A_2349] {strides = array<i32>} : memref<128x128xf32, #tpu.memory_space<vmem>>, vector<1x16xf32>,
        %get3A_2351 = vector.shape_cast %get3A_2350 : vector<1x16xf32> to vector<16xf32>
        %mul3A_2352 = arith.mulf %gather3A_2180, %get3A_2351 : vector<16xf32>
        %add3A_2353 = arith.addf %add3A_2347, %mul3A_2352 : vector<16xf32>
        %swap3A_2354 = arith.index_cast %add3A_2182 : i32 to index
        %swap3A_2355 = arith.constant 112 : index
        %swap3A_2356 = tpu.vector_load %arg19[%swap3A_2354, %swap3A_2355] {strides = array<i32>} : memref<128x128xf32, #tpu.memory_space<vmem>>, vector<1x16xf32>,
        %swap3A_2357 = vector.shape_cast %swap3A_2356 : vector<1x16xf32> to vector<16xf32>
        %swap3A_2358 = vector.shape_cast %add3A_2353 : vector<16xf32> to vector<1x16xf32>
        tpu.vector_store %arg19[%swap3A_2354, %swap3A_2355], %swap3A_2358 {strides = array<i32>} : memref<128x128xf32, #tpu.memory_space<vmem>>, vector<1x16xf32>,
        %broadcast_in_dim3A_2359 = arith.constant 11 : i32
        %broadcast_in_dim3A_2360 = vector.broadcast %broadcast_in_dim3A_2359 : i32 to vector<16xi32>
        %lt3A_2361 = arith.constant 0 : i32
        %lt3A_2362 = vector.broadcast %lt3A_2361 : i32 to vector<16xi32>
        %lt3A_2363 = arith.cmpi slt, %broadcast_in_dim3A_2360, %lt3A_2362 : vector<16xi32>
        %add3A_2364 = arith.constant 16 : i32
        %add3A_2365 = vector.broadcast %add3A_2364 : i32 to vector<16xi32>
        %add3A_2366 = arith.addi %broadcast_in_dim3A_2360, %add3A_2365 : vector<16xi32>
        %select_n3A_2367 = arith.select %lt3A_2363, %add3A_2366, %broadcast_in_dim3A_2360 : vector<16xi1>, vector<16xi32>
        %broadcast_in_dim3A_2368 = vector.shape_cast %select_n3A_2367 : vector<16xi32> to vector<16x1xi32>
        %gather3A_2369 = vector.shape_cast %broadcast_in_dim3A_2368 : vector<16x1xi32> to vector<16xi32>
        %gather3A_2370 = tpu.dynamic_gather %get3A_45[%gather3A_2369] in [0] : vector<16xf32>, vector<16xi32> -> vector<16xf32>
        %lt3A_2371 = arith.constant 0 : i32
        %lt3A_2372 = vector.broadcast %lt3A_2371 : i32 to vector<16xi32>
        %lt3A_2373 = arith.cmpi slt, %broadcast_in_dim3A_2360, %lt3A_2372 : vector<16xi32>
        %add3A_2374 = arith.constant 16 : i32
        %add3A_2375 = vector.broadcast %add3A_2374 : i32 to vector<16xi32>
        %add3A_2376 = arith.addi %broadcast_in_dim3A_2360, %add3A_2375 : vector<16xi32>
        %select_n3A_2377 = arith.select %lt3A_2373, %add3A_2376, %broadcast_in_dim3A_2360 : vector<16xi1>, vector<16xi32>
        %broadcast_in_dim3A_2378 = vector.shape_cast %select_n3A_2377 : vector<16xi32> to vector<16x1xi32>
        %gather3A_2379 = vector.shape_cast %broadcast_in_dim3A_2378 : vector<16x1xi32> to vector<16xi32>
        %gather3A_2380 = tpu.dynamic_gather %get3A_49[%gather3A_2379] in [0] : vector<16xf32>, vector<16xi32> -> vector<16xf32>
        %lt3A_2381 = arith.constant 0 : i32
        %lt3A_2382 = vector.broadcast %lt3A_2381 : i32 to vector<16xi32>
        %lt3A_2383 = arith.cmpi slt, %broadcast_in_dim3A_2360, %lt3A_2382 : vector<16xi32>
        %add3A_2384 = arith.constant 16 : i32
        %add3A_2385 = vector.broadcast %add3A_2384 : i32 to vector<16xi32>
        %add3A_2386 = arith.addi %broadcast_in_dim3A_2360, %add3A_2385 : vector<16xi32>
        %select_n3A_2387 = arith.select %lt3A_2383, %add3A_2386, %broadcast_in_dim3A_2360 : vector<16xi1>, vector<16xi32>
        %broadcast_in_dim3A_2388 = vector.shape_cast %select_n3A_2387 : vector<16xi32> to vector<16x1xi32>
        %gather3A_2389 = vector.shape_cast %broadcast_in_dim3A_2388 : vector<16x1xi32> to vector<16xi32>
        %gather3A_2390 = tpu.dynamic_gather %get3A_53[%gather3A_2389] in [0] : vector<16xf32>, vector<16xi32> -> vector<16xf32>
        %add3A_2391 = arith.constant 11 : i32
        %add3A_2392 = arith.addi %mul3A_42, %add3A_2391 : i32
        %get3A_2393 = arith.index_cast %add3A_2392 : i32 to index
        %get3A_2394 = arith.constant 0 : index
        %get3A_2395 = tpu.vector_load %arg16[%get3A_2393, %get3A_2394] {strides = array<i32>} : memref<128x128xf32, #tpu.memory_space<vmem>>, vector<1x16xf32>,
        %get3A_2396 = vector.shape_cast %get3A_2395 : vector<1x16xf32> to vector<16xf32>
        %mul3A_2397 = arith.mulf %gather3A_2370, %get3A_2396 : vector<16xf32>
        %get3A_2398 = arith.index_cast %add3A_2392 : i32 to index
        %get3A_2399 = arith.constant 0 : index
        %get3A_2400 = tpu.vector_load %arg17[%get3A_2398, %get3A_2399] {strides = array<i32>} : memref<128x128xf32, #tpu.memory_space<vmem>>, vector<1x16xf32>,
        %get3A_2401 = vector.shape_cast %get3A_2400 : vector<1x16xf32> to vector<16xf32>
        %mul3A_2402 = arith.mulf %gather3A_2380, %get3A_2401 : vector<16xf32>
        %add3A_2403 = arith.addf %mul3A_2397, %mul3A_2402 : vector<16xf32>
        %get3A_2404 = arith.index_cast %add3A_2392 : i32 to index
        %get3A_2405 = arith.constant 0 : index
        %get3A_2406 = tpu.vector_load %arg18[%get3A_2404, %get3A_2405] {strides = array<i32>} : memref<128x128xf32, #tpu.memory_space<vmem>>, vector<1x16xf32>,
        %get3A_2407 = vector.shape_cast %get3A_2406 : vector<1x16xf32> to vector<16xf32>
        %mul3A_2408 = arith.mulf %gather3A_2390, %get3A_2407 : vector<16xf32>
        %add3A_2409 = arith.addf %add3A_2403, %mul3A_2408 : vector<16xf32>
        %swap3A_2410 = arith.index_cast %add3A_2392 : i32 to index
        %swap3A_2411 = arith.constant 0 : index
        %swap3A_2412 = tpu.vector_load %arg19[%swap3A_2410, %swap3A_2411] {strides = array<i32>} : memref<128x128xf32, #tpu.memory_space<vmem>>, vector<1x16xf32>,
        %swap3A_2413 = vector.shape_cast %swap3A_2412 : vector<1x16xf32> to vector<16xf32>
        %swap3A_2414 = vector.shape_cast %add3A_2409 : vector<16xf32> to vector<1x16xf32>
        tpu.vector_store %arg19[%swap3A_2410, %swap3A_2411], %swap3A_2414 {strides = array<i32>} : memref<128x128xf32, #tpu.memory_space<vmem>>, vector<1x16xf32>,
        %get3A_2415 = arith.index_cast %add3A_2392 : i32 to index
        %get3A_2416 = arith.constant 16 : index
        %get3A_2417 = tpu.vector_load %arg16[%get3A_2415, %get3A_2416] {strides = array<i32>} : memref<128x128xf32, #tpu.memory_space<vmem>>, vector<1x16xf32>,
        %get3A_2418 = vector.shape_cast %get3A_2417 : vector<1x16xf32> to vector<16xf32>
        %mul3A_2419 = arith.mulf %gather3A_2370, %get3A_2418 : vector<16xf32>
        %get3A_2420 = arith.index_cast %add3A_2392 : i32 to index
        %get3A_2421 = arith.constant 16 : index
        %get3A_2422 = tpu.vector_load %arg17[%get3A_2420, %get3A_2421] {strides = array<i32>} : memref<128x128xf32, #tpu.memory_space<vmem>>, vector<1x16xf32>,
        %get3A_2423 = vector.shape_cast %get3A_2422 : vector<1x16xf32> to vector<16xf32>
        %mul3A_2424 = arith.mulf %gather3A_2380, %get3A_2423 : vector<16xf32>
        %add3A_2425 = arith.addf %mul3A_2419, %mul3A_2424 : vector<16xf32>
        %get3A_2426 = arith.index_cast %add3A_2392 : i32 to index
        %get3A_2427 = arith.constant 16 : index
        %get3A_2428 = tpu.vector_load %arg18[%get3A_2426, %get3A_2427] {strides = array<i32>} : memref<128x128xf32, #tpu.memory_space<vmem>>, vector<1x16xf32>,
        %get3A_2429 = vector.shape_cast %get3A_2428 : vector<1x16xf32> to vector<16xf32>
        %mul3A_2430 = arith.mulf %gather3A_2390, %get3A_2429 : vector<16xf32>
        %add3A_2431 = arith.addf %add3A_2425, %mul3A_2430 : vector<16xf32>
        %swap3A_2432 = arith.index_cast %add3A_2392 : i32 to index
        %swap3A_2433 = arith.constant 16 : index
        %swap3A_2434 = tpu.vector_load %arg19[%swap3A_2432, %swap3A_2433] {strides = array<i32>} : memref<128x128xf32, #tpu.memory_space<vmem>>, vector<1x16xf32>,
        %swap3A_2435 = vector.shape_cast %swap3A_2434 : vector<1x16xf32> to vector<16xf32>
        %swap3A_2436 = vector.shape_cast %add3A_2431 : vector<16xf32> to vector<1x16xf32>
        tpu.vector_store %arg19[%swap3A_2432, %swap3A_2433], %swap3A_2436 {strides = array<i32>} : memref<128x128xf32, #tpu.memory_space<vmem>>, vector<1x16xf32>,
        %get3A_2437 = arith.index_cast %add3A_2392 : i32 to index
        %get3A_2438 = arith.constant 32 : index
        %get3A_2439 = tpu.vector_load %arg16[%get3A_2437, %get3A_2438] {strides = array<i32>} : memref<128x128xf32, #tpu.memory_space<vmem>>, vector<1x16xf32>,
        %get3A_2440 = vector.shape_cast %get3A_2439 : vector<1x16xf32> to vector<16xf32>
        %mul3A_2441 = arith.mulf %gather3A_2370, %get3A_2440 : vector<16xf32>
        %get3A_2442 = arith.index_cast %add3A_2392 : i32 to index
        %get3A_2443 = arith.constant 32 : index
        %get3A_2444 = tpu.vector_load %arg17[%get3A_2442, %get3A_2443] {strides = array<i32>} : memref<128x128xf32, #tpu.memory_space<vmem>>, vector<1x16xf32>,
        %get3A_2445 = vector.shape_cast %get3A_2444 : vector<1x16xf32> to vector<16xf32>
        %mul3A_2446 = arith.mulf %gather3A_2380, %get3A_2445 : vector<16xf32>
        %add3A_2447 = arith.addf %mul3A_2441, %mul3A_2446 : vector<16xf32>
        %get3A_2448 = arith.index_cast %add3A_2392 : i32 to index
        %get3A_2449 = arith.constant 32 : index
        %get3A_2450 = tpu.vector_load %arg18[%get3A_2448, %get3A_2449] {strides = array<i32>} : memref<128x128xf32, #tpu.memory_space<vmem>>, vector<1x16xf32>,
        %get3A_2451 = vector.shape_cast %get3A_2450 : vector<1x16xf32> to vector<16xf32>
        %mul3A_2452 = arith.mulf %gather3A_2390, %get3A_2451 : vector<16xf32>
        %add3A_2453 = arith.addf %add3A_2447, %mul3A_2452 : vector<16xf32>
        %swap3A_2454 = arith.index_cast %add3A_2392 : i32 to index
        %swap3A_2455 = arith.constant 32 : index
        %swap3A_2456 = tpu.vector_load %arg19[%swap3A_2454, %swap3A_2455] {strides = array<i32>} : memref<128x128xf32, #tpu.memory_space<vmem>>, vector<1x16xf32>,
        %swap3A_2457 = vector.shape_cast %swap3A_2456 : vector<1x16xf32> to vector<16xf32>
        %swap3A_2458 = vector.shape_cast %add3A_2453 : vector<16xf32> to vector<1x16xf32>
        tpu.vector_store %arg19[%swap3A_2454, %swap3A_2455], %swap3A_2458 {strides = array<i32>} : memref<128x128xf32, #tpu.memory_space<vmem>>, vector<1x16xf32>,
        %get3A_2459 = arith.index_cast %add3A_2392 : i32 to index
        %get3A_2460 = arith.constant 48 : index
        %get3A_2461 = tpu.vector_load %arg16[%get3A_2459, %get3A_2460] {strides = array<i32>} : memref<128x128xf32, #tpu.memory_space<vmem>>, vector<1x16xf32>,
        %get3A_2462 = vector.shape_cast %get3A_2461 : vector<1x16xf32> to vector<16xf32>
        %mul3A_2463 = arith.mulf %gather3A_2370, %get3A_2462 : vector<16xf32>
        %get3A_2464 = arith.index_cast %add3A_2392 : i32 to index
        %get3A_2465 = arith.constant 48 : index
        %get3A_2466 = tpu.vector_load %arg17[%get3A_2464, %get3A_2465] {strides = array<i32>} : memref<128x128xf32, #tpu.memory_space<vmem>>, vector<1x16xf32>,
        %get3A_2467 = vector.shape_cast %get3A_2466 : vector<1x16xf32> to vector<16xf32>
        %mul3A_2468 = arith.mulf %gather3A_2380, %get3A_2467 : vector<16xf32>
        %add3A_2469 = arith.addf %mul3A_2463, %mul3A_2468 : vector<16xf32>
        %get3A_2470 = arith.index_cast %add3A_2392 : i32 to index
        %get3A_2471 = arith.constant 48 : index
        %get3A_2472 = tpu.vector_load %arg18[%get3A_2470, %get3A_2471] {strides = array<i32>} : memref<128x128xf32, #tpu.memory_space<vmem>>, vector<1x16xf32>,
        %get3A_2473 = vector.shape_cast %get3A_2472 : vector<1x16xf32> to vector<16xf32>
        %mul3A_2474 = arith.mulf %gather3A_2390, %get3A_2473 : vector<16xf32>
        %add3A_2475 = arith.addf %add3A_2469, %mul3A_2474 : vector<16xf32>
        %swap3A_2476 = arith.index_cast %add3A_2392 : i32 to index
        %swap3A_2477 = arith.constant 48 : index
        %swap3A_2478 = tpu.vector_load %arg19[%swap3A_2476, %swap3A_2477] {strides = array<i32>} : memref<128x128xf32, #tpu.memory_space<vmem>>, vector<1x16xf32>,
        %swap3A_2479 = vector.shape_cast %swap3A_2478 : vector<1x16xf32> to vector<16xf32>
        %swap3A_2480 = vector.shape_cast %add3A_2475 : vector<16xf32> to vector<1x16xf32>
        tpu.vector_store %arg19[%swap3A_2476, %swap3A_2477], %swap3A_2480 {strides = array<i32>} : memref<128x128xf32, #tpu.memory_space<vmem>>, vector<1x16xf32>,
        %get3A_2481 = arith.index_cast %add3A_2392 : i32 to index
        %get3A_2482 = arith.constant 64 : index
        %get3A_2483 = tpu.vector_load %arg16[%get3A_2481, %get3A_2482] {strides = array<i32>} : memref<128x128xf32, #tpu.memory_space<vmem>>, vector<1x16xf32>,
        %get3A_2484 = vector.shape_cast %get3A_2483 : vector<1x16xf32> to vector<16xf32>
        %mul3A_2485 = arith.mulf %gather3A_2370, %get3A_2484 : vector<16xf32>
        %get3A_2486 = arith.index_cast %add3A_2392 : i32 to index
        %get3A_2487 = arith.constant 64 : index
        %get3A_2488 = tpu.vector_load %arg17[%get3A_2486, %get3A_2487] {strides = array<i32>} : memref<128x128xf32, #tpu.memory_space<vmem>>, vector<1x16xf32>,
        %get3A_2489 = vector.shape_cast %get3A_2488 : vector<1x16xf32> to vector<16xf32>
        %mul3A_2490 = arith.mulf %gather3A_2380, %get3A_2489 : vector<16xf32>
        %add3A_2491 = arith.addf %mul3A_2485, %mul3A_2490 : vector<16xf32>
        %get3A_2492 = arith.index_cast %add3A_2392 : i32 to index
        %get3A_2493 = arith.constant 64 : index
        %get3A_2494 = tpu.vector_load %arg18[%get3A_2492, %get3A_2493] {strides = array<i32>} : memref<128x128xf32, #tpu.memory_space<vmem>>, vector<1x16xf32>,
        %get3A_2495 = vector.shape_cast %get3A_2494 : vector<1x16xf32> to vector<16xf32>
        %mul3A_2496 = arith.mulf %gather3A_2390, %get3A_2495 : vector<16xf32>
        %add3A_2497 = arith.addf %add3A_2491, %mul3A_2496 : vector<16xf32>
        %swap3A_2498 = arith.index_cast %add3A_2392 : i32 to index
        %swap3A_2499 = arith.constant 64 : index
        %swap3A_2500 = tpu.vector_load %arg19[%swap3A_2498, %swap3A_2499] {strides = array<i32>} : memref<128x128xf32, #tpu.memory_space<vmem>>, vector<1x16xf32>,
        %swap3A_2501 = vector.shape_cast %swap3A_2500 : vector<1x16xf32> to vector<16xf32>
        %swap3A_2502 = vector.shape_cast %add3A_2497 : vector<16xf32> to vector<1x16xf32>
        tpu.vector_store %arg19[%swap3A_2498, %swap3A_2499], %swap3A_2502 {strides = array<i32>} : memref<128x128xf32, #tpu.memory_space<vmem>>, vector<1x16xf32>,
        %get3A_2503 = arith.index_cast %add3A_2392 : i32 to index
        %get3A_2504 = arith.constant 80 : index
        %get3A_2505 = tpu.vector_load %arg16[%get3A_2503, %get3A_2504] {strides = array<i32>} : memref<128x128xf32, #tpu.memory_space<vmem>>, vector<1x16xf32>,
        %get3A_2506 = vector.shape_cast %get3A_2505 : vector<1x16xf32> to vector<16xf32>
        %mul3A_2507 = arith.mulf %gather3A_2370, %get3A_2506 : vector<16xf32>
        %get3A_2508 = arith.index_cast %add3A_2392 : i32 to index
        %get3A_2509 = arith.constant 80 : index
        %get3A_2510 = tpu.vector_load %arg17[%get3A_2508, %get3A_2509] {strides = array<i32>} : memref<128x128xf32, #tpu.memory_space<vmem>>, vector<1x16xf32>,
        %get3A_2511 = vector.shape_cast %get3A_2510 : vector<1x16xf32> to vector<16xf32>
        %mul3A_2512 = arith.mulf %gather3A_2380, %get3A_2511 : vector<16xf32>
        %add3A_2513 = arith.addf %mul3A_2507, %mul3A_2512 : vector<16xf32>
        %get3A_2514 = arith.index_cast %add3A_2392 : i32 to index
        %get3A_2515 = arith.constant 80 : index
        %get3A_2516 = tpu.vector_load %arg18[%get3A_2514, %get3A_2515] {strides = array<i32>} : memref<128x128xf32, #tpu.memory_space<vmem>>, vector<1x16xf32>,
        %get3A_2517 = vector.shape_cast %get3A_2516 : vector<1x16xf32> to vector<16xf32>
        %mul3A_2518 = arith.mulf %gather3A_2390, %get3A_2517 : vector<16xf32>
        %add3A_2519 = arith.addf %add3A_2513, %mul3A_2518 : vector<16xf32>
        %swap3A_2520 = arith.index_cast %add3A_2392 : i32 to index
        %swap3A_2521 = arith.constant 80 : index
        %swap3A_2522 = tpu.vector_load %arg19[%swap3A_2520, %swap3A_2521] {strides = array<i32>} : memref<128x128xf32, #tpu.memory_space<vmem>>, vector<1x16xf32>,
        %swap3A_2523 = vector.shape_cast %swap3A_2522 : vector<1x16xf32> to vector<16xf32>
        %swap3A_2524 = vector.shape_cast %add3A_2519 : vector<16xf32> to vector<1x16xf32>
        tpu.vector_store %arg19[%swap3A_2520, %swap3A_2521], %swap3A_2524 {strides = array<i32>} : memref<128x128xf32, #tpu.memory_space<vmem>>, vector<1x16xf32>,
        %get3A_2525 = arith.index_cast %add3A_2392 : i32 to index
        %get3A_2526 = arith.constant 96 : index
        %get3A_2527 = tpu.vector_load %arg16[%get3A_2525, %get3A_2526] {strides = array<i32>} : memref<128x128xf32, #tpu.memory_space<vmem>>, vector<1x16xf32>,
        %get3A_2528 = vector.shape_cast %get3A_2527 : vector<1x16xf32> to vector<16xf32>
        %mul3A_2529 = arith.mulf %gather3A_2370, %get3A_2528 : vector<16xf32>
        %get3A_2530 = arith.index_cast %add3A_2392 : i32 to index
        %get3A_2531 = arith.constant 96 : index
        %get3A_2532 = tpu.vector_load %arg17[%get3A_2530, %get3A_2531] {strides = array<i32>} : memref<128x128xf32, #tpu.memory_space<vmem>>, vector<1x16xf32>,
        %get3A_2533 = vector.shape_cast %get3A_2532 : vector<1x16xf32> to vector<16xf32>
        %mul3A_2534 = arith.mulf %gather3A_2380, %get3A_2533 : vector<16xf32>
        %add3A_2535 = arith.addf %mul3A_2529, %mul3A_2534 : vector<16xf32>
        %get3A_2536 = arith.index_cast %add3A_2392 : i32 to index
        %get3A_2537 = arith.constant 96 : index
        %get3A_2538 = tpu.vector_load %arg18[%get3A_2536, %get3A_2537] {strides = array<i32>} : memref<128x128xf32, #tpu.memory_space<vmem>>, vector<1x16xf32>,
        %get3A_2539 = vector.shape_cast %get3A_2538 : vector<1x16xf32> to vector<16xf32>
        %mul3A_2540 = arith.mulf %gather3A_2390, %get3A_2539 : vector<16xf32>
        %add3A_2541 = arith.addf %add3A_2535, %mul3A_2540 : vector<16xf32>
        %swap3A_2542 = arith.index_cast %add3A_2392 : i32 to index
        %swap3A_2543 = arith.constant 96 : index
        %swap3A_2544 = tpu.vector_load %arg19[%swap3A_2542, %swap3A_2543] {strides = array<i32>} : memref<128x128xf32, #tpu.memory_space<vmem>>, vector<1x16xf32>,
        %swap3A_2545 = vector.shape_cast %swap3A_2544 : vector<1x16xf32> to vector<16xf32>
        %swap3A_2546 = vector.shape_cast %add3A_2541 : vector<16xf32> to vector<1x16xf32>
        tpu.vector_store %arg19[%swap3A_2542, %swap3A_2543], %swap3A_2546 {strides = array<i32>} : memref<128x128xf32, #tpu.memory_space<vmem>>, vector<1x16xf32>,
        %get3A_2547 = arith.index_cast %add3A_2392 : i32 to index
        %get3A_2548 = arith.constant 112 : index
        %get3A_2549 = tpu.vector_load %arg16[%get3A_2547, %get3A_2548] {strides = array<i32>} : memref<128x128xf32, #tpu.memory_space<vmem>>, vector<1x16xf32>,
        %get3A_2550 = vector.shape_cast %get3A_2549 : vector<1x16xf32> to vector<16xf32>
        %mul3A_2551 = arith.mulf %gather3A_2370, %get3A_2550 : vector<16xf32>
        %get3A_2552 = arith.index_cast %add3A_2392 : i32 to index
        %get3A_2553 = arith.constant 112 : index
        %get3A_2554 = tpu.vector_load %arg17[%get3A_2552, %get3A_2553] {strides = array<i32>} : memref<128x128xf32, #tpu.memory_space<vmem>>, vector<1x16xf32>,
        %get3A_2555 = vector.shape_cast %get3A_2554 : vector<1x16xf32> to vector<16xf32>
        %mul3A_2556 = arith.mulf %gather3A_2380, %get3A_2555 : vector<16xf32>
        %add3A_2557 = arith.addf %mul3A_2551, %mul3A_2556 : vector<16xf32>
        %get3A_2558 = arith.index_cast %add3A_2392 : i32 to index
        %get3A_2559 = arith.constant 112 : index
        %get3A_2560 = tpu.vector_load %arg18[%get3A_2558, %get3A_2559] {strides = array<i32>} : memref<128x128xf32, #tpu.memory_space<vmem>>, vector<1x16xf32>,
        %get3A_2561 = vector.shape_cast %get3A_2560 : vector<1x16xf32> to vector<16xf32>
        %mul3A_2562 = arith.mulf %gather3A_2390, %get3A_2561 : vector<16xf32>
        %add3A_2563 = arith.addf %add3A_2557, %mul3A_2562 : vector<16xf32>
        %swap3A_2564 = arith.index_cast %add3A_2392 : i32 to index
        %swap3A_2565 = arith.constant 112 : index
        %swap3A_2566 = tpu.vector_load %arg19[%swap3A_2564, %swap3A_2565] {strides = array<i32>} : memref<128x128xf32, #tpu.memory_space<vmem>>, vector<1x16xf32>,
        %swap3A_2567 = vector.shape_cast %swap3A_2566 : vector<1x16xf32> to vector<16xf32>
        %swap3A_2568 = vector.shape_cast %add3A_2563 : vector<16xf32> to vector<1x16xf32>
        tpu.vector_store %arg19[%swap3A_2564, %swap3A_2565], %swap3A_2568 {strides = array<i32>} : memref<128x128xf32, #tpu.memory_space<vmem>>, vector<1x16xf32>,
        %broadcast_in_dim3A_2569 = arith.constant 12 : i32
        %broadcast_in_dim3A_2570 = vector.broadcast %broadcast_in_dim3A_2569 : i32 to vector<16xi32>
        %lt3A_2571 = arith.constant 0 : i32
        %lt3A_2572 = vector.broadcast %lt3A_2571 : i32 to vector<16xi32>
        %lt3A_2573 = arith.cmpi slt, %broadcast_in_dim3A_2570, %lt3A_2572 : vector<16xi32>
        %add3A_2574 = arith.constant 16 : i32
        %add3A_2575 = vector.broadcast %add3A_2574 : i32 to vector<16xi32>
        %add3A_2576 = arith.addi %broadcast_in_dim3A_2570, %add3A_2575 : vector<16xi32>
        %select_n3A_2577 = arith.select %lt3A_2573, %add3A_2576, %broadcast_in_dim3A_2570 : vector<16xi1>, vector<16xi32>
        %broadcast_in_dim3A_2578 = vector.shape_cast %select_n3A_2577 : vector<16xi32> to vector<16x1xi32>
        %gather3A_2579 = vector.shape_cast %broadcast_in_dim3A_2578 : vector<16x1xi32> to vector<16xi32>
        %gather3A_2580 = tpu.dynamic_gather %get3A_45[%gather3A_2579] in [0] : vector<16xf32>, vector<16xi32> -> vector<16xf32>
        %lt3A_2581 = arith.constant 0 : i32
        %lt3A_2582 = vector.broadcast %lt3A_2581 : i32 to vector<16xi32>
        %lt3A_2583 = arith.cmpi slt, %broadcast_in_dim3A_2570, %lt3A_2582 : vector<16xi32>
        %add3A_2584 = arith.constant 16 : i32
        %add3A_2585 = vector.broadcast %add3A_2584 : i32 to vector<16xi32>
        %add3A_2586 = arith.addi %broadcast_in_dim3A_2570, %add3A_2585 : vector<16xi32>
        %select_n3A_2587 = arith.select %lt3A_2583, %add3A_2586, %broadcast_in_dim3A_2570 : vector<16xi1>, vector<16xi32>
        %broadcast_in_dim3A_2588 = vector.shape_cast %select_n3A_2587 : vector<16xi32> to vector<16x1xi32>
        %gather3A_2589 = vector.shape_cast %broadcast_in_dim3A_2588 : vector<16x1xi32> to vector<16xi32>
        %gather3A_2590 = tpu.dynamic_gather %get3A_49[%gather3A_2589] in [0] : vector<16xf32>, vector<16xi32> -> vector<16xf32>
        %lt3A_2591 = arith.constant 0 : i32
        %lt3A_2592 = vector.broadcast %lt3A_2591 : i32 to vector<16xi32>
        %lt3A_2593 = arith.cmpi slt, %broadcast_in_dim3A_2570, %lt3A_2592 : vector<16xi32>
        %add3A_2594 = arith.constant 16 : i32
        %add3A_2595 = vector.broadcast %add3A_2594 : i32 to vector<16xi32>
        %add3A_2596 = arith.addi %broadcast_in_dim3A_2570, %add3A_2595 : vector<16xi32>
        %select_n3A_2597 = arith.select %lt3A_2593, %add3A_2596, %broadcast_in_dim3A_2570 : vector<16xi1>, vector<16xi32>
        %broadcast_in_dim3A_2598 = vector.shape_cast %select_n3A_2597 : vector<16xi32> to vector<16x1xi32>
        %gather3A_2599 = vector.shape_cast %broadcast_in_dim3A_2598 : vector<16x1xi32> to vector<16xi32>
        %gather3A_2600 = tpu.dynamic_gather %get3A_53[%gather3A_2599] in [0] : vector<16xf32>, vector<16xi32> -> vector<16xf32>
        %add3A_2601 = arith.constant 12 : i32
        %add3A_2602 = arith.addi %mul3A_42, %add3A_2601 : i32
        %get3A_2603 = arith.index_cast %add3A_2602 : i32 to index
        %get3A_2604 = arith.constant 0 : index
        %get3A_2605 = tpu.vector_load %arg16[%get3A_2603, %get3A_2604] {strides = array<i32>} : memref<128x128xf32, #tpu.memory_space<vmem>>, vector<1x16xf32>,
        %get3A_2606 = vector.shape_cast %get3A_2605 : vector<1x16xf32> to vector<16xf32>
        %mul3A_2607 = arith.mulf %gather3A_2580, %get3A_2606 : vector<16xf32>
        %get3A_2608 = arith.index_cast %add3A_2602 : i32 to index
        %get3A_2609 = arith.constant 0 : index
        %get3A_2610 = tpu.vector_load %arg17[%get3A_2608, %get3A_2609] {strides = array<i32>} : memref<128x128xf32, #tpu.memory_space<vmem>>, vector<1x16xf32>,
        %get3A_2611 = vector.shape_cast %get3A_2610 : vector<1x16xf32> to vector<16xf32>
        %mul3A_2612 = arith.mulf %gather3A_2590, %get3A_2611 : vector<16xf32>
        %add3A_2613 = arith.addf %mul3A_2607, %mul3A_2612 : vector<16xf32>
        %get3A_2614 = arith.index_cast %add3A_2602 : i32 to index
        %get3A_2615 = arith.constant 0 : index
        %get3A_2616 = tpu.vector_load %arg18[%get3A_2614, %get3A_2615] {strides = array<i32>} : memref<128x128xf32, #tpu.memory_space<vmem>>, vector<1x16xf32>,
        %get3A_2617 = vector.shape_cast %get3A_2616 : vector<1x16xf32> to vector<16xf32>
        %mul3A_2618 = arith.mulf %gather3A_2600, %get3A_2617 : vector<16xf32>
        %add3A_2619 = arith.addf %add3A_2613, %mul3A_2618 : vector<16xf32>
        %swap3A_2620 = arith.index_cast %add3A_2602 : i32 to index
        %swap3A_2621 = arith.constant 0 : index
        %swap3A_2622 = tpu.vector_load %arg19[%swap3A_2620, %swap3A_2621] {strides = array<i32>} : memref<128x128xf32, #tpu.memory_space<vmem>>, vector<1x16xf32>,
        %swap3A_2623 = vector.shape_cast %swap3A_2622 : vector<1x16xf32> to vector<16xf32>
        %swap3A_2624 = vector.shape_cast %add3A_2619 : vector<16xf32> to vector<1x16xf32>
        tpu.vector_store %arg19[%swap3A_2620, %swap3A_2621], %swap3A_2624 {strides = array<i32>} : memref<128x128xf32, #tpu.memory_space<vmem>>, vector<1x16xf32>,
        %get3A_2625 = arith.index_cast %add3A_2602 : i32 to index
        %get3A_2626 = arith.constant 16 : index
        %get3A_2627 = tpu.vector_load %arg16[%get3A_2625, %get3A_2626] {strides = array<i32>} : memref<128x128xf32, #tpu.memory_space<vmem>>, vector<1x16xf32>,
        %get3A_2628 = vector.shape_cast %get3A_2627 : vector<1x16xf32> to vector<16xf32>
        %mul3A_2629 = arith.mulf %gather3A_2580, %get3A_2628 : vector<16xf32>
        %get3A_2630 = arith.index_cast %add3A_2602 : i32 to index
        %get3A_2631 = arith.constant 16 : index
        %get3A_2632 = tpu.vector_load %arg17[%get3A_2630, %get3A_2631] {strides = array<i32>} : memref<128x128xf32, #tpu.memory_space<vmem>>, vector<1x16xf32>,
        %get3A_2633 = vector.shape_cast %get3A_2632 : vector<1x16xf32> to vector<16xf32>
        %mul3A_2634 = arith.mulf %gather3A_2590, %get3A_2633 : vector<16xf32>
        %add3A_2635 = arith.addf %mul3A_2629, %mul3A_2634 : vector<16xf32>
        %get3A_2636 = arith.index_cast %add3A_2602 : i32 to index
        %get3A_2637 = arith.constant 16 : index
        %get3A_2638 = tpu.vector_load %arg18[%get3A_2636, %get3A_2637] {strides = array<i32>} : memref<128x128xf32, #tpu.memory_space<vmem>>, vector<1x16xf32>,
        %get3A_2639 = vector.shape_cast %get3A_2638 : vector<1x16xf32> to vector<16xf32>
        %mul3A_2640 = arith.mulf %gather3A_2600, %get3A_2639 : vector<16xf32>
        %add3A_2641 = arith.addf %add3A_2635, %mul3A_2640 : vector<16xf32>
        %swap3A_2642 = arith.index_cast %add3A_2602 : i32 to index
        %swap3A_2643 = arith.constant 16 : index
        %swap3A_2644 = tpu.vector_load %arg19[%swap3A_2642, %swap3A_2643] {strides = array<i32>} : memref<128x128xf32, #tpu.memory_space<vmem>>, vector<1x16xf32>,
        %swap3A_2645 = vector.shape_cast %swap3A_2644 : vector<1x16xf32> to vector<16xf32>
        %swap3A_2646 = vector.shape_cast %add3A_2641 : vector<16xf32> to vector<1x16xf32>
        tpu.vector_store %arg19[%swap3A_2642, %swap3A_2643], %swap3A_2646 {strides = array<i32>} : memref<128x128xf32, #tpu.memory_space<vmem>>, vector<1x16xf32>,
        %get3A_2647 = arith.index_cast %add3A_2602 : i32 to index
        %get3A_2648 = arith.constant 32 : index
        %get3A_2649 = tpu.vector_load %arg16[%get3A_2647, %get3A_2648] {strides = array<i32>} : memref<128x128xf32, #tpu.memory_space<vmem>>, vector<1x16xf32>,
        %get3A_2650 = vector.shape_cast %get3A_2649 : vector<1x16xf32> to vector<16xf32>
        %mul3A_2651 = arith.mulf %gather3A_2580, %get3A_2650 : vector<16xf32>
        %get3A_2652 = arith.index_cast %add3A_2602 : i32 to index
        %get3A_2653 = arith.constant 32 : index
        %get3A_2654 = tpu.vector_load %arg17[%get3A_2652, %get3A_2653] {strides = array<i32>} : memref<128x128xf32, #tpu.memory_space<vmem>>, vector<1x16xf32>,
        %get3A_2655 = vector.shape_cast %get3A_2654 : vector<1x16xf32> to vector<16xf32>
        %mul3A_2656 = arith.mulf %gather3A_2590, %get3A_2655 : vector<16xf32>
        %add3A_2657 = arith.addf %mul3A_2651, %mul3A_2656 : vector<16xf32>
        %get3A_2658 = arith.index_cast %add3A_2602 : i32 to index
        %get3A_2659 = arith.constant 32 : index
        %get3A_2660 = tpu.vector_load %arg18[%get3A_2658, %get3A_2659] {strides = array<i32>} : memref<128x128xf32, #tpu.memory_space<vmem>>, vector<1x16xf32>,
        %get3A_2661 = vector.shape_cast %get3A_2660 : vector<1x16xf32> to vector<16xf32>
        %mul3A_2662 = arith.mulf %gather3A_2600, %get3A_2661 : vector<16xf32>
        %add3A_2663 = arith.addf %add3A_2657, %mul3A_2662 : vector<16xf32>
        %swap3A_2664 = arith.index_cast %add3A_2602 : i32 to index
        %swap3A_2665 = arith.constant 32 : index
        %swap3A_2666 = tpu.vector_load %arg19[%swap3A_2664, %swap3A_2665] {strides = array<i32>} : memref<128x128xf32, #tpu.memory_space<vmem>>, vector<1x16xf32>,
        %swap3A_2667 = vector.shape_cast %swap3A_2666 : vector<1x16xf32> to vector<16xf32>
        %swap3A_2668 = vector.shape_cast %add3A_2663 : vector<16xf32> to vector<1x16xf32>
        tpu.vector_store %arg19[%swap3A_2664, %swap3A_2665], %swap3A_2668 {strides = array<i32>} : memref<128x128xf32, #tpu.memory_space<vmem>>, vector<1x16xf32>,
        %get3A_2669 = arith.index_cast %add3A_2602 : i32 to index
        %get3A_2670 = arith.constant 48 : index
        %get3A_2671 = tpu.vector_load %arg16[%get3A_2669, %get3A_2670] {strides = array<i32>} : memref<128x128xf32, #tpu.memory_space<vmem>>, vector<1x16xf32>,
        %get3A_2672 = vector.shape_cast %get3A_2671 : vector<1x16xf32> to vector<16xf32>
        %mul3A_2673 = arith.mulf %gather3A_2580, %get3A_2672 : vector<16xf32>
        %get3A_2674 = arith.index_cast %add3A_2602 : i32 to index
        %get3A_2675 = arith.constant 48 : index
        %get3A_2676 = tpu.vector_load %arg17[%get3A_2674, %get3A_2675] {strides = array<i32>} : memref<128x128xf32, #tpu.memory_space<vmem>>, vector<1x16xf32>,
        %get3A_2677 = vector.shape_cast %get3A_2676 : vector<1x16xf32> to vector<16xf32>
        %mul3A_2678 = arith.mulf %gather3A_2590, %get3A_2677 : vector<16xf32>
        %add3A_2679 = arith.addf %mul3A_2673, %mul3A_2678 : vector<16xf32>
        %get3A_2680 = arith.index_cast %add3A_2602 : i32 to index
        %get3A_2681 = arith.constant 48 : index
        %get3A_2682 = tpu.vector_load %arg18[%get3A_2680, %get3A_2681] {strides = array<i32>} : memref<128x128xf32, #tpu.memory_space<vmem>>, vector<1x16xf32>,
        %get3A_2683 = vector.shape_cast %get3A_2682 : vector<1x16xf32> to vector<16xf32>
        %mul3A_2684 = arith.mulf %gather3A_2600, %get3A_2683 : vector<16xf32>
        %add3A_2685 = arith.addf %add3A_2679, %mul3A_2684 : vector<16xf32>
        %swap3A_2686 = arith.index_cast %add3A_2602 : i32 to index
        %swap3A_2687 = arith.constant 48 : index
        %swap3A_2688 = tpu.vector_load %arg19[%swap3A_2686, %swap3A_2687] {strides = array<i32>} : memref<128x128xf32, #tpu.memory_space<vmem>>, vector<1x16xf32>,
        %swap3A_2689 = vector.shape_cast %swap3A_2688 : vector<1x16xf32> to vector<16xf32>
        %swap3A_2690 = vector.shape_cast %add3A_2685 : vector<16xf32> to vector<1x16xf32>
        tpu.vector_store %arg19[%swap3A_2686, %swap3A_2687], %swap3A_2690 {strides = array<i32>} : memref<128x128xf32, #tpu.memory_space<vmem>>, vector<1x16xf32>,
        %get3A_2691 = arith.index_cast %add3A_2602 : i32 to index
        %get3A_2692 = arith.constant 64 : index
        %get3A_2693 = tpu.vector_load %arg16[%get3A_2691, %get3A_2692] {strides = array<i32>} : memref<128x128xf32, #tpu.memory_space<vmem>>, vector<1x16xf32>,
        %get3A_2694 = vector.shape_cast %get3A_2693 : vector<1x16xf32> to vector<16xf32>
        %mul3A_2695 = arith.mulf %gather3A_2580, %get3A_2694 : vector<16xf32>
        %get3A_2696 = arith.index_cast %add3A_2602 : i32 to index
        %get3A_2697 = arith.constant 64 : index
        %get3A_2698 = tpu.vector_load %arg17[%get3A_2696, %get3A_2697] {strides = array<i32>} : memref<128x128xf32, #tpu.memory_space<vmem>>, vector<1x16xf32>,
        %get3A_2699 = vector.shape_cast %get3A_2698 : vector<1x16xf32> to vector<16xf32>
        %mul3A_2700 = arith.mulf %gather3A_2590, %get3A_2699 : vector<16xf32>
        %add3A_2701 = arith.addf %mul3A_2695, %mul3A_2700 : vector<16xf32>
        %get3A_2702 = arith.index_cast %add3A_2602 : i32 to index
        %get3A_2703 = arith.constant 64 : index
        %get3A_2704 = tpu.vector_load %arg18[%get3A_2702, %get3A_2703] {strides = array<i32>} : memref<128x128xf32, #tpu.memory_space<vmem>>, vector<1x16xf32>,
        %get3A_2705 = vector.shape_cast %get3A_2704 : vector<1x16xf32> to vector<16xf32>
        %mul3A_2706 = arith.mulf %gather3A_2600, %get3A_2705 : vector<16xf32>
        %add3A_2707 = arith.addf %add3A_2701, %mul3A_2706 : vector<16xf32>
        %swap3A_2708 = arith.index_cast %add3A_2602 : i32 to index
        %swap3A_2709 = arith.constant 64 : index
        %swap3A_2710 = tpu.vector_load %arg19[%swap3A_2708, %swap3A_2709] {strides = array<i32>} : memref<128x128xf32, #tpu.memory_space<vmem>>, vector<1x16xf32>,
        %swap3A_2711 = vector.shape_cast %swap3A_2710 : vector<1x16xf32> to vector<16xf32>
        %swap3A_2712 = vector.shape_cast %add3A_2707 : vector<16xf32> to vector<1x16xf32>
        tpu.vector_store %arg19[%swap3A_2708, %swap3A_2709], %swap3A_2712 {strides = array<i32>} : memref<128x128xf32, #tpu.memory_space<vmem>>, vector<1x16xf32>,
        %get3A_2713 = arith.index_cast %add3A_2602 : i32 to index
        %get3A_2714 = arith.constant 80 : index
        %get3A_2715 = tpu.vector_load %arg16[%get3A_2713, %get3A_2714] {strides = array<i32>} : memref<128x128xf32, #tpu.memory_space<vmem>>, vector<1x16xf32>,
        %get3A_2716 = vector.shape_cast %get3A_2715 : vector<1x16xf32> to vector<16xf32>
        %mul3A_2717 = arith.mulf %gather3A_2580, %get3A_2716 : vector<16xf32>
        %get3A_2718 = arith.index_cast %add3A_2602 : i32 to index
        %get3A_2719 = arith.constant 80 : index
        %get3A_2720 = tpu.vector_load %arg17[%get3A_2718, %get3A_2719] {strides = array<i32>} : memref<128x128xf32, #tpu.memory_space<vmem>>, vector<1x16xf32>,
        %get3A_2721 = vector.shape_cast %get3A_2720 : vector<1x16xf32> to vector<16xf32>
        %mul3A_2722 = arith.mulf %gather3A_2590, %get3A_2721 : vector<16xf32>
        %add3A_2723 = arith.addf %mul3A_2717, %mul3A_2722 : vector<16xf32>
        %get3A_2724 = arith.index_cast %add3A_2602 : i32 to index
        %get3A_2725 = arith.constant 80 : index
        %get3A_2726 = tpu.vector_load %arg18[%get3A_2724, %get3A_2725] {strides = array<i32>} : memref<128x128xf32, #tpu.memory_space<vmem>>, vector<1x16xf32>,
        %get3A_2727 = vector.shape_cast %get3A_2726 : vector<1x16xf32> to vector<16xf32>
        %mul3A_2728 = arith.mulf %gather3A_2600, %get3A_2727 : vector<16xf32>
        %add3A_2729 = arith.addf %add3A_2723, %mul3A_2728 : vector<16xf32>
        %swap3A_2730 = arith.index_cast %add3A_2602 : i32 to index
        %swap3A_2731 = arith.constant 80 : index
        %swap3A_2732 = tpu.vector_load %arg19[%swap3A_2730, %swap3A_2731] {strides = array<i32>} : memref<128x128xf32, #tpu.memory_space<vmem>>, vector<1x16xf32>,
        %swap3A_2733 = vector.shape_cast %swap3A_2732 : vector<1x16xf32> to vector<16xf32>
        %swap3A_2734 = vector.shape_cast %add3A_2729 : vector<16xf32> to vector<1x16xf32>
        tpu.vector_store %arg19[%swap3A_2730, %swap3A_2731], %swap3A_2734 {strides = array<i32>} : memref<128x128xf32, #tpu.memory_space<vmem>>, vector<1x16xf32>,
        %get3A_2735 = arith.index_cast %add3A_2602 : i32 to index
        %get3A_2736 = arith.constant 96 : index
        %get3A_2737 = tpu.vector_load %arg16[%get3A_2735, %get3A_2736] {strides = array<i32>} : memref<128x128xf32, #tpu.memory_space<vmem>>, vector<1x16xf32>,
        %get3A_2738 = vector.shape_cast %get3A_2737 : vector<1x16xf32> to vector<16xf32>
        %mul3A_2739 = arith.mulf %gather3A_2580, %get3A_2738 : vector<16xf32>
        %get3A_2740 = arith.index_cast %add3A_2602 : i32 to index
        %get3A_2741 = arith.constant 96 : index
        %get3A_2742 = tpu.vector_load %arg17[%get3A_2740, %get3A_2741] {strides = array<i32>} : memref<128x128xf32, #tpu.memory_space<vmem>>, vector<1x16xf32>,
        %get3A_2743 = vector.shape_cast %get3A_2742 : vector<1x16xf32> to vector<16xf32>
        %mul3A_2744 = arith.mulf %gather3A_2590, %get3A_2743 : vector<16xf32>
        %add3A_2745 = arith.addf %mul3A_2739, %mul3A_2744 : vector<16xf32>
        %get3A_2746 = arith.index_cast %add3A_2602 : i32 to index
        %get3A_2747 = arith.constant 96 : index
        %get3A_2748 = tpu.vector_load %arg18[%get3A_2746, %get3A_2747] {strides = array<i32>} : memref<128x128xf32, #tpu.memory_space<vmem>>, vector<1x16xf32>,
        %get3A_2749 = vector.shape_cast %get3A_2748 : vector<1x16xf32> to vector<16xf32>
        %mul3A_2750 = arith.mulf %gather3A_2600, %get3A_2749 : vector<16xf32>
        %add3A_2751 = arith.addf %add3A_2745, %mul3A_2750 : vector<16xf32>
        %swap3A_2752 = arith.index_cast %add3A_2602 : i32 to index
        %swap3A_2753 = arith.constant 96 : index
        %swap3A_2754 = tpu.vector_load %arg19[%swap3A_2752, %swap3A_2753] {strides = array<i32>} : memref<128x128xf32, #tpu.memory_space<vmem>>, vector<1x16xf32>,
        %swap3A_2755 = vector.shape_cast %swap3A_2754 : vector<1x16xf32> to vector<16xf32>
        %swap3A_2756 = vector.shape_cast %add3A_2751 : vector<16xf32> to vector<1x16xf32>
        tpu.vector_store %arg19[%swap3A_2752, %swap3A_2753], %swap3A_2756 {strides = array<i32>} : memref<128x128xf32, #tpu.memory_space<vmem>>, vector<1x16xf32>,
        %get3A_2757 = arith.index_cast %add3A_2602 : i32 to index
        %get3A_2758 = arith.constant 112 : index
        %get3A_2759 = tpu.vector_load %arg16[%get3A_2757, %get3A_2758] {strides = array<i32>} : memref<128x128xf32, #tpu.memory_space<vmem>>, vector<1x16xf32>,
        %get3A_2760 = vector.shape_cast %get3A_2759 : vector<1x16xf32> to vector<16xf32>
        %mul3A_2761 = arith.mulf %gather3A_2580, %get3A_2760 : vector<16xf32>
        %get3A_2762 = arith.index_cast %add3A_2602 : i32 to index
        %get3A_2763 = arith.constant 112 : index
        %get3A_2764 = tpu.vector_load %arg17[%get3A_2762, %get3A_2763] {strides = array<i32>} : memref<128x128xf32, #tpu.memory_space<vmem>>, vector<1x16xf32>,
        %get3A_2765 = vector.shape_cast %get3A_2764 : vector<1x16xf32> to vector<16xf32>
        %mul3A_2766 = arith.mulf %gather3A_2590, %get3A_2765 : vector<16xf32>
        %add3A_2767 = arith.addf %mul3A_2761, %mul3A_2766 : vector<16xf32>
        %get3A_2768 = arith.index_cast %add3A_2602 : i32 to index
        %get3A_2769 = arith.constant 112 : index
        %get3A_2770 = tpu.vector_load %arg18[%get3A_2768, %get3A_2769] {strides = array<i32>} : memref<128x128xf32, #tpu.memory_space<vmem>>, vector<1x16xf32>,
        %get3A_2771 = vector.shape_cast %get3A_2770 : vector<1x16xf32> to vector<16xf32>
        %mul3A_2772 = arith.mulf %gather3A_2600, %get3A_2771 : vector<16xf32>
        %add3A_2773 = arith.addf %add3A_2767, %mul3A_2772 : vector<16xf32>
        %swap3A_2774 = arith.index_cast %add3A_2602 : i32 to index
        %swap3A_2775 = arith.constant 112 : index
        %swap3A_2776 = tpu.vector_load %arg19[%swap3A_2774, %swap3A_2775] {strides = array<i32>} : memref<128x128xf32, #tpu.memory_space<vmem>>, vector<1x16xf32>,
        %swap3A_2777 = vector.shape_cast %swap3A_2776 : vector<1x16xf32> to vector<16xf32>
        %swap3A_2778 = vector.shape_cast %add3A_2773 : vector<16xf32> to vector<1x16xf32>
        tpu.vector_store %arg19[%swap3A_2774, %swap3A_2775], %swap3A_2778 {strides = array<i32>} : memref<128x128xf32, #tpu.memory_space<vmem>>, vector<1x16xf32>,
        %broadcast_in_dim3A_2779 = arith.constant 13 : i32
        %broadcast_in_dim3A_2780 = vector.broadcast %broadcast_in_dim3A_2779 : i32 to vector<16xi32>
        %lt3A_2781 = arith.constant 0 : i32
        %lt3A_2782 = vector.broadcast %lt3A_2781 : i32 to vector<16xi32>
        %lt3A_2783 = arith.cmpi slt, %broadcast_in_dim3A_2780, %lt3A_2782 : vector<16xi32>
        %add3A_2784 = arith.constant 16 : i32
        %add3A_2785 = vector.broadcast %add3A_2784 : i32 to vector<16xi32>
        %add3A_2786 = arith.addi %broadcast_in_dim3A_2780, %add3A_2785 : vector<16xi32>
        %select_n3A_2787 = arith.select %lt3A_2783, %add3A_2786, %broadcast_in_dim3A_2780 : vector<16xi1>, vector<16xi32>
        %broadcast_in_dim3A_2788 = vector.shape_cast %select_n3A_2787 : vector<16xi32> to vector<16x1xi32>
        %gather3A_2789 = vector.shape_cast %broadcast_in_dim3A_2788 : vector<16x1xi32> to vector<16xi32>
        %gather3A_2790 = tpu.dynamic_gather %get3A_45[%gather3A_2789] in [0] : vector<16xf32>, vector<16xi32> -> vector<16xf32>
        %lt3A_2791 = arith.constant 0 : i32
        %lt3A_2792 = vector.broadcast %lt3A_2791 : i32 to vector<16xi32>
        %lt3A_2793 = arith.cmpi slt, %broadcast_in_dim3A_2780, %lt3A_2792 : vector<16xi32>
        %add3A_2794 = arith.constant 16 : i32
        %add3A_2795 = vector.broadcast %add3A_2794 : i32 to vector<16xi32>
        %add3A_2796 = arith.addi %broadcast_in_dim3A_2780, %add3A_2795 : vector<16xi32>
        %select_n3A_2797 = arith.select %lt3A_2793, %add3A_2796, %broadcast_in_dim3A_2780 : vector<16xi1>, vector<16xi32>
        %broadcast_in_dim3A_2798 = vector.shape_cast %select_n3A_2797 : vector<16xi32> to vector<16x1xi32>
        %gather3A_2799 = vector.shape_cast %broadcast_in_dim3A_2798 : vector<16x1xi32> to vector<16xi32>
        %gather3A_2800 = tpu.dynamic_gather %get3A_49[%gather3A_2799] in [0] : vector<16xf32>, vector<16xi32> -> vector<16xf32>
        %lt3A_2801 = arith.constant 0 : i32
        %lt3A_2802 = vector.broadcast %lt3A_2801 : i32 to vector<16xi32>
        %lt3A_2803 = arith.cmpi slt, %broadcast_in_dim3A_2780, %lt3A_2802 : vector<16xi32>
        %add3A_2804 = arith.constant 16 : i32
        %add3A_2805 = vector.broadcast %add3A_2804 : i32 to vector<16xi32>
        %add3A_2806 = arith.addi %broadcast_in_dim3A_2780, %add3A_2805 : vector<16xi32>
        %select_n3A_2807 = arith.select %lt3A_2803, %add3A_2806, %broadcast_in_dim3A_2780 : vector<16xi1>, vector<16xi32>
        %broadcast_in_dim3A_2808 = vector.shape_cast %select_n3A_2807 : vector<16xi32> to vector<16x1xi32>
        %gather3A_2809 = vector.shape_cast %broadcast_in_dim3A_2808 : vector<16x1xi32> to vector<16xi32>
        %gather3A_2810 = tpu.dynamic_gather %get3A_53[%gather3A_2809] in [0] : vector<16xf32>, vector<16xi32> -> vector<16xf32>
        %add3A_2811 = arith.constant 13 : i32
        %add3A_2812 = arith.addi %mul3A_42, %add3A_2811 : i32
        %get3A_2813 = arith.index_cast %add3A_2812 : i32 to index
        %get3A_2814 = arith.constant 0 : index
        %get3A_2815 = tpu.vector_load %arg16[%get3A_2813, %get3A_2814] {strides = array<i32>} : memref<128x128xf32, #tpu.memory_space<vmem>>, vector<1x16xf32>,
        %get3A_2816 = vector.shape_cast %get3A_2815 : vector<1x16xf32> to vector<16xf32>
        %mul3A_2817 = arith.mulf %gather3A_2790, %get3A_2816 : vector<16xf32>
        %get3A_2818 = arith.index_cast %add3A_2812 : i32 to index
        %get3A_2819 = arith.constant 0 : index
        %get3A_2820 = tpu.vector_load %arg17[%get3A_2818, %get3A_2819] {strides = array<i32>} : memref<128x128xf32, #tpu.memory_space<vmem>>, vector<1x16xf32>,
        %get3A_2821 = vector.shape_cast %get3A_2820 : vector<1x16xf32> to vector<16xf32>
        %mul3A_2822 = arith.mulf %gather3A_2800, %get3A_2821 : vector<16xf32>
        %add3A_2823 = arith.addf %mul3A_2817, %mul3A_2822 : vector<16xf32>
        %get3A_2824 = arith.index_cast %add3A_2812 : i32 to index
        %get3A_2825 = arith.constant 0 : index
        %get3A_2826 = tpu.vector_load %arg18[%get3A_2824, %get3A_2825] {strides = array<i32>} : memref<128x128xf32, #tpu.memory_space<vmem>>, vector<1x16xf32>,
        %get3A_2827 = vector.shape_cast %get3A_2826 : vector<1x16xf32> to vector<16xf32>
        %mul3A_2828 = arith.mulf %gather3A_2810, %get3A_2827 : vector<16xf32>
        %add3A_2829 = arith.addf %add3A_2823, %mul3A_2828 : vector<16xf32>
        %swap3A_2830 = arith.index_cast %add3A_2812 : i32 to index
        %swap3A_2831 = arith.constant 0 : index
        %swap3A_2832 = tpu.vector_load %arg19[%swap3A_2830, %swap3A_2831] {strides = array<i32>} : memref<128x128xf32, #tpu.memory_space<vmem>>, vector<1x16xf32>,
        %swap3A_2833 = vector.shape_cast %swap3A_2832 : vector<1x16xf32> to vector<16xf32>
        %swap3A_2834 = vector.shape_cast %add3A_2829 : vector<16xf32> to vector<1x16xf32>
        tpu.vector_store %arg19[%swap3A_2830, %swap3A_2831], %swap3A_2834 {strides = array<i32>} : memref<128x128xf32, #tpu.memory_space<vmem>>, vector<1x16xf32>,
        %get3A_2835 = arith.index_cast %add3A_2812 : i32 to index
        %get3A_2836 = arith.constant 16 : index
        %get3A_2837 = tpu.vector_load %arg16[%get3A_2835, %get3A_2836] {strides = array<i32>} : memref<128x128xf32, #tpu.memory_space<vmem>>, vector<1x16xf32>,
        %get3A_2838 = vector.shape_cast %get3A_2837 : vector<1x16xf32> to vector<16xf32>
        %mul3A_2839 = arith.mulf %gather3A_2790, %get3A_2838 : vector<16xf32>
        %get3A_2840 = arith.index_cast %add3A_2812 : i32 to index
        %get3A_2841 = arith.constant 16 : index
        %get3A_2842 = tpu.vector_load %arg17[%get3A_2840, %get3A_2841] {strides = array<i32>} : memref<128x128xf32, #tpu.memory_space<vmem>>, vector<1x16xf32>,
        %get3A_2843 = vector.shape_cast %get3A_2842 : vector<1x16xf32> to vector<16xf32>
        %mul3A_2844 = arith.mulf %gather3A_2800, %get3A_2843 : vector<16xf32>
        %add3A_2845 = arith.addf %mul3A_2839, %mul3A_2844 : vector<16xf32>
        %get3A_2846 = arith.index_cast %add3A_2812 : i32 to index
        %get3A_2847 = arith.constant 16 : index
        %get3A_2848 = tpu.vector_load %arg18[%get3A_2846, %get3A_2847] {strides = array<i32>} : memref<128x128xf32, #tpu.memory_space<vmem>>, vector<1x16xf32>,
        %get3A_2849 = vector.shape_cast %get3A_2848 : vector<1x16xf32> to vector<16xf32>
        %mul3A_2850 = arith.mulf %gather3A_2810, %get3A_2849 : vector<16xf32>
        %add3A_2851 = arith.addf %add3A_2845, %mul3A_2850 : vector<16xf32>
        %swap3A_2852 = arith.index_cast %add3A_2812 : i32 to index
        %swap3A_2853 = arith.constant 16 : index
        %swap3A_2854 = tpu.vector_load %arg19[%swap3A_2852, %swap3A_2853] {strides = array<i32>} : memref<128x128xf32, #tpu.memory_space<vmem>>, vector<1x16xf32>,
        %swap3A_2855 = vector.shape_cast %swap3A_2854 : vector<1x16xf32> to vector<16xf32>
        %swap3A_2856 = vector.shape_cast %add3A_2851 : vector<16xf32> to vector<1x16xf32>
        tpu.vector_store %arg19[%swap3A_2852, %swap3A_2853], %swap3A_2856 {strides = array<i32>} : memref<128x128xf32, #tpu.memory_space<vmem>>, vector<1x16xf32>,
        %get3A_2857 = arith.index_cast %add3A_2812 : i32 to index
        %get3A_2858 = arith.constant 32 : index
        %get3A_2859 = tpu.vector_load %arg16[%get3A_2857, %get3A_2858] {strides = array<i32>} : memref<128x128xf32, #tpu.memory_space<vmem>>, vector<1x16xf32>,
        %get3A_2860 = vector.shape_cast %get3A_2859 : vector<1x16xf32> to vector<16xf32>
        %mul3A_2861 = arith.mulf %gather3A_2790, %get3A_2860 : vector<16xf32>
        %get3A_2862 = arith.index_cast %add3A_2812 : i32 to index
        %get3A_2863 = arith.constant 32 : index
        %get3A_2864 = tpu.vector_load %arg17[%get3A_2862, %get3A_2863] {strides = array<i32>} : memref<128x128xf32, #tpu.memory_space<vmem>>, vector<1x16xf32>,
        %get3A_2865 = vector.shape_cast %get3A_2864 : vector<1x16xf32> to vector<16xf32>
        %mul3A_2866 = arith.mulf %gather3A_2800, %get3A_2865 : vector<16xf32>
        %add3A_2867 = arith.addf %mul3A_2861, %mul3A_2866 : vector<16xf32>
        %get3A_2868 = arith.index_cast %add3A_2812 : i32 to index
        %get3A_2869 = arith.constant 32 : index
        %get3A_2870 = tpu.vector_load %arg18[%get3A_2868, %get3A_2869] {strides = array<i32>} : memref<128x128xf32, #tpu.memory_space<vmem>>, vector<1x16xf32>,
        %get3A_2871 = vector.shape_cast %get3A_2870 : vector<1x16xf32> to vector<16xf32>
        %mul3A_2872 = arith.mulf %gather3A_2810, %get3A_2871 : vector<16xf32>
        %add3A_2873 = arith.addf %add3A_2867, %mul3A_2872 : vector<16xf32>
        %swap3A_2874 = arith.index_cast %add3A_2812 : i32 to index
        %swap3A_2875 = arith.constant 32 : index
        %swap3A_2876 = tpu.vector_load %arg19[%swap3A_2874, %swap3A_2875] {strides = array<i32>} : memref<128x128xf32, #tpu.memory_space<vmem>>, vector<1x16xf32>,
        %swap3A_2877 = vector.shape_cast %swap3A_2876 : vector<1x16xf32> to vector<16xf32>
        %swap3A_2878 = vector.shape_cast %add3A_2873 : vector<16xf32> to vector<1x16xf32>
        tpu.vector_store %arg19[%swap3A_2874, %swap3A_2875], %swap3A_2878 {strides = array<i32>} : memref<128x128xf32, #tpu.memory_space<vmem>>, vector<1x16xf32>,
        %get3A_2879 = arith.index_cast %add3A_2812 : i32 to index
        %get3A_2880 = arith.constant 48 : index
        %get3A_2881 = tpu.vector_load %arg16[%get3A_2879, %get3A_2880] {strides = array<i32>} : memref<128x128xf32, #tpu.memory_space<vmem>>, vector<1x16xf32>,
        %get3A_2882 = vector.shape_cast %get3A_2881 : vector<1x16xf32> to vector<16xf32>
        %mul3A_2883 = arith.mulf %gather3A_2790, %get3A_2882 : vector<16xf32>
        %get3A_2884 = arith.index_cast %add3A_2812 : i32 to index
        %get3A_2885 = arith.constant 48 : index
        %get3A_2886 = tpu.vector_load %arg17[%get3A_2884, %get3A_2885] {strides = array<i32>} : memref<128x128xf32, #tpu.memory_space<vmem>>, vector<1x16xf32>,
        %get3A_2887 = vector.shape_cast %get3A_2886 : vector<1x16xf32> to vector<16xf32>
        %mul3A_2888 = arith.mulf %gather3A_2800, %get3A_2887 : vector<16xf32>
        %add3A_2889 = arith.addf %mul3A_2883, %mul3A_2888 : vector<16xf32>
        %get3A_2890 = arith.index_cast %add3A_2812 : i32 to index
        %get3A_2891 = arith.constant 48 : index
        %get3A_2892 = tpu.vector_load %arg18[%get3A_2890, %get3A_2891] {strides = array<i32>} : memref<128x128xf32, #tpu.memory_space<vmem>>, vector<1x16xf32>,
        %get3A_2893 = vector.shape_cast %get3A_2892 : vector<1x16xf32> to vector<16xf32>
        %mul3A_2894 = arith.mulf %gather3A_2810, %get3A_2893 : vector<16xf32>
        %add3A_2895 = arith.addf %add3A_2889, %mul3A_2894 : vector<16xf32>
        %swap3A_2896 = arith.index_cast %add3A_2812 : i32 to index
        %swap3A_2897 = arith.constant 48 : index
        %swap3A_2898 = tpu.vector_load %arg19[%swap3A_2896, %swap3A_2897] {strides = array<i32>} : memref<128x128xf32, #tpu.memory_space<vmem>>, vector<1x16xf32>,
        %swap3A_2899 = vector.shape_cast %swap3A_2898 : vector<1x16xf32> to vector<16xf32>
        %swap3A_2900 = vector.shape_cast %add3A_2895 : vector<16xf32> to vector<1x16xf32>
        tpu.vector_store %arg19[%swap3A_2896, %swap3A_2897], %swap3A_2900 {strides = array<i32>} : memref<128x128xf32, #tpu.memory_space<vmem>>, vector<1x16xf32>,
        %get3A_2901 = arith.index_cast %add3A_2812 : i32 to index
        %get3A_2902 = arith.constant 64 : index
        %get3A_2903 = tpu.vector_load %arg16[%get3A_2901, %get3A_2902] {strides = array<i32>} : memref<128x128xf32, #tpu.memory_space<vmem>>, vector<1x16xf32>,
        %get3A_2904 = vector.shape_cast %get3A_2903 : vector<1x16xf32> to vector<16xf32>
        %mul3A_2905 = arith.mulf %gather3A_2790, %get3A_2904 : vector<16xf32>
        %get3A_2906 = arith.index_cast %add3A_2812 : i32 to index
        %get3A_2907 = arith.constant 64 : index
        %get3A_2908 = tpu.vector_load %arg17[%get3A_2906, %get3A_2907] {strides = array<i32>} : memref<128x128xf32, #tpu.memory_space<vmem>>, vector<1x16xf32>,
        %get3A_2909 = vector.shape_cast %get3A_2908 : vector<1x16xf32> to vector<16xf32>
        %mul3A_2910 = arith.mulf %gather3A_2800, %get3A_2909 : vector<16xf32>
        %add3A_2911 = arith.addf %mul3A_2905, %mul3A_2910 : vector<16xf32>
        %get3A_2912 = arith.index_cast %add3A_2812 : i32 to index
        %get3A_2913 = arith.constant 64 : index
        %get3A_2914 = tpu.vector_load %arg18[%get3A_2912, %get3A_2913] {strides = array<i32>} : memref<128x128xf32, #tpu.memory_space<vmem>>, vector<1x16xf32>,
        %get3A_2915 = vector.shape_cast %get3A_2914 : vector<1x16xf32> to vector<16xf32>
        %mul3A_2916 = arith.mulf %gather3A_2810, %get3A_2915 : vector<16xf32>
        %add3A_2917 = arith.addf %add3A_2911, %mul3A_2916 : vector<16xf32>
        %swap3A_2918 = arith.index_cast %add3A_2812 : i32 to index
        %swap3A_2919 = arith.constant 64 : index
        %swap3A_2920 = tpu.vector_load %arg19[%swap3A_2918, %swap3A_2919] {strides = array<i32>} : memref<128x128xf32, #tpu.memory_space<vmem>>, vector<1x16xf32>,
        %swap3A_2921 = vector.shape_cast %swap3A_2920 : vector<1x16xf32> to vector<16xf32>
        %swap3A_2922 = vector.shape_cast %add3A_2917 : vector<16xf32> to vector<1x16xf32>
        tpu.vector_store %arg19[%swap3A_2918, %swap3A_2919], %swap3A_2922 {strides = array<i32>} : memref<128x128xf32, #tpu.memory_space<vmem>>, vector<1x16xf32>,
        %get3A_2923 = arith.index_cast %add3A_2812 : i32 to index
        %get3A_2924 = arith.constant 80 : index
        %get3A_2925 = tpu.vector_load %arg16[%get3A_2923, %get3A_2924] {strides = array<i32>} : memref<128x128xf32, #tpu.memory_space<vmem>>, vector<1x16xf32>,
        %get3A_2926 = vector.shape_cast %get3A_2925 : vector<1x16xf32> to vector<16xf32>
        %mul3A_2927 = arith.mulf %gather3A_2790, %get3A_2926 : vector<16xf32>
        %get3A_2928 = arith.index_cast %add3A_2812 : i32 to index
        %get3A_2929 = arith.constant 80 : index
        %get3A_2930 = tpu.vector_load %arg17[%get3A_2928, %get3A_2929] {strides = array<i32>} : memref<128x128xf32, #tpu.memory_space<vmem>>, vector<1x16xf32>,
        %get3A_2931 = vector.shape_cast %get3A_2930 : vector<1x16xf32> to vector<16xf32>
        %mul3A_2932 = arith.mulf %gather3A_2800, %get3A_2931 : vector<16xf32>
        %add3A_2933 = arith.addf %mul3A_2927, %mul3A_2932 : vector<16xf32>
        %get3A_2934 = arith.index_cast %add3A_2812 : i32 to index
        %get3A_2935 = arith.constant 80 : index
        %get3A_2936 = tpu.vector_load %arg18[%get3A_2934, %get3A_2935] {strides = array<i32>} : memref<128x128xf32, #tpu.memory_space<vmem>>, vector<1x16xf32>,
        %get3A_2937 = vector.shape_cast %get3A_2936 : vector<1x16xf32> to vector<16xf32>
        %mul3A_2938 = arith.mulf %gather3A_2810, %get3A_2937 : vector<16xf32>
        %add3A_2939 = arith.addf %add3A_2933, %mul3A_2938 : vector<16xf32>
        %swap3A_2940 = arith.index_cast %add3A_2812 : i32 to index
        %swap3A_2941 = arith.constant 80 : index
        %swap3A_2942 = tpu.vector_load %arg19[%swap3A_2940, %swap3A_2941] {strides = array<i32>} : memref<128x128xf32, #tpu.memory_space<vmem>>, vector<1x16xf32>,
        %swap3A_2943 = vector.shape_cast %swap3A_2942 : vector<1x16xf32> to vector<16xf32>
        %swap3A_2944 = vector.shape_cast %add3A_2939 : vector<16xf32> to vector<1x16xf32>
        tpu.vector_store %arg19[%swap3A_2940, %swap3A_2941], %swap3A_2944 {strides = array<i32>} : memref<128x128xf32, #tpu.memory_space<vmem>>, vector<1x16xf32>,
        %get3A_2945 = arith.index_cast %add3A_2812 : i32 to index
        %get3A_2946 = arith.constant 96 : index
        %get3A_2947 = tpu.vector_load %arg16[%get3A_2945, %get3A_2946] {strides = array<i32>} : memref<128x128xf32, #tpu.memory_space<vmem>>, vector<1x16xf32>,
        %get3A_2948 = vector.shape_cast %get3A_2947 : vector<1x16xf32> to vector<16xf32>
        %mul3A_2949 = arith.mulf %gather3A_2790, %get3A_2948 : vector<16xf32>
        %get3A_2950 = arith.index_cast %add3A_2812 : i32 to index
        %get3A_2951 = arith.constant 96 : index
        %get3A_2952 = tpu.vector_load %arg17[%get3A_2950, %get3A_2951] {strides = array<i32>} : memref<128x128xf32, #tpu.memory_space<vmem>>, vector<1x16xf32>,
        %get3A_2953 = vector.shape_cast %get3A_2952 : vector<1x16xf32> to vector<16xf32>
        %mul3A_2954 = arith.mulf %gather3A_2800, %get3A_2953 : vector<16xf32>
        %add3A_2955 = arith.addf %mul3A_2949, %mul3A_2954 : vector<16xf32>
        %get3A_2956 = arith.index_cast %add3A_2812 : i32 to index
        %get3A_2957 = arith.constant 96 : index
        %get3A_2958 = tpu.vector_load %arg18[%get3A_2956, %get3A_2957] {strides = array<i32>} : memref<128x128xf32, #tpu.memory_space<vmem>>, vector<1x16xf32>,
        %get3A_2959 = vector.shape_cast %get3A_2958 : vector<1x16xf32> to vector<16xf32>
        %mul3A_2960 = arith.mulf %gather3A_2810, %get3A_2959 : vector<16xf32>
        %add3A_2961 = arith.addf %add3A_2955, %mul3A_2960 : vector<16xf32>
        %swap3A_2962 = arith.index_cast %add3A_2812 : i32 to index
        %swap3A_2963 = arith.constant 96 : index
        %swap3A_2964 = tpu.vector_load %arg19[%swap3A_2962, %swap3A_2963] {strides = array<i32>} : memref<128x128xf32, #tpu.memory_space<vmem>>, vector<1x16xf32>,
        %swap3A_2965 = vector.shape_cast %swap3A_2964 : vector<1x16xf32> to vector<16xf32>
        %swap3A_2966 = vector.shape_cast %add3A_2961 : vector<16xf32> to vector<1x16xf32>
        tpu.vector_store %arg19[%swap3A_2962, %swap3A_2963], %swap3A_2966 {strides = array<i32>} : memref<128x128xf32, #tpu.memory_space<vmem>>, vector<1x16xf32>,
        %get3A_2967 = arith.index_cast %add3A_2812 : i32 to index
        %get3A_2968 = arith.constant 112 : index
        %get3A_2969 = tpu.vector_load %arg16[%get3A_2967, %get3A_2968] {strides = array<i32>} : memref<128x128xf32, #tpu.memory_space<vmem>>, vector<1x16xf32>,
        %get3A_2970 = vector.shape_cast %get3A_2969 : vector<1x16xf32> to vector<16xf32>
        %mul3A_2971 = arith.mulf %gather3A_2790, %get3A_2970 : vector<16xf32>
        %get3A_2972 = arith.index_cast %add3A_2812 : i32 to index
        %get3A_2973 = arith.constant 112 : index
        %get3A_2974 = tpu.vector_load %arg17[%get3A_2972, %get3A_2973] {strides = array<i32>} : memref<128x128xf32, #tpu.memory_space<vmem>>, vector<1x16xf32>,
        %get3A_2975 = vector.shape_cast %get3A_2974 : vector<1x16xf32> to vector<16xf32>
        %mul3A_2976 = arith.mulf %gather3A_2800, %get3A_2975 : vector<16xf32>
        %add3A_2977 = arith.addf %mul3A_2971, %mul3A_2976 : vector<16xf32>
        %get3A_2978 = arith.index_cast %add3A_2812 : i32 to index
        %get3A_2979 = arith.constant 112 : index
        %get3A_2980 = tpu.vector_load %arg18[%get3A_2978, %get3A_2979] {strides = array<i32>} : memref<128x128xf32, #tpu.memory_space<vmem>>, vector<1x16xf32>,
        %get3A_2981 = vector.shape_cast %get3A_2980 : vector<1x16xf32> to vector<16xf32>
        %mul3A_2982 = arith.mulf %gather3A_2810, %get3A_2981 : vector<16xf32>
        %add3A_2983 = arith.addf %add3A_2977, %mul3A_2982 : vector<16xf32>
        %swap3A_2984 = arith.index_cast %add3A_2812 : i32 to index
        %swap3A_2985 = arith.constant 112 : index
        %swap3A_2986 = tpu.vector_load %arg19[%swap3A_2984, %swap3A_2985] {strides = array<i32>} : memref<128x128xf32, #tpu.memory_space<vmem>>, vector<1x16xf32>,
        %swap3A_2987 = vector.shape_cast %swap3A_2986 : vector<1x16xf32> to vector<16xf32>
        %swap3A_2988 = vector.shape_cast %add3A_2983 : vector<16xf32> to vector<1x16xf32>
        tpu.vector_store %arg19[%swap3A_2984, %swap3A_2985], %swap3A_2988 {strides = array<i32>} : memref<128x128xf32, #tpu.memory_space<vmem>>, vector<1x16xf32>,
        %broadcast_in_dim3A_2989 = arith.constant 14 : i32
        %broadcast_in_dim3A_2990 = vector.broadcast %broadcast_in_dim3A_2989 : i32 to vector<16xi32>
        %lt3A_2991 = arith.constant 0 : i32
        %lt3A_2992 = vector.broadcast %lt3A_2991 : i32 to vector<16xi32>
        %lt3A_2993 = arith.cmpi slt, %broadcast_in_dim3A_2990, %lt3A_2992 : vector<16xi32>
        %add3A_2994 = arith.constant 16 : i32
        %add3A_2995 = vector.broadcast %add3A_2994 : i32 to vector<16xi32>
        %add3A_2996 = arith.addi %broadcast_in_dim3A_2990, %add3A_2995 : vector<16xi32>
        %select_n3A_2997 = arith.select %lt3A_2993, %add3A_2996, %broadcast_in_dim3A_2990 : vector<16xi1>, vector<16xi32>
        %broadcast_in_dim3A_2998 = vector.shape_cast %select_n3A_2997 : vector<16xi32> to vector<16x1xi32>
        %gather3A_2999 = vector.shape_cast %broadcast_in_dim3A_2998 : vector<16x1xi32> to vector<16xi32>
        %gather3A_3000 = tpu.dynamic_gather %get3A_45[%gather3A_2999] in [0] : vector<16xf32>, vector<16xi32> -> vector<16xf32>
        %lt3A_3001 = arith.constant 0 : i32
        %lt3A_3002 = vector.broadcast %lt3A_3001 : i32 to vector<16xi32>
        %lt3A_3003 = arith.cmpi slt, %broadcast_in_dim3A_2990, %lt3A_3002 : vector<16xi32>
        %add3A_3004 = arith.constant 16 : i32
        %add3A_3005 = vector.broadcast %add3A_3004 : i32 to vector<16xi32>
        %add3A_3006 = arith.addi %broadcast_in_dim3A_2990, %add3A_3005 : vector<16xi32>
        %select_n3A_3007 = arith.select %lt3A_3003, %add3A_3006, %broadcast_in_dim3A_2990 : vector<16xi1>, vector<16xi32>
        %broadcast_in_dim3A_3008 = vector.shape_cast %select_n3A_3007 : vector<16xi32> to vector<16x1xi32>
        %gather3A_3009 = vector.shape_cast %broadcast_in_dim3A_3008 : vector<16x1xi32> to vector<16xi32>
        %gather3A_3010 = tpu.dynamic_gather %get3A_49[%gather3A_3009] in [0] : vector<16xf32>, vector<16xi32> -> vector<16xf32>
        %lt3A_3011 = arith.constant 0 : i32
        %lt3A_3012 = vector.broadcast %lt3A_3011 : i32 to vector<16xi32>
        %lt3A_3013 = arith.cmpi slt, %broadcast_in_dim3A_2990, %lt3A_3012 : vector<16xi32>
        %add3A_3014 = arith.constant 16 : i32
        %add3A_3015 = vector.broadcast %add3A_3014 : i32 to vector<16xi32>
        %add3A_3016 = arith.addi %broadcast_in_dim3A_2990, %add3A_3015 : vector<16xi32>
        %select_n3A_3017 = arith.select %lt3A_3013, %add3A_3016, %broadcast_in_dim3A_2990 : vector<16xi1>, vector<16xi32>
        %broadcast_in_dim3A_3018 = vector.shape_cast %select_n3A_3017 : vector<16xi32> to vector<16x1xi32>
        %gather3A_3019 = vector.shape_cast %broadcast_in_dim3A_3018 : vector<16x1xi32> to vector<16xi32>
        %gather3A_3020 = tpu.dynamic_gather %get3A_53[%gather3A_3019] in [0] : vector<16xf32>, vector<16xi32> -> vector<16xf32>
        %add3A_3021 = arith.constant 14 : i32
        %add3A_3022 = arith.addi %mul3A_42, %add3A_3021 : i32
        %get3A_3023 = arith.index_cast %add3A_3022 : i32 to index
        %get3A_3024 = arith.constant 0 : index
        %get3A_3025 = tpu.vector_load %arg16[%get3A_3023, %get3A_3024] {strides = array<i32>} : memref<128x128xf32, #tpu.memory_space<vmem>>, vector<1x16xf32>,
        %get3A_3026 = vector.shape_cast %get3A_3025 : vector<1x16xf32> to vector<16xf32>
        %mul3A_3027 = arith.mulf %gather3A_3000, %get3A_3026 : vector<16xf32>
        %get3A_3028 = arith.index_cast %add3A_3022 : i32 to index
        %get3A_3029 = arith.constant 0 : index
        %get3A_3030 = tpu.vector_load %arg17[%get3A_3028, %get3A_3029] {strides = array<i32>} : memref<128x128xf32, #tpu.memory_space<vmem>>, vector<1x16xf32>,
        %get3A_3031 = vector.shape_cast %get3A_3030 : vector<1x16xf32> to vector<16xf32>
        %mul3A_3032 = arith.mulf %gather3A_3010, %get3A_3031 : vector<16xf32>
        %add3A_3033 = arith.addf %mul3A_3027, %mul3A_3032 : vector<16xf32>
        %get3A_3034 = arith.index_cast %add3A_3022 : i32 to index
        %get3A_3035 = arith.constant 0 : index
        %get3A_3036 = tpu.vector_load %arg18[%get3A_3034, %get3A_3035] {strides = array<i32>} : memref<128x128xf32, #tpu.memory_space<vmem>>, vector<1x16xf32>,
        %get3A_3037 = vector.shape_cast %get3A_3036 : vector<1x16xf32> to vector<16xf32>
        %mul3A_3038 = arith.mulf %gather3A_3020, %get3A_3037 : vector<16xf32>
        %add3A_3039 = arith.addf %add3A_3033, %mul3A_3038 : vector<16xf32>
        %swap3A_3040 = arith.index_cast %add3A_3022 : i32 to index
        %swap3A_3041 = arith.constant 0 : index
        %swap3A_3042 = tpu.vector_load %arg19[%swap3A_3040, %swap3A_3041] {strides = array<i32>} : memref<128x128xf32, #tpu.memory_space<vmem>>, vector<1x16xf32>,
        %swap3A_3043 = vector.shape_cast %swap3A_3042 : vector<1x16xf32> to vector<16xf32>
        %swap3A_3044 = vector.shape_cast %add3A_3039 : vector<16xf32> to vector<1x16xf32>
        tpu.vector_store %arg19[%swap3A_3040, %swap3A_3041], %swap3A_3044 {strides = array<i32>} : memref<128x128xf32, #tpu.memory_space<vmem>>, vector<1x16xf32>,
        %get3A_3045 = arith.index_cast %add3A_3022 : i32 to index
        %get3A_3046 = arith.constant 16 : index
        %get3A_3047 = tpu.vector_load %arg16[%get3A_3045, %get3A_3046] {strides = array<i32>} : memref<128x128xf32, #tpu.memory_space<vmem>>, vector<1x16xf32>,
        %get3A_3048 = vector.shape_cast %get3A_3047 : vector<1x16xf32> to vector<16xf32>
        %mul3A_3049 = arith.mulf %gather3A_3000, %get3A_3048 : vector<16xf32>
        %get3A_3050 = arith.index_cast %add3A_3022 : i32 to index
        %get3A_3051 = arith.constant 16 : index
        %get3A_3052 = tpu.vector_load %arg17[%get3A_3050, %get3A_3051] {strides = array<i32>} : memref<128x128xf32, #tpu.memory_space<vmem>>, vector<1x16xf32>,
        %get3A_3053 = vector.shape_cast %get3A_3052 : vector<1x16xf32> to vector<16xf32>
        %mul3A_3054 = arith.mulf %gather3A_3010, %get3A_3053 : vector<16xf32>
        %add3A_3055 = arith.addf %mul3A_3049, %mul3A_3054 : vector<16xf32>
        %get3A_3056 = arith.index_cast %add3A_3022 : i32 to index
        %get3A_3057 = arith.constant 16 : index
        %get3A_3058 = tpu.vector_load %arg18[%get3A_3056, %get3A_3057] {strides = array<i32>} : memref<128x128xf32, #tpu.memory_space<vmem>>, vector<1x16xf32>,
        %get3A_3059 = vector.shape_cast %get3A_3058 : vector<1x16xf32> to vector<16xf32>
        %mul3A_3060 = arith.mulf %gather3A_3020, %get3A_3059 : vector<16xf32>
        %add3A_3061 = arith.addf %add3A_3055, %mul3A_3060 : vector<16xf32>
        %swap3A_3062 = arith.index_cast %add3A_3022 : i32 to index
        %swap3A_3063 = arith.constant 16 : index
        %swap3A_3064 = tpu.vector_load %arg19[%swap3A_3062, %swap3A_3063] {strides = array<i32>} : memref<128x128xf32, #tpu.memory_space<vmem>>, vector<1x16xf32>,
        %swap3A_3065 = vector.shape_cast %swap3A_3064 : vector<1x16xf32> to vector<16xf32>
        %swap3A_3066 = vector.shape_cast %add3A_3061 : vector<16xf32> to vector<1x16xf32>
        tpu.vector_store %arg19[%swap3A_3062, %swap3A_3063], %swap3A_3066 {strides = array<i32>} : memref<128x128xf32, #tpu.memory_space<vmem>>, vector<1x16xf32>,
        %get3A_3067 = arith.index_cast %add3A_3022 : i32 to index
        %get3A_3068 = arith.constant 32 : index
        %get3A_3069 = tpu.vector_load %arg16[%get3A_3067, %get3A_3068] {strides = array<i32>} : memref<128x128xf32, #tpu.memory_space<vmem>>, vector<1x16xf32>,
        %get3A_3070 = vector.shape_cast %get3A_3069 : vector<1x16xf32> to vector<16xf32>
        %mul3A_3071 = arith.mulf %gather3A_3000, %get3A_3070 : vector<16xf32>
        %get3A_3072 = arith.index_cast %add3A_3022 : i32 to index
        %get3A_3073 = arith.constant 32 : index
        %get3A_3074 = tpu.vector_load %arg17[%get3A_3072, %get3A_3073] {strides = array<i32>} : memref<128x128xf32, #tpu.memory_space<vmem>>, vector<1x16xf32>,
        %get3A_3075 = vector.shape_cast %get3A_3074 : vector<1x16xf32> to vector<16xf32>
        %mul3A_3076 = arith.mulf %gather3A_3010, %get3A_3075 : vector<16xf32>
        %add3A_3077 = arith.addf %mul3A_3071, %mul3A_3076 : vector<16xf32>
        %get3A_3078 = arith.index_cast %add3A_3022 : i32 to index
        %get3A_3079 = arith.constant 32 : index
        %get3A_3080 = tpu.vector_load %arg18[%get3A_3078, %get3A_3079] {strides = array<i32>} : memref<128x128xf32, #tpu.memory_space<vmem>>, vector<1x16xf32>,
        %get3A_3081 = vector.shape_cast %get3A_3080 : vector<1x16xf32> to vector<16xf32>
        %mul3A_3082 = arith.mulf %gather3A_3020, %get3A_3081 : vector<16xf32>
        %add3A_3083 = arith.addf %add3A_3077, %mul3A_3082 : vector<16xf32>
        %swap3A_3084 = arith.index_cast %add3A_3022 : i32 to index
        %swap3A_3085 = arith.constant 32 : index
        %swap3A_3086 = tpu.vector_load %arg19[%swap3A_3084, %swap3A_3085] {strides = array<i32>} : memref<128x128xf32, #tpu.memory_space<vmem>>, vector<1x16xf32>,
        %swap3A_3087 = vector.shape_cast %swap3A_3086 : vector<1x16xf32> to vector<16xf32>
        %swap3A_3088 = vector.shape_cast %add3A_3083 : vector<16xf32> to vector<1x16xf32>
        tpu.vector_store %arg19[%swap3A_3084, %swap3A_3085], %swap3A_3088 {strides = array<i32>} : memref<128x128xf32, #tpu.memory_space<vmem>>, vector<1x16xf32>,
        %get3A_3089 = arith.index_cast %add3A_3022 : i32 to index
        %get3A_3090 = arith.constant 48 : index
        %get3A_3091 = tpu.vector_load %arg16[%get3A_3089, %get3A_3090] {strides = array<i32>} : memref<128x128xf32, #tpu.memory_space<vmem>>, vector<1x16xf32>,
        %get3A_3092 = vector.shape_cast %get3A_3091 : vector<1x16xf32> to vector<16xf32>
        %mul3A_3093 = arith.mulf %gather3A_3000, %get3A_3092 : vector<16xf32>
        %get3A_3094 = arith.index_cast %add3A_3022 : i32 to index
        %get3A_3095 = arith.constant 48 : index
        %get3A_3096 = tpu.vector_load %arg17[%get3A_3094, %get3A_3095] {strides = array<i32>} : memref<128x128xf32, #tpu.memory_space<vmem>>, vector<1x16xf32>,
        %get3A_3097 = vector.shape_cast %get3A_3096 : vector<1x16xf32> to vector<16xf32>
        %mul3A_3098 = arith.mulf %gather3A_3010, %get3A_3097 : vector<16xf32>
        %add3A_3099 = arith.addf %mul3A_3093, %mul3A_3098 : vector<16xf32>
        %get3A_3100 = arith.index_cast %add3A_3022 : i32 to index
        %get3A_3101 = arith.constant 48 : index
        %get3A_3102 = tpu.vector_load %arg18[%get3A_3100, %get3A_3101] {strides = array<i32>} : memref<128x128xf32, #tpu.memory_space<vmem>>, vector<1x16xf32>,
        %get3A_3103 = vector.shape_cast %get3A_3102 : vector<1x16xf32> to vector<16xf32>
        %mul3A_3104 = arith.mulf %gather3A_3020, %get3A_3103 : vector<16xf32>
        %add3A_3105 = arith.addf %add3A_3099, %mul3A_3104 : vector<16xf32>
        %swap3A_3106 = arith.index_cast %add3A_3022 : i32 to index
        %swap3A_3107 = arith.constant 48 : index
        %swap3A_3108 = tpu.vector_load %arg19[%swap3A_3106, %swap3A_3107] {strides = array<i32>} : memref<128x128xf32, #tpu.memory_space<vmem>>, vector<1x16xf32>,
        %swap3A_3109 = vector.shape_cast %swap3A_3108 : vector<1x16xf32> to vector<16xf32>
        %swap3A_3110 = vector.shape_cast %add3A_3105 : vector<16xf32> to vector<1x16xf32>
        tpu.vector_store %arg19[%swap3A_3106, %swap3A_3107], %swap3A_3110 {strides = array<i32>} : memref<128x128xf32, #tpu.memory_space<vmem>>, vector<1x16xf32>,
        %get3A_3111 = arith.index_cast %add3A_3022 : i32 to index
        %get3A_3112 = arith.constant 64 : index
        %get3A_3113 = tpu.vector_load %arg16[%get3A_3111, %get3A_3112] {strides = array<i32>} : memref<128x128xf32, #tpu.memory_space<vmem>>, vector<1x16xf32>,
        %get3A_3114 = vector.shape_cast %get3A_3113 : vector<1x16xf32> to vector<16xf32>
        %mul3A_3115 = arith.mulf %gather3A_3000, %get3A_3114 : vector<16xf32>
        %get3A_3116 = arith.index_cast %add3A_3022 : i32 to index
        %get3A_3117 = arith.constant 64 : index
        %get3A_3118 = tpu.vector_load %arg17[%get3A_3116, %get3A_3117] {strides = array<i32>} : memref<128x128xf32, #tpu.memory_space<vmem>>, vector<1x16xf32>,
        %get3A_3119 = vector.shape_cast %get3A_3118 : vector<1x16xf32> to vector<16xf32>
        %mul3A_3120 = arith.mulf %gather3A_3010, %get3A_3119 : vector<16xf32>
        %add3A_3121 = arith.addf %mul3A_3115, %mul3A_3120 : vector<16xf32>
        %get3A_3122 = arith.index_cast %add3A_3022 : i32 to index
        %get3A_3123 = arith.constant 64 : index
        %get3A_3124 = tpu.vector_load %arg18[%get3A_3122, %get3A_3123] {strides = array<i32>} : memref<128x128xf32, #tpu.memory_space<vmem>>, vector<1x16xf32>,
        %get3A_3125 = vector.shape_cast %get3A_3124 : vector<1x16xf32> to vector<16xf32>
        %mul3A_3126 = arith.mulf %gather3A_3020, %get3A_3125 : vector<16xf32>
        %add3A_3127 = arith.addf %add3A_3121, %mul3A_3126 : vector<16xf32>
        %swap3A_3128 = arith.index_cast %add3A_3022 : i32 to index
        %swap3A_3129 = arith.constant 64 : index
        %swap3A_3130 = tpu.vector_load %arg19[%swap3A_3128, %swap3A_3129] {strides = array<i32>} : memref<128x128xf32, #tpu.memory_space<vmem>>, vector<1x16xf32>,
        %swap3A_3131 = vector.shape_cast %swap3A_3130 : vector<1x16xf32> to vector<16xf32>
        %swap3A_3132 = vector.shape_cast %add3A_3127 : vector<16xf32> to vector<1x16xf32>
        tpu.vector_store %arg19[%swap3A_3128, %swap3A_3129], %swap3A_3132 {strides = array<i32>} : memref<128x128xf32, #tpu.memory_space<vmem>>, vector<1x16xf32>,
        %get3A_3133 = arith.index_cast %add3A_3022 : i32 to index
        %get3A_3134 = arith.constant 80 : index
        %get3A_3135 = tpu.vector_load %arg16[%get3A_3133, %get3A_3134] {strides = array<i32>} : memref<128x128xf32, #tpu.memory_space<vmem>>, vector<1x16xf32>,
        %get3A_3136 = vector.shape_cast %get3A_3135 : vector<1x16xf32> to vector<16xf32>
        %mul3A_3137 = arith.mulf %gather3A_3000, %get3A_3136 : vector<16xf32>
        %get3A_3138 = arith.index_cast %add3A_3022 : i32 to index
        %get3A_3139 = arith.constant 80 : index
        %get3A_3140 = tpu.vector_load %arg17[%get3A_3138, %get3A_3139] {strides = array<i32>} : memref<128x128xf32, #tpu.memory_space<vmem>>, vector<1x16xf32>,
        %get3A_3141 = vector.shape_cast %get3A_3140 : vector<1x16xf32> to vector<16xf32>
        %mul3A_3142 = arith.mulf %gather3A_3010, %get3A_3141 : vector<16xf32>
        %add3A_3143 = arith.addf %mul3A_3137, %mul3A_3142 : vector<16xf32>
        %get3A_3144 = arith.index_cast %add3A_3022 : i32 to index
        %get3A_3145 = arith.constant 80 : index
        %get3A_3146 = tpu.vector_load %arg18[%get3A_3144, %get3A_3145] {strides = array<i32>} : memref<128x128xf32, #tpu.memory_space<vmem>>, vector<1x16xf32>,
        %get3A_3147 = vector.shape_cast %get3A_3146 : vector<1x16xf32> to vector<16xf32>
        %mul3A_3148 = arith.mulf %gather3A_3020, %get3A_3147 : vector<16xf32>
        %add3A_3149 = arith.addf %add3A_3143, %mul3A_3148 : vector<16xf32>
        %swap3A_3150 = arith.index_cast %add3A_3022 : i32 to index
        %swap3A_3151 = arith.constant 80 : index
        %swap3A_3152 = tpu.vector_load %arg19[%swap3A_3150, %swap3A_3151] {strides = array<i32>} : memref<128x128xf32, #tpu.memory_space<vmem>>, vector<1x16xf32>,
        %swap3A_3153 = vector.shape_cast %swap3A_3152 : vector<1x16xf32> to vector<16xf32>
        %swap3A_3154 = vector.shape_cast %add3A_3149 : vector<16xf32> to vector<1x16xf32>
        tpu.vector_store %arg19[%swap3A_3150, %swap3A_3151], %swap3A_3154 {strides = array<i32>} : memref<128x128xf32, #tpu.memory_space<vmem>>, vector<1x16xf32>,
        %get3A_3155 = arith.index_cast %add3A_3022 : i32 to index
        %get3A_3156 = arith.constant 96 : index
        %get3A_3157 = tpu.vector_load %arg16[%get3A_3155, %get3A_3156] {strides = array<i32>} : memref<128x128xf32, #tpu.memory_space<vmem>>, vector<1x16xf32>,
        %get3A_3158 = vector.shape_cast %get3A_3157 : vector<1x16xf32> to vector<16xf32>
        %mul3A_3159 = arith.mulf %gather3A_3000, %get3A_3158 : vector<16xf32>
        %get3A_3160 = arith.index_cast %add3A_3022 : i32 to index
        %get3A_3161 = arith.constant 96 : index
        %get3A_3162 = tpu.vector_load %arg17[%get3A_3160, %get3A_3161] {strides = array<i32>} : memref<128x128xf32, #tpu.memory_space<vmem>>, vector<1x16xf32>,
        %get3A_3163 = vector.shape_cast %get3A_3162 : vector<1x16xf32> to vector<16xf32>
        %mul3A_3164 = arith.mulf %gather3A_3010, %get3A_3163 : vector<16xf32>
        %add3A_3165 = arith.addf %mul3A_3159, %mul3A_3164 : vector<16xf32>
        %get3A_3166 = arith.index_cast %add3A_3022 : i32 to index
        %get3A_3167 = arith.constant 96 : index
        %get3A_3168 = tpu.vector_load %arg18[%get3A_3166, %get3A_3167] {strides = array<i32>} : memref<128x128xf32, #tpu.memory_space<vmem>>, vector<1x16xf32>,
        %get3A_3169 = vector.shape_cast %get3A_3168 : vector<1x16xf32> to vector<16xf32>
        %mul3A_3170 = arith.mulf %gather3A_3020, %get3A_3169 : vector<16xf32>
        %add3A_3171 = arith.addf %add3A_3165, %mul3A_3170 : vector<16xf32>
        %swap3A_3172 = arith.index_cast %add3A_3022 : i32 to index
        %swap3A_3173 = arith.constant 96 : index
        %swap3A_3174 = tpu.vector_load %arg19[%swap3A_3172, %swap3A_3173] {strides = array<i32>} : memref<128x128xf32, #tpu.memory_space<vmem>>, vector<1x16xf32>,
        %swap3A_3175 = vector.shape_cast %swap3A_3174 : vector<1x16xf32> to vector<16xf32>
        %swap3A_3176 = vector.shape_cast %add3A_3171 : vector<16xf32> to vector<1x16xf32>
        tpu.vector_store %arg19[%swap3A_3172, %swap3A_3173], %swap3A_3176 {strides = array<i32>} : memref<128x128xf32, #tpu.memory_space<vmem>>, vector<1x16xf32>,
        %get3A_3177 = arith.index_cast %add3A_3022 : i32 to index
        %get3A_3178 = arith.constant 112 : index
        %get3A_3179 = tpu.vector_load %arg16[%get3A_3177, %get3A_3178] {strides = array<i32>} : memref<128x128xf32, #tpu.memory_space<vmem>>, vector<1x16xf32>,
        %get3A_3180 = vector.shape_cast %get3A_3179 : vector<1x16xf32> to vector<16xf32>
        %mul3A_3181 = arith.mulf %gather3A_3000, %get3A_3180 : vector<16xf32>
        %get3A_3182 = arith.index_cast %add3A_3022 : i32 to index
        %get3A_3183 = arith.constant 112 : index
        %get3A_3184 = tpu.vector_load %arg17[%get3A_3182, %get3A_3183] {strides = array<i32>} : memref<128x128xf32, #tpu.memory_space<vmem>>, vector<1x16xf32>,
        %get3A_3185 = vector.shape_cast %get3A_3184 : vector<1x16xf32> to vector<16xf32>
        %mul3A_3186 = arith.mulf %gather3A_3010, %get3A_3185 : vector<16xf32>
        %add3A_3187 = arith.addf %mul3A_3181, %mul3A_3186 : vector<16xf32>
        %get3A_3188 = arith.index_cast %add3A_3022 : i32 to index
        %get3A_3189 = arith.constant 112 : index
        %get3A_3190 = tpu.vector_load %arg18[%get3A_3188, %get3A_3189] {strides = array<i32>} : memref<128x128xf32, #tpu.memory_space<vmem>>, vector<1x16xf32>,
        %get3A_3191 = vector.shape_cast %get3A_3190 : vector<1x16xf32> to vector<16xf32>
        %mul3A_3192 = arith.mulf %gather3A_3020, %get3A_3191 : vector<16xf32>
        %add3A_3193 = arith.addf %add3A_3187, %mul3A_3192 : vector<16xf32>
        %swap3A_3194 = arith.index_cast %add3A_3022 : i32 to index
        %swap3A_3195 = arith.constant 112 : index
        %swap3A_3196 = tpu.vector_load %arg19[%swap3A_3194, %swap3A_3195] {strides = array<i32>} : memref<128x128xf32, #tpu.memory_space<vmem>>, vector<1x16xf32>,
        %swap3A_3197 = vector.shape_cast %swap3A_3196 : vector<1x16xf32> to vector<16xf32>
        %swap3A_3198 = vector.shape_cast %add3A_3193 : vector<16xf32> to vector<1x16xf32>
        tpu.vector_store %arg19[%swap3A_3194, %swap3A_3195], %swap3A_3198 {strides = array<i32>} : memref<128x128xf32, #tpu.memory_space<vmem>>, vector<1x16xf32>,
        %broadcast_in_dim3A_3199 = arith.constant 15 : i32
        %broadcast_in_dim3A_3200 = vector.broadcast %broadcast_in_dim3A_3199 : i32 to vector<16xi32>
        %lt3A_3201 = arith.constant 0 : i32
        %lt3A_3202 = vector.broadcast %lt3A_3201 : i32 to vector<16xi32>
        %lt3A_3203 = arith.cmpi slt, %broadcast_in_dim3A_3200, %lt3A_3202 : vector<16xi32>
        %add3A_3204 = arith.constant 16 : i32
        %add3A_3205 = vector.broadcast %add3A_3204 : i32 to vector<16xi32>
        %add3A_3206 = arith.addi %broadcast_in_dim3A_3200, %add3A_3205 : vector<16xi32>
        %select_n3A_3207 = arith.select %lt3A_3203, %add3A_3206, %broadcast_in_dim3A_3200 : vector<16xi1>, vector<16xi32>
        %broadcast_in_dim3A_3208 = vector.shape_cast %select_n3A_3207 : vector<16xi32> to vector<16x1xi32>
        %gather3A_3209 = vector.shape_cast %broadcast_in_dim3A_3208 : vector<16x1xi32> to vector<16xi32>
        %gather3A_3210 = tpu.dynamic_gather %get3A_45[%gather3A_3209] in [0] : vector<16xf32>, vector<16xi32> -> vector<16xf32>
        %lt3A_3211 = arith.constant 0 : i32
        %lt3A_3212 = vector.broadcast %lt3A_3211 : i32 to vector<16xi32>
        %lt3A_3213 = arith.cmpi slt, %broadcast_in_dim3A_3200, %lt3A_3212 : vector<16xi32>
        %add3A_3214 = arith.constant 16 : i32
        %add3A_3215 = vector.broadcast %add3A_3214 : i32 to vector<16xi32>
        %add3A_3216 = arith.addi %broadcast_in_dim3A_3200, %add3A_3215 : vector<16xi32>
        %select_n3A_3217 = arith.select %lt3A_3213, %add3A_3216, %broadcast_in_dim3A_3200 : vector<16xi1>, vector<16xi32>
        %broadcast_in_dim3A_3218 = vector.shape_cast %select_n3A_3217 : vector<16xi32> to vector<16x1xi32>
        %gather3A_3219 = vector.shape_cast %broadcast_in_dim3A_3218 : vector<16x1xi32> to vector<16xi32>
        %gather3A_3220 = tpu.dynamic_gather %get3A_49[%gather3A_3219] in [0] : vector<16xf32>, vector<16xi32> -> vector<16xf32>
        %lt3A_3221 = arith.constant 0 : i32
        %lt3A_3222 = vector.broadcast %lt3A_3221 : i32 to vector<16xi32>
        %lt3A_3223 = arith.cmpi slt, %broadcast_in_dim3A_3200, %lt3A_3222 : vector<16xi32>
        %add3A_3224 = arith.constant 16 : i32
        %add3A_3225 = vector.broadcast %add3A_3224 : i32 to vector<16xi32>
        %add3A_3226 = arith.addi %broadcast_in_dim3A_3200, %add3A_3225 : vector<16xi32>
        %select_n3A_3227 = arith.select %lt3A_3223, %add3A_3226, %broadcast_in_dim3A_3200 : vector<16xi1>, vector<16xi32>
        %broadcast_in_dim3A_3228 = vector.shape_cast %select_n3A_3227 : vector<16xi32> to vector<16x1xi32>
        %gather3A_3229 = vector.shape_cast %broadcast_in_dim3A_3228 : vector<16x1xi32> to vector<16xi32>
        %gather3A_3230 = tpu.dynamic_gather %get3A_53[%gather3A_3229] in [0] : vector<16xf32>, vector<16xi32> -> vector<16xf32>
        %add3A_3231 = arith.constant 15 : i32
        %add3A_3232 = arith.addi %mul3A_42, %add3A_3231 : i32
        %get3A_3233 = arith.index_cast %add3A_3232 : i32 to index
        %get3A_3234 = arith.constant 0 : index
        %get3A_3235 = tpu.vector_load %arg16[%get3A_3233, %get3A_3234] {strides = array<i32>} : memref<128x128xf32, #tpu.memory_space<vmem>>, vector<1x16xf32>,
        %get3A_3236 = vector.shape_cast %get3A_3235 : vector<1x16xf32> to vector<16xf32>
        %mul3A_3237 = arith.mulf %gather3A_3210, %get3A_3236 : vector<16xf32>
        %get3A_3238 = arith.index_cast %add3A_3232 : i32 to index
        %get3A_3239 = arith.constant 0 : index
        %get3A_3240 = tpu.vector_load %arg17[%get3A_3238, %get3A_3239] {strides = array<i32>} : memref<128x128xf32, #tpu.memory_space<vmem>>, vector<1x16xf32>,
        %get3A_3241 = vector.shape_cast %get3A_3240 : vector<1x16xf32> to vector<16xf32>
        %mul3A_3242 = arith.mulf %gather3A_3220, %get3A_3241 : vector<16xf32>
        %add3A_3243 = arith.addf %mul3A_3237, %mul3A_3242 : vector<16xf32>
        %get3A_3244 = arith.index_cast %add3A_3232 : i32 to index
        %get3A_3245 = arith.constant 0 : index
        %get3A_3246 = tpu.vector_load %arg18[%get3A_3244, %get3A_3245] {strides = array<i32>} : memref<128x128xf32, #tpu.memory_space<vmem>>, vector<1x16xf32>,
        %get3A_3247 = vector.shape_cast %get3A_3246 : vector<1x16xf32> to vector<16xf32>
        %mul3A_3248 = arith.mulf %gather3A_3230, %get3A_3247 : vector<16xf32>
        %add3A_3249 = arith.addf %add3A_3243, %mul3A_3248 : vector<16xf32>
        %swap3A_3250 = arith.index_cast %add3A_3232 : i32 to index
        %swap3A_3251 = arith.constant 0 : index
        %swap3A_3252 = tpu.vector_load %arg19[%swap3A_3250, %swap3A_3251] {strides = array<i32>} : memref<128x128xf32, #tpu.memory_space<vmem>>, vector<1x16xf32>,
        %swap3A_3253 = vector.shape_cast %swap3A_3252 : vector<1x16xf32> to vector<16xf32>
        %swap3A_3254 = vector.shape_cast %add3A_3249 : vector<16xf32> to vector<1x16xf32>
        tpu.vector_store %arg19[%swap3A_3250, %swap3A_3251], %swap3A_3254 {strides = array<i32>} : memref<128x128xf32, #tpu.memory_space<vmem>>, vector<1x16xf32>,
        %get3A_3255 = arith.index_cast %add3A_3232 : i32 to index
        %get3A_3256 = arith.constant 16 : index
        %get3A_3257 = tpu.vector_load %arg16[%get3A_3255, %get3A_3256] {strides = array<i32>} : memref<128x128xf32, #tpu.memory_space<vmem>>, vector<1x16xf32>,
        %get3A_3258 = vector.shape_cast %get3A_3257 : vector<1x16xf32> to vector<16xf32>
        %mul3A_3259 = arith.mulf %gather3A_3210, %get3A_3258 : vector<16xf32>
        %get3A_3260 = arith.index_cast %add3A_3232 : i32 to index
        %get3A_3261 = arith.constant 16 : index
        %get3A_3262 = tpu.vector_load %arg17[%get3A_3260, %get3A_3261] {strides = array<i32>} : memref<128x128xf32, #tpu.memory_space<vmem>>, vector<1x16xf32>,
        %get3A_3263 = vector.shape_cast %get3A_3262 : vector<1x16xf32> to vector<16xf32>
        %mul3A_3264 = arith.mulf %gather3A_3220, %get3A_3263 : vector<16xf32>
        %add3A_3265 = arith.addf %mul3A_3259, %mul3A_3264 : vector<16xf32>
        %get3A_3266 = arith.index_cast %add3A_3232 : i32 to index
        %get3A_3267 = arith.constant 16 : index
        %get3A_3268 = tpu.vector_load %arg18[%get3A_3266, %get3A_3267] {strides = array<i32>} : memref<128x128xf32, #tpu.memory_space<vmem>>, vector<1x16xf32>,
        %get3A_3269 = vector.shape_cast %get3A_3268 : vector<1x16xf32> to vector<16xf32>
        %mul3A_3270 = arith.mulf %gather3A_3230, %get3A_3269 : vector<16xf32>
        %add3A_3271 = arith.addf %add3A_3265, %mul3A_3270 : vector<16xf32>
        %swap3A_3272 = arith.index_cast %add3A_3232 : i32 to index
        %swap3A_3273 = arith.constant 16 : index
        %swap3A_3274 = tpu.vector_load %arg19[%swap3A_3272, %swap3A_3273] {strides = array<i32>} : memref<128x128xf32, #tpu.memory_space<vmem>>, vector<1x16xf32>,
        %swap3A_3275 = vector.shape_cast %swap3A_3274 : vector<1x16xf32> to vector<16xf32>
        %swap3A_3276 = vector.shape_cast %add3A_3271 : vector<16xf32> to vector<1x16xf32>
        tpu.vector_store %arg19[%swap3A_3272, %swap3A_3273], %swap3A_3276 {strides = array<i32>} : memref<128x128xf32, #tpu.memory_space<vmem>>, vector<1x16xf32>,
        %get3A_3277 = arith.index_cast %add3A_3232 : i32 to index
        %get3A_3278 = arith.constant 32 : index
        %get3A_3279 = tpu.vector_load %arg16[%get3A_3277, %get3A_3278] {strides = array<i32>} : memref<128x128xf32, #tpu.memory_space<vmem>>, vector<1x16xf32>,
        %get3A_3280 = vector.shape_cast %get3A_3279 : vector<1x16xf32> to vector<16xf32>
        %mul3A_3281 = arith.mulf %gather3A_3210, %get3A_3280 : vector<16xf32>
        %get3A_3282 = arith.index_cast %add3A_3232 : i32 to index
        %get3A_3283 = arith.constant 32 : index
        %get3A_3284 = tpu.vector_load %arg17[%get3A_3282, %get3A_3283] {strides = array<i32>} : memref<128x128xf32, #tpu.memory_space<vmem>>, vector<1x16xf32>,
        %get3A_3285 = vector.shape_cast %get3A_3284 : vector<1x16xf32> to vector<16xf32>
        %mul3A_3286 = arith.mulf %gather3A_3220, %get3A_3285 : vector<16xf32>
        %add3A_3287 = arith.addf %mul3A_3281, %mul3A_3286 : vector<16xf32>
        %get3A_3288 = arith.index_cast %add3A_3232 : i32 to index
        %get3A_3289 = arith.constant 32 : index
        %get3A_3290 = tpu.vector_load %arg18[%get3A_3288, %get3A_3289] {strides = array<i32>} : memref<128x128xf32, #tpu.memory_space<vmem>>, vector<1x16xf32>,
        %get3A_3291 = vector.shape_cast %get3A_3290 : vector<1x16xf32> to vector<16xf32>
        %mul3A_3292 = arith.mulf %gather3A_3230, %get3A_3291 : vector<16xf32>
        %add3A_3293 = arith.addf %add3A_3287, %mul3A_3292 : vector<16xf32>
        %swap3A_3294 = arith.index_cast %add3A_3232 : i32 to index
        %swap3A_3295 = arith.constant 32 : index
        %swap3A_3296 = tpu.vector_load %arg19[%swap3A_3294, %swap3A_3295] {strides = array<i32>} : memref<128x128xf32, #tpu.memory_space<vmem>>, vector<1x16xf32>,
        %swap3A_3297 = vector.shape_cast %swap3A_3296 : vector<1x16xf32> to vector<16xf32>
        %swap3A_3298 = vector.shape_cast %add3A_3293 : vector<16xf32> to vector<1x16xf32>
        tpu.vector_store %arg19[%swap3A_3294, %swap3A_3295], %swap3A_3298 {strides = array<i32>} : memref<128x128xf32, #tpu.memory_space<vmem>>, vector<1x16xf32>,
        %get3A_3299 = arith.index_cast %add3A_3232 : i32 to index
        %get3A_3300 = arith.constant 48 : index
        %get3A_3301 = tpu.vector_load %arg16[%get3A_3299, %get3A_3300] {strides = array<i32>} : memref<128x128xf32, #tpu.memory_space<vmem>>, vector<1x16xf32>,
        %get3A_3302 = vector.shape_cast %get3A_3301 : vector<1x16xf32> to vector<16xf32>
        %mul3A_3303 = arith.mulf %gather3A_3210, %get3A_3302 : vector<16xf32>
        %get3A_3304 = arith.index_cast %add3A_3232 : i32 to index
        %get3A_3305 = arith.constant 48 : index
        %get3A_3306 = tpu.vector_load %arg17[%get3A_3304, %get3A_3305] {strides = array<i32>} : memref<128x128xf32, #tpu.memory_space<vmem>>, vector<1x16xf32>,
        %get3A_3307 = vector.shape_cast %get3A_3306 : vector<1x16xf32> to vector<16xf32>
        %mul3A_3308 = arith.mulf %gather3A_3220, %get3A_3307 : vector<16xf32>
        %add3A_3309 = arith.addf %mul3A_3303, %mul3A_3308 : vector<16xf32>
        %get3A_3310 = arith.index_cast %add3A_3232 : i32 to index
        %get3A_3311 = arith.constant 48 : index
        %get3A_3312 = tpu.vector_load %arg18[%get3A_3310, %get3A_3311] {strides = array<i32>} : memref<128x128xf32, #tpu.memory_space<vmem>>, vector<1x16xf32>,
        %get3A_3313 = vector.shape_cast %get3A_3312 : vector<1x16xf32> to vector<16xf32>
        %mul3A_3314 = arith.mulf %gather3A_3230, %get3A_3313 : vector<16xf32>
        %add3A_3315 = arith.addf %add3A_3309, %mul3A_3314 : vector<16xf32>
        %swap3A_3316 = arith.index_cast %add3A_3232 : i32 to index
        %swap3A_3317 = arith.constant 48 : index
        %swap3A_3318 = tpu.vector_load %arg19[%swap3A_3316, %swap3A_3317] {strides = array<i32>} : memref<128x128xf32, #tpu.memory_space<vmem>>, vector<1x16xf32>,
        %swap3A_3319 = vector.shape_cast %swap3A_3318 : vector<1x16xf32> to vector<16xf32>
        %swap3A_3320 = vector.shape_cast %add3A_3315 : vector<16xf32> to vector<1x16xf32>
        tpu.vector_store %arg19[%swap3A_3316, %swap3A_3317], %swap3A_3320 {strides = array<i32>} : memref<128x128xf32, #tpu.memory_space<vmem>>, vector<1x16xf32>,
        %get3A_3321 = arith.index_cast %add3A_3232 : i32 to index
        %get3A_3322 = arith.constant 64 : index
        %get3A_3323 = tpu.vector_load %arg16[%get3A_3321, %get3A_3322] {strides = array<i32>} : memref<128x128xf32, #tpu.memory_space<vmem>>, vector<1x16xf32>,
        %get3A_3324 = vector.shape_cast %get3A_3323 : vector<1x16xf32> to vector<16xf32>
        %mul3A_3325 = arith.mulf %gather3A_3210, %get3A_3324 : vector<16xf32>
        %get3A_3326 = arith.index_cast %add3A_3232 : i32 to index
        %get3A_3327 = arith.constant 64 : index
        %get3A_3328 = tpu.vector_load %arg17[%get3A_3326, %get3A_3327] {strides = array<i32>} : memref<128x128xf32, #tpu.memory_space<vmem>>, vector<1x16xf32>,
        %get3A_3329 = vector.shape_cast %get3A_3328 : vector<1x16xf32> to vector<16xf32>
        %mul3A_3330 = arith.mulf %gather3A_3220, %get3A_3329 : vector<16xf32>
        %add3A_3331 = arith.addf %mul3A_3325, %mul3A_3330 : vector<16xf32>
        %get3A_3332 = arith.index_cast %add3A_3232 : i32 to index
        %get3A_3333 = arith.constant 64 : index
        %get3A_3334 = tpu.vector_load %arg18[%get3A_3332, %get3A_3333] {strides = array<i32>} : memref<128x128xf32, #tpu.memory_space<vmem>>, vector<1x16xf32>,
        %get3A_3335 = vector.shape_cast %get3A_3334 : vector<1x16xf32> to vector<16xf32>
        %mul3A_3336 = arith.mulf %gather3A_3230, %get3A_3335 : vector<16xf32>
        %add3A_3337 = arith.addf %add3A_3331, %mul3A_3336 : vector<16xf32>
        %swap3A_3338 = arith.index_cast %add3A_3232 : i32 to index
        %swap3A_3339 = arith.constant 64 : index
        %swap3A_3340 = tpu.vector_load %arg19[%swap3A_3338, %swap3A_3339] {strides = array<i32>} : memref<128x128xf32, #tpu.memory_space<vmem>>, vector<1x16xf32>,
        %swap3A_3341 = vector.shape_cast %swap3A_3340 : vector<1x16xf32> to vector<16xf32>
        %swap3A_3342 = vector.shape_cast %add3A_3337 : vector<16xf32> to vector<1x16xf32>
        tpu.vector_store %arg19[%swap3A_3338, %swap3A_3339], %swap3A_3342 {strides = array<i32>} : memref<128x128xf32, #tpu.memory_space<vmem>>, vector<1x16xf32>,
        %get3A_3343 = arith.index_cast %add3A_3232 : i32 to index
        %get3A_3344 = arith.constant 80 : index
        %get3A_3345 = tpu.vector_load %arg16[%get3A_3343, %get3A_3344] {strides = array<i32>} : memref<128x128xf32, #tpu.memory_space<vmem>>, vector<1x16xf32>,
        %get3A_3346 = vector.shape_cast %get3A_3345 : vector<1x16xf32> to vector<16xf32>
        %mul3A_3347 = arith.mulf %gather3A_3210, %get3A_3346 : vector<16xf32>
        %get3A_3348 = arith.index_cast %add3A_3232 : i32 to index
        %get3A_3349 = arith.constant 80 : index
        %get3A_3350 = tpu.vector_load %arg17[%get3A_3348, %get3A_3349] {strides = array<i32>} : memref<128x128xf32, #tpu.memory_space<vmem>>, vector<1x16xf32>,
        %get3A_3351 = vector.shape_cast %get3A_3350 : vector<1x16xf32> to vector<16xf32>
        %mul3A_3352 = arith.mulf %gather3A_3220, %get3A_3351 : vector<16xf32>
        %add3A_3353 = arith.addf %mul3A_3347, %mul3A_3352 : vector<16xf32>
        %get3A_3354 = arith.index_cast %add3A_3232 : i32 to index
        %get3A_3355 = arith.constant 80 : index
        %get3A_3356 = tpu.vector_load %arg18[%get3A_3354, %get3A_3355] {strides = array<i32>} : memref<128x128xf32, #tpu.memory_space<vmem>>, vector<1x16xf32>,
        %get3A_3357 = vector.shape_cast %get3A_3356 : vector<1x16xf32> to vector<16xf32>
        %mul3A_3358 = arith.mulf %gather3A_3230, %get3A_3357 : vector<16xf32>
        %add3A_3359 = arith.addf %add3A_3353, %mul3A_3358 : vector<16xf32>
        %swap3A_3360 = arith.index_cast %add3A_3232 : i32 to index
        %swap3A_3361 = arith.constant 80 : index
        %swap3A_3362 = tpu.vector_load %arg19[%swap3A_3360, %swap3A_3361] {strides = array<i32>} : memref<128x128xf32, #tpu.memory_space<vmem>>, vector<1x16xf32>,
        %swap3A_3363 = vector.shape_cast %swap3A_3362 : vector<1x16xf32> to vector<16xf32>
        %swap3A_3364 = vector.shape_cast %add3A_3359 : vector<16xf32> to vector<1x16xf32>
        tpu.vector_store %arg19[%swap3A_3360, %swap3A_3361], %swap3A_3364 {strides = array<i32>} : memref<128x128xf32, #tpu.memory_space<vmem>>, vector<1x16xf32>,
        %get3A_3365 = arith.index_cast %add3A_3232 : i32 to index
        %get3A_3366 = arith.constant 96 : index
        %get3A_3367 = tpu.vector_load %arg16[%get3A_3365, %get3A_3366] {strides = array<i32>} : memref<128x128xf32, #tpu.memory_space<vmem>>, vector<1x16xf32>,
        %get3A_3368 = vector.shape_cast %get3A_3367 : vector<1x16xf32> to vector<16xf32>
        %mul3A_3369 = arith.mulf %gather3A_3210, %get3A_3368 : vector<16xf32>
        %get3A_3370 = arith.index_cast %add3A_3232 : i32 to index
        %get3A_3371 = arith.constant 96 : index
        %get3A_3372 = tpu.vector_load %arg17[%get3A_3370, %get3A_3371] {strides = array<i32>} : memref<128x128xf32, #tpu.memory_space<vmem>>, vector<1x16xf32>,
        %get3A_3373 = vector.shape_cast %get3A_3372 : vector<1x16xf32> to vector<16xf32>
        %mul3A_3374 = arith.mulf %gather3A_3220, %get3A_3373 : vector<16xf32>
        %add3A_3375 = arith.addf %mul3A_3369, %mul3A_3374 : vector<16xf32>
        %get3A_3376 = arith.index_cast %add3A_3232 : i32 to index
        %get3A_3377 = arith.constant 96 : index
        %get3A_3378 = tpu.vector_load %arg18[%get3A_3376, %get3A_3377] {strides = array<i32>} : memref<128x128xf32, #tpu.memory_space<vmem>>, vector<1x16xf32>,
        %get3A_3379 = vector.shape_cast %get3A_3378 : vector<1x16xf32> to vector<16xf32>
        %mul3A_3380 = arith.mulf %gather3A_3230, %get3A_3379 : vector<16xf32>
        %add3A_3381 = arith.addf %add3A_3375, %mul3A_3380 : vector<16xf32>
        %swap3A_3382 = arith.index_cast %add3A_3232 : i32 to index
        %swap3A_3383 = arith.constant 96 : index
        %swap3A_3384 = tpu.vector_load %arg19[%swap3A_3382, %swap3A_3383] {strides = array<i32>} : memref<128x128xf32, #tpu.memory_space<vmem>>, vector<1x16xf32>,
        %swap3A_3385 = vector.shape_cast %swap3A_3384 : vector<1x16xf32> to vector<16xf32>
        %swap3A_3386 = vector.shape_cast %add3A_3381 : vector<16xf32> to vector<1x16xf32>
        tpu.vector_store %arg19[%swap3A_3382, %swap3A_3383], %swap3A_3386 {strides = array<i32>} : memref<128x128xf32, #tpu.memory_space<vmem>>, vector<1x16xf32>,
        %get3A_3387 = arith.index_cast %add3A_3232 : i32 to index
        %get3A_3388 = arith.constant 112 : index
        %get3A_3389 = tpu.vector_load %arg16[%get3A_3387, %get3A_3388] {strides = array<i32>} : memref<128x128xf32, #tpu.memory_space<vmem>>, vector<1x16xf32>,
        %get3A_3390 = vector.shape_cast %get3A_3389 : vector<1x16xf32> to vector<16xf32>
        %mul3A_3391 = arith.mulf %gather3A_3210, %get3A_3390 : vector<16xf32>
        %get3A_3392 = arith.index_cast %add3A_3232 : i32 to index
        %get3A_3393 = arith.constant 112 : index
        %get3A_3394 = tpu.vector_load %arg17[%get3A_3392, %get3A_3393] {strides = array<i32>} : memref<128x128xf32, #tpu.memory_space<vmem>>, vector<1x16xf32>,
        %get3A_3395 = vector.shape_cast %get3A_3394 : vector<1x16xf32> to vector<16xf32>
        %mul3A_3396 = arith.mulf %gather3A_3220, %get3A_3395 : vector<16xf32>
        %add3A_3397 = arith.addf %mul3A_3391, %mul3A_3396 : vector<16xf32>
        %get3A_3398 = arith.index_cast %add3A_3232 : i32 to index
        %get3A_3399 = arith.constant 112 : index
        %get3A_3400 = tpu.vector_load %arg18[%get3A_3398, %get3A_3399] {strides = array<i32>} : memref<128x128xf32, #tpu.memory_space<vmem>>, vector<1x16xf32>,
        %get3A_3401 = vector.shape_cast %get3A_3400 : vector<1x16xf32> to vector<16xf32>
        %mul3A_3402 = arith.mulf %gather3A_3230, %get3A_3401 : vector<16xf32>
        %add3A_3403 = arith.addf %add3A_3397, %mul3A_3402 : vector<16xf32>
        %swap3A_3404 = arith.index_cast %add3A_3232 : i32 to index
        %swap3A_3405 = arith.constant 112 : index
        %swap3A_3406 = tpu.vector_load %arg19[%swap3A_3404, %swap3A_3405] {strides = array<i32>} : memref<128x128xf32, #tpu.memory_space<vmem>>, vector<1x16xf32>,
        %swap3A_3407 = vector.shape_cast %swap3A_3406 : vector<1x16xf32> to vector<16xf32>
        %swap3A_3408 = vector.shape_cast %add3A_3403 : vector<16xf32> to vector<1x16xf32>
        tpu.vector_store %arg19[%swap3A_3404, %swap3A_3405], %swap3A_3408 {strides = array<i32>} : memref<128x128xf32, #tpu.memory_space<vmem>>, vector<1x16xf32>,
      }
      %scan3A_38 = arith.constant 8 : i32
      %add3A_39 = arith.addi %mul3A_2, %mul3A_10 : i32
      "tpu.region"() ({
        %run_scoped3A = tpu.sem_alloc : memref<!tpu.dma_semaphore, #tpu.memory_space<semaphore_mem>>
        %dma_start3A_40 = arith.constant 0 : i32
        %dma_start3A_41 = tpu.memref_slice %arg9[%add3A_39, %dma_start3A_40] : memref<65536x128xf32, #tpu.memory_space<hbm>> -> memref<128x128xf32, #tpu.memory_space<hbm>>
        %dma_start3A_42 = arith.constant 0 : i32
        %dma_start3A_43 = tpu.memref_slice %arg9[%add3A_39, %dma_start3A_42] : memref<65536x128xf32, #tpu.memory_space<hbm>> -> memref<128x128xf32, #tpu.memory_space<hbm>>
        tpu.enqueue_dma source(%arg19 : memref<128x128xf32, #tpu.memory_space<vmem>>) target(%dma_start3A_43 : memref<128x128xf32, #tpu.memory_space<hbm>>) target_semaphore(%run_scoped3A : memref<!tpu.dma_semaphore, #tpu.memory_space<semaphore_mem>>)
        %dma_wait3A_44 = arith.constant 0 : i32
        %dma_wait3A_45 = tpu.memref_slice %arg9[%add3A_39, %dma_wait3A_44] : memref<65536x128xf32, #tpu.memory_space<hbm>> -> memref<128x128xf32, #tpu.memory_space<hbm>>
        %dma_wait3A_46 = arith.constant 0 : i32
        %dma_wait3A_47 = tpu.memref_slice %arg9[%add3A_39, %dma_wait3A_46] : memref<65536x128xf32, #tpu.memory_space<hbm>> -> memref<128x128xf32, #tpu.memory_space<hbm>>
        tpu.wait_dma2 semaphore(%run_scoped3A : memref<!tpu.dma_semaphore, #tpu.memory_space<semaphore_mem>>) src(%arg19 : memref<128x128xf32, #tpu.memory_space<vmem>>) dst(%dma_wait3A_47 : memref<128x128xf32, #tpu.memory_space<hbm>>)
        tpu.yield
      }) : () -> ()
    }
    %scan3A_7 = arith.constant 16 : i32
    return
  }
}

module attributes {stable_mosaic.version = 14 : i64} {
  func.func @_nn3_body(%arg0: i32, %arg1: i32, %arg2: memref<1x3x1024xf32, #tpu.memory_space<vmem>>, %arg3: memref<1x1024x3xf32, #tpu.memory_space<vmem>>, %arg4: memref<1x1x1024xi32, #tpu.memory_space<vmem>>, %arg5: memref<1x1x1024xi32, #tpu.memory_space<vmem>>, %arg6: memref<1x1x1024xi32, #tpu.memory_space<vmem>>, %arg7: memref<1x1x1024xf32, #tpu.memory_space<vmem>>, %arg8: memref<1x1x1024xf32, #tpu.memory_space<vmem>>, %arg9: memref<1x1x1024xf32, #tpu.memory_space<vmem>>) attributes {dimension_semantics = [#tpu.dimension_semantics<arbitrary>, #tpu.dimension_semantics<arbitrary>], iteration_bounds = array<i64: 16, 4>, scalar_prefetch = 0 : i64, scratch_operands = 0 : i64, tpu.core_type = #tpu.core_type<tc>, window_params = [{transform_indices = @transform_0, window_bounds = array<i64: 1, 3, 1024>}, {transform_indices = @transform_1, window_bounds = array<i64: 1, 1024, 3>}, {transform_indices = @transform_2, window_bounds = array<i64: 1, 1, 1024>}, {transform_indices = @transform_3, window_bounds = array<i64: 1, 1, 1024>}, {transform_indices = @transform_4, window_bounds = array<i64: 1, 1, 1024>}, {transform_indices = @transform_5, window_bounds = array<i64: 1, 1, 1024>}, {transform_indices = @transform_6, window_bounds = array<i64: 1, 1, 1024>}, {transform_indices = @transform_7, window_bounds = array<i64: 1, 1, 1024>}]} {
    %get3A = arith.constant 0 : index
    %get3A_0 = arith.constant 0 : index
    %get3A_1 = arith.constant 0 : index
    %get3A_2 = vector.load %arg2[%get3A, %get3A_0, %get3A_1] : memref<1x3x1024xf32, #tpu.memory_space<vmem>>, vector<1x3x1024xf32>
    %get3A_3 = vector.shape_cast %get3A_2 : vector<1x3x1024xf32> to vector<3x1024xf32>
    %get3A_4 = arith.constant 0 : index
    %get3A_5 = arith.constant 0 : index
    %get3A_6 = arith.constant 0 : index
    %get3A_7 = vector.load %arg3[%get3A_4, %get3A_5, %get3A_6] : memref<1x1024x3xf32, #tpu.memory_space<vmem>>, vector<1x1024x3xf32>
    %get3A_8 = vector.shape_cast %get3A_7 : vector<1x1024x3xf32> to vector<1024x3xf32>
    %slice3A = vector.extract_strided_slice %get3A_3 {offsets = [0, 0], sizes = [1, 1024], strides = [1, 1]} : vector<3x1024xf32> to vector<1x1024xf32>
    %slice3A_9 = vector.extract_strided_slice %get3A_3 {offsets = [0, 0], sizes = [1, 1024], strides = [1, 1]} : vector<3x1024xf32> to vector<1x1024xf32>
    %mul3A = arith.mulf %slice3A, %slice3A_9 : vector<1x1024xf32>
    %slice3A_10 = vector.extract_strided_slice %get3A_3 {offsets = [1, 0], sizes = [1, 1024], strides = [1, 1]} : vector<3x1024xf32> to vector<1x1024xf32>
    %slice3A_11 = vector.extract_strided_slice %get3A_3 {offsets = [1, 0], sizes = [1, 1024], strides = [1, 1]} : vector<3x1024xf32> to vector<1x1024xf32>
    %mul3A_12 = arith.mulf %slice3A_10, %slice3A_11 : vector<1x1024xf32>
    %add3A = arith.addf %mul3A, %mul3A_12 : vector<1x1024xf32>
    %slice3A_13 = vector.extract_strided_slice %get3A_3 {offsets = [2, 0], sizes = [1, 1024], strides = [1, 1]} : vector<3x1024xf32> to vector<1x1024xf32>
    %slice3A_14 = vector.extract_strided_slice %get3A_3 {offsets = [2, 0], sizes = [1, 1024], strides = [1, 1]} : vector<3x1024xf32> to vector<1x1024xf32>
    %mul3A_15 = arith.mulf %slice3A_13, %slice3A_14 : vector<1x1024xf32>
    %add3A_16 = arith.addf %add3A, %mul3A_15 : vector<1x1024xf32>
    %slice3A_17 = vector.extract_strided_slice %get3A_8 {offsets = [0, 0], sizes = [1024, 1], strides = [1, 1]} : vector<1024x3xf32> to vector<1024x1xf32>
    %slice3A_18 = vector.extract_strided_slice %get3A_8 {offsets = [0, 0], sizes = [1024, 1], strides = [1, 1]} : vector<1024x3xf32> to vector<1024x1xf32>
    %mul3A_19 = arith.mulf %slice3A_17, %slice3A_18 : vector<1024x1xf32>
    %slice3A_20 = vector.extract_strided_slice %get3A_8 {offsets = [0, 1], sizes = [1024, 1], strides = [1, 1]} : vector<1024x3xf32> to vector<1024x1xf32>
    %slice3A_21 = vector.extract_strided_slice %get3A_8 {offsets = [0, 1], sizes = [1024, 1], strides = [1, 1]} : vector<1024x3xf32> to vector<1024x1xf32>
    %mul3A_22 = arith.mulf %slice3A_20, %slice3A_21 : vector<1024x1xf32>
    %add3A_23 = arith.addf %mul3A_19, %mul3A_22 : vector<1024x1xf32>
    %slice3A_24 = vector.extract_strided_slice %get3A_8 {offsets = [0, 2], sizes = [1024, 1], strides = [1, 1]} : vector<1024x3xf32> to vector<1024x1xf32>
    %slice3A_25 = vector.extract_strided_slice %get3A_8 {offsets = [0, 2], sizes = [1024, 1], strides = [1, 1]} : vector<1024x3xf32> to vector<1024x1xf32>
    %mul3A_26 = arith.mulf %slice3A_24, %slice3A_25 : vector<1024x1xf32>
    %add3A_27 = arith.addf %add3A_23, %mul3A_26 : vector<1024x1xf32>
    %dot_general3A = arith.constant dense<0.000000e+00> : vector<1024x1024xf32>
    %dot_general3A_28 = tpu.matmul %get3A_8, %get3A_3, %dot_general3A {dimension_numbers = #tpu.dot_dimension_numbers<[1], [0], [0], [1], [0, 0, 1, 1], [], []>, transpose_lhs_hint = false} : vector<1024x3xf32>, vector<3x1024xf32>, vector<1024x1024xf32> -> vector<1024x1024xf32>
    %mul3A_29 = arith.constant -2.000000e+00 : f32
    %mul3A_30 = vector.broadcast %mul3A_29 : f32 to vector<1024x1024xf32>
    %mul3A_31 = arith.mulf %mul3A_30, %dot_general3A_28 : vector<1024x1024xf32>
    %add3A_32 = vector.broadcast %add3A_16 : vector<1x1024xf32> to vector<1024x1024xf32>
    %add3A_33 = arith.addf %mul3A_31, %add3A_32 : vector<1024x1024xf32>
    %add3A_34 = vector.broadcast %add3A_27 : vector<1024x1xf32> to vector<1024x1024xf32>
    %add3A_35 = arith.addf %add3A_33, %add3A_34 : vector<1024x1024xf32>
    %iota3A = tpu.iota {dimensions = array<i32: 0>} : vector<1024x1024xi32>
    %reduce_min3A = arith.constant dense<0x7F800000> : vector<1024xf32>
    %reduce_min3A_36 = vector.multi_reduction <minimumf>, %add3A_35, %reduce_min3A [0] : vector<1024x1024xf32> to vector<1024xf32>
    %broadcast_in_dim3A = vector.shape_cast %reduce_min3A_36 : vector<1024xf32> to vector<1x1024xf32>
    %eq3A = vector.broadcast %broadcast_in_dim3A : vector<1x1024xf32> to vector<1024x1024xf32>
    %eq3A_37 = arith.cmpf oeq, %add3A_35, %eq3A : vector<1024x1024xf32>
    %jit3A = arith.constant 1024 : i32
    %broadcast_in_dim3A_38 = vector.broadcast %jit3A : i32 to vector<1024x1024xi32>
    %select_n3A = arith.select %eq3A_37, %iota3A, %broadcast_in_dim3A_38 : vector<1024x1024xi1>, vector<1024x1024xi32>
    %reduce_min3A_39 = arith.constant dense<2147483647> : vector<1024xi32>
    %reduce_min3A_40 = vector.multi_reduction <minsi>, %select_n3A, %reduce_min3A_39 [0] : vector<1024x1024xi32> to vector<1024xi32>
    %broadcast_in_dim3A_41 = vector.shape_cast %reduce_min3A_40 : vector<1024xi32> to vector<1x1024xi32>
    %eq3A_42 = vector.broadcast %broadcast_in_dim3A_41 : vector<1x1024xi32> to vector<1024x1024xi32>
    %eq3A_43 = arith.cmpi eq, %select_n3A, %eq3A_42 : vector<1024x1024xi32>
    %jit3A_44 = arith.constant 0x7F800000 : f32
    %broadcast_in_dim3A_45 = vector.broadcast %jit3A_44 : f32 to vector<1024x1024xf32>
    %select_n3A_46 = arith.select %eq3A_43, %broadcast_in_dim3A_45, %add3A_35 : vector<1024x1024xi1>, vector<1024x1024xf32>
    %reduce_min3A_47 = arith.constant dense<0x7F800000> : vector<1024xf32>
    %reduce_min3A_48 = vector.multi_reduction <minimumf>, %select_n3A_46, %reduce_min3A_47 [0] : vector<1024x1024xf32> to vector<1024xf32>
    %broadcast_in_dim3A_49 = vector.shape_cast %reduce_min3A_48 : vector<1024xf32> to vector<1x1024xf32>
    %eq3A_50 = vector.broadcast %broadcast_in_dim3A_49 : vector<1x1024xf32> to vector<1024x1024xf32>
    %eq3A_51 = arith.cmpf oeq, %select_n3A_46, %eq3A_50 : vector<1024x1024xf32>
    %jit3A_52 = arith.constant 1024 : i32
    %broadcast_in_dim3A_53 = vector.broadcast %jit3A_52 : i32 to vector<1024x1024xi32>
    %select_n3A_54 = arith.select %eq3A_51, %iota3A, %broadcast_in_dim3A_53 : vector<1024x1024xi1>, vector<1024x1024xi32>
    %reduce_min3A_55 = arith.constant dense<2147483647> : vector<1024xi32>
    %reduce_min3A_56 = vector.multi_reduction <minsi>, %select_n3A_54, %reduce_min3A_55 [0] : vector<1024x1024xi32> to vector<1024xi32>
    %broadcast_in_dim3A_57 = vector.shape_cast %reduce_min3A_56 : vector<1024xi32> to vector<1x1024xi32>
    %eq3A_58 = vector.broadcast %broadcast_in_dim3A_57 : vector<1x1024xi32> to vector<1024x1024xi32>
    %eq3A_59 = arith.cmpi eq, %select_n3A_54, %eq3A_58 : vector<1024x1024xi32>
    %jit3A_60 = arith.constant 0x7F800000 : f32
    %broadcast_in_dim3A_61 = vector.broadcast %jit3A_60 : f32 to vector<1024x1024xf32>
    %select_n3A_62 = arith.select %eq3A_59, %broadcast_in_dim3A_61, %select_n3A_46 : vector<1024x1024xi1>, vector<1024x1024xf32>
    %reduce_min3A_63 = arith.constant dense<0x7F800000> : vector<1024xf32>
    %reduce_min3A_64 = vector.multi_reduction <minimumf>, %select_n3A_62, %reduce_min3A_63 [0] : vector<1024x1024xf32> to vector<1024xf32>
    %broadcast_in_dim3A_65 = vector.shape_cast %reduce_min3A_64 : vector<1024xf32> to vector<1x1024xf32>
    %eq3A_66 = vector.broadcast %broadcast_in_dim3A_65 : vector<1x1024xf32> to vector<1024x1024xf32>
    %eq3A_67 = arith.cmpf oeq, %select_n3A_62, %eq3A_66 : vector<1024x1024xf32>
    %jit3A_68 = arith.constant 1024 : i32
    %broadcast_in_dim3A_69 = vector.broadcast %jit3A_68 : i32 to vector<1024x1024xi32>
    %select_n3A_70 = arith.select %eq3A_67, %iota3A, %broadcast_in_dim3A_69 : vector<1024x1024xi1>, vector<1024x1024xi32>
    %reduce_min3A_71 = arith.constant dense<2147483647> : vector<1024xi32>
    %reduce_min3A_72 = vector.multi_reduction <minsi>, %select_n3A_70, %reduce_min3A_71 [0] : vector<1024x1024xi32> to vector<1024xi32>
    %broadcast_in_dim3A_73 = vector.shape_cast %reduce_min3A_72 : vector<1024xi32> to vector<1x1024xi32>
    %add3A_74 = arith.constant 9.99999993E-9 : f32
    %add3A_75 = vector.broadcast %add3A_74 : f32 to vector<1x1024xf32>
    %add3A_76 = arith.addf %broadcast_in_dim3A, %add3A_75 : vector<1x1024xf32>
    %div3A = arith.constant 1.000000e+00 : f32
    %div3A_77 = vector.broadcast %div3A : f32 to vector<1x1024xf32>
    %div3A_78 = arith.divf %div3A_77, %add3A_76 : vector<1x1024xf32>
    %add3A_79 = arith.constant 9.99999993E-9 : f32
    %add3A_80 = vector.broadcast %add3A_79 : f32 to vector<1x1024xf32>
    %add3A_81 = arith.addf %broadcast_in_dim3A_49, %add3A_80 : vector<1x1024xf32>
    %div3A_82 = arith.constant 1.000000e+00 : f32
    %div3A_83 = vector.broadcast %div3A_82 : f32 to vector<1x1024xf32>
    %div3A_84 = arith.divf %div3A_83, %add3A_81 : vector<1x1024xf32>
    %add3A_85 = arith.constant 9.99999993E-9 : f32
    %add3A_86 = vector.broadcast %add3A_85 : f32 to vector<1x1024xf32>
    %add3A_87 = arith.addf %broadcast_in_dim3A_65, %add3A_86 : vector<1x1024xf32>
    %div3A_88 = arith.constant 1.000000e+00 : f32
    %div3A_89 = vector.broadcast %div3A_88 : f32 to vector<1x1024xf32>
    %div3A_90 = arith.divf %div3A_89, %add3A_87 : vector<1x1024xf32>
    %add3A_91 = arith.addf %div3A_78, %div3A_84 : vector<1x1024xf32>
    %add3A_92 = arith.addf %add3A_91, %div3A_90 : vector<1x1024xf32>
    %div3A_93 = arith.divf %div3A_78, %add3A_92 : vector<1x1024xf32>
    %swap3A = arith.constant 0 : index
    %swap3A_94 = arith.constant 0 : index
    %swap3A_95 = arith.constant 0 : index
    %swap3A_96 = vector.load %arg7[%swap3A, %swap3A_94, %swap3A_95] : memref<1x1x1024xf32, #tpu.memory_space<vmem>>, vector<1x1x1024xf32>
    %swap3A_97 = vector.shape_cast %swap3A_96 : vector<1x1x1024xf32> to vector<1x1024xf32>
    %swap3A_98 = vector.shape_cast %div3A_93 : vector<1x1024xf32> to vector<1x1x1024xf32>
    tpu.vector_store %arg7[%swap3A, %swap3A_94, %swap3A_95], %swap3A_98 {strides = array<i32>} : memref<1x1x1024xf32, #tpu.memory_space<vmem>>, vector<1x1x1024xf32>,
    %div3A_99 = arith.divf %div3A_84, %add3A_92 : vector<1x1024xf32>
    %swap3A_100 = arith.constant 0 : index
    %swap3A_101 = arith.constant 0 : index
    %swap3A_102 = arith.constant 0 : index
    %swap3A_103 = vector.load %arg8[%swap3A_100, %swap3A_101, %swap3A_102] : memref<1x1x1024xf32, #tpu.memory_space<vmem>>, vector<1x1x1024xf32>
    %swap3A_104 = vector.shape_cast %swap3A_103 : vector<1x1x1024xf32> to vector<1x1024xf32>
    %swap3A_105 = vector.shape_cast %div3A_99 : vector<1x1024xf32> to vector<1x1x1024xf32>
    tpu.vector_store %arg8[%swap3A_100, %swap3A_101, %swap3A_102], %swap3A_105 {strides = array<i32>} : memref<1x1x1024xf32, #tpu.memory_space<vmem>>, vector<1x1x1024xf32>,
    %div3A_106 = arith.divf %div3A_90, %add3A_92 : vector<1x1024xf32>
    %swap3A_107 = arith.constant 0 : index
    %swap3A_108 = arith.constant 0 : index
    %swap3A_109 = arith.constant 0 : index
    %swap3A_110 = vector.load %arg9[%swap3A_107, %swap3A_108, %swap3A_109] : memref<1x1x1024xf32, #tpu.memory_space<vmem>>, vector<1x1x1024xf32>
    %swap3A_111 = vector.shape_cast %swap3A_110 : vector<1x1x1024xf32> to vector<1x1024xf32>
    %swap3A_112 = vector.shape_cast %div3A_106 : vector<1x1024xf32> to vector<1x1x1024xf32>
    tpu.vector_store %arg9[%swap3A_107, %swap3A_108, %swap3A_109], %swap3A_112 {strides = array<i32>} : memref<1x1x1024xf32, #tpu.memory_space<vmem>>, vector<1x1x1024xf32>,
    %mul3A_113 = arith.constant 1024 : i32
    %mul3A_114 = arith.muli %arg0, %mul3A_113 : i32
    %add3A_115 = vector.broadcast %mul3A_114 : i32 to vector<1x1024xi32>
    %add3A_116 = arith.addi %broadcast_in_dim3A_41, %add3A_115 : vector<1x1024xi32>
    %swap3A_117 = arith.constant 0 : index
    %swap3A_118 = arith.constant 0 : index
    %swap3A_119 = arith.constant 0 : index
    %swap3A_120 = vector.load %arg4[%swap3A_117, %swap3A_118, %swap3A_119] : memref<1x1x1024xi32, #tpu.memory_space<vmem>>, vector<1x1x1024xi32>
    %swap3A_121 = vector.shape_cast %swap3A_120 : vector<1x1x1024xi32> to vector<1x1024xi32>
    %swap3A_122 = vector.shape_cast %add3A_116 : vector<1x1024xi32> to vector<1x1x1024xi32>
    tpu.vector_store %arg4[%swap3A_117, %swap3A_118, %swap3A_119], %swap3A_122 {strides = array<i32>} : memref<1x1x1024xi32, #tpu.memory_space<vmem>>, vector<1x1x1024xi32>,
    %add3A_123 = vector.broadcast %mul3A_114 : i32 to vector<1x1024xi32>
    %add3A_124 = arith.addi %broadcast_in_dim3A_57, %add3A_123 : vector<1x1024xi32>
    %swap3A_125 = arith.constant 0 : index
    %swap3A_126 = arith.constant 0 : index
    %swap3A_127 = arith.constant 0 : index
    %swap3A_128 = vector.load %arg5[%swap3A_125, %swap3A_126, %swap3A_127] : memref<1x1x1024xi32, #tpu.memory_space<vmem>>, vector<1x1x1024xi32>
    %swap3A_129 = vector.shape_cast %swap3A_128 : vector<1x1x1024xi32> to vector<1x1024xi32>
    %swap3A_130 = vector.shape_cast %add3A_124 : vector<1x1024xi32> to vector<1x1x1024xi32>
    tpu.vector_store %arg5[%swap3A_125, %swap3A_126, %swap3A_127], %swap3A_130 {strides = array<i32>} : memref<1x1x1024xi32, #tpu.memory_space<vmem>>, vector<1x1x1024xi32>,
    %add3A_131 = vector.broadcast %mul3A_114 : i32 to vector<1x1024xi32>
    %add3A_132 = arith.addi %broadcast_in_dim3A_73, %add3A_131 : vector<1x1024xi32>
    %swap3A_133 = arith.constant 0 : index
    %swap3A_134 = arith.constant 0 : index
    %swap3A_135 = arith.constant 0 : index
    %swap3A_136 = vector.load %arg6[%swap3A_133, %swap3A_134, %swap3A_135] : memref<1x1x1024xi32, #tpu.memory_space<vmem>>, vector<1x1x1024xi32>
    %swap3A_137 = vector.shape_cast %swap3A_136 : vector<1x1x1024xi32> to vector<1x1024xi32>
    %swap3A_138 = vector.shape_cast %add3A_132 : vector<1x1024xi32> to vector<1x1x1024xi32>
    tpu.vector_store %arg6[%swap3A_133, %swap3A_134, %swap3A_135], %swap3A_138 {strides = array<i32>} : memref<1x1x1024xi32, #tpu.memory_space<vmem>>, vector<1x1x1024xi32>,
    return
  }
  func.func @transform_0(%arg0: i32, %arg1: i32) -> (i32, i32, i32) {
    %c0_i32 = arith.constant 0 : i32
    %c0_i32_0 = arith.constant 0 : i32
    return %arg0, %c0_i32, %arg1 : i32, i32, i32
  }
  func.func @transform_1(%arg0: i32, %arg1: i32) -> (i32, i32, i32) {
    %c0_i32 = arith.constant 0 : i32
    %c0_i32_0 = arith.constant 0 : i32
    %c0_i32_1 = arith.constant 0 : i32
    return %arg0, %c0_i32, %c0_i32_0 : i32, i32, i32
  }
  func.func @transform_2(%arg0: i32, %arg1: i32) -> (i32, i32, i32) {
    %c0_i32 = arith.constant 0 : i32
    %c0_i32_0 = arith.constant 0 : i32
    return %arg0, %c0_i32, %arg1 : i32, i32, i32
  }
  func.func @transform_3(%arg0: i32, %arg1: i32) -> (i32, i32, i32) {
    %c0_i32 = arith.constant 0 : i32
    %c0_i32_0 = arith.constant 0 : i32
    return %arg0, %c0_i32, %arg1 : i32, i32, i32
  }
  func.func @transform_4(%arg0: i32, %arg1: i32) -> (i32, i32, i32) {
    %c0_i32 = arith.constant 0 : i32
    %c0_i32_0 = arith.constant 0 : i32
    return %arg0, %c0_i32, %arg1 : i32, i32, i32
  }
  func.func @transform_5(%arg0: i32, %arg1: i32) -> (i32, i32, i32) {
    %c0_i32 = arith.constant 0 : i32
    %c0_i32_0 = arith.constant 0 : i32
    return %arg0, %c0_i32, %arg1 : i32, i32, i32
  }
  func.func @transform_6(%arg0: i32, %arg1: i32) -> (i32, i32, i32) {
    %c0_i32 = arith.constant 0 : i32
    %c0_i32_0 = arith.constant 0 : i32
    return %arg0, %c0_i32, %arg1 : i32, i32, i32
  }
  func.func @transform_7(%arg0: i32, %arg1: i32) -> (i32, i32, i32) {
    %c0_i32 = arith.constant 0 : i32
    %c0_i32_0 = arith.constant 0 : i32
    return %arg0, %c0_i32, %arg1 : i32, i32, i32
  }
}

module attributes {stable_mosaic.version = 14 : i64} {
  func.func @_conv1_body(%arg0: i32, %arg1: i32, %arg2: memref<1x128x1024xf32, #tpu.memory_space<vmem>>, %arg3: memref<128x128xf32, #tpu.memory_space<vmem>>, %arg4: memref<128x1xf32, #tpu.memory_space<vmem>>, %arg5: memref<128x1xf32, #tpu.memory_space<vmem>>, %arg6: memref<128x128xf32, #tpu.memory_space<vmem>>, %arg7: memref<128x1xf32, #tpu.memory_space<vmem>>, %arg8: memref<1x128x1024xf32, #tpu.memory_space<vmem>>, %arg9: memref<128x128xf32, #tpu.memory_space<vmem>>) attributes {dimension_semantics = [#tpu.dimension_semantics<arbitrary>, #tpu.dimension_semantics<arbitrary>], iteration_bounds = array<i64: 16, 4>, scalar_prefetch = 0 : i64, scratch_operands = 0 : i64, tpu.core_type = #tpu.core_type<tc>, window_params = [{transform_indices = @transform_0, window_bounds = array<i64: 1, 128, 1024>}, {pipeline_mode = #tpu.pipeline_mode<synchronous>, transform_indices = @transform_1, window_bounds = array<i64: 128, 128>}, {pipeline_mode = #tpu.pipeline_mode<synchronous>, transform_indices = @transform_2, window_bounds = array<i64: 128, 1>}, {pipeline_mode = #tpu.pipeline_mode<synchronous>, transform_indices = @transform_3, window_bounds = array<i64: 128, 1>}, {pipeline_mode = #tpu.pipeline_mode<synchronous>, transform_indices = @transform_4, window_bounds = array<i64: 128, 128>}, {pipeline_mode = #tpu.pipeline_mode<synchronous>, transform_indices = @transform_5, window_bounds = array<i64: 128, 1>}, {transform_indices = @transform_6, window_bounds = array<i64: 1, 128, 1024>}, {pipeline_mode = #tpu.pipeline_mode<synchronous>, transform_indices = @transform_7, window_bounds = array<i64: 128, 128>}]} {
    %eq3A = arith.constant 0 : i32
    %eq3A_0 = arith.cmpi eq, %arg0, %eq3A : i32
    %eq3A_1 = arith.constant 0 : i32
    %eq3A_2 = arith.cmpi eq, %arg1, %eq3A_1 : i32
    %and3A = arith.andi %eq3A_0, %eq3A_2 : i1
    %convert_element_type3A = arith.extui %and3A : i1 to i32
    %cond3A = arith.constant 0 : i32
    %cond3A_3 = arith.cmpi ne, %convert_element_type3A, %cond3A : i32
    scf.if %cond3A_3 {
      %broadcast_in_dim3A_69 = arith.constant 0.000000e+00 : f32
      %broadcast_in_dim3A_70 = vector.broadcast %broadcast_in_dim3A_69 : f32 to vector<128x128xf32>
      %swap3A_71 = arith.constant 0 : index
      %swap3A_72 = arith.constant 0 : index
      %swap3A_73 = vector.load %arg9[%swap3A_71, %swap3A_72] : memref<128x128xf32, #tpu.memory_space<vmem>>, vector<128x128xf32>
      tpu.vector_store %arg9[%swap3A_71, %swap3A_72], %broadcast_in_dim3A_70 {strides = array<i32>} : memref<128x128xf32, #tpu.memory_space<vmem>>, vector<128x128xf32>,
    } else {
    }
    %get3A = arith.constant 0 : index
    %get3A_4 = arith.constant 0 : index
    %get3A_5 = vector.load %arg3[%get3A, %get3A_4] : memref<128x128xf32, #tpu.memory_space<vmem>>, vector<128x1xf32>
    %div3A = arith.constant 6.553600e+04 : f32
    %div3A_6 = vector.broadcast %div3A : f32 to vector<128x1xf32>
    %div3A_7 = arith.divf %get3A_5, %div3A_6 : vector<128x1xf32>
    %get3A_8 = arith.constant 0 : index
    %get3A_9 = arith.constant 1 : index
    %get3A_10 = vector.load %arg3[%get3A_8, %get3A_9] : memref<128x128xf32, #tpu.memory_space<vmem>>, vector<128x1xf32>
    %div3A_11 = arith.constant 6.553600e+04 : f32
    %div3A_12 = vector.broadcast %div3A_11 : f32 to vector<128x1xf32>
    %div3A_13 = arith.divf %get3A_10, %div3A_12 : vector<128x1xf32>
    %mul3A = arith.mulf %div3A_7, %div3A_7 : vector<128x1xf32>
    %sub3A = arith.subf %div3A_13, %mul3A : vector<128x1xf32>
    %add3A = arith.constant 9.99999974E-6 : f32
    %add3A_14 = vector.broadcast %add3A : f32 to vector<128x1xf32>
    %add3A_15 = arith.addf %sub3A, %add3A_14 : vector<128x1xf32>
    %rsqrt3A = math.rsqrt %add3A_15 : vector<128x1xf32>
    %get3A_16 = arith.constant 0 : index
    %get3A_17 = arith.constant 0 : index
    %get3A_18 = vector.load %arg4[%get3A_16, %get3A_17] : memref<128x1xf32, #tpu.memory_space<vmem>>, vector<128x1xf32>
    %mul3A_19 = arith.mulf %get3A_18, %rsqrt3A : vector<128x1xf32>
    %get3A_20 = arith.constant 0 : index
    %get3A_21 = arith.constant 0 : index
    %get3A_22 = vector.load %arg5[%get3A_20, %get3A_21] : memref<128x1xf32, #tpu.memory_space<vmem>>, vector<128x1xf32>
    %mul3A_23 = arith.mulf %div3A_7, %mul3A_19 : vector<128x1xf32>
    %sub3A_24 = arith.subf %get3A_22, %mul3A_23 : vector<128x1xf32>
    %get3A_25 = arith.constant 0 : index
    %get3A_26 = arith.constant 0 : index
    %get3A_27 = arith.constant 0 : index
    %get3A_28 = vector.load %arg2[%get3A_25, %get3A_26, %get3A_27] : memref<1x128x1024xf32, #tpu.memory_space<vmem>>, vector<1x128x1024xf32>
    %get3A_29 = vector.shape_cast %get3A_28 : vector<1x128x1024xf32> to vector<128x1024xf32>
    %mul3A_30 = vector.broadcast %mul3A_19 : vector<128x1xf32> to vector<128x1024xf32>
    %mul3A_31 = arith.mulf %get3A_29, %mul3A_30 : vector<128x1024xf32>
    %add3A_32 = vector.broadcast %sub3A_24 : vector<128x1xf32> to vector<128x1024xf32>
    %add3A_33 = arith.addf %mul3A_31, %add3A_32 : vector<128x1024xf32>
    %max3A = arith.constant 0.000000e+00 : f32
    %max3A_34 = vector.broadcast %max3A : f32 to vector<128x1024xf32>
    %max3A_35 = arith.maximumf %add3A_33, %max3A_34 : vector<128x1024xf32>
    %get3A_36 = arith.constant 0 : index
    %get3A_37 = arith.constant 0 : index
    %get3A_38 = vector.load %arg6[%get3A_36, %get3A_37] : memref<128x128xf32, #tpu.memory_space<vmem>>, vector<128x128xf32>
    %dot_general3A = arith.constant dense<0.000000e+00> : vector<128x1024xf32>
    %dot_general3A_39 = tpu.matmul %get3A_38, %max3A_35, %dot_general3A {dimension_numbers = #tpu.dot_dimension_numbers<[1], [0], [0], [1], [0, 0, 1, 1], [], []>, transpose_lhs_hint = false} : vector<128x128xf32>, vector<128x1024xf32>, vector<128x1024xf32> -> vector<128x1024xf32>
    %get3A_40 = arith.constant 0 : index
    %get3A_41 = arith.constant 0 : index
    %get3A_42 = vector.load %arg7[%get3A_40, %get3A_41] : memref<128x1xf32, #tpu.memory_space<vmem>>, vector<128x1xf32>
    %add3A_43 = vector.broadcast %get3A_42 : vector<128x1xf32> to vector<128x1024xf32>
    %add3A_44 = arith.addf %dot_general3A_39, %add3A_43 : vector<128x1024xf32>
    %swap3A = arith.constant 0 : index
    %swap3A_45 = arith.constant 0 : index
    %swap3A_46 = arith.constant 0 : index
    %swap3A_47 = vector.load %arg8[%swap3A, %swap3A_45, %swap3A_46] : memref<1x128x1024xf32, #tpu.memory_space<vmem>>, vector<1x128x1024xf32>
    %swap3A_48 = vector.shape_cast %swap3A_47 : vector<1x128x1024xf32> to vector<128x1024xf32>
    %swap3A_49 = vector.shape_cast %add3A_44 : vector<128x1024xf32> to vector<1x128x1024xf32>
    tpu.vector_store %arg8[%swap3A, %swap3A_45, %swap3A_46], %swap3A_49 {strides = array<i32>} : memref<1x128x1024xf32, #tpu.memory_space<vmem>>, vector<1x128x1024xf32>,
    %get3A_50 = arith.constant 0 : index
    %get3A_51 = arith.constant 0 : index
    %get3A_52 = vector.load %arg9[%get3A_50, %get3A_51] : memref<128x128xf32, #tpu.memory_space<vmem>>, vector<128x1xf32>
    %reduce_sum3A = arith.constant dense<0.000000e+00> : vector<128xf32>
    %reduce_sum3A_53 = vector.multi_reduction <add>, %add3A_44, %reduce_sum3A [1] : vector<128x1024xf32> to vector<128xf32>
    %broadcast_in_dim3A = vector.shape_cast %reduce_sum3A_53 : vector<128xf32> to vector<128x1xf32>
    %add3A_54 = arith.addf %get3A_52, %broadcast_in_dim3A : vector<128x1xf32>
    %swap3A_55 = arith.constant 0 : index
    %swap3A_56 = arith.constant 0 : index
    %swap3A_57 = vector.load %arg9[%swap3A_55, %swap3A_56] : memref<128x128xf32, #tpu.memory_space<vmem>>, vector<128x1xf32>
    tpu.vector_store %arg9[%swap3A_55, %swap3A_56], %add3A_54 {strides = array<i32>} : memref<128x128xf32, #tpu.memory_space<vmem>>, vector<128x1xf32>,
    %get3A_58 = arith.constant 0 : index
    %get3A_59 = arith.constant 1 : index
    %get3A_60 = vector.load %arg9[%get3A_58, %get3A_59] : memref<128x128xf32, #tpu.memory_space<vmem>>, vector<128x1xf32>
    %mul3A_61 = arith.mulf %add3A_44, %add3A_44 : vector<128x1024xf32>
    %reduce_sum3A_62 = arith.constant dense<0.000000e+00> : vector<128xf32>
    %reduce_sum3A_63 = vector.multi_reduction <add>, %mul3A_61, %reduce_sum3A_62 [1] : vector<128x1024xf32> to vector<128xf32>
    %broadcast_in_dim3A_64 = vector.shape_cast %reduce_sum3A_63 : vector<128xf32> to vector<128x1xf32>
    %add3A_65 = arith.addf %get3A_60, %broadcast_in_dim3A_64 : vector<128x1xf32>
    %swap3A_66 = arith.constant 0 : index
    %swap3A_67 = arith.constant 1 : index
    %swap3A_68 = vector.load %arg9[%swap3A_66, %swap3A_67] : memref<128x128xf32, #tpu.memory_space<vmem>>, vector<128x1xf32>
    tpu.vector_store %arg9[%swap3A_66, %swap3A_67], %add3A_65 {strides = array<i32>} : memref<128x128xf32, #tpu.memory_space<vmem>>, vector<128x1xf32>,
    return
  }
  func.func @transform_0(%arg0: i32, %arg1: i32) -> (i32, i32, i32) {
    %c0_i32 = arith.constant 0 : i32
    %c0_i32_0 = arith.constant 0 : i32
    return %arg0, %c0_i32, %arg1 : i32, i32, i32
  }
  func.func @transform_1(%arg0: i32, %arg1: i32) -> (i32, i32) {
    %c0_i32 = arith.constant 0 : i32
    %c0_i32_0 = arith.constant 0 : i32
    %c0_i32_1 = arith.constant 0 : i32
    return %c0_i32, %c0_i32_0 : i32, i32
  }
  func.func @transform_2(%arg0: i32, %arg1: i32) -> (i32, i32) {
    %c0_i32 = arith.constant 0 : i32
    %c0_i32_0 = arith.constant 0 : i32
    %c0_i32_1 = arith.constant 0 : i32
    return %c0_i32, %c0_i32_0 : i32, i32
  }
  func.func @transform_3(%arg0: i32, %arg1: i32) -> (i32, i32) {
    %c0_i32 = arith.constant 0 : i32
    %c0_i32_0 = arith.constant 0 : i32
    %c0_i32_1 = arith.constant 0 : i32
    return %c0_i32, %c0_i32_0 : i32, i32
  }
  func.func @transform_4(%arg0: i32, %arg1: i32) -> (i32, i32) {
    %c0_i32 = arith.constant 0 : i32
    %c0_i32_0 = arith.constant 0 : i32
    %c0_i32_1 = arith.constant 0 : i32
    return %c0_i32, %c0_i32_0 : i32, i32
  }
  func.func @transform_5(%arg0: i32, %arg1: i32) -> (i32, i32) {
    %c0_i32 = arith.constant 0 : i32
    %c0_i32_0 = arith.constant 0 : i32
    %c0_i32_1 = arith.constant 0 : i32
    return %c0_i32, %c0_i32_0 : i32, i32
  }
  func.func @transform_6(%arg0: i32, %arg1: i32) -> (i32, i32, i32) {
    %c0_i32 = arith.constant 0 : i32
    %c0_i32_0 = arith.constant 0 : i32
    return %arg0, %c0_i32, %arg1 : i32, i32, i32
  }
  func.func @transform_7(%arg0: i32, %arg1: i32) -> (i32, i32) {
    %c0_i32 = arith.constant 0 : i32
    %c0_i32_0 = arith.constant 0 : i32
    %c0_i32_1 = arith.constant 0 : i32
    return %c0_i32, %c0_i32_0 : i32, i32
  }
}

module attributes {stable_mosaic.version = 14 : i64} {
  func.func @_conv0_body(%arg0: i32, %arg1: i32, %arg2: memref<1x64x1024xf32, #tpu.memory_space<vmem>>, %arg3: memref<1x1024x128xf32, #tpu.memory_space<vmem>>, %arg4: memref<128x192xf32, #tpu.memory_space<vmem>>, %arg5: memref<128x1xf32, #tpu.memory_space<vmem>>, %arg6: memref<1x128x1024xf32, #tpu.memory_space<vmem>>, %arg7: memref<128x128xf32, #tpu.memory_space<vmem>>) attributes {dimension_semantics = [#tpu.dimension_semantics<arbitrary>, #tpu.dimension_semantics<arbitrary>], iteration_bounds = array<i64: 16, 4>, scalar_prefetch = 0 : i64, scratch_operands = 0 : i64, tpu.core_type = #tpu.core_type<tc>, window_params = [{transform_indices = @transform_0, window_bounds = array<i64: 1, 64, 1024>}, {transform_indices = @transform_1, window_bounds = array<i64: 1, 1024, 128>}, {pipeline_mode = #tpu.pipeline_mode<synchronous>, transform_indices = @transform_2, window_bounds = array<i64: 128, 192>}, {pipeline_mode = #tpu.pipeline_mode<synchronous>, transform_indices = @transform_3, window_bounds = array<i64: 128, 1>}, {transform_indices = @transform_4, window_bounds = array<i64: 1, 128, 1024>}, {pipeline_mode = #tpu.pipeline_mode<synchronous>, transform_indices = @transform_5, window_bounds = array<i64: 128, 128>}]} {
    %eq3A = arith.constant 0 : i32
    %eq3A_0 = arith.cmpi eq, %arg0, %eq3A : i32
    %eq3A_1 = arith.constant 0 : i32
    %eq3A_2 = arith.cmpi eq, %arg1, %eq3A_1 : i32
    %and3A = arith.andi %eq3A_0, %eq3A_2 : i1
    %convert_element_type3A = arith.extui %and3A : i1 to i32
    %cond3A = arith.constant 0 : i32
    %cond3A_3 = arith.cmpi ne, %convert_element_type3A, %cond3A : i32
    scf.if %cond3A_3 {
      %broadcast_in_dim3A_50 = arith.constant 0.000000e+00 : f32
      %broadcast_in_dim3A_51 = vector.broadcast %broadcast_in_dim3A_50 : f32 to vector<128x128xf32>
      %swap3A_52 = arith.constant 0 : index
      %swap3A_53 = arith.constant 0 : index
      %swap3A_54 = vector.load %arg7[%swap3A_52, %swap3A_53] : memref<128x128xf32, #tpu.memory_space<vmem>>, vector<128x128xf32>
      tpu.vector_store %arg7[%swap3A_52, %swap3A_53], %broadcast_in_dim3A_51 {strides = array<i32>} : memref<128x128xf32, #tpu.memory_space<vmem>>, vector<128x128xf32>,
    } else {
    }
    %get3A = arith.constant 0 : index
    %get3A_4 = arith.constant 0 : index
    %get3A_5 = vector.load %arg4[%get3A, %get3A_4] : memref<128x192xf32, #tpu.memory_space<vmem>>, vector<128x64xf32>
    %get3A_6 = arith.constant 0 : index
    %get3A_7 = arith.constant 64 : index
    %get3A_8 = vector.load %arg4[%get3A_6, %get3A_7] : memref<128x192xf32, #tpu.memory_space<vmem>>, vector<128x128xf32>
    %get3A_9 = arith.constant 0 : index
    %get3A_10 = arith.constant 0 : index
    %get3A_11 = arith.constant 0 : index
    %get3A_12 = vector.load %arg2[%get3A_9, %get3A_10, %get3A_11] : memref<1x64x1024xf32, #tpu.memory_space<vmem>>, vector<1x64x1024xf32>
    %get3A_13 = vector.shape_cast %get3A_12 : vector<1x64x1024xf32> to vector<64x1024xf32>
    %dot_general3A = arith.constant dense<0.000000e+00> : vector<128x1024xf32>
    %dot_general3A_14 = tpu.matmul %get3A_5, %get3A_13, %dot_general3A {dimension_numbers = #tpu.dot_dimension_numbers<[1], [0], [0], [1], [0, 0, 1, 1], [], []>, transpose_lhs_hint = false} : vector<128x64xf32>, vector<64x1024xf32>, vector<128x1024xf32> -> vector<128x1024xf32>
    %get3A_15 = arith.constant 0 : index
    %get3A_16 = arith.constant 0 : index
    %get3A_17 = arith.constant 0 : index
    %get3A_18 = vector.load %arg3[%get3A_15, %get3A_16, %get3A_17] : memref<1x1024x128xf32, #tpu.memory_space<vmem>>, vector<1x1024x128xf32>
    %get3A_19 = vector.shape_cast %get3A_18 : vector<1x1024x128xf32> to vector<1024x128xf32>
    %dot_general3A_20 = arith.constant dense<0.000000e+00> : vector<128x1024xf32>
    %dot_general3A_21 = tpu.matmul %get3A_8, %get3A_19, %dot_general3A_20 {dimension_numbers = #tpu.dot_dimension_numbers<[1], [1], [0], [0], [0, 0, 1, 0], [], []>, transpose_lhs_hint = false} : vector<128x128xf32>, vector<1024x128xf32>, vector<128x1024xf32> -> vector<128x1024xf32>
    %add3A = arith.addf %dot_general3A_14, %dot_general3A_21 : vector<128x1024xf32>
    %get3A_22 = arith.constant 0 : index
    %get3A_23 = arith.constant 0 : index
    %get3A_24 = vector.load %arg5[%get3A_22, %get3A_23] : memref<128x1xf32, #tpu.memory_space<vmem>>, vector<128x1xf32>
    %add3A_25 = vector.broadcast %get3A_24 : vector<128x1xf32> to vector<128x1024xf32>
    %add3A_26 = arith.addf %add3A, %add3A_25 : vector<128x1024xf32>
    %swap3A = arith.constant 0 : index
    %swap3A_27 = arith.constant 0 : index
    %swap3A_28 = arith.constant 0 : index
    %swap3A_29 = vector.load %arg6[%swap3A, %swap3A_27, %swap3A_28] : memref<1x128x1024xf32, #tpu.memory_space<vmem>>, vector<1x128x1024xf32>
    %swap3A_30 = vector.shape_cast %swap3A_29 : vector<1x128x1024xf32> to vector<128x1024xf32>
    %swap3A_31 = vector.shape_cast %add3A_26 : vector<128x1024xf32> to vector<1x128x1024xf32>
    tpu.vector_store %arg6[%swap3A, %swap3A_27, %swap3A_28], %swap3A_31 {strides = array<i32>} : memref<1x128x1024xf32, #tpu.memory_space<vmem>>, vector<1x128x1024xf32>,
    %get3A_32 = arith.constant 0 : index
    %get3A_33 = arith.constant 0 : index
    %get3A_34 = vector.load %arg7[%get3A_32, %get3A_33] : memref<128x128xf32, #tpu.memory_space<vmem>>, vector<128x1xf32>
    %reduce_sum3A = arith.constant dense<0.000000e+00> : vector<128xf32>
    %reduce_sum3A_35 = vector.multi_reduction <add>, %add3A_26, %reduce_sum3A [1] : vector<128x1024xf32> to vector<128xf32>
    %broadcast_in_dim3A = vector.shape_cast %reduce_sum3A_35 : vector<128xf32> to vector<128x1xf32>
    %add3A_36 = arith.addf %get3A_34, %broadcast_in_dim3A : vector<128x1xf32>
    %swap3A_37 = arith.constant 0 : index
    %swap3A_38 = arith.constant 0 : index
    %swap3A_39 = vector.load %arg7[%swap3A_37, %swap3A_38] : memref<128x128xf32, #tpu.memory_space<vmem>>, vector<128x1xf32>
    tpu.vector_store %arg7[%swap3A_37, %swap3A_38], %add3A_36 {strides = array<i32>} : memref<128x128xf32, #tpu.memory_space<vmem>>, vector<128x1xf32>,
    %get3A_40 = arith.constant 0 : index
    %get3A_41 = arith.constant 1 : index
    %get3A_42 = vector.load %arg7[%get3A_40, %get3A_41] : memref<128x128xf32, #tpu.memory_space<vmem>>, vector<128x1xf32>
    %mul3A = arith.mulf %add3A_26, %add3A_26 : vector<128x1024xf32>
    %reduce_sum3A_43 = arith.constant dense<0.000000e+00> : vector<128xf32>
    %reduce_sum3A_44 = vector.multi_reduction <add>, %mul3A, %reduce_sum3A_43 [1] : vector<128x1024xf32> to vector<128xf32>
    %broadcast_in_dim3A_45 = vector.shape_cast %reduce_sum3A_44 : vector<128xf32> to vector<128x1xf32>
    %add3A_46 = arith.addf %get3A_42, %broadcast_in_dim3A_45 : vector<128x1xf32>
    %swap3A_47 = arith.constant 0 : index
    %swap3A_48 = arith.constant 1 : index
    %swap3A_49 = vector.load %arg7[%swap3A_47, %swap3A_48] : memref<128x128xf32, #tpu.memory_space<vmem>>, vector<128x1xf32>
    tpu.vector_store %arg7[%swap3A_47, %swap3A_48], %add3A_46 {strides = array<i32>} : memref<128x128xf32, #tpu.memory_space<vmem>>, vector<128x1xf32>,
    return
  }
  func.func @transform_0(%arg0: i32, %arg1: i32) -> (i32, i32, i32) {
    %c0_i32 = arith.constant 0 : i32
    %c0_i32_0 = arith.constant 0 : i32
    return %arg0, %c0_i32, %arg1 : i32, i32, i32
  }
  func.func @transform_1(%arg0: i32, %arg1: i32) -> (i32, i32, i32) {
    %c0_i32 = arith.constant 0 : i32
    %c0_i32_0 = arith.constant 0 : i32
    return %arg0, %arg1, %c0_i32 : i32, i32, i32
  }
  func.func @transform_2(%arg0: i32, %arg1: i32) -> (i32, i32) {
    %c0_i32 = arith.constant 0 : i32
    %c0_i32_0 = arith.constant 0 : i32
    %c0_i32_1 = arith.constant 0 : i32
    return %c0_i32, %c0_i32_0 : i32, i32
  }
  func.func @transform_3(%arg0: i32, %arg1: i32) -> (i32, i32) {
    %c0_i32 = arith.constant 0 : i32
    %c0_i32_0 = arith.constant 0 : i32
    %c0_i32_1 = arith.constant 0 : i32
    return %c0_i32, %c0_i32_0 : i32, i32
  }
  func.func @transform_4(%arg0: i32, %arg1: i32) -> (i32, i32, i32) {
    %c0_i32 = arith.constant 0 : i32
    %c0_i32_0 = arith.constant 0 : i32
    return %arg0, %c0_i32, %arg1 : i32, i32, i32
  }
  func.func @transform_5(%arg0: i32, %arg1: i32) -> (i32, i32) {
    %c0_i32 = arith.constant 0 : i32
    %c0_i32_0 = arith.constant 0 : i32
    %c0_i32_1 = arith.constant 0 : i32
    return %c0_i32, %c0_i32_0 : i32, i32
  }
}

module attributes {stable_mosaic.version = 14 : i64} {
  func.func @_bn1_body(%arg0: i32, %arg1: i32, %arg2: memref<1x128x2048xf32, #tpu.memory_space<vmem>>, %arg3: memref<128x128xf32, #tpu.memory_space<vmem>>, %arg4: memref<128x1xf32, #tpu.memory_space<vmem>>, %arg5: memref<128x1xf32, #tpu.memory_space<vmem>>, %arg6: memref<1x128x2048xf32, #tpu.memory_space<vmem>>) attributes {dimension_semantics = [#tpu.dimension_semantics<arbitrary>, #tpu.dimension_semantics<arbitrary>], iteration_bounds = array<i64: 16, 2>, scalar_prefetch = 0 : i64, scratch_operands = 0 : i64, tpu.core_type = #tpu.core_type<tc>, window_params = [{transform_indices = @transform_0, window_bounds = array<i64: 1, 128, 2048>}, {pipeline_mode = #tpu.pipeline_mode<synchronous>, transform_indices = @transform_1, window_bounds = array<i64: 128, 128>}, {pipeline_mode = #tpu.pipeline_mode<synchronous>, transform_indices = @transform_2, window_bounds = array<i64: 128, 1>}, {pipeline_mode = #tpu.pipeline_mode<synchronous>, transform_indices = @transform_3, window_bounds = array<i64: 128, 1>}, {transform_indices = @transform_4, window_bounds = array<i64: 1, 128, 2048>}]} {
    %get3A = arith.constant 0 : index
    %get3A_0 = arith.constant 0 : index
    %get3A_1 = vector.load %arg3[%get3A, %get3A_0] : memref<128x128xf32, #tpu.memory_space<vmem>>, vector<128x1xf32>
    %div3A = arith.constant 6.553600e+04 : f32
    %div3A_2 = vector.broadcast %div3A : f32 to vector<128x1xf32>
    %div3A_3 = arith.divf %get3A_1, %div3A_2 : vector<128x1xf32>
    %get3A_4 = arith.constant 0 : index
    %get3A_5 = arith.constant 1 : index
    %get3A_6 = vector.load %arg3[%get3A_4, %get3A_5] : memref<128x128xf32, #tpu.memory_space<vmem>>, vector<128x1xf32>
    %div3A_7 = arith.constant 6.553600e+04 : f32
    %div3A_8 = vector.broadcast %div3A_7 : f32 to vector<128x1xf32>
    %div3A_9 = arith.divf %get3A_6, %div3A_8 : vector<128x1xf32>
    %mul3A = arith.mulf %div3A_3, %div3A_3 : vector<128x1xf32>
    %sub3A = arith.subf %div3A_9, %mul3A : vector<128x1xf32>
    %add3A = arith.constant 9.99999974E-6 : f32
    %add3A_10 = vector.broadcast %add3A : f32 to vector<128x1xf32>
    %add3A_11 = arith.addf %sub3A, %add3A_10 : vector<128x1xf32>
    %rsqrt3A = math.rsqrt %add3A_11 : vector<128x1xf32>
    %get3A_12 = arith.constant 0 : index
    %get3A_13 = arith.constant 0 : index
    %get3A_14 = vector.load %arg4[%get3A_12, %get3A_13] : memref<128x1xf32, #tpu.memory_space<vmem>>, vector<128x1xf32>
    %mul3A_15 = arith.mulf %get3A_14, %rsqrt3A : vector<128x1xf32>
    %get3A_16 = arith.constant 0 : index
    %get3A_17 = arith.constant 0 : index
    %get3A_18 = vector.load %arg5[%get3A_16, %get3A_17] : memref<128x1xf32, #tpu.memory_space<vmem>>, vector<128x1xf32>
    %mul3A_19 = arith.mulf %div3A_3, %mul3A_15 : vector<128x1xf32>
    %sub3A_20 = arith.subf %get3A_18, %mul3A_19 : vector<128x1xf32>
    %get3A_21 = arith.constant 0 : index
    %get3A_22 = arith.constant 0 : index
    %get3A_23 = arith.constant 0 : index
    %get3A_24 = vector.load %arg2[%get3A_21, %get3A_22, %get3A_23] : memref<1x128x2048xf32, #tpu.memory_space<vmem>>, vector<1x128x2048xf32>
    %get3A_25 = vector.shape_cast %get3A_24 : vector<1x128x2048xf32> to vector<128x2048xf32>
    %mul3A_26 = vector.broadcast %mul3A_15 : vector<128x1xf32> to vector<128x2048xf32>
    %mul3A_27 = arith.mulf %get3A_25, %mul3A_26 : vector<128x2048xf32>
    %add3A_28 = vector.broadcast %sub3A_20 : vector<128x1xf32> to vector<128x2048xf32>
    %add3A_29 = arith.addf %mul3A_27, %add3A_28 : vector<128x2048xf32>
    %max3A = arith.constant 0.000000e+00 : f32
    %max3A_30 = vector.broadcast %max3A : f32 to vector<128x2048xf32>
    %max3A_31 = arith.maximumf %add3A_29, %max3A_30 : vector<128x2048xf32>
    %swap3A = arith.constant 0 : index
    %swap3A_32 = arith.constant 0 : index
    %swap3A_33 = arith.constant 0 : index
    %swap3A_34 = vector.load %arg6[%swap3A, %swap3A_32, %swap3A_33] : memref<1x128x2048xf32, #tpu.memory_space<vmem>>, vector<1x128x2048xf32>
    %swap3A_35 = vector.shape_cast %swap3A_34 : vector<1x128x2048xf32> to vector<128x2048xf32>
    %swap3A_36 = vector.shape_cast %max3A_31 : vector<128x2048xf32> to vector<1x128x2048xf32>
    tpu.vector_store %arg6[%swap3A, %swap3A_32, %swap3A_33], %swap3A_36 {strides = array<i32>} : memref<1x128x2048xf32, #tpu.memory_space<vmem>>, vector<1x128x2048xf32>,
    return
  }
  func.func @transform_0(%arg0: i32, %arg1: i32) -> (i32, i32, i32) {
    %c0_i32 = arith.constant 0 : i32
    %c0_i32_0 = arith.constant 0 : i32
    return %arg0, %c0_i32, %arg1 : i32, i32, i32
  }
  func.func @transform_1(%arg0: i32, %arg1: i32) -> (i32, i32) {
    %c0_i32 = arith.constant 0 : i32
    %c0_i32_0 = arith.constant 0 : i32
    %c0_i32_1 = arith.constant 0 : i32
    return %c0_i32, %c0_i32_0 : i32, i32
  }
  func.func @transform_2(%arg0: i32, %arg1: i32) -> (i32, i32) {
    %c0_i32 = arith.constant 0 : i32
    %c0_i32_0 = arith.constant 0 : i32
    %c0_i32_1 = arith.constant 0 : i32
    return %c0_i32, %c0_i32_0 : i32, i32
  }
  func.func @transform_3(%arg0: i32, %arg1: i32) -> (i32, i32) {
    %c0_i32 = arith.constant 0 : i32
    %c0_i32_0 = arith.constant 0 : i32
    %c0_i32_1 = arith.constant 0 : i32
    return %c0_i32, %c0_i32_0 : i32, i32
  }
  func.func @transform_4(%arg0: i32, %arg1: i32) -> (i32, i32, i32) {
    %c0_i32 = arith.constant 0 : i32
    %c0_i32_0 = arith.constant 0 : i32
    return %arg0, %c0_i32, %arg1 : i32, i32, i32
  }
}

</mosaic_0001>

<sc_bundles>
// kernel: kernel.7.cloned.1.call-start
scs
__scs_entry_jumppad:
0x0: {  	(pc) =	sbr.rel $0x88, $3  }
0x1: {  	(tag) =	ssettag $0x0;
	lr =	simm.s32 $0x1  }
0x2: {  	[smem:$0x3F95] =	sst lr;
	_ =	strace $0xD0000000  }
0x3: {  	_ = 	snop  }
0x4: {  	_ = 	snop  }
0x5: {  	_ = 	snop  }
0x6: {  	_ = 	snop  }
0x7: {  	_ = 	snop  }
__scs_overlays_trampoline_lowered:
0x8: {  	[smem:$0x3FA4] =	sst s0  }
0x9: {  	[smem:$0x3FA5] =	sst s1  }
0xa: {  	[smem:$0x3FA6] =	sst s2  }
0xb: {  	[smem:$0x3FA7] =	sst s3  }
0xc: {  	[smem:$0x3FA8] =	sst s4  }
0xd: {  	[smem:$0x3FA9] =	sst s5  }
0xe: {  	[smem:$0x3FAA] =	sst s6  }
0xf: {  	[smem:$0x3FAB] =	sst s7  }
0x10: {  	[smem:$0x3FAC] =	sst s8  }
0x11: {  	[smem:$0x3FAD] =	sst s9;
	s0 =	simm.s32 @!p0 $0x0  }
0x12: {  	s1 =	sld [smem:$0x3F93];
	s0 =	simm.s32 @p0 $0x1  }
0x13: {  	[smem:$0x3FAE] =	sst s0;
	s0 =	simm.s32 @!p1 $0x0  }
0x14: {  	s2 =	sld [smem:$0x3F92];
	s0 =	simm.s32 @p1 $0x1  }
0x15: {  	[smem:$0x3FAF] =	sst s0;
	s0 =	simm.s32 @!p2 $0x0  }
0x16: {  	s3 =	sld [smem:$0x3FDB];
	s0 =	simm.s32 @p2 $0x1  }
0x17: {  	s4 =	simm.s32 $0x1BF5;
	[smem:$0x3FB1] =	sst s0  }
0x18: {  	s0 =	sld [smem:$0x3F94];
	_ =	swait.ge [sflag:s4], $0x0  }
0x19: {  	s7 =	sld [smem:$0x3F95]  }
0x1a: {  	s8 =	sadd.s32 $0xFFFFE003, lr  }
0x1b: {  	s9 =	sadd.s32 $0xFFFFFEF7, lr;
	s5 =	simm.s32 $0xFFFFFFFF;
	p2 =	slt.u32 s8, $0xFFFFF086  }
0x1c: {  	p1 =	slt.u32 s9, $0xF7A;
	s5 =	simm.s32 @!p2 $0x0  }
0x1d: {  	s5 =	simm.s32 @p1 $0x1;
	p0 =	seq.s32 s7, s2  }
0x1e: {  	s7 =	smul.u32 @!p0 $0xF7A, s2;
	p2 =	seq.s32 @!p0 s5, $0x0  }
0x1f: {  	s9 =	smul.u32 $0xF7A, s1;
	s8 =	simm.s32 @!p0 $0x1BF5;
	p2 =	por !p2, p0  }
0x20: {  	[sflag:s8] =	ssyncset.s32 @!p0 $0xFFFFF086;
	s6 =	sadd.s32 @!p0 s3, s7;
	s7 =	simm.s32 @!p0 $0x108  }
0x21: {  	s3 =	sadd.s32 s3, s9;
	s6 =	sadd.s32 @!p0 $0x88, s6;
	s7 =	simm.s32 @p2 $0x1082  }
0x22: {  	[simem:s7], [sflag:s8] =	dma.local @!p0 [hbm:s6], $0xF7A  }
0x23: {  	s9 =	sor.u32 $0xD0000000, s2;
	s6 =	simm.s32 $0x108;
	_ =	swait.ge @!p0 [sflag:s8], $0x0  }
0x24: {  	s3 =	sadd.s32 $0x88, s3;
	s6 =	simm.s32 @!p1 $0x1082;
	[sflag:s4] =	ssyncset.s32 $0xFFFFF086  }
0x25: {  	[simem:s6], [sflag:s4] =	dma.local [hbm:s3], $0xF7A  }
0x26: {  	[smem:$0x3F95] =	sst s1;
	(tag) =	ssettag s2;
	_ =	strace s9  }
0x27: {  	s1 =	sld [smem:$0x3FA5]  }
0x28: {  	s2 =	sld [smem:$0x3FA6]  }
0x29: {  	s4 =	sld [smem:$0x3FA8]  }
0x2a: {  	p0 =	seq.s32 s5, $0x0;
	s5 =	sld [smem:$0x3FA9]  }
0x2b: {  	s6 =	sld [smem:$0x3FAA]  }
0x2c: {  	s7 =	sld [smem:$0x3FAB]  }
0x2d: {  	s3 =	simm.s32 $0x108;
	s8 =	sld [smem:$0x3FAC]  }
0x2e: {  	s3 =	simm.s32 @!p0 $0x1082;
	s9 =	sld [smem:$0x3FAD]  }
0x2f: {  	lr =	sadd.s32 s0, s3;
	s0 =	sld [smem:$0x3FA4]  }
0x30: {  	s3 =	sld [smem:$0x3FA7]  }
0x31: {  	[smem:$0x3FB0] =	sst s10  }
0x32: {  	s10 =	sld [smem:$0x3FAE];
	_ =	sdelay $0x3  }
0x33: {  	p0 =	seq.s32 s10, $0x1;
	s10 =	sld [smem:$0x3FB0];
	_ =	sdelay $0x3  }
0x34: {  	[smem:$0x3FB0] =	sst s10  }
0x35: {  	s10 =	sld [smem:$0x3FAF];
	_ =	sdelay $0x3  }
0x36: {  	p1 =	seq.s32 s10, $0x1;
	s10 =	sld [smem:$0x3FB0];
	_ =	sdelay $0x3  }
0x37: {  	[smem:$0x3FB0] =	sst s10  }
0x38: {  	s10 =	sld [smem:$0x3FB1]  }
0x39: {  	_ = 	snop;
	(pc) =	sbr.ind lr, $3  }
0x3a: {  	_ = 	snop  }
0x3b: {  	_ = 	snop  }
0x3c: {  	p2 =	seq.s32 s10, $0x1;
	s10 =	sld [smem:$0x3FB0]  }
0x3d: {  	_ =	shalt  }
0x3e: {  	_ =	shalt  }
0x3f: {  	_ =	shalt  }
0x40: {  	_ =	shalt  }
0x41: {  	_ =	shalt  }
0x42: {  	_ =	shalt  }
0x43: {  	_ =	shalt  }
0x44: {  	_ =	shalt  }
0x45: {  	_ =	shalt  }
0x46: {  	_ =	shalt  }
0x47: {  	_ =	shalt  }
0x48: {  	_ =	shalt  }
0x49: {  	_ =	shalt  }
0x4a: {  	_ =	shalt  }
0x4b: {  	_ =	shalt  }
0x4c: {  	_ =	shalt  }
0x4d: {  	_ =	shalt  }
0x4e: {  	_ =	shalt  }
0x4f: {  	_ =	shalt  }
0x50: {  	_ =	shalt  }
0x51: {  	_ =	shalt  }
0x52: {  	_ =	shalt  }
0x53: {  	_ =	shalt  }
0x54: {  	_ =	shalt  }
0x55: {  	_ =	shalt  }
0x56: {  	_ =	shalt  }
0x57: {  	_ =	shalt  }
0x58: {  	_ =	shalt  }
0x59: {  	_ =	shalt  }
0x5a: {  	_ =	shalt  }
0x5b: {  	_ =	shalt  }
0x5c: {  	_ =	shalt  }
0x5d: {  	_ =	shalt  }
0x5e: {  	_ =	shalt  }
0x5f: {  	_ =	shalt  }
0x60: {  	_ =	shalt  }
0x61: {  	_ =	shalt  }
0x62: {  	_ =	shalt  }
0x63: {  	_ =	shalt  }
0x64: {  	_ =	shalt  }
0x65: {  	_ =	shalt  }
0x66: {  	_ =	shalt  }
0x67: {  	_ =	shalt  }
0x68: {  	_ =	shalt  }
0x69: {  	_ =	shalt  }
0x6a: {  	_ =	shalt  }
0x6b: {  	_ =	shalt  }
0x6c: {  	_ =	shalt  }
0x6d: {  	_ =	shalt  }
0x6e: {  	_ =	shalt  }
0x6f: {  	_ =	shalt  }
0x70: {  	_ =	shalt  }
0x71: {  	_ =	shalt  }
0x72: {  	_ =	shalt  }
0x73: {  	_ =	shalt  }
0x74: {  	_ =	shalt  }
0x75: {  	_ =	shalt  }
0x76: {  	_ =	shalt  }
0x77: {  	_ =	shalt  }
0x78: {  	_ =	shalt  }
0x79: {  	_ =	shalt  }
0x7a: {  	_ =	shalt  }
0x7b: {  	_ =	shalt  }
0x7c: {  	_ =	shalt  }
0x7d: {  	_ =	shalt  }
0x7e: {  	_ =	shalt  }
0x7f: {  	_ =	shalt  }
0x80: {  	_ =	shalt  }
0x81: {  	_ =	shalt  }
0x82: {  	_ =	shalt  }
0x83: {  	_ =	shalt  }
0x84: {  	_ =	shalt  }
0x85: {  	_ =	shalt  }
0x86: {  	_ =	shalt  }
0x87: {  	_ =	shalt  }
.Lfunc_end0:
.L_simem_size_0:
called_computation_lowered:
.L_overlay_start_0:
0x88: {  	s2 =	sld [smem:$0x3FD9]  }
0x89: {  	s3 =	sld [smem:$0x3FFE];
	_ =	sdelay $0x1  }
0x8a: {  	s1 =	srdreg.scid  }
0x8b: {  	s0 =	sand.u32 $0x1, s1  }
0x8c: {  	s17 =	sshll.u32 s0, $0xA;
	s2 =	sadd.s32 s3, s2  }
0x8d: {  	s2 =	sadd.s32 s2, s17  }
0x8e: {  	[smem:$0x3FBC] =	sst s2  }
0x8f: {  	_ = 	snop  }
0x90: {  	s2 =	sld [smem:$0x3FD0];
	(tm) =	ssettm $0x1  }
0x91: {  	s18 =	sld [smem:$0x3FFB];
	_ =	sdelay $0x3  }
0x92: {  	_ =	strace s18  }
0x93: {  	s3 =	sld [smem:$0x3FFC];
	_ =	sdelay $0x3  }
0x94: {  	_ =	strace s3  }
0x95: {  	s3 =	sld [smem:$0x3FFD];
	_ =	sdelay $0x3  }
0x96: {  	_ =	strace s3  }
0x97: {  	_ =	strace $0x8FFFFFFF  }
0x98: {  	s19 =	sld [smem:$0x3FDB];
	_ =	sdelay $0x1  }
0x99: {  	s4 =	simm.s32 $_scs_section_size  }
0x9a: {  	s5 =	simm.s32 $_size__tile_overlayer_lowered;
	s6 =	simm.s32 $_tile_overlayer_lowered  }
0x9b: {  	s22 =	simm.s32 $0x1BFF;
	s21 =	sshll.u32 s6, $0x1;
	s3 =	sadd.s32 s4, s19  }
0x9c: {  	s7 =	simm.s32 $0x0;
	s20 =	sshll.u32 s5, $0x1;
	s5 =	sadd.s32 s21, s3  }
0x9d: {  	[timem:s7], [sflag:s22] =	dma.local [hbm:s5], s20  }
0x9e: {  	_ =	swait.ge [sflag:s22], s20  }
0x9f: {  	s4 =	ssub.s32 $0x0, s20;
	[sflag:s22] =	ssyncset.done $0x0  }
0xa0: {  	[sflag:s22] =	ssyncadd.s32 s4;
	_ =	sdelay $0x1  }
0xa1: {  	s23 =	simm.s32 $0x1B8B  }
0xa2: {  	_ =	swait.ge [sflag:s23], $0x1  }
0xa3: {  	[sflag:s23] =	ssyncset.done $0x0  }
0xa4: {  	s25 =	simm.s32 $0x1B8E;
	s24 =	sld [smem:$0x3FFE];
	[sflag:s23] =	ssyncadd.s32 $0xFFFFFFFF  }
0xa5: {  	s26 =	simm.s32 $execute0_lowered;
	[smem:$0x3FD2] =	sst s25  }
0xa6: {  	s5 =	sshll.u32 s26, $0x1;
	_ =	strace $0x80000046;
	[dreg:$0x1] =	wrdreg $0xFFFFFFFF  }
0xa7: {  	s28 =	simm.s32 $_size_execute0_lowered;
	s3 =	sadd.s32 s3, s5;
	[dreg:$0x0] =	wrdreg $0x0  }
0xa8: {  	s5 =	sshll.u32 s28, $0x1;
	[dreg:$0x2] =	wrdreg s3  }
0xa9: {  	[dreg:$0x3] =	wrdreg s5  }
0xaa: {  	[dreg:$0x4] =	wrdreg $0xC0  }
0xab: {  	_ =	task [dreg:s7], $0x5FFFF  }
0xac: {  	[dreg:$0x1] =	wrdreg $0xFFFFFFFF  }
0xad: {  	[dreg:$0x0] =	wrdreg $0x60  }
0xae: {  	[dreg:$0x2] =	wrdreg s2  }
0xaf: {  	[dreg:$0x3] =	wrdreg s24  }
0xb0: {  	[dreg:$0x4] =	wrdreg $0x9  }
0xb1: {  	_ =	task.clear_ibuf [dreg:s7], $0x5FFFF;
	_ =	strace $0x90000046  }
0xb2: {  	s29 =	simm.s32 $0x9;
	_ =	strace $0x80000048  }
0xb3: {  	_ =	swait.ge [sflag:s29], $0x1  }
0xb4: {  	[sflag:s29] =	ssyncadd.s32 $0xFFFFFFFF  }
0xb5: {  	_ =	strace $0x90000048  }
0xb6: {  	_ =	sfence  }
0xb7: {  	s30 =	sld [smem:$0x0];
	_ =	sdelay $0x2  }
0xb8: {  	s31 =	sshll.u32 s1, $0xD;
	s1 =	sshrl.u32 s1, $0x2  }
0xb9: {  	s3 =	sand.u32 $0x4000, s31;
	s1 =	sadd.s32 s1, s30  }
0xba: {  	s0 =	sor.u32 s3, s0;
	s1 =	sshll.u32 s1, $0x11  }
0xbb: {  	s0 =	sor.u32 s1, s0  }
0xbc: {  	s0 =	sadd.s32 $0x8F2B, s0  }
0xbd: {  	[sflag:s0] =	ssyncadd.remote.s32 $0x1  }
0xbe: {  	_ =	sfence.sel $0xFFFF  }
0xbf: {  	[dreg:$0x0] =	wrdreg $0xFFFFFFFF;
	(pc) =	sbr.abs _section_cstart, $3  }
0xc0: {  	[dreg:$0x1] =	wrdreg $0xFFFFFFFF  }
0xc1: {  	_ =	task.clear_ibuf [dreg:s7], $0x2FFFF;
	_ =	strace $0x9FFFFFFF  }
0xc2: {  	(tm) =	ssettm $0x7FFFFFFF  }
0xc3: {  	_ =	shalt  }
tec
execute0_lowered:
.L_overlay_start_1:
0x0: {  	(tag) =	ssettag $0x1  }
0x1: {  	s2 =	rddreg [dreg:$0x0]  }
0x2: {  	s5 =	rddreg [dreg:$0x1];
	s3 =	srdreg.scid  }
0x3: {  	s0 =	rddreg [dreg:$0x2];
	s1 =	stileid.u32  }
0x4: {  	s13 =	simm.s32 $0x2;
	s14 =	simm.s32 $0x800;
	s15 =	simm.s32 $0x1000  }
0x5: {  	s16 =	simm.s32 $0x1800;
	s17 =	simm.s32 $0x2000;
	s18 =	simm.s32 $0x2800  }
0x6: {  	s19 =	simm.s32 $0x80;
	s20 =	simm.s32 $0x3000;
	s21 =	simm.s32 $0x7000  }
0x7: {  	s22 =	simm.s32 $0xB000;
	s23 =	simm.s32 $0x1;
	s24 =	simm.s32 $0xF000  }
0x8: {  	s25 =	simm.s32 $0x0;
	s6 =	sand.u32 $0x1, s3;
	s3 =	simm.s32 $0x0  }
0x9: {  	s4 =	sshll.u32 s1, $0xC;
	s7 =	sshll.u32 s6, $0xB;
	s6 =	ssub.s32 $0x2, s6  }
0xa: {  	[smem:$0x7FF] =	sst s3;
	s4 =	sor.u32 s7, s4;
	s31 =	sshrl.u32 s6, $0x1  }
0xb: {  	_ =	strace $0x80000047;
	s7 =	sshrl.u32 s4, $0x3;
	s12 =	ssub.s32 s6, s31  }
0xc: {  	s11 =	sadd.s32 s7, s5;
	s5 =	sadd.s32 $0xF600, s5;
	s12 =	smax.u32 s12, $0x1  }
0xd: {  	s6 =	sadd.s32 $0x3600, s11;
	s7 =	sadd.s32 $0x5600, s11;
	s8 =	sadd.s32 $0x7600, s11  }
0xe: {  	v1 =	vimm.s32 $0x0;
	s9 =	sadd.s32 $0x9600, s11;
	s10 =	sadd.s32 $0xB600, s11;
	s11 =	sadd.s32 $0xD600, s11  }
.LBB2_1:
0xf: {  	[tilespmem:s3], [sflag:$0x2] =	stream.linear.gather [hbm4b:s6+s3], $0x800, $0x38;
	[tilespmem:$0x13000] =	vst v63  }
0x10: {  	_ =	swait.ge [sflag:s13], $0x800  }
0x11: {  	[sflag:s13] =	ssyncset.done $0x0  }
0x12: {  	[sflag:s13] =	ssyncadd.s32 $0xFFFFF800  }
0x13: {  	[tilespmem:s14], [sflag:$0x2] =	stream.linear.gather [hbm4b:s7+s3], $0x800, $0x38;
	[tilespmem:$0x13000] =	vst v63  }
0x14: {  	_ =	swait.ge [sflag:s13], $0x800  }
0x15: {  	[sflag:s13] =	ssyncset.done $0x0  }
0x16: {  	[sflag:s13] =	ssyncadd.s32 $0xFFFFF800  }
0x17: {  	[tilespmem:s15], [sflag:$0x2] =	stream.linear.gather [hbm4b:s8+s3], $0x800, $0x38;
	[tilespmem:$0x13000] =	vst v63  }
0x18: {  	_ =	swait.ge [sflag:s13], $0x800  }
0x19: {  	[sflag:s13] =	ssyncset.done $0x0  }
0x1a: {  	[sflag:s13] =	ssyncadd.s32 $0xFFFFF800  }
0x1b: {  	[tilespmem:s16], [sflag:$0x2] =	stream.linear.gather [hbm4b:s9+s3], $0x800, $0x38;
	[tilespmem:$0x13000] =	vst v63  }
0x1c: {  	_ =	swait.ge [sflag:s13], $0x800  }
0x1d: {  	[sflag:s13] =	ssyncset.done $0x0  }
0x1e: {  	[sflag:s13] =	ssyncadd.s32 $0xFFFFF800  }
0x1f: {  	[tilespmem:s17], [sflag:$0x2] =	stream.linear.gather [hbm4b:s10+s3], $0x800, $0x38;
	[tilespmem:$0x13000] =	vst v63  }
0x20: {  	_ =	swait.ge [sflag:s13], $0x800  }
0x21: {  	[sflag:s13] =	ssyncset.done $0x0  }
0x22: {  	[sflag:s13] =	ssyncadd.s32 $0xFFFFF800  }
0x23: {  	[tilespmem:s18], [sflag:$0x2] =	stream.linear.gather [hbm4b:s11+s3], $0x800, $0x38;
	[tilespmem:$0x13000] =	vst v63  }
0x24: {  	_ =	swait.ge [sflag:s13], $0x800  }
0x25: {  	[sflag:s13] =	ssyncset.done $0x0  }
0x26: {  	s26 =	simm.s32 $0x0;
	[sflag:s13] =	ssyncadd.s32 $0xFFFFF800  }
.LBB2_2:
0x27: {  	s28 =	sshll.u32 s26, $0x7  }
0x28: {  	[tilespmem:s20], [sflag:$0x1] =	stream.indirect.gather [hbm4b:s2+s19], $0x80, s28, s19, $0xb8;
	[tilespmem:$0x13000] =	vst v63  }
0x29: {  	s29 =	sadd.s32 $0x800, s28  }
0x2a: {  	[tilespmem:s21], [sflag:$0x1] =	stream.indirect.gather [hbm4b:s2+s19], $0x80, s29, s19, $0xb8;
	[tilespmem:$0x13000] =	vst v63  }
0x2b: {  	s29 =	sadd.s32 $0x1000, s28  }
0x2c: {  	[tilespmem:s22], [sflag:$0x1] =	stream.indirect.gather [hbm4b:s2+s19], $0x80, s29, s19, $0xb8;
	[tilespmem:$0x13000] =	vst v63  }
0x2d: {  	_ =	swait.ge [sflag:s23], $0x4000  }
0x2e: {  	[sflag:s23] =	ssyncset.done $0x0  }
0x2f: {  	[sflag:s23] =	ssyncadd.s32 $0xFFFFC000  }
0x30: {  	_ =	swait.ge [sflag:s23], $0x4000  }
0x31: {  	[sflag:s23] =	ssyncset.done $0x0  }
0x32: {  	[sflag:s23] =	ssyncadd.s32 $0xFFFFC000  }
0x33: {  	_ =	swait.ge [sflag:s23], $0x4000  }
0x34: {  	v0 =	vmov s28;
	[sflag:s23] =	ssyncset.done $0x0  }
0x35: {  	s29 =	simm.s32 $0x0;
	[tilespmem:$0x1FFF0] =	vst v0;
	[sflag:s23] =	ssyncadd.s32 $0xFFFFC000  }
.LBB2_3:
0x36: {  	v0 =	vld [tilespmem:$0x1FFF0];
	_ =	sdelay $0x3  }
0x37: {  	s31 =	sshll.u32 s29, $0xB  }
0x38: {  	v3 =	vld [tilespmem:s31+$0x3000]  }
0x39: {  	v4 =	vld [tilespmem:s31+$0x7000]  }
0x3a: {  	s30 =	sshll.u32 s29, $0x4;
	v5 =	vld [tilespmem:s31+$0xB000]  }
0x3b: {  	v18 =	vld.idx.msk [tilespmem:v0+s30+$0x1800 ss:$0x1], $0xffff  }
0x3c: {  	v19 =	vld.idx.msk [tilespmem:v0+s30+$0x2000 ss:$0x1], $0xffff  }
0x3d: {  	v17 =	vld.idx.msk [tilespmem:v0+s30+$0x2800 ss:$0x1], $0xffff  }
0x3e: {  	v6 =	vld [tilespmem:s31+$0x3010]  }
0x3f: {  	v7 =	vld [tilespmem:s31+$0x7010]  }
0x40: {  	v8 =	vld [tilespmem:s31+$0x3020]  }
0x41: {  	v2 =	vimm.s32 $0x0;
	v9 =	vld [tilespmem:s31+$0x7020];
	v0 =	vperm.xlane v18, v1  }
0x42: {  	v10 =	vld [tilespmem:s31+$0xB010];
	v1 =	vperm.xlane v19, v1;
	v2 =	vperm.xlane v17, v2  }
0x43: {  	v11 =	vld [tilespmem:s31+$0xB020];
	v3 =	vmul.f32 v3, v0  }
0x44: {  	v4 =	vmul.f32 v4, v1;
	v5 =	vmul.f32 v5, v2  }
0x45: {  	v6 =	vmul.f32 v6, v0;
	v7 =	vmul.f32 v7, v1  }
0x46: {  	v59 =	vmul.f32 v8, v0;
	v60 =	vmul.f32 v9, v1;
	v3 =	vadd.f32 v4, v3  }
0x47: {  	v61 =	vmul.f32 v10, v2;
	v6 =	vadd.f32 v7, v6  }
0x48: {  	v62 =	vmul.f32 v11, v2;
	v4 =	vadd.f32 v60, v59;
	v3 =	vadd.f32 v5, v3  }
0x49: {  	v7 =	vld [tilespmem:s31+$0x3040];
	v6 =	vadd.f32 v61, v6  }
0x4a: {  	v5 =	vld [tilespmem:s31+$0xB030];
	[tilespmem:s31+$0xF000] =	vst v3;
	v3 =	vadd.f32 v62, v4  }
0x4b: {  	[tilespmem:s31+$0xF010] =	vst v6;
	v4 =	vld [tilespmem:s31+$0x7030]  }
0x4c: {  	[tilespmem:s31+$0xF020] =	vst v3;
	v3 =	vld [tilespmem:s31+$0x3030]  }
0x4d: {  	v8 =	vld [tilespmem:s31+$0x7040]  }
0x4e: {  	v63 =	vld [tilespmem:s31+$0xB140];
	_ =	sdelay $0x4  }
0x4f: {  	[tilespmem:$0x1F050] =	vst v63;
	v63 =	vld [tilespmem:s31+$0xB170];
	_ =	sdelay $0x4  }
0x50: {  	[tilespmem:$0x1F080] =	vst v63;
	v63 =	vld [tilespmem:s31+$0x3180];
	_ =	sdelay $0x4  }
0x51: {  	[tilespmem:$0x1F090] =	vst v63;
	v63 =	vld [tilespmem:s31+$0x7180];
	_ =	sdelay $0x4  }
0x52: {  	[tilespmem:$0x1F0A0] =	vst v63;
	v63 =	vld [tilespmem:s31+$0xB180];
	_ =	sdelay $0x4  }
0x53: {  	[tilespmem:$0x1F0D0] =	vst v63;
	v63 =	vld [tilespmem:s31+$0x3190];
	_ =	sdelay $0x4  }
0x54: {  	[tilespmem:$0x1F0B0] =	vst v63;
	v63 =	vld [tilespmem:s31+$0x7190];
	_ =	sdelay $0x4  }
0x55: {  	[tilespmem:$0x1F0C0] =	vst v63;
	v63 =	vld [tilespmem:s31+$0xB190];
	_ =	sdelay $0x4  }
0x56: {  	[tilespmem:$0x1F0E0] =	vst v63;
	v63 =	vld [tilespmem:s31+$0x31A0];
	_ =	sdelay $0x4  }
0x57: {  	[tilespmem:$0x1F0F0] =	vst v63;
	v63 =	vld [tilespmem:s31+$0x71A0];
	_ =	sdelay $0x4  }
0x58: {  	[tilespmem:$0x1F100] =	vst v63;
	v63 =	vld [tilespmem:s31+$0xB1A0];
	_ =	sdelay $0x4  }
0x59: {  	[tilespmem:$0x1F130] =	vst v63;
	v63 =	vld [tilespmem:s31+$0x31B0];
	_ =	sdelay $0x4  }
0x5a: {  	[tilespmem:$0x1F110] =	vst v63;
	v63 =	vld [tilespmem:s31+$0x71B0];
	_ =	sdelay $0x4  }
0x5b: {  	[tilespmem:$0x1F120] =	vst v63;
	v63 =	vld [tilespmem:s31+$0xB1B0];
	_ =	sdelay $0x4  }
0x5c: {  	[tilespmem:$0x1F140] =	vst v63;
	v63 =	vld [tilespmem:s31+$0x31C0];
	_ =	sdelay $0x4  }
0x5d: {  	[tilespmem:$0x1F150] =	vst v63;
	v63 =	vld [tilespmem:s31+$0x71C0];
	_ =	sdelay $0x4  }
0x5e: {  	[tilespmem:$0x1F160] =	vst v63;
	v63 =	vld [tilespmem:s31+$0xB1C0];
	_ =	sdelay $0x4  }
0x5f: {  	[tilespmem:$0x1F190] =	vst v63;
	v63 =	vld [tilespmem:s31+$0x31D0];
	_ =	sdelay $0x4  }
0x60: {  	[tilespmem:$0x1F170] =	vst v63;
	v63 =	vld [tilespmem:s31+$0x71D0];
	_ =	sdelay $0x4  }
0x61: {  	[tilespmem:$0x1F180] =	vst v63;
	v63 =	vld [tilespmem:s31+$0xB1D0];
	_ =	sdelay $0x4  }
0x62: {  	[tilespmem:$0x1F1A0] =	vst v63;
	v63 =	vld [tilespmem:s31+$0x31E0];
	_ =	sdelay $0x4  }
0x63: {  	[tilespmem:$0x1F1B0] =	vst v63;
	v63 =	vld [tilespmem:s31+$0x71E0];
	_ =	sdelay $0x4  }
0x64: {  	[tilespmem:$0x1F1D0] =	vst v63;
	v63 =	vld [tilespmem:s31+$0xB1E0];
	_ =	sdelay $0x4  }
0x65: {  	[tilespmem:$0x1F1F0] =	vst v63;
	v63 =	vld [tilespmem:s31+$0x31F0];
	_ =	sdelay $0x4  }
0x66: {  	[tilespmem:$0x1F1C0] =	vst v63;
	v63 =	vld [tilespmem:s31+$0x71F0];
	_ =	sdelay $0x4  }
0x67: {  	[tilespmem:$0x1F1E0] =	vst v63;
	v63 =	vld [tilespmem:s31+$0xB1F0];
	_ =	sdelay $0x4  }
0x68: {  	[tilespmem:$0x1F200] =	vst v63;
	v63 =	vld [tilespmem:s31+$0x3200];
	_ =	sdelay $0x4  }
0x69: {  	[tilespmem:$0x1F210] =	vst v63;
	v63 =	vld [tilespmem:s31+$0x7200];
	_ =	sdelay $0x4  }
0x6a: {  	[tilespmem:$0x1F220] =	vst v63;
	v63 =	vld [tilespmem:s31+$0xB200];
	_ =	sdelay $0x4  }
0x6b: {  	[tilespmem:$0x1F250] =	vst v63;
	v63 =	vld [tilespmem:s31+$0x3210];
	_ =	sdelay $0x4  }
0x6c: {  	[tilespmem:$0x1F230] =	vst v63;
	v63 =	vld [tilespmem:s31+$0x7210];
	_ =	sdelay $0x4  }
0x6d: {  	[tilespmem:$0x1F240] =	vst v63;
	v63 =	vld [tilespmem:s31+$0xB210];
	_ =	sdelay $0x4  }
0x6e: {  	[tilespmem:$0x1F260] =	vst v63;
	v63 =	vld [tilespmem:s31+$0x3220];
	_ =	sdelay $0x4  }
0x6f: {  	[tilespmem:$0x1F270] =	vst v63;
	v63 =	vld [tilespmem:s31+$0x7220];
	_ =	sdelay $0x4  }
0x70: {  	[tilespmem:$0x1F280] =	vst v63;
	v63 =	vld [tilespmem:s31+$0xB220];
	_ =	sdelay $0x4  }
0x71: {  	[tilespmem:$0x1F2B0] =	vst v63;
	v63 =	vld [tilespmem:s31+$0x3230];
	_ =	sdelay $0x4  }
0x72: {  	[tilespmem:$0x1F290] =	vst v63;
	v63 =	vld [tilespmem:s31+$0x7230];
	_ =	sdelay $0x4  }
0x73: {  	[tilespmem:$0x1F2A0] =	vst v63;
	v63 =	vld [tilespmem:s31+$0xB230]  }
0x74: {  	v11 =	vld [tilespmem:s31+$0xB040]  }
0x75: {  	v9 =	vld [tilespmem:s31+$0x3050]  }
0x76: {  	v6 =	vld [tilespmem:s31+$0x7050]  }
0x77: {  	v12 =	vld [tilespmem:s31+$0xB050]  }
0x78: {  	[tilespmem:$0x1F2C0] =	vst v63;
	v63 =	vld [tilespmem:s31+$0x3240]  }
0x79: {  	v13 =	vld [tilespmem:s31+$0x3060]  }
0x7a: {  	v15 =	vld [tilespmem:s31+$0x7060]  }
0x7b: {  	v16 =	vld [tilespmem:s31+$0xB060]  }
0x7c: {  	v10 =	vld [tilespmem:s31+$0x3070]  }
0x7d: {  	[tilespmem:$0x1F2D0] =	vst v63;
	v63 =	vld [tilespmem:s31+$0x7240]  }
0x7e: {  	v14 =	vld [tilespmem:s31+$0x7070]  }
0x7f: {  	v20 =	vld [tilespmem:s31+$0xB070]  }
0x80: {  	v21 =	vld [tilespmem:s31+$0x3080]  }
0x81: {  	v22 =	vld [tilespmem:s31+$0x7080]  }
0x82: {  	[tilespmem:$0x1F2E0] =	vst v63;
	v63 =	vld [tilespmem:s31+$0xB240]  }
0x83: {  	v27 =	vld [tilespmem:s31+$0xB080]  }
0x84: {  	v24 =	vld [tilespmem:s31+$0x3090]  }
0x85: {  	v23 =	vld [tilespmem:s31+$0x7090]  }
0x86: {  	v25 =	vld [tilespmem:s31+$0xB090]  }
0x87: {  	[tilespmem:$0x1F330] =	vst v63;
	v63 =	vld [tilespmem:s31+$0x3250]  }
0x88: {  	v28 =	vld [tilespmem:s31+$0x30A0]  }
0x89: {  	v26 =	vld [tilespmem:s31+$0x70A0]  }
0x8a: {  	v33 =	vld [tilespmem:s31+$0xB0A0]  }
0x8b: {  	v30 =	vld [tilespmem:s31+$0x30B0]  }
0x8c: {  	[tilespmem:$0x1F2F0] =	vst v63;
	v63 =	vld [tilespmem:s31+$0x7250]  }
0x8d: {  	v29 =	vld [tilespmem:s31+$0x70B0]  }
0x8e: {  	v31 =	vld [tilespmem:s31+$0xB0B0]  }
0x8f: {  	v32 =	vld [tilespmem:s31+$0x30C0]  }
0x90: {  	v36 =	vld [tilespmem:s31+$0x70C0]  }
0x91: {  	[tilespmem:$0x1F300] =	vst v63;
	v63 =	vld [tilespmem:s31+$0xB250]  }
0x92: {  	v42 =	vld [tilespmem:s31+$0xB0C0]  }
0x93: {  	v34 =	vld [tilespmem:s31+$0x30D0]  }
0x94: {  	v38 =	vld [tilespmem:s31+$0x70D0]  }
0x95: {  	v41 =	vld [tilespmem:s31+$0xB0D0]  }
0x96: {  	[tilespmem:$0x1F340] =	vst v63;
	v63 =	vld [tilespmem:s31+$0x3260]  }
0x97: {  	v37 =	vld [tilespmem:s31+$0x30E0]  }
0x98: {  	v40 =	vld [tilespmem:s31+$0x70E0]  }
0x99: {  	v43 =	vld [tilespmem:s31+$0xB0E0]  }
0x9a: {  	v35 =	vld [tilespmem:s31+$0x30F0]  }
0x9b: {  	[tilespmem:$0x1F310] =	vst v63;
	v63 =	vld [tilespmem:s31+$0x7260]  }
0x9c: {  	v39 =	vld [tilespmem:s31+$0x70F0]  }
0x9d: {  	v44 =	vld [tilespmem:s31+$0xB0F0]  }
0x9e: {  	v45 =	vld [tilespmem:s31+$0x3100]  }
0x9f: {  	v46 =	vld [tilespmem:s31+$0x7100]  }
0xa0: {  	[tilespmem:$0x1F350] =	vst v63;
	v63 =	vld [tilespmem:s31+$0xB260]  }
0xa1: {  	v51 =	vld [tilespmem:s31+$0xB100]  }
0xa2: {  	v47 =	vld [tilespmem:s31+$0x3110]  }
0xa3: {  	v48 =	vld [tilespmem:s31+$0x7110];
	v4 =	vmul.f32 v4, v1;
	v3 =	vmul.f32 v3, v0  }
0xa4: {  	v49 =	vld [tilespmem:s31+$0xB110]  }
0xa5: {  	v5 =	vmul.f32 v5, v2;
	v3 =	vadd.f32 v4, v3;
	[tilespmem:$0x1F370] =	vst v63;
	v63 =	vld [tilespmem:s31+$0x3270]  }
0xa6: {  	v50 =	vld [tilespmem:s31+$0x3120];
	v6 =	vmul.f32 v6, v1;
	v4 =	vmul.f32 v7, v0  }
0xa7: {  	v53 =	vld [tilespmem:s31+$0x7120];
	v7 =	vmul.f32 v8, v1;
	v8 =	vmul.f32 v9, v0;
	v3 =	vadd.f32 v5, v3  }
0xa8: {  	v52 =	vld [tilespmem:s31+$0xB120]  }
0xa9: {  	v55 =	vld [tilespmem:s31+$0x3130];
	v9 =	vadd.f32 v6, v8;
	[tilespmem:$0x1F750] =	vst v3;
	v3 =	vadd.f32 v7, v4;
	v4 =	vmul.f32 v11, v2  }
0xaa: {  	v8 =	vimm.s32 $0x1;
	v11 =	vmul.f32 v12, v2;
	v7 =	vmul.f32 v13, v0;
	[tilespmem:$0x1F320] =	vst v63;
	v63 =	vld [tilespmem:s31+$0x7270]  }
0xab: {  	v0 =	vmul.f32 v10, v0;
	v13 =	vld [tilespmem:s31+$0x3390];
	v12 =	vadd.f32 v4, v3;
	v3 =	vmul.f32 v15, v1  }
0xac: {  	v1 =	vmul.f32 v14, v1;
	v4 =	vperm.xlane v18, v8;
	v14 =	vld [tilespmem:s31+$0x7390]  }
0xad: {  	v56 =	vld [tilespmem:s31+$0x7130];
	v6 =	vperm.xlane v19, v8;
	v15 =	vmul.f32 v16, v2  }
0xae: {  	v0 =	vadd.f32 v1, v0;
	v1 =	vmul.f32 v20, v2;
	v2 =	vmul.f32 v21, v4;
	v21 =	vld [tilespmem:s31+$0x33A0]  }
0xaf: {  	v5 =	vperm.xlane v17, v8;
	v3 =	vadd.f32 v3, v7;
	[tilespmem:$0x1F360] =	vst v63;
	v63 =	vld [tilespmem:s31+$0xB270]  }
0xb0: {  	v16 =	vld [tilespmem:s31+$0xB390];
	[tilespmem:$0x1F6B0] =	vst v13;
	v13 =	vadd.f32 v1, v0;
	v0 =	vmul.f32 v24, v4;
	v1 =	vmul.f32 v23, v6  }
0xb1: {  	v24 =	vmul.f32 v25, v5;
	v25 =	vld [tilespmem:s31+$0x33B0];
	[tilespmem:$0x1F6C0] =	vst v14;
	v14 =	vadd.f32 v15, v3;
	v3 =	vmul.f32 v22, v6  }
0xb2: {  	v22 =	vld [tilespmem:s31+$0x73A0];
	v0 =	vadd.f32 v1, v0  }
0xb3: {  	[tilespmem:$0x1F6E0] =	vst v21;
	v2 =	vadd.f32 v3, v2;
	v3 =	vmul.f32 v27, v5;
	v21 =	vld [tilespmem:s31+$0x73C0]  }
0xb4: {  	v1 =	vmul.f32 v28, v4;
	v27 =	vmul.f32 v26, v6;
	v15 =	vadd.f32 v24, v0;
	[tilespmem:$0x1F380] =	vst v63;
	v63 =	vld [tilespmem:s31+$0x3280]  }
0xb5: {  	v23 =	vld [tilespmem:s31+$0xB3A0];
	[tilespmem:$0x1F6D0] =	vst v16;
	v16 =	vadd.f32 v3, v2;
	v2 =	vmul.f32 v30, v4;
	v3 =	vmul.f32 v29, v6  }
0xb6: {  	v60 =	vld [tilespmem:s31+$0xB130];
	[tilespmem:$0x1F700] =	vst v25;
	v0 =	vadd.f32 v27, v1;
	v1 =	vmul.f32 v33, v5;
	v33 =	vmul.f32 v32, v4  }
0xb7: {  	v58 =	vld [tilespmem:s31+$0x3140];
	v25 =	vmul.f32 v40, v6;
	[tilespmem:$0x1F6F0] =	vst v22;
	v2 =	vadd.f32 v3, v2;
	v3 =	vmul.f32 v31, v5  }
0xb8: {  	v22 =	vld [tilespmem:s31+$0x33D0];
	[tilespmem:$0x1F760] =	vst v21;
	v21 =	vadd.f32 v1, v0;
	v0 =	vmul.f32 v36, v6;
	v1 =	vmul.f32 v34, v4  }
0xb9: {  	v20 =	vadd.f32 v3, v2;
	v2 =	vmul.f32 v38, v6;
	v3 =	vmul.f32 v37, v4;
	[tilespmem:$0x1F390] =	vst v63;
	v63 =	vld [tilespmem:s31+$0x7280]  }
0xba: {  	v54 =	vld [tilespmem:s31+$0x7140];
	v26 =	vimm.s32 $0x2;
	[tilespmem:$0x1F720] =	vst v23;
	v23 =	vmul.f32 v42, v5;
	v0 =	vadd.f32 v0, v33  }
0xbb: {  	v59 =	vld [tilespmem:s31+$0x3150];
	v1 =	vadd.f32 v2, v1;
	v2 =	vmul.f32 v41, v5;
	v3 =	vadd.f32 v25, v3  }
0xbc: {  	v57 =	vld [tilespmem:s31+$0x7150];
	v23 =	vadd.f32 v23, v0;
	v0 =	vmul.f32 v39, v6;
	v6 =	vperm.xlane v18, v26  }
0xbd: {  	v28 =	vld [tilespmem:s31+$0x73B0];
	[tilespmem:$0x1F770] =	vst v22;
	v22 =	vadd.f32 v2, v1;
	v1 =	vmul.f32 v43, v5;
	v2 =	vperm.xlane v19, v26  }
0xbe: {  	v8 =	vperm.xlane v17, v26;
	[tilespmem:$0x1F3A0] =	vst v63;
	v63 =	vld [tilespmem:s31+$0xB280]  }
0xbf: {  	v61 =	vld [tilespmem:s31+$0xB150];
	v25 =	vadd.f32 v1, v3;
	v1 =	vmul.f32 v47, v6;
	v3 =	vmul.f32 v48, v2  }
0xc0: {  	v62 =	vld [tilespmem:s31+$0xB160]  }
0xc1: {  	[tilespmem:$0x1F040] =	vst v57;
	v57 =	vld [tilespmem:s31+$0x3160];
	v1 =	vadd.f32 v3, v1;
	v3 =	vmul.f32 v49, v8  }
0xc2: {  	[tilespmem:$0x1F710] =	vst v28;
	v28 =	vld [tilespmem:s31+$0x73E0]  }
0xc3: {  	v26 =	vadd.f32 v3, v1;
	v1 =	vmul.f32 v55, v6;
	v3 =	vmul.f32 v56, v2;
	[tilespmem:$0x1F3D0] =	vst v63;
	v63 =	vld [tilespmem:s31+$0x3290]  }
0xc4: {  	[tilespmem:$0x1F060] =	vst v61;
	v61 =	vld [tilespmem:s31+$0x7160]  }
0xc5: {  	[tilespmem:$0x1F030] =	vst v54;
	v54 =	vld [tilespmem:s31+$0x3170];
	v38 =	vmul.f32 v60, v8;
	v1 =	vadd.f32 v3, v1  }
0xc6: {  	[tilespmem:$0x1F070] =	vst v62;
	v62 =	vld [tilespmem:s31+$0x7170]  }
0xc7: {  	[tilespmem:$0x1F7B0] =	vst v28;
	v28 =	vadd.f32 v38, v1;
	v1 =	vld [tilespmem:$0x1F040]  }
0xc8: {  	[tilespmem:$0x1F3B0] =	vst v63;
	v63 =	vld [tilespmem:s31+$0x7290]  }
0xc9: {  	v24 =	vld [tilespmem:s31+$0x73D0]  }
0xca: {  	v29 =	vld [tilespmem:s31+$0xB3B0]  }
0xcb: {  	v30 =	vld [tilespmem:s31+$0x33C0]  }
0xcc: {  	v27 =	vld [tilespmem:s31+$0x33E0];
	v3 =	vmul.f32 v59, v6;
	v1 =	vmul.f32 v1, v2  }
0xcd: {  	[tilespmem:$0x1F3C0] =	vst v63;
	v63 =	vld [tilespmem:s31+$0xB290]  }
0xce: {  	v4 =	vmul.f32 v35, v4;
	v1 =	vadd.f32 v1, v3;
	v3 =	vld [tilespmem:$0x1F060]  }
0xcf: {  	v32 =	vld [tilespmem:s31+$0x33F0];
	[tilespmem:$0x1F730] =	vst v29;
	v5 =	vmul.f32 v44, v5  }
0xd0: {  	[tilespmem:$0x1F740] =	vst v30;
	v43 =	vld [tilespmem:$0x1F030];
	v29 =	vmul.f32 v45, v6;
	v0 =	vadd.f32 v0, v4;
	v30 =	vmul.f32 v46, v2  }
0xd1: {  	v36 =	vmul.f32 v52, v8;
	v52 =	vld [tilespmem:$0x1F070];
	[tilespmem:$0x1F780] =	vst v24  }
0xd2: {  	v34 =	vmul.f32 v51, v8;
	v24 =	vadd.f32 v5, v0;
	v0 =	vadd.f32 v30, v29;
	[tilespmem:$0x1F3E0] =	vst v63;
	v63 =	vld [tilespmem:s31+$0x32A0]  }
0xd3: {  	v46 =	vld [tilespmem:$0x1F050];
	v3 =	vmul.f32 v3, v8  }
0xd4: {  	[tilespmem:$0x1F790] =	vst v27;
	v35 =	vmul.f32 v50, v6;
	v27 =	vadd.f32 v34, v0;
	v0 =	vmul.f32 v53, v2;
	v56 =	vld [tilespmem:$0x1F0A0]  }
0xd5: {  	v41 =	vmul.f32 v58, v6;
	v4 =	vmul.f32 v43, v2;
	v30 =	vadd.f32 v3, v1;
	v1 =	vld [tilespmem:$0x1F080]  }
0xd6: {  	v0 =	vadd.f32 v0, v35;
	v3 =	vld [tilespmem:$0x1F090]  }
0xd7: {  	v42 =	vmul.f32 v57, v6;
	v50 =	vimm.s32 $0x3;
	v4 =	vadd.f32 v4, v41;
	[tilespmem:$0x1F3F0] =	vst v63;
	v63 =	vld [tilespmem:s31+$0x72A0]  }
0xd8: {  	v29 =	vadd.f32 v36, v0;
	v0 =	vmul.f32 v54, v6;
	v6 =	vmul.f32 v46, v8  }
0xd9: {  	v45 =	vmul.f32 v61, v2;
	v7 =	vperm.xlane v18, v50  }
0xda: {  	[tilespmem:$0x1F7A0] =	vst v32;
	v33 =	vld [tilespmem:s31+$0x73F0];
	v32 =	vadd.f32 v6, v4;
	v4 =	vmul.f32 v52, v8;
	v6 =	vperm.xlane v19, v50  }
0xdb: {  	v61 =	vld [tilespmem:$0x1F0C0];
	v2 =	vmul.f32 v62, v2;
	v1 =	vmul.f32 v1, v8  }
0xdc: {  	v3 =	vmul.f32 v3, v7;
	v8 =	vmul.f32 v56, v6;
	[tilespmem:$0x1F400] =	vst v63;
	v63 =	vld [tilespmem:s31+$0xB2A0]  }
0xdd: {  	v0 =	vadd.f32 v2, v0;
	v2 =	vld [tilespmem:$0x1F0B0]  }
0xde: {  	v3 =	vadd.f32 v8, v3;
	v8 =	vld [tilespmem:$0x1F0D0];
	_ =	sdelay $0x2  }
0xdf: {  	v11 =	vadd.f32 v11, v9;
	v9 =	vperm.xlane v17, v50;
	v5 =	vadd.f32 v45, v42;
	[tilespmem:$0x1F410] =	vst v63;
	v63 =	vld [tilespmem:s31+$0x32B0]  }
0xe0: {  	v10 =	vmul.f32 v61, v6;
	v2 =	vmul.f32 v2, v7;
	v35 =	vadd.f32 v1, v0;
	v1 =	vld [tilespmem:$0x1F0E0]  }
0xe1: {  	[tilespmem:$0x1F7C0] =	vst v33;
	v33 =	vld [tilespmem:s31+$0x3450];
	v36 =	vadd.f32 v4, v5;
	v4 =	vmul.f32 v8, v9  }
0xe2: {  	v0 =	vadd.f32 v10, v2;
	v2 =	vld [tilespmem:$0x1F0F0]  }
0xe3: {  	v34 =	vadd.f32 v4, v3;
	v3 =	vld [tilespmem:$0x1F100]  }
0xe4: {  	[tilespmem:$0x1F420] =	vst v63;
	v63 =	vld [tilespmem:s31+$0x72B0]  }
0xe5: {  	v1 =	vmul.f32 v1, v9;
	_ =	sdelay $0x1  }
0xe6: {  	[tilespmem:$0x1F800] =	vst v33;
	v33 =	vadd.f32 v1, v0;
	v0 =	vld [tilespmem:$0x1F110]  }
0xe7: {  	v2 =	vmul.f32 v2, v7;
	v1 =	vld [tilespmem:$0x1F120];
	v3 =	vmul.f32 v3, v6  }
0xe8: {  	[tilespmem:$0x1F430] =	vst v63;
	v63 =	vld [tilespmem:s31+$0xB2B0]  }
0xe9: {  	v2 =	vadd.f32 v3, v2;
	v3 =	vld [tilespmem:$0x1F130]  }
0xea: {  	v58 =	vld [tilespmem:s31+$0xB430]  }
0xeb: {  	v41 =	vld [tilespmem:$0x1F140]  }
0xec: {  	v38 =	vld [tilespmem:s31+$0x7450];
	v0 =	vmul.f32 v0, v7;
	v1 =	vmul.f32 v1, v6  }
0xed: {  	[tilespmem:$0x1F440] =	vst v63;
	v63 =	vld [tilespmem:s31+$0x32C0]  }
0xee: {  	v0 =	vadd.f32 v1, v0;
	v1 =	vld [tilespmem:$0x1F150];
	v3 =	vmul.f32 v3, v9  }
0xef: {  	v43 =	vld [tilespmem:$0x1F160]  }
0xf0: {  	v4 =	vmul.f32 v41, v9;
	v41 =	vadd.f32 v3, v2;
	v2 =	vld [tilespmem:$0x1F170]  }
0xf1: {  	v3 =	vld [tilespmem:$0x1F180]  }
0xf2: {  	[tilespmem:$0x1F450] =	vst v63;
	v63 =	vld [tilespmem:s31+$0x72C0]  }
0xf3: {  	v42 =	vld [tilespmem:s31+$0xB450]  }
0xf4: {  	v45 =	vld [tilespmem:s31+$0x3460];
	v1 =	vmul.f32 v1, v7;
	v5 =	vmul.f32 v43, v6  }
0xf5: {  	v55 =	vld [tilespmem:s31+$0x7430]  }
0xf6: {  	[tilespmem:$0x1F830] =	vst v38;
	v38 =	vadd.f32 v4, v0;
	v0 =	vadd.f32 v5, v1;
	v1 =	vld [tilespmem:$0x1F190]  }
0xf7: {  	v2 =	vmul.f32 v2, v7;
	v3 =	vmul.f32 v3, v6;
	[tilespmem:$0x1F490] =	vst v63;
	v63 =	vld [tilespmem:s31+$0xB2C0]  }
0xf8: {  	v46 =	vld [tilespmem:s31+$0x7460]  }
0xf9: {  	v2 =	vadd.f32 v3, v2;
	v3 =	vld [tilespmem:$0x1F1A0]  }
0xfa: {  	v62 =	vld [tilespmem:s31+$0x3440]  }
0xfb: {  	[tilespmem:$0x1F7D0] =	vst v55;
	v1 =	vmul.f32 v1, v9;
	v55 =	vld [tilespmem:$0x1F1B0]  }
0xfc: {  	[tilespmem:$0x1F4D0] =	vst v63;
	v63 =	vld [tilespmem:s31+$0x32D0]  }
0xfd: {  	v43 =	vadd.f32 v1, v0;
	v1 =	vld [tilespmem:$0x1F1D0]  }
0xfe: {  	[tilespmem:$0x1F840] =	vst v46;
	v3 =	vmul.f32 v3, v9;
	v46 =	vld [tilespmem:$0x1F1F0]  }
0xff: {  	v0 =	vld [tilespmem:$0x1F1C0]  }
0x100: {  	[tilespmem:$0x1F860] =	vst v42;
	v42 =	vadd.f32 v3, v2;
	v2 =	vld [tilespmem:$0x1F1E0]  }
0x101: {  	[tilespmem:$0x1F460] =	vst v63;
	v63 =	vld [tilespmem:s31+$0x72D0]  }
0x102: {  	[tilespmem:$0x1F7E0] =	vst v58  }
0x103: {  	v58 =	vld [tilespmem:s31+$0x7470];
	[tilespmem:$0x1F810] =	vst v45;
	v4 =	vmul.f32 v55, v7;
	v1 =	vmul.f32 v1, v6  }
0x104: {  	v45 =	vld [tilespmem:s31+$0xB470];
	[tilespmem:$0x1F7F0] =	vst v62;
	v62 =	vimm.s32 $0x4  }
0x105: {  	v52 =	vld [tilespmem:s31+$0xB460];
	v5 =	vperm.xlane v19, v62;
	v1 =	vadd.f32 v1, v4;
	v4 =	vmul.f32 v46, v9  }
0x106: {  	v0 =	vmul.f32 v0, v7;
	v2 =	vmul.f32 v2, v6;
	[tilespmem:$0x1F4A0] =	vst v63;
	v63 =	vld [tilespmem:s31+$0xB2D0]  }
0x107: {  	v3 =	vperm.xlane v18, v62;
	v46 =	vadd.f32 v4, v1;
	v4 =	vperm.xlane v17, v62;
	v62 =	vld [tilespmem:s31+$0x3490]  }
0x108: {  	v0 =	vadd.f32 v2, v0;
	v2 =	vld [tilespmem:$0x1F200]  }
0x109: {  	v56 =	vld [tilespmem:s31+$0x3470]  }
0x10a: {  	[tilespmem:$0x1F850] =	vst v58;
	v58 =	vld [tilespmem:s31+$0xB480]  }
0x10b: {  	[tilespmem:$0x1F4E0] =	vst v63;
	v63 =	vld [tilespmem:s31+$0x32E0]  }
0x10c: {  	[tilespmem:$0x1F870] =	vst v52;
	v52 =	vld [tilespmem:s31+$0x3480]  }
0x10d: {  	[tilespmem:$0x1F8B0] =	vst v62;
	v62 =	vld [tilespmem:s31+$0x34A0];
	v2 =	vmul.f32 v2, v9  }
0x10e: {  	[tilespmem:$0x1F820] =	vst v56;
	v56 =	vld [tilespmem:s31+$0x7480]  }
0x10f: {  	[tilespmem:$0x1F880] =	vst v45;
	v45 =	vadd.f32 v2, v0;
	v0 =	vld [tilespmem:$0x1F230]  }
0x110: {  	[tilespmem:$0x1F470] =	vst v63;
	v63 =	vld [tilespmem:s31+$0x72E0]  }
0x111: {  	v2 =	vld [tilespmem:$0x1F240]  }
0x112: {  	[tilespmem:$0x1F8F0] =	vst v62;
	v62 =	vld [tilespmem:s31+$0x34B0]  }
0x113: {  	v55 =	vld [tilespmem:$0x1F210]  }
0x114: {  	v1 =	vld [tilespmem:$0x1F220]  }
0x115: {  	[tilespmem:$0x1F4B0] =	vst v63;
	v63 =	vld [tilespmem:s31+$0xB2E0]  }
0x116: {  	v9 =	vld [tilespmem:$0x1F250];
	v0 =	vmul.f32 v0, v3;
	v2 =	vmul.f32 v2, v5  }
0x117: {  	v10 =	vld [tilespmem:$0x1F260]  }
0x118: {  	v0 =	vadd.f32 v2, v0;
	v2 =	vld [tilespmem:$0x1F270]  }
0x119: {  	v6 =	vmul.f32 v55, v3;
	v55 =	vld [tilespmem:$0x1F280]  }
0x11a: {  	[tilespmem:$0x1F4F0] =	vst v63;
	v63 =	vld [tilespmem:s31+$0x32F0]  }
0x11b: {  	[tilespmem:$0x1F890] =	vst v52;
	v52 =	vld [tilespmem:s31+$0x7490]  }
0x11c: {  	[tilespmem:$0x1F8A0] =	vst v56;
	v56 =	vld [tilespmem:s31+$0xB490]  }
0x11d: {  	[tilespmem:$0x1F910] =	vst v62;
	v62 =	vld [tilespmem:s31+$0x74B0];
	v1 =	vmul.f32 v1, v5;
	v7 =	vmul.f32 v10, v4  }
0x11e: {  	[tilespmem:$0x1F8D0] =	vst v58;
	v2 =	vmul.f32 v2, v3;
	v8 =	vmul.f32 v55, v5;
	v58 =	vld [tilespmem:$0x1F2A0]  }
0x11f: {  	v1 =	vadd.f32 v1, v6;
	v6 =	vmul.f32 v9, v4;
	[tilespmem:$0x1F480] =	vst v63;
	v63 =	vld [tilespmem:s31+$0x72F0]  }
0x120: {  	[tilespmem:$0x1F8C0] =	vst v52;
	v52 =	vadd.f32 v7, v0;
	v0 =	vadd.f32 v8, v2;
	v2 =	vld [tilespmem:$0x1F2B0]  }
0x121: {  	v55 =	vadd.f32 v6, v1;
	v1 =	vld [tilespmem:$0x1F290]  }
0x122: {  	v10 =	vld [tilespmem:$0x1F2C0]  }
0x123: {  	v6 =	vmul.f32 v58, v5;
	v58 =	vld [tilespmem:s31+$0xB4A0]  }
0x124: {  	[tilespmem:$0x1F4C0] =	vst v63;
	v63 =	vld [tilespmem:s31+$0xB2F0]  }
0x125: {  	[tilespmem:$0x1F8E0] =	vst v56;
	v56 =	vld [tilespmem:$0x1F2D0]  }
0x126: {  	v2 =	vmul.f32 v2, v4;
	v1 =	vmul.f32 v1, v3  }
0x127: {  	[tilespmem:$0x1F920] =	vst v62;
	v62 =	vld [tilespmem:s31+$0xB4B0]  }
0x128: {  	v1 =	vadd.f32 v6, v1;
	v6 =	vmul.f32 v10, v4;
	[tilespmem:$0x1F930] =	vst v58;
	v58 =	vadd.f32 v2, v0;
	v2 =	vld [tilespmem:$0x1F2F0]  }
0x129: {  	[tilespmem:$0x1F500] =	vst v63;
	v63 =	vld [tilespmem:s31+$0x3300]  }
0x12a: {  	v7 =	vmul.f32 v56, v3;
	v56 =	vadd.f32 v6, v1;
	v1 =	vld [tilespmem:$0x1F300];
	_ =	sdelay $0x2  }
0x12b: {  	[tilespmem:$0x1F940] =	vst v62;
	v62 =	vld [tilespmem:$0x1F350]  }
0x12c: {  	[tilespmem:$0x1F510] =	vst v63;
	v63 =	vld [tilespmem:s31+$0x7300]  }
0x12d: {  	v2 =	vmul.f32 v2, v3;
	v1 =	vmul.f32 v1, v5;
	_ =	sdelay $0x1  }
0x12e: {  	v1 =	vadd.f32 v1, v2;
	v2 =	vld [tilespmem:$0x1F340]  }
0x12f: {  	v8 =	vmul.f32 v62, v5;
	v62 =	vld [tilespmem:s31+$0x34C0]  }
0x130: {  	[tilespmem:$0x1F520] =	vst v63;
	v63 =	vld [tilespmem:s31+$0xB300];
	_ =	sdelay $0x1  }
0x131: {  	v10 =	vld [tilespmem:$0x1F310];
	_ =	sdelay $0x1  }
0x132: {  	v2 =	vmul.f32 v2, v4;
	[tilespmem:$0x1F950] =	vst v62;
	v62 =	vld [tilespmem:s31+$0x74C0]  }
0x133: {  	[tilespmem:$0x1F550] =	vst v63;
	v63 =	vld [tilespmem:s31+$0x3310]  }
0x134: {  	v0 =	vld [tilespmem:$0x1F2E0];
	v1 =	vadd.f32 v2, v1  }
0x135: {  	v6 =	vmul.f32 v10, v3;
	v10 =	vld [tilespmem:$0x1F330]  }
0x136: {  	[tilespmem:$0x1FA00] =	vst v1;
	v1 =	vld [tilespmem:$0x1F370]  }
0x137: {  	[tilespmem:$0x1F960] =	vst v62;
	v62 =	vld [tilespmem:$0x1F380]  }
0x138: {  	[tilespmem:$0x1F530] =	vst v63;
	v63 =	vld [tilespmem:s31+$0x7310]  }
0x139: {  	v0 =	vmul.f32 v0, v5;
	_ =	sdelay $0x1  }
0x13a: {  	v9 =	vld [tilespmem:s31+$0x74A0];
	v0 =	vadd.f32 v0, v7;
	v7 =	vmul.f32 v10, v4  }
0x13b: {  	v1 =	vmul.f32 v1, v4;
	v4 =	vmul.f32 v62, v4;
	v62 =	vld [tilespmem:s31+$0x34D0]  }
0x13c: {  	[tilespmem:$0x1F540] =	vst v63;
	v63 =	vld [tilespmem:s31+$0xB310];
	_ =	sdelay $0x2  }
0x13d: {  	[tilespmem:$0x1F900] =	vst v9;
	v9 =	vld [tilespmem:$0x1F320]  }
0x13e: {  	v0 =	vadd.f32 v7, v0;
	[tilespmem:$0x1F970] =	vst v62;
	v62 =	vld [tilespmem:s31+$0x74D0]  }
0x13f: {  	[tilespmem:$0x1F560] =	vst v63;
	v63 =	vld [tilespmem:s31+$0x3320]  }
0x140: {  	[tilespmem:$0x1F9E0] =	vst v0;
	v0 =	vld [tilespmem:$0x1F360]  }
0x141: {  	v10 =	vld [tilespmem:s31+$0xB4C0];
	_ =	sdelay $0x1  }
0x142: {  	[tilespmem:$0x1F980] =	vst v62;
	v62 =	vld [tilespmem:s31+$0xB4D0]  }
0x143: {  	[tilespmem:$0x1F570] =	vst v63;
	v63 =	vld [tilespmem:s31+$0x7320]  }
0x144: {  	v3 =	vmul.f32 v9, v3;
	v0 =	vmul.f32 v0, v5  }
0x145: {  	[tilespmem:$0x1F990] =	vst v10;
	v10 =	vld [tilespmem:$0x1F390]  }
0x146: {  	v0 =	vadd.f32 v0, v3;
	v3 =	vld [tilespmem:$0x1F3A0]  }
0x147: {  	[tilespmem:$0x1F9A0] =	vst v62;
	v62 =	vld [tilespmem:s31+$0x34E0]  }
0x148: {  	[tilespmem:$0x1F580] =	vst v63;
	v63 =	vld [tilespmem:s31+$0xB320];
	_ =	sdelay $0x1  }
0x149: {  	v9 =	vimm.s32 $0x5  }
0x14a: {  	v2 =	vperm.xlane v19, v9;
	v5 =	vperm.xlane v18, v9  }
0x14b: {  	[tilespmem:$0x1F9B0] =	vst v62;
	v62 =	vld [tilespmem:s31+$0x74E0]  }
0x14c: {  	v0 =	vadd.f32 v4, v0;
	v7 =	vmul.f32 v10, v5;
	v3 =	vmul.f32 v3, v2;
	[tilespmem:$0x1F5B0] =	vst v63;
	v63 =	vld [tilespmem:s31+$0x3330];
	_ =	sdelay $0x1  }
0x14d: {  	[tilespmem:$0x1FA50] =	vst v0;
	v0 =	vadd.f32 v3, v7;
	v3 =	vld [tilespmem:$0x1F3D0]  }
0x14e: {  	v6 =	vadd.f32 v8, v6;
	v8 =	vperm.xlane v17, v9;
	v9 =	vld [tilespmem:$0x1F3E0]  }
0x14f: {  	[tilespmem:$0x1F9D0] =	vst v62;
	v62 =	vld [tilespmem:s31+$0x34F0]  }
0x150: {  	v1 =	vadd.f32 v1, v6;
	[tilespmem:$0x1F590] =	vst v63;
	v63 =	vld [tilespmem:s31+$0x7330]  }
0x151: {  	v10 =	vld [tilespmem:$0x1F3C0]  }
0x152: {  	[tilespmem:$0x1FA20] =	vst v1;
	v1 =	vld [tilespmem:$0x1F3B0]  }
0x153: {  	v3 =	vmul.f32 v3, v8;
	v4 =	vmul.f32 v9, v8;
	v9 =	vld [tilespmem:s31+$0xB4E0]  }
0x154: {  	[tilespmem:$0x1F9C0] =	vst v62;
	v62 =	vld [tilespmem:s31+$0x74F0]  }
0x155: {  	v0 =	vadd.f32 v3, v0;
	[tilespmem:$0x1F5A0] =	vst v63;
	v63 =	vld [tilespmem:s31+$0xB330]  }
0x156: {  	v6 =	vmul.f32 v10, v2;
	v10 =	vld [tilespmem:$0x1F3F0]  }
0x157: {  	[tilespmem:$0x1FA70] =	vst v0;
	v0 =	vld [tilespmem:$0x1F400]  }
0x158: {  	[tilespmem:$0x1FA10] =	vst v9;
	v9 =	vld [tilespmem:$0x1F440]  }
0x159: {  	[tilespmem:$0x1F9F0] =	vst v62;
	v62 =	vld [tilespmem:$0x1F470]  }
0x15a: {  	v1 =	vmul.f32 v1, v5;
	[tilespmem:$0x1F5C0] =	vst v63;
	v63 =	vld [tilespmem:s31+$0x3340];
	_ =	sdelay $0x1  }
0x15b: {  	v1 =	vadd.f32 v6, v1;
	v6 =	vmul.f32 v10, v5;
	v0 =	vmul.f32 v0, v2;
	_ =	sdelay $0x1  }
0x15c: {  	v0 =	vadd.f32 v0, v6;
	v6 =	vmul.f32 v9, v8;
	v9 =	vmul.f32 v62, v5;
	v62 =	vld [tilespmem:s31+$0xB4F0]  }
0x15d: {  	[tilespmem:$0x1F5D0] =	vst v63;
	v63 =	vld [tilespmem:s31+$0x7340]  }
0x15e: {  	v1 =	vadd.f32 v4, v1;
	_ =	sdelay $0x1  }
0x15f: {  	[tilespmem:$0x1FAA0] =	vst v1;
	v1 =	vld [tilespmem:$0x1F420]  }
0x160: {  	[tilespmem:$0x1FA30] =	vst v62;
	v62 =	vld [tilespmem:s31+$0x3500]  }
0x161: {  	[tilespmem:$0x1F5E0] =	vst v63;
	v63 =	vld [tilespmem:s31+$0xB340]  }
0x162: {  	v10 =	vld [tilespmem:$0x1F430];
	_ =	sdelay $0x2  }
0x163: {  	[tilespmem:$0x1FA40] =	vst v62;
	v62 =	vld [tilespmem:s31+$0x7500]  }
0x164: {  	[tilespmem:$0x1F610] =	vst v63;
	v63 =	vld [tilespmem:s31+$0x3350]  }
0x165: {  	v1 =	vmul.f32 v1, v5;
	v4 =	vmul.f32 v10, v2;
	v10 =	vld [tilespmem:$0x1F450];
	_ =	sdelay $0x1  }
0x166: {  	v3 =	vld [tilespmem:$0x1F410];
	v1 =	vadd.f32 v4, v1  }
0x167: {  	[tilespmem:$0x1FA60] =	vst v62;
	v62 =	vld [tilespmem:$0x1F4D0]  }
0x168: {  	v1 =	vadd.f32 v6, v1;
	[tilespmem:$0x1F5F0] =	vst v63;
	v63 =	vld [tilespmem:s31+$0x7350]  }
0x169: {  	v7 =	vmul.f32 v10, v5;
	v10 =	vld [tilespmem:$0x1F460]  }
0x16a: {  	[tilespmem:$0x1FB00] =	vst v1;
	v1 =	vld [tilespmem:$0x1F4A0];
	_ =	sdelay $0x1  }
0x16b: {  	v3 =	vmul.f32 v3, v8;
	v6 =	vmul.f32 v62, v8;
	v62 =	vld [tilespmem:$0x1F4E0]  }
0x16c: {  	[tilespmem:$0x1F600] =	vst v63;
	v63 =	vld [tilespmem:s31+$0xB350]  }
0x16d: {  	v0 =	vadd.f32 v3, v0;
	v3 =	vld [tilespmem:$0x1F490]  }
0x16e: {  	v4 =	vmul.f32 v10, v5;
	v1 =	vmul.f32 v1, v2  }
0x16f: {  	v10 =	vld [tilespmem:$0x1F4B0]  }
0x170: {  	v1 =	vadd.f32 v1, v4;
	v4 =	vmul.f32 v62, v8;
	v62 =	vld [tilespmem:s31+$0x3510]  }
0x171: {  	[tilespmem:$0x1F620] =	vst v63;
	v63 =	vld [tilespmem:s31+$0x3360]  }
0x172: {  	[tilespmem:$0x1FAD0] =	vst v0;
	v3 =	vmul.f32 v3, v2;
	v0 =	vld [tilespmem:$0x1F480]  }
0x173: {  	v40 =	vld [tilespmem:s31+$0xB400]  }
0x174: {  	v31 =	vld [tilespmem:s31+$0xB3C0];
	v3 =	vadd.f32 v3, v7  }
0x175: {  	[tilespmem:$0x1FA80] =	vst v62;
	v62 =	vld [tilespmem:s31+$0x7510]  }
0x176: {  	v3 =	vadd.f32 v6, v3;
	[tilespmem:$0x1F630] =	vst v63;
	v63 =	vld [tilespmem:s31+$0x7360]  }
0x177: {  	v0 =	vmul.f32 v0, v5;
	v5 =	vmul.f32 v10, v2;
	v10 =	vld [tilespmem:$0x1F4C0];
	v1 =	vadd.f32 v4, v1  }
0x178: {  	[tilespmem:$0x1FB30] =	vst v3;
	v3 =	vld [tilespmem:$0x1F4F0]  }
0x179: {  	[tilespmem:$0x1FB50] =	vst v1;
	v1 =	vld [tilespmem:$0x1F500]  }
0x17a: {  	[tilespmem:$0x1FA90] =	vst v62;
	v62 =	vld [tilespmem:s31+$0xB510]  }
0x17b: {  	[tilespmem:$0x1F650] =	vst v63;
	v63 =	vld [tilespmem:s31+$0xB360]  }
0x17c: {  	v2 =	vmul.f32 v10, v2;
	v10 =	vld [tilespmem:s31+$0xB500]  }
0x17d: {  	v51 =	vld [tilespmem:s31+$0x3410]  }
0x17e: {  	v3 =	vmul.f32 v3, v8;
	v1 =	vmul.f32 v1, v8;
	v8 =	vld [tilespmem:$0x1F510]  }
0x17f: {  	[tilespmem:$0x1FAC0] =	vst v62;
	v62 =	vld [tilespmem:$0x1F520]  }
0x180: {  	[tilespmem:$0x1F670] =	vst v63;
	v63 =	vld [tilespmem:s31+$0x3370]  }
0x181: {  	v37 =	vld [tilespmem:s31+$0xB3D0];
	[tilespmem:$0x1FAB0] =	vst v10;
	v10 =	vimm.s32 $0x6  }
0x182: {  	v60 =	vld [tilespmem:s31+$0x3430];
	v7 =	vperm.xlane v18, v10;
	v6 =	vperm.xlane v19, v10  }
0x183: {  	v39 =	vld [tilespmem:s31+$0xB3E0]  }
0x184: {  	v4 =	vmul.f32 v8, v7;
	v8 =	vmul.f32 v62, v6;
	v62 =	vld [tilespmem:s31+$0x3520]  }
0x185: {  	[tilespmem:$0x1F640] =	vst v63;
	v63 =	vld [tilespmem:s31+$0x7370]  }
0x186: {  	v44 =	vld [tilespmem:s31+$0xB3F0]  }
0x187: {  	v57 =	vld [tilespmem:s31+$0x7410]  }
0x188: {  	v47 =	vld [tilespmem:s31+$0x3400]  }
0x189: {  	[tilespmem:$0x1FAE0] =	vst v62;
	v62 =	vld [tilespmem:$0x1F540]  }
0x18a: {  	[tilespmem:$0x1F660] =	vst v63;
	v63 =	vld [tilespmem:s31+$0xB370]  }
0x18b: {  	v48 =	vld [tilespmem:s31+$0x7400]  }
0x18c: {  	v49 =	vld [tilespmem:s31+$0xB410]  }
0x18d: {  	v5 =	vadd.f32 v5, v9;
	v0 =	vadd.f32 v2, v0;
	v2 =	vld [tilespmem:$0x1F530]  }
0x18e: {  	v9 =	vperm.xlane v17, v10;
	v10 =	vmul.f32 v62, v6;
	v62 =	vld [tilespmem:s31+$0x7520]  }
0x18f: {  	v3 =	vadd.f32 v3, v5;
	[tilespmem:$0x1F680] =	vst v63;
	v63 =	vld [tilespmem:s31+$0x3380]  }
0x190: {  	v53 =	vld [tilespmem:s31+$0x3420]  }
0x191: {  	[tilespmem:$0x1FB80] =	vst v3;
	v3 =	vadd.f32 v8, v4;
	v8 =	vld [tilespmem:$0x1F550]  }
0x192: {  	v0 =	vadd.f32 v1, v0;
	v1 =	vld [tilespmem:$0x1F560]  }
0x193: {  	v2 =	vmul.f32 v2, v7;
	[tilespmem:$0x1FAF0] =	vst v62;
	v62 =	vld [tilespmem:s31+$0xB520]  }
0x194: {  	[tilespmem:$0x1F690] =	vst v63;
	v63 =	vld [tilespmem:s31+$0x7380]  }
0x195: {  	[tilespmem:$0x1FBB0] =	vst v0;
	v0 =	vadd.f32 v10, v2;
	v2 =	vld [tilespmem:s31+$0x3530]  }
0x196: {  	v59 =	vld [tilespmem:s31+$0xB420]  }
0x197: {  	v54 =	vld [tilespmem:s31+$0x7420]  }
0x198: {  	v50 =	vld [tilespmem:s31+$0xB440];
	v1 =	vmul.f32 v1, v9;
	[tilespmem:$0x1FB40] =	vst v62  }
0x199: {  	v61 =	vld [tilespmem:s31+$0x7440];
	v4 =	vmul.f32 v8, v9;
	[tilespmem:$0x1F6A0] =	vst v63  }
0x19a: {  	v0 =	vadd.f32 v1, v0;
	v63 =	vld [tilespmem:s31+$0xB380];
	[tilespmem:$0x1FB10] =	vst v2  }
0x19b: {  	v2 =	vadd.f32 v4, v3;
	v3 =	vld [tilespmem:$0x1F580]  }
0x19c: {  	[tilespmem:$0x1FC00] =	vst v0;
	v0 =	vld [tilespmem:$0x1F590]  }
0x19d: {  	v1 =	vld [tilespmem:$0x1F5A0]  }
0x19e: {  	v10 =	vld [tilespmem:s31+$0xB530]  }
0x19f: {  	[tilespmem:$0x1FBE0] =	vst v2;
	v2 =	vld [tilespmem:$0x1F570];
	_ =	sdelay $0x3  }
0x1a0: {  	v62 =	vld [tilespmem:$0x1F5C0];
	v0 =	vmul.f32 v0, v7;
	v1 =	vmul.f32 v1, v6  }
0x1a1: {  	v3 =	vmul.f32 v3, v6;
	[tilespmem:$0x1FB60] =	vst v10;
	v10 =	vld [tilespmem:$0x1F5E0];
	v2 =	vmul.f32 v2, v7  }
0x1a2: {  	v0 =	vadd.f32 v1, v0;
	v1 =	vld [tilespmem:$0x1F5D0]  }
0x1a3: {  	v2 =	vadd.f32 v3, v2;
	v3 =	vld [tilespmem:$0x1F5B0];
	_ =	sdelay $0x1  }
0x1a4: {  	v8 =	vld [tilespmem:s31+$0x7530];
	v4 =	vmul.f32 v62, v9;
	_ =	sdelay $0x1  }
0x1a5: {  	v0 =	vadd.f32 v4, v0;
	v5 =	vmul.f32 v10, v6;
	v1 =	vmul.f32 v1, v7  }
0x1a6: {  	v3 =	vmul.f32 v3, v9  }
0x1a7: {  	[tilespmem:$0x1FC50] =	vst v0;
	v0 =	vadd.f32 v5, v1;
	v1 =	vld [tilespmem:$0x1F610]  }
0x1a8: {  	[tilespmem:$0x1FB20] =	vst v8;
	v8 =	vld [tilespmem:s31+$0x3540];
	v2 =	vadd.f32 v3, v2  }
0x1a9: {  	v3 =	vld [tilespmem:$0x1F600]  }
0x1aa: {  	[tilespmem:$0x1FC30] =	vst v2;
	v2 =	vld [tilespmem:$0x1F5F0]  }
0x1ab: {  	v10 =	vld [tilespmem:s31+$0x7550]  }
0x1ac: {  	v1 =	vmul.f32 v1, v9  }
0x1ad: {  	[tilespmem:$0x1FB70] =	vst v8;
	v8 =	vld [tilespmem:$0x1F630]  }
0x1ae: {  	v0 =	vadd.f32 v1, v0;
	v1 =	vld [tilespmem:$0x1F650]  }
0x1af: {  	v3 =	vmul.f32 v3, v6;
	v2 =	vmul.f32 v2, v7  }
0x1b0: {  	[tilespmem:$0x1FBC0] =	vst v10;
	v10 =	vld [tilespmem:$0x1F670]  }
0x1b1: {  	v2 =	vadd.f32 v3, v2;
	v3 =	vld [tilespmem:$0x1F620];
	_ =	sdelay $0x1  }
0x1b2: {  	v4 =	vmul.f32 v8, v7;
	v1 =	vmul.f32 v1, v6;
	_ =	sdelay $0x1  }
0x1b3: {  	v1 =	vadd.f32 v1, v4;
	v4 =	vmul.f32 v10, v9  }
0x1b4: {  	[tilespmem:$0x1FC70] =	vst v0;
	v0 =	vld [tilespmem:$0x1F640];
	v3 =	vmul.f32 v3, v9  }
0x1b5: {  	v1 =	vadd.f32 v4, v1  }
0x1b6: {  	v10 =	vld [tilespmem:$0x1F690];
	v2 =	vadd.f32 v3, v2  }
0x1b7: {  	[tilespmem:$0x1FCC0] =	vst v1;
	v1 =	vld [tilespmem:$0x1F6A0]  }
0x1b8: {  	[tilespmem:$0x1FCA0] =	vst v2;
	v2 =	vld [tilespmem:$0x1F660]  }
0x1b9: {  	v0 =	vmul.f32 v0, v7;
	v7 =	vimm.s32 $0x7  }
0x1ba: {  	v5 =	vperm.xlane v19, v7  }
0x1bb: {  	v3 =	vperm.xlane v18, v7  }
0x1bc: {  	v4 =	vperm.xlane v17, v7;
	v1 =	vmul.f32 v1, v5  }
0x1bd: {  	v2 =	vmul.f32 v2, v6;
	v6 =	vmul.f32 v10, v3;
	_ =	sdelay $0x1  }
0x1be: {  	v1 =	vadd.f32 v1, v6;
	v6 =	vmul.f32 v63, v4;
	v63 =	vld [tilespmem:s31+$0xB570];
	_ =	sdelay $0x2  }
0x1bf: {  	v8 =	vld [tilespmem:s31+$0x3560]  }
0x1c0: {  	v0 =	vadd.f32 v2, v0;
	v2 =	vld [tilespmem:$0x1F680]  }
0x1c1: {  	[tilespmem:$0x1FC80] =	vst v63;
	v63 =	vld [tilespmem:$0x1F6F0];
	_ =	sdelay $0x4  }
0x1c2: {  	[tilespmem:$0x1FBD0] =	vst v8;
	v2 =	vmul.f32 v2, v9;
	v8 =	vmul.f32 v63, v5;
	v63 =	vld [tilespmem:s31+$0x3580];
	_ =	sdelay $0x1  }
0x1c3: {  	v0 =	vadd.f32 v2, v0  }
0x1c4: {  	v2 =	vld [tilespmem:$0x1F6C0]  }
0x1c5: {  	[tilespmem:$0x1FCF0] =	vst v0;
	v0 =	vld [tilespmem:$0x1F6B0]  }
0x1c6: {  	[tilespmem:$0x1FC90] =	vst v63;
	v63 =	vld [tilespmem:s31+$0x7580];
	_ =	sdelay $0x3  }
0x1c7: {  	v10 =	vld [tilespmem:$0x1F6D0]  }
0x1c8: {  	v2 =	vmul.f32 v2, v5;
	v0 =	vmul.f32 v0, v3;
	[tilespmem:$0x1FCB0] =	vst v63;
	v63 =	vld [tilespmem:s31+$0xB580];
	_ =	sdelay $0x1  }
0x1c9: {  	v0 =	vadd.f32 v2, v0;
	v2 =	vld [tilespmem:$0x1F6E0];
	_ =	sdelay $0x2  }
0x1ca: {  	v7 =	vmul.f32 v10, v4;
	[tilespmem:$0x1FD00] =	vst v63;
	v63 =	vld [tilespmem:s31+$0x3590]  }
0x1cb: {  	v1 =	vadd.f32 v6, v1;
	v10 =	vld [tilespmem:$0x1F710]  }
0x1cc: {  	v9 =	vld [tilespmem:s31+$0x7570];
	v0 =	vadd.f32 v7, v0;
	v2 =	vmul.f32 v2, v3  }
0x1cd: {  	[tilespmem:$0x1FD10] =	vst v1;
	v1 =	vld [tilespmem:$0x1F700]  }
0x1ce: {  	[tilespmem:$0x1FD30] =	vst v0;
	v0 =	vadd.f32 v8, v2;
	v2 =	vld [tilespmem:$0x1F720]  }
0x1cf: {  	[tilespmem:$0x1FCD0] =	vst v63;
	v63 =	vld [tilespmem:$0x1F750];
	_ =	sdelay $0x1  }
0x1d0: {  	[tilespmem:$0x1FC40] =	vst v9;
	v9 =	vld [tilespmem:$0x1F730];
	_ =	sdelay $0x1  }
0x1d1: {  	v2 =	vmul.f32 v2, v4  }
0x1d2: {  	v6 =	vmul.f32 v10, v5;
	v1 =	vmul.f32 v1, v3;
	[tilespmem:s31+$0xF030] =	vst v63;
	v63 =	vld [tilespmem:s31+$0x7590]  }
0x1d3: {  	v10 =	vld [tilespmem:$0x1F740];
	v0 =	vadd.f32 v2, v0  }
0x1d4: {  	[tilespmem:s31+$0xF050] =	vst v11;
	v11 =	vld [tilespmem:$0x1F7A0];
	v1 =	vadd.f32 v6, v1;
	v6 =	vmul.f32 v9, v4  }
0x1d5: {  	[tilespmem:$0x1FD60] =	vst v0;
	v0 =	vld [tilespmem:$0x1F760]  }
0x1d6: {  	[tilespmem:s31+$0xF040] =	vst v12;
	v12 =	vadd.f32 v6, v1;
	v1 =	vld [tilespmem:$0x1F780]  }
0x1d7: {  	[tilespmem:$0x1FCE0] =	vst v63;
	v63 =	vld [tilespmem:s31+$0xB590]  }
0x1d8: {  	v7 =	vmul.f32 v10, v3;
	v10 =	vld [tilespmem:$0x1F790]  }
0x1d9: {  	v2 =	vld [tilespmem:$0x1F770]  }
0x1da: {  	v0 =	vmul.f32 v0, v5  }
0x1db: {  	[tilespmem:s31+$0xF060] =	vst v14  }
0x1dc: {  	v14 =	vld [tilespmem:$0x1F7B0];
	v0 =	vadd.f32 v0, v7;
	[tilespmem:$0x1FD20] =	vst v63;
	v63 =	vmul.f32 v31, v4  }
0x1dd: {  	v1 =	vmul.f32 v1, v5;
	v6 =	vmul.f32 v10, v3  }
0x1de: {  	v2 =	vmul.f32 v2, v3;
	v3 =	vmul.f32 v11, v3;
	v11 =	vadd.f32 v63, v0;
	v0 =	vld [tilespmem:$0x1F7C0];
	_ =	sdelay $0x1  }
0x1df: {  	v1 =	vadd.f32 v1, v2;
	v2 =	vmul.f32 v37, v4;
	v37 =	vld [tilespmem:s31+$0x75A0]  }
0x1e0: {  	v8 =	vmul.f32 v14, v5;
	v14 =	vld [tilespmem:s31+$0xB5A0]  }
0x1e1: {  	v63 =	vimm.s32 $0x8  }
0x1e2: {  	v6 =	vadd.f32 v8, v6;
	v0 =	vmul.f32 v0, v5;
	v5 =	vperm.xlane v18, v63  }
0x1e3: {  	[tilespmem:s31+$0xF070] =	vst v13;
	v13 =	vadd.f32 v2, v1;
	v1 =	vmul.f32 v39, v4;
	v2 =	vperm.xlane v19, v63  }
0x1e4: {  	[tilespmem:$0x1FD40] =	vst v37;
	v8 =	vperm.xlane v17, v63;
	v63 =	vld [tilespmem:$0x1F7D0];
	v37 =	vmul.f32 v47, v5  }
0x1e5: {  	[tilespmem:$0x1FD50] =	vst v14;
	v14 =	vadd.f32 v1, v6;
	v1 =	vmul.f32 v51, v5;
	v47 =	vmul.f32 v57, v2  }
0x1e6: {  	[tilespmem:s31+$0xF080] =	vst v16;
	v10 =	vld [tilespmem:$0x1F7E0];
	v4 =	vmul.f32 v44, v4;
	v0 =	vadd.f32 v0, v3  }
0x1e7: {  	[tilespmem:s31+$0xF090] =	vst v15;
	v16 =	vld [tilespmem:s31+$0x35B0];
	v51 =	vmul.f32 v49, v8;
	v1 =	vadd.f32 v47, v1  }
0x1e8: {  	[tilespmem:s31+$0xF0F0] =	vst v24;
	v24 =	vld [tilespmem:$0x1F800];
	v3 =	vmul.f32 v48, v2;
	v15 =	vadd.f32 v4, v0  }
0x1e9: {  	[tilespmem:s31+$0xF0B0] =	vst v20;
	v4 =	vmul.f32 v63, v2;
	v20 =	vadd.f32 v51, v1;
	v1 =	vmul.f32 v60, v5  }
0x1ea: {  	v0 =	vadd.f32 v3, v37;
	v3 =	vmul.f32 v40, v8  }
0x1eb: {  	[tilespmem:s31+$0xF0D0] =	vst v22;
	v22 =	vld [tilespmem:$0x1F7F0];
	v6 =	vmul.f32 v10, v8;
	v1 =	vadd.f32 v4, v1  }
0x1ec: {  	[tilespmem:$0x1FD70] =	vst v16;
	v57 =	vmul.f32 v53, v5;
	v16 =	vadd.f32 v3, v0;
	v0 =	vmul.f32 v54, v2  }
0x1ed: {  	v4 =	vmul.f32 v24, v5;
	v24 =	vadd.f32 v6, v1;
	v1 =	vld [tilespmem:$0x1F830]  }
0x1ee: {  	[tilespmem:s31+$0xF110] =	vst v26;
	v26 =	vld [tilespmem:$0x1F810];
	v3 =	vmul.f32 v59, v8;
	v0 =	vadd.f32 v0, v57  }
0x1ef: {  	[tilespmem:s31+$0xF140] =	vst v32;
	v32 =	vld [tilespmem:$0x1F860]  }
0x1f0: {  	[tilespmem:s31+$0xF100] =	vst v27;
	v27 =	vld [tilespmem:$0x1F840];
	v7 =	vmul.f32 v22, v5;
	v22 =	vadd.f32 v3, v0;
	v3 =	vmul.f32 v61, v2  }
0x1f1: {  	v9 =	vld [tilespmem:s31+$0x75D0]  }
0x1f2: {  	[tilespmem:s31+$0xF120] =	vst v29;
	v29 =	vmul.f32 v50, v8;
	v0 =	vld [tilespmem:$0x1F820];
	v3 =	vadd.f32 v3, v7;
	v1 =	vmul.f32 v1, v2  }
0x1f3: {  	[tilespmem:s31+$0xF130] =	vst v28;
	v28 =	vld [tilespmem:$0x1F850]  }
0x1f4: {  	v39 =	vld [tilespmem:s31+$0x75B0];
	v3 =	vadd.f32 v29, v3;
	v1 =	vadd.f32 v1, v4;
	v4 =	vmul.f32 v32, v8  }
0x1f5: {  	v49 =	vld [tilespmem:$0x1F890]  }
0x1f6: {  	[tilespmem:$0x1FE00] =	vst v3;
	v3 =	vld [tilespmem:$0x1F870];
	v1 =	vadd.f32 v4, v1  }
0x1f7: {  	[tilespmem:$0x1FDC0] =	vst v9;
	v9 =	vmul.f32 v26, v5;
	v54 =	vld [tilespmem:$0x1F8A0];
	v0 =	vmul.f32 v0, v5  }
0x1f8: {  	v5 =	vmul.f32 v27, v2;
	v2 =	vmul.f32 v28, v2;
	[tilespmem:$0x1FE30] =	vst v1;
	v1 =	vld [tilespmem:$0x1F880]  }
0x1f9: {  	v37 =	vimm.s32 $0x9;
	v60 =	vld [tilespmem:$0x1F8C0]  }
0x1fa: {  	[tilespmem:$0x1FD80] =	vst v39;
	v39 =	vperm.xlane v18, v37;
	v0 =	vadd.f32 v2, v0;
	v2 =	vld [tilespmem:$0x1F8B0]  }
0x1fb: {  	v6 =	vperm.xlane v19, v37;
	v5 =	vadd.f32 v5, v9;
	v3 =	vmul.f32 v3, v8  }
0x1fc: {  	v4 =	vmul.f32 v49, v39  }
0x1fd: {  	v3 =	vadd.f32 v3, v5;
	v1 =	vmul.f32 v1, v8;
	v8 =	vmul.f32 v54, v6  }
0x1fe: {  	v10 =	vmul.f32 v60, v6  }
0x1ff: {  	v2 =	vmul.f32 v2, v39;
	[tilespmem:$0x1FE50] =	vst v3;
	v3 =	vadd.f32 v8, v4;
	v8 =	vld [tilespmem:$0x1F8D0];
	v0 =	vadd.f32 v1, v0;
	_ =	sdelay $0x1  }
0x200: {  	[tilespmem:$0x1FE70] =	vst v0;
	v0 =	vadd.f32 v10, v2;
	v2 =	vld [tilespmem:s31+$0x7610]  }
0x201: {  	v57 =	vperm.xlane v17, v37;
	_ =	sdelay $0x1  }
0x202: {  	v4 =	vmul.f32 v8, v57  }
0x203: {  	v1 =	vld [tilespmem:$0x1F8E0]  }
0x204: {  	[tilespmem:$0x1FE20] =	vst v2;
	v2 =	vadd.f32 v4, v3  }
0x205: {  	v3 =	vld [tilespmem:$0x1F900]  }
0x206: {  	[tilespmem:$0x1FEA0] =	vst v2;
	v2 =	vld [tilespmem:$0x1F8F0];
	_ =	sdelay $0x1  }
0x207: {  	v1 =	vmul.f32 v1, v57;
	_ =	sdelay $0x1  }
0x208: {  	v0 =	vadd.f32 v1, v0  }
0x209: {  	v1 =	vld [tilespmem:$0x1F920];
	v3 =	vmul.f32 v3, v6;
	v2 =	vmul.f32 v2, v39  }
0x20a: {  	[tilespmem:$0x1FED0] =	vst v0;
	v0 =	vld [tilespmem:$0x1F910]  }
0x20b: {  	v2 =	vadd.f32 v3, v2;
	v3 =	vld [tilespmem:$0x1F930];
	_ =	sdelay $0x3  }
0x20c: {  	[tilespmem:s31+$0xF150] =	vst v30;
	v30 =	vld [tilespmem:$0x1F940];
	v1 =	vmul.f32 v1, v6  }
0x20d: {  	v62 =	vld [tilespmem:s31+$0x7540];
	v0 =	vmul.f32 v0, v39;
	v3 =	vmul.f32 v3, v57  }
0x20e: {  	[tilespmem:s31+$0xF190] =	vst v33;
	v33 =	vld [tilespmem:$0x1F960]  }
0x20f: {  	v0 =	vadd.f32 v1, v0;
	v1 =	vld [tilespmem:$0x1F950];
	v2 =	vadd.f32 v3, v2  }
0x210: {  	v3 =	vld [tilespmem:$0x1F980]  }
0x211: {  	[tilespmem:$0x1FEF0] =	vst v2;
	v2 =	vld [tilespmem:$0x1F970];
	_ =	sdelay $0x1  }
0x212: {  	[tilespmem:s31+$0xF0C0] =	vst v23;
	v23 =	vld [tilespmem:s31+$0x75C0];
	v4 =	vmul.f32 v30, v57  }
0x213: {  	[tilespmem:$0x1FB90] =	vst v62;
	v62 =	vld [tilespmem:s31+$0xB540]  }
0x214: {  	[tilespmem:s31+$0xF0A0] =	vst v21;
	v21 =	vld [tilespmem:s31+$0xB5C0];
	v5 =	vmul.f32 v33, v6;
	v0 =	vadd.f32 v4, v0;
	v1 =	vmul.f32 v1, v39  }
0x215: {  	[tilespmem:s31+$0xF170] =	vst v35;
	v35 =	vld [tilespmem:s31+$0x7630];
	v3 =	vmul.f32 v3, v6;
	v2 =	vmul.f32 v2, v39  }
0x216: {  	[tilespmem:$0x1FF20] =	vst v0;
	v0 =	vadd.f32 v5, v1;
	v1 =	vld [tilespmem:$0x1F990]  }
0x217: {  	v2 =	vadd.f32 v3, v2;
	v3 =	vld [tilespmem:$0x1F9A0]  }
0x218: {  	[tilespmem:$0x1FBF0] =	vst v62;
	v62 =	vld [tilespmem:s31+$0x3550]  }
0x219: {  	[tilespmem:s31+$0xF0E0] =	vst v25;
	v25 =	vld [tilespmem:s31+$0xB5D0]  }
0x21a: {  	[tilespmem:s31+$0xF180] =	vst v34;
	v34 =	vld [tilespmem:s31+$0x3630]  }
0x21b: {  	[tilespmem:s31+$0xF160] =	vst v36;
	v36 =	vld [tilespmem:$0x1F9B0];
	v1 =	vmul.f32 v1, v57  }
0x21c: {  	[tilespmem:$0x1FEC0] =	vst v35;
	v35 =	vld [tilespmem:$0x1FB80];
	v3 =	vmul.f32 v3, v57  }
0x21d: {  	[tilespmem:$0x1FBA0] =	vst v62;
	v62 =	vld [tilespmem:s31+$0xB550];
	v0 =	vadd.f32 v1, v0  }
0x21e: {  	v44 =	vld [tilespmem:s31+$0xB5B0];
	v2 =	vadd.f32 v3, v2  }
0x21f: {  	[tilespmem:$0x1FF30] =	vst v0;
	v0 =	vld [tilespmem:$0x1F9C0]  }
0x220: {  	[tilespmem:$0x1FF50] =	vst v2;
	v2 =	vld [tilespmem:$0x1F9F0]  }
0x221: {  	[tilespmem:s31+$0xF1B0] =	vst v38;
	v38 =	vld [tilespmem:s31+$0x3640]  }
0x222: {  	[tilespmem:$0x1FEB0] =	vst v34;
	v34 =	vld [tilespmem:$0x1FB70]  }
0x223: {  	[tilespmem:s31+$0xF1D0] =	vst v42;
	v42 =	vld [tilespmem:s31+$0x7640]  }
0x224: {  	[tilespmem:$0x1FC10] =	vst v62;
	v62 =	vld [tilespmem:s31+$0x7560]  }
0x225: {  	[tilespmem:$0x1FD90] =	vst v44;
	v44 =	vld [tilespmem:$0x1FA10];
	v0 =	vmul.f32 v0, v39;
	v2 =	vmul.f32 v2, v6  }
0x226: {  	v1 =	vld [tilespmem:$0x1F9D0]  }
0x227: {  	v0 =	vadd.f32 v2, v0;
	v2 =	vld [tilespmem:$0x1FA30]  }
0x228: {  	v59 =	vld [tilespmem:s31+$0x35D0]  }
0x229: {  	[tilespmem:s31+$0xF1C0] =	vst v43;
	v43 =	vld [tilespmem:$0x1FA00]  }
0x22a: {  	[tilespmem:$0x1FF00] =	vst v38;
	v38 =	vld [tilespmem:$0x1FBD0]  }
0x22b: {  	[tilespmem:$0x1FC20] =	vst v62;
	v62 =	vld [tilespmem:s31+$0xB560];
	v4 =	vmul.f32 v36, v39;
	v1 =	vmul.f32 v1, v6  }
0x22c: {  	v63 =	vld [tilespmem:s31+$0xB600];
	v2 =	vmul.f32 v2, v57  }
0x22d: {  	[tilespmem:$0x1FDB0] =	vst v59;
	v59 =	vld [tilespmem:s31+$0x7600];
	v1 =	vadd.f32 v1, v4;
	v4 =	vmul.f32 v44, v57  }
0x22e: {  	v49 =	vld [tilespmem:$0x1FA40];
	v0 =	vadd.f32 v2, v0  }
0x22f: {  	[tilespmem:s31+$0xF1A0] =	vst v41;
	v1 =	vadd.f32 v4, v1;
	v2 =	vld [tilespmem:$0x1FA90]  }
0x230: {  	[tilespmem:$0x1FF90] =	vst v0;
	v0 =	vld [tilespmem:$0x1FA80]  }
0x231: {  	[tilespmem:$0x1FF70] =	vst v1;
	v1 =	vld [tilespmem:$0x1FA60]  }
0x232: {  	v41 =	vimm.s32 $0xA;
	[tilespmem:s31+$0xF200] =	vst v55;
	v55 =	vld [tilespmem:$0x1FAA0]  }
0x233: {  	[tilespmem:s31+$0xF1E0] =	vst v46;
	v46 =	vperm.xlane v19, v41;
	v3 =	vperm.xlane v18, v41;
	v57 =	vld [tilespmem:$0x1FAB0]  }
0x234: {  	[tilespmem:$0x1FE40] =	vst v63;
	v63 =	vld [tilespmem:$0x1FAF0];
	v4 =	vperm.xlane v17, v41  }
0x235: {  	[tilespmem:$0x1FDF0] =	vst v59;
	v59 =	vld [tilespmem:$0x1FAC0];
	v2 =	vmul.f32 v2, v46;
	v0 =	vmul.f32 v0, v3  }
0x236: {  	v29 =	vld [tilespmem:s31+$0x3620];
	v6 =	vmul.f32 v49, v3;
	v1 =	vmul.f32 v1, v46  }
0x237: {  	v0 =	vadd.f32 v2, v0;
	v2 =	vld [tilespmem:$0x1FAE0]  }
0x238: {  	[tilespmem:$0x1FC60] =	vst v62;
	v62 =	vld [tilespmem:s31+$0x3570];
	v1 =	vadd.f32 v1, v6;
	v6 =	vmul.f32 v57, v4  }
0x239: {  	v31 =	vld [tilespmem:s31+$0x35A0]  }
0x23a: {  	v50 =	vld [tilespmem:s31+$0x3600];
	v7 =	vmul.f32 v59, v4;
	v1 =	vadd.f32 v6, v1  }
0x23b: {  	[tilespmem:$0x1FE80] =	vst v29;
	v29 =	vld [tilespmem:$0x1FB20]  }
0x23c: {  	v8 =	vmul.f32 v63, v46;
	[tilespmem:$0x1FFA0] =	vst v1;
	v1 =	vld [tilespmem:$0x1FB10];
	v0 =	vadd.f32 v7, v0;
	v2 =	vmul.f32 v2, v3  }
0x23d: {  	v33 =	vld [tilespmem:$0x1FB60]  }
0x23e: {  	[tilespmem:$0x1FFB0] =	vst v0;
	v0 =	vadd.f32 v8, v2;
	v2 =	vld [tilespmem:$0x1FB40]  }
0x23f: {  	v48 =	vld [tilespmem:s31+$0x35C0]  }
0x240: {  	v53 =	vld [tilespmem:s31+$0x35E0]  }
0x241: {  	v26 =	vld [tilespmem:s31+$0xB5E0];
	v6 =	vmul.f32 v29, v46;
	v1 =	vmul.f32 v1, v3  }
0x242: {  	v40 =	vld [tilespmem:s31+$0x35F0]  }
0x243: {  	v51 =	vld [tilespmem:s31+$0x75F0];
	v1 =	vadd.f32 v6, v1;
	v6 =	vmul.f32 v33, v4;
	v2 =	vmul.f32 v2, v4  }
0x244: {  	[tilespmem:$0x1FDA0] =	vst v48;
	v48 =	vld [tilespmem:s31+$0xB5F0]  }
0x245: {  	v1 =	vadd.f32 v6, v1;
	v0 =	vadd.f32 v2, v0;
	v2 =	vld [tilespmem:$0x1FBA0]  }
0x246: {  	v61 =	vld [tilespmem:s31+$0x75E0]  }
0x247: {  	[tilespmem:$0x1FFE0] =	vst v1;
	v1 =	vld [tilespmem:$0x1FBC0]  }
0x248: {  	v27 =	vld [tilespmem:s31+$0x3610]  }
0x249: {  	v41 =	vmul.f32 v62, v3;
	v7 =	vmul.f32 v34, v3;
	[tilespmem:$0x1FFD0] =	vst v0;
	v0 =	vld [tilespmem:$0x1FB90]  }
0x24a: {  	v6 =	vmul.f32 v38, v3;
	v2 =	vmul.f32 v2, v3;
	v3 =	vld [tilespmem:$0x1FBF0]  }
0x24b: {  	v28 =	vld [tilespmem:s31+$0xB610]  }
0x24c: {  	v32 =	vld [tilespmem:s31+$0x7620];
	v1 =	vmul.f32 v1, v46  }
0x24d: {  	v54 =	vld [tilespmem:s31+$0xB650]  }
0x24e: {  	v0 =	vmul.f32 v0, v46;
	v1 =	vadd.f32 v1, v2;
	v2 =	vld [tilespmem:$0x1FC10]  }
0x24f: {  	[tilespmem:$0x1FF10] =	vst v42;
	v42 =	vmul.f32 v3, v4;
	v3 =	vld [tilespmem:$0x1FC00]  }
0x250: {  	[tilespmem:$0x1FE10] =	vst v27;
	v27 =	vld [tilespmem:s31+$0x7660];
	v0 =	vadd.f32 v0, v7  }
0x251: {  	[tilespmem:$0x1FE60] =	vst v28;
	v28 =	vld [tilespmem:$0x1FB00]  }
0x252: {  	[tilespmem:$0x1FF60] =	vst v54;
	v54 =	vadd.f32 v42, v0;
	v0 =	vld [tilespmem:$0x1FC40]  }
0x253: {  	v30 =	vld [tilespmem:$0x1FB30]  }
0x254: {  	v2 =	vmul.f32 v2, v4;
	[tilespmem:s31+$0xF310] =	vst v3;
	v3 =	vld [tilespmem:$0x1FC20]  }
0x255: {  	[tilespmem:$0x1FE90] =	vst v32;
	v32 =	vld [tilespmem:$0x1FB50]  }
0x256: {  	v62 =	vadd.f32 v2, v1;
	v1 =	vld [tilespmem:$0x1FC60]  }
0x257: {  	[tilespmem:$0x1FF80] =	vst v27;
	v27 =	vld [tilespmem:$0x1FC50];
	v0 =	vmul.f32 v0, v46  }
0x258: {  	[tilespmem:s31+$0xF2C0] =	vst v30;
	v30 =	vld [tilespmem:$0x1FC80]  }
0x259: {  	[tilespmem:s31+$0xF250] =	vst v43;
	v34 =	vadd.f32 v0, v41;
	v0 =	vld [tilespmem:$0x1FCB0];
	v43 =	vmul.f32 v3, v46  }
0x25a: {  	v41 =	vld [tilespmem:$0x1FCC0]  }
0x25b: {  	v1 =	vmul.f32 v1, v4;
	v3 =	vld [tilespmem:$0x1FC30];
	v29 =	vadd.f32 v43, v6  }
0x25c: {  	v43 =	vld [tilespmem:$0x1FCE0]  }
0x25d: {  	[tilespmem:s31+$0xF290] =	vst v55;
	v44 =	vadd.f32 v1, v29;
	v1 =	vld [tilespmem:$0x1FCD0]  }
0x25e: {  	v55 =	vimm.s32 $0xB;
	[tilespmem:s31+$0xF2B0] =	vst v28;
	v28 =	vld [tilespmem:$0x1FC70]  }
0x25f: {  	[tilespmem:s31+$0xF2E0] =	vst v35;
	v2 =	vperm.xlane v19, v55;
	v4 =	vmul.f32 v30, v4;
	v30 =	vld [tilespmem:$0x1FD20]  }
0x260: {  	v36 =	vld [tilespmem:s31+$0xB670];
	[tilespmem:s31+$0xF320] =	vst v3;
	v3 =	vperm.xlane v18, v55  }
0x261: {  	v35 =	vmul.f32 v0, v2;
	v0 =	vperm.xlane v17, v55;
	[tilespmem:s31+$0xF360] =	vst v41;
	v41 =	vld [tilespmem:$0x1FD30]  }
0x262: {  	v39 =	vld [tilespmem:$0x1F9E0];
	v5 =	vmul.f32 v43, v2;
	v1 =	vmul.f32 v1, v3  }
0x263: {  	[tilespmem:s31+$0xF2D0] =	vst v32;
	v32 =	vld [tilespmem:$0x1FC90]  }
0x264: {  	[tilespmem:s31+$0xF340] =	vst v28;
	v28 =	vld [tilespmem:$0x1FD00];
	v1 =	vadd.f32 v5, v1;
	v5 =	vmul.f32 v30, v0  }
0x265: {  	[tilespmem:$0x1FFC0] =	vst v36;
	v36 =	vld [tilespmem:$0x1FD80]  }
0x266: {  	[tilespmem:s31+$0xF390] =	vst v41;
	v41 =	vadd.f32 v5, v1;
	v1 =	vld [tilespmem:$0x1FD70]  }
0x267: {  	[tilespmem:s31+$0xF240] =	vst v39;
	v39 =	vld [tilespmem:$0x1FBE0]  }
0x268: {  	v9 =	vld [tilespmem:$0x1FD90];
	v6 =	vmul.f32 v32, v3  }
0x269: {  	v10 =	vld [tilespmem:$0x1FDA0]  }
0x26a: {  	[tilespmem:s31+$0xF330] =	vst v27;
	v55 =	vld [tilespmem:$0x1FCF0];
	v27 =	vadd.f32 v35, v6;
	v6 =	vmul.f32 v28, v0  }
0x26b: {  	[tilespmem:s31+$0xF3B0] =	vst v12;
	v12 =	vld [tilespmem:$0x1FDB0];
	v5 =	vmul.f32 v36, v2;
	v1 =	vmul.f32 v1, v3  }
0x26c: {  	[tilespmem:s31+$0xF300] =	vst v39;
	v39 =	vadd.f32 v6, v27;
	v27 =	vld [tilespmem:$0x1FD40]  }
0x26d: {  	v29 =	vld [tilespmem:$0x1FD10];
	v6 =	vmul.f32 v9, v0;
	v1 =	vadd.f32 v5, v1  }
0x26e: {  	[tilespmem:s31+$0xF3E0] =	vst v14;
	v28 =	vld [tilespmem:$0x1FD50]  }
0x26f: {  	v14 =	vmul.f32 v61, v2;
	[tilespmem:s31+$0xF370] =	vst v55;
	v55 =	vadd.f32 v4, v34;
	v34 =	vadd.f32 v6, v1;
	v1 =	vld [tilespmem:$0x1FDC0]  }
0x270: {  	[tilespmem:$0x1FDD0] =	vst v48;
	v51 =	vmul.f32 v51, v2;
	v31 =	vmul.f32 v31, v3  }
0x271: {  	v4 =	vmul.f32 v27, v2;
	v5 =	vmul.f32 v12, v3;
	v12 =	vld [tilespmem:$0x1FDD0]  }
0x272: {  	v7 =	vmul.f32 v10, v3;
	v40 =	vmul.f32 v40, v3  }
0x273: {  	[tilespmem:s31+$0xF380] =	vst v29;
	v9 =	vmul.f32 v53, v3;
	v29 =	vmul.f32 v28, v0;
	v4 =	vadd.f32 v4, v31  }
0x274: {  	[tilespmem:s31+$0xF3D0] =	vst v13;
	v3 =	vmul.f32 v23, v2;
	v13 =	vmul.f32 v1, v2  }
0x275: {  	[tilespmem:$0x1FDE0] =	vst v50;
	v53 =	vadd.f32 v29, v4;
	v23 =	vmul.f32 v26, v0;
	v2 =	vmul.f32 v21, v0  }
0x276: {  	v21 =	vmul.f32 v25, v0;
	v4 =	vadd.f32 v13, v5;
	v5 =	vmul.f32 v12, v0;
	v0 =	vld [tilespmem:$0x1FDE0];
	_ =	sdelay $0x1  }
0x277: {  	v7 =	vadd.f32 v3, v7;
	v3 =	vimm.s32 $0xC  }
0x278: {  	v1 =	vperm.xlane v18, v3;
	_ =	sdelay $0x1  }
0x279: {  	v30 =	vadd.f32 v21, v4;
	v4 =	vmul.f32 v0, v1;
	v0 =	vld [tilespmem:$0x1FDF0];
	_ =	sdelay $0x2  }
0x27a: {  	v29 =	vadd.f32 v2, v7;
	v2 =	vperm.xlane v19, v3;
	_ =	sdelay $0x1  }
0x27b: {  	v6 =	vadd.f32 v14, v9;
	v9 =	vmul.f32 v0, v2;
	v0 =	vperm.xlane v17, v3;
	v3 =	vld [tilespmem:$0x1FE00];
	_ =	sdelay $0x3  }
0x27c: {  	[tilespmem:s31+$0xF1F0] =	vst v45;
	v45 =	vld [tilespmem:s31+$0xB620]  }
0x27d: {  	[tilespmem:s31+$0xF440] =	vst v3;
	v3 =	vld [tilespmem:$0x1FE10];
	_ =	sdelay $0x4  }
0x27e: {  	v40 =	vadd.f32 v51, v40;
	v51 =	vmul.f32 v3, v1;
	v3 =	vld [tilespmem:$0x1FE20];
	_ =	sdelay $0x2  }
0x27f: {  	[tilespmem:s31+$0xF210] =	vst v52;
	v52 =	vld [tilespmem:$0x1FA70]  }
0x280: {  	[tilespmem:s31+$0xF220] =	vst v58;
	v58 =	vld [tilespmem:s31+$0x3650]  }
0x281: {  	v50 =	vld [tilespmem:$0x1FA50];
	v3 =	vmul.f32 v3, v2  }
0x282: {  	[tilespmem:s31+$0xF230] =	vst v56;
	v56 =	vld [tilespmem:s31+$0x7650]  }
0x283: {  	v10 =	vadd.f32 v3, v51;
	v3 =	vld [tilespmem:$0x1FE60]  }
0x284: {  	[tilespmem:s31+$0xF280] =	vst v52;
	v52 =	vld [tilespmem:s31+$0x7680]  }
0x285: {  	v47 =	vld [tilespmem:s31+$0xB640]  }
0x286: {  	[tilespmem:s31+$0xF270] =	vst v50;
	v50 =	vld [tilespmem:s31+$0x3690]  }
0x287: {  	v37 =	vld [tilespmem:s31+$0xB630]  }
0x288: {  	[tilespmem:s31+$0xF3C0] =	vst v11;
	v11 =	vmul.f32 v3, v0;
	v3 =	vld [tilespmem:$0x1FE70]  }
0x289: {  	v48 =	vld [tilespmem:$0x1FA20]  }
0x28a: {  	v60 =	vld [tilespmem:$0x1FAD0]  }
0x28b: {  	[tilespmem:$0x1FF40] =	vst v47;
	v14 =	vld [tilespmem:$0x1FE40]  }
0x28c: {  	[tilespmem:$0x1FEE0] =	vst v37;
	v37 =	vld [tilespmem:$0x1FBB0]  }
0x28d: {  	[tilespmem:s31+$0xF470] =	vst v3;
	v3 =	vld [tilespmem:$0x1FE80]  }
0x28e: {  	v47 =	vld [tilespmem:s31+$0xB690];
	[tilespmem:s31+$0xF260] =	vst v48  }
0x28f: {  	[tilespmem:s31+$0xF2A0] =	vst v60;
	v48 =	vld [tilespmem:s31+$0x3670]  }
0x290: {  	v60 =	vld [tilespmem:s31+$0x3680];
	[tilespmem:s31+$0xF400] =	vst v16;
	v4 =	vadd.f32 v9, v4;
	v16 =	vmul.f32 v14, v0  }
0x291: {  	[tilespmem:s31+$0xF2F0] =	vst v37;
	v37 =	vld [tilespmem:s31+$0x36B0]  }
0x292: {  	v21 =	vadd.f32 v16, v4;
	v16 =	vmul.f32 v3, v1;
	v3 =	vld [tilespmem:$0x1FE90]  }
0x293: {  	[tilespmem:s31+$0xF430] =	vst v24;
	v24 =	vld [tilespmem:s31+$0xB6E0]  }
0x294: {  	[tilespmem:s31+$0xF3F0] =	vst v15;
	v15 =	vld [tilespmem:s31+$0x36F0]  }
0x295: {  	v63 =	vld [tilespmem:s31+$0xB680]  }
0x296: {  	v59 =	vld [tilespmem:s31+$0xB660]  }
0x297: {  	v49 =	vld [tilespmem:s31+$0x7670];
	v3 =	vmul.f32 v3, v2  }
0x298: {  	v33 =	vld [tilespmem:$0x1FCA0]  }
0x299: {  	[tilespmem:s31+$0xF410] =	vst v20;
	v20 =	vadd.f32 v5, v40;
	v5 =	vadd.f32 v3, v16;
	v3 =	vld [tilespmem:$0x1FEE0]  }
0x29a: {  	v57 =	vld [tilespmem:s31+$0x3660]  }
0x29b: {  	v38 =	vld [tilespmem:s31+$0x76A0]  }
0x29c: {  	v8 =	vld [tilespmem:$0x1FEB0]  }
0x29d: {  	[tilespmem:s31+$0xF350] =	vst v33;
	v33 =	vld [tilespmem:s31+$0x76B0]  }
0x29e: {  	[tilespmem:s31+$0xF420] =	vst v22;
	v22 =	vadd.f32 v23, v6;
	v6 =	vmul.f32 v3, v0;
	v3 =	vld [tilespmem:$0x1FEF0]  }
0x29f: {  	v42 =	vld [tilespmem:s31+$0x36A0]  }
0x2a0: {  	[tilespmem:s31+$0xF540] =	vst v54;
	v54 =	vld [tilespmem:s31+$0x7740]  }
0x2a1: {  	v61 =	vld [tilespmem:s31+$0x36D0]  }
0x2a2: {  	v46 =	vld [tilespmem:s31+$0x7690]  }
0x2a3: {  	[tilespmem:s31+$0xF4A0] =	vst v3;
	v3 =	vld [tilespmem:$0x1FF00]  }
0x2a4: {  	v43 =	vld [tilespmem:s31+$0xB6A0]  }
0x2a5: {  	v32 =	vld [tilespmem:s31+$0x76C0]  }
0x2a6: {  	v23 =	vld [tilespmem:$0x1FEA0]  }
0x2a7: {  	v35 =	vld [tilespmem:$0x1FD60]  }
0x2a8: {  	v40 =	vmul.f32 v3, v1;
	v3 =	vld [tilespmem:$0x1FF10]  }
0x2a9: {  	v9 =	vld [tilespmem:$0x1FE50]  }
0x2aa: {  	v36 =	vld [tilespmem:s31+$0xB6B0]  }
0x2ab: {  	[tilespmem:s31+$0xF480] =	vst v23;
	v23 =	vadd.f32 v11, v10;
	v10 =	vld [tilespmem:$0x1FEC0]  }
0x2ac: {  	v16 =	vld [tilespmem:$0x1FF20]  }
0x2ad: {  	[tilespmem:s31+$0xF580] =	vst v39;
	v39 =	vld [tilespmem:s31+$0x3760];
	v3 =	vmul.f32 v3, v2  }
0x2ae: {  	[tilespmem:s31+$0xF460] =	vst v9;
	v9 =	vmul.f32 v8, v1;
	v8 =	vld [tilespmem:$0x1FF60]  }
0x2af: {  	v3 =	vadd.f32 v3, v40;
	v40 =	vld [tilespmem:$0x1FF40]  }
0x2b0: {  	v11 =	vld [tilespmem:$0x1FED0];
	v4 =	vmul.f32 v10, v2  }
0x2b1: {  	[tilespmem:s31+$0xF4B0] =	vst v16;
	v16 =	vld [tilespmem:$0x1FF30]  }
0x2b2: {  	[tilespmem:s31+$0xF3A0] =	vst v35;
	v35 =	vld [tilespmem:s31+$0x36C0];
	v4 =	vadd.f32 v4, v9  }
0x2b3: {  	v28 =	vld [tilespmem:s31+$0x76D0];
	v7 =	vmul.f32 v45, v0  }
0x2b4: {  	v27 =	vld [tilespmem:s31+$0xB6D0];
	v10 =	vadd.f32 v6, v4;
	v6 =	vmul.f32 v40, v0  }
0x2b5: {  	v31 =	vld [tilespmem:s31+$0xB6C0];
	v57 =	vmul.f32 v57, v1;
	[tilespmem:s31+$0xF490] =	vst v11;
	v11 =	vadd.f32 v7, v5;
	v7 =	vmul.f32 v58, v1  }
0x2b6: {  	[tilespmem:s31+$0xF4C0] =	vst v16;
	v16 =	vmul.f32 v8, v0;
	v8 =	vadd.f32 v6, v3;
	v3 =	vmul.f32 v48, v1;
	v1 =	vld [tilespmem:$0x1FF80]  }
0x2b7: {  	v26 =	vld [tilespmem:s31+$0x36E0]  }
0x2b8: {  	[tilespmem:s31+$0xF5A0] =	vst v53;
	v53 =	vld [tilespmem:s31+$0x7760]  }
0x2b9: {  	[tilespmem:s31+$0xF5B0] =	vst v34;
	v34 =	vld [tilespmem:s31+$0xB760]  }
0x2ba: {  	v25 =	vld [tilespmem:s31+$0x76E0]  }
0x2bb: {  	v6 =	vmul.f32 v1, v2;
	v1 =	vld [tilespmem:$0x1FF90]  }
0x2bc: {  	v13 =	vld [tilespmem:$0x1FE30]  }
0x2bd: {  	v12 =	vld [tilespmem:s31+$0x7700]  }
0x2be: {  	[tilespmem:s31+$0xF5C0] =	vst v29;
	v29 =	vld [tilespmem:s31+$0x3770]  }
0x2bf: {  	v56 =	vmul.f32 v56, v2;
	v58 =	vld [tilespmem:$0x1FF50];
	v2 =	vmul.f32 v49, v2  }
0x2c0: {  	[tilespmem:s31+$0xF4F0] =	vst v1;
	v1 =	vld [tilespmem:$0x1FFA0]  }
0x2c1: {  	v3 =	vadd.f32 v2, v3;
	v2 =	vld [tilespmem:$0x1FFC0]  }
0x2c2: {  	[tilespmem:s31+$0xF450] =	vst v13;
	v13 =	vld [tilespmem:s31+$0x76F0]  }
0x2c3: {  	v14 =	vld [tilespmem:s31+$0x3700]  }
0x2c4: {  	v45 =	vld [tilespmem:s31+$0xB700];
	[tilespmem:s31+$0xF600] =	vst v21  }
0x2c5: {  	v21 =	vld [tilespmem:s31+$0xB780];
	v49 =	vmul.f32 v59, v0;
	[tilespmem:s31+$0xF500] =	vst v1;
	v1 =	vimm.s32 $0xD  }
0x2c6: {  	[tilespmem:s31+$0xF4D0] =	vst v58;
	v58 =	vld [tilespmem:$0x1FF70];
	v6 =	vadd.f32 v6, v57;
	v0 =	vmul.f32 v2, v0;
	v57 =	vperm.xlane v18, v1  }
0x2c7: {  	v59 =	vperm.xlane v19, v1;
	v2 =	vperm.xlane v17, v1;
	v1 =	vld [tilespmem:$0x1FFD0]  }
0x2c8: {  	v51 =	vld [tilespmem:s31+$0xB6F0]  }
0x2c9: {  	v9 =	vld [tilespmem:s31+$0x3710];
	v6 =	vadd.f32 v49, v6;
	v49 =	vmul.f32 v60, v57  }
0x2ca: {  	v5 =	vld [tilespmem:s31+$0x7710];
	v52 =	vmul.f32 v52, v59;
	v46 =	vmul.f32 v46, v59  }
0x2cb: {  	[tilespmem:s31+$0xF4E0] =	vst v58;
	v58 =	vld [tilespmem:$0x1FFB0];
	v63 =	vmul.f32 v63, v2;
	v47 =	vmul.f32 v47, v2  }
0x2cc: {  	v42 =	vmul.f32 v42, v57;
	v38 =	vmul.f32 v38, v59;
	[tilespmem:s31+$0xF520] =	vst v1;
	v1 =	vld [tilespmem:$0x1FFE0]  }
0x2cd: {  	v7 =	vadd.f32 v56, v7;
	v56 =	vld [tilespmem:s31+$0xB720];
	v37 =	vmul.f32 v37, v57;
	v33 =	vmul.f32 v33, v59  }
0x2ce: {  	v4 =	vld [tilespmem:s31+$0x3720];
	v36 =	vmul.f32 v36, v2;
	v35 =	vmul.f32 v35, v57  }
0x2cf: {  	[tilespmem:s31+$0xF630] =	vst v10;
	v10 =	vld [tilespmem:s31+$0x7790];
	v32 =	vmul.f32 v32, v59;
	v31 =	vmul.f32 v31, v2  }
0x2d0: {  	v16 =	vadd.f32 v16, v7;
	v7 =	vld [tilespmem:s31+$0x3730];
	[tilespmem:s31+$0xF510] =	vst v58;
	v28 =	vmul.f32 v28, v59;
	v27 =	vmul.f32 v27, v2  }
0x2d1: {  	v58 =	vld [tilespmem:s31+$0x7730];
	v0 =	vadd.f32 v0, v3;
	v26 =	vmul.f32 v26, v57;
	[tilespmem:s31+$0xF530] =	vst v1;
	v1 =	vmul.f32 v50, v57  }
0x2d2: {  	v40 =	vld [tilespmem:s31+$0xB710];
	v25 =	vmul.f32 v25, v59;
	v24 =	vmul.f32 v24, v2;
	v49 =	vadd.f32 v52, v49  }
0x2d3: {  	v48 =	vld [tilespmem:s31+$0x7720];
	v15 =	vmul.f32 v15, v57;
	v13 =	vmul.f32 v13, v59;
	v1 =	vadd.f32 v46, v1  }
0x2d4: {  	[tilespmem:s31+$0xF560] =	vst v44;
	v60 =	vld [tilespmem:s31+$0xB730];
	v33 =	vadd.f32 v33, v37;
	v52 =	vmul.f32 v61, v57;
	v44 =	vadd.f32 v63, v49  }
0x2d5: {  	v37 =	vld [tilespmem:s31+$0xB750];
	v63 =	vmul.f32 v43, v2;
	v1 =	vadd.f32 v47, v1;
	v47 =	vimm.s32 $0xE  }
0x2d6: {  	[tilespmem:s31+$0xF570] =	vst v55;
	v59 =	vadd.f32 v25, v26;
	v26 =	vld [tilespmem:s31+$0x3780];
	v55 =	vperm.xlane v18, v47;
	v57 =	vperm.xlane v19, v47  }
0x2d7: {  	v38 =	vadd.f32 v38, v42;
	v49 =	vld [tilespmem:s31+$0x3750];
	v2 =	vmul.f32 v51, v2;
	v61 =	vperm.xlane v17, v47  }
0x2d8: {  	[tilespmem:s31+$0xF550] =	vst v62;
	v32 =	vadd.f32 v32, v35;
	v50 =	vld [tilespmem:s31+$0x3740];
	v14 =	vmul.f32 v14, v55;
	v12 =	vmul.f32 v12, v57  }
0x2d9: {  	[tilespmem:s31+$0xF590] =	vst v41;
	v13 =	vadd.f32 v13, v15;
	v46 =	vld [tilespmem:s31+$0xB740];
	v9 =	vmul.f32 v9, v55;
	v5 =	vmul.f32 v5, v57  }
0x2da: {  	[tilespmem:s31+$0xF610] =	vst v23;
	v43 =	vld [tilespmem:s31+$0x7750];
	v38 =	vadd.f32 v63, v38;
	v63 =	vmul.f32 v45, v61;
	v23 =	vmul.f32 v40, v61  }
0x2db: {  	[tilespmem:s31+$0xF5F0] =	vst v20;
	v15 =	vld [tilespmem:s31+$0x7780];
	v20 =	vadd.f32 v24, v59;
	v4 =	vmul.f32 v4, v55;
	v24 =	vmul.f32 v48, v57  }
0x2dc: {  	[tilespmem:s31+$0xF5D0] =	vst v30;
	v30 =	vadd.f32 v31, v32;
	v31 =	vld [tilespmem:s31+$0x7770];
	v35 =	vmul.f32 v56, v61;
	v3 =	vmul.f32 v7, v55  }
0x2dd: {  	[tilespmem:s31+$0xF5E0] =	vst v22;
	v33 =	vadd.f32 v36, v33;
	v32 =	vld [tilespmem:s31+$0xB770];
	v36 =	vmul.f32 v58, v57;
	v40 =	vmul.f32 v60, v61  }
0x2de: {  	[tilespmem:s31+$0xF620] =	vst v11;
	v28 =	vadd.f32 v28, v52;
	v52 =	vld [tilespmem:s31+$0x77B0];
	v42 =	vmul.f32 v50, v55;
	v46 =	vmul.f32 v46, v61  }
0x2df: {  	[tilespmem:s31+$0xF650] =	vst v16;
	v59 =	vld [tilespmem:s31+$0x77C0];
	v48 =	vmul.f32 v49, v55;
	v49 =	vmul.f32 v43, v57  }
0x2e0: {  	v2 =	vadd.f32 v2, v13;
	v13 =	vld [tilespmem:s31+$0x3790];
	[tilespmem:s31+$0xF690] =	vst v1;
	v1 =	vmul.f32 v37, v61;
	v51 =	vmul.f32 v39, v55  }
0x2e1: {  	v22 =	vadd.f32 v27, v28;
	[tilespmem:s31+$0xF6C0] =	vst v30;
	v30 =	vld [tilespmem:s31+$0x77D0];
	v53 =	vmul.f32 v53, v57;
	v27 =	vmul.f32 v29, v55  }
0x2e2: {  	[tilespmem:s31+$0xF640] =	vst v8;
	v47 =	vld [tilespmem:s31+$0xB7A0];
	v55 =	vmul.f32 v34, v61;
	v28 =	vmul.f32 v31, v57  }
0x2e3: {  	[tilespmem:s31+$0xF660] =	vst v6;
	v45 =	vld [tilespmem:s31+$0x77A0];
	v60 =	vmul.f32 v32, v61;
	v62 =	vadd.f32 v12, v14;
	v5 =	vadd.f32 v5, v9  }
0x2e4: {  	[tilespmem:s31+$0xF670] =	vst v0;
	v50 =	vld [tilespmem:s31+$0x37B0];
	v4 =	vadd.f32 v24, v4;
	v0 =	vadd.f32 v36, v3;
	v3 =	vmul.f32 v54, v57  }
0x2e5: {  	[tilespmem:s31+$0xF680] =	vst v44;
	v56 =	vld [tilespmem:s31+$0x37C0];
	v12 =	vadd.f32 v49, v48;
	v57 =	vimm.s32 $0xF;
	v6 =	vadd.f32 v53, v51  }
0x2e6: {  	[tilespmem:s31+$0xF6F0] =	vst v2;
	v61 =	vld [tilespmem:s31+$0xB7C0];
	v2 =	vadd.f32 v28, v27;
	v58 =	vperm.xlane v18, v57;
	v18 =	vperm.xlane v19, v57  }
0x2e7: {  	[tilespmem:s31+$0xF6B0] =	vst v33;
	v39 =	vld [tilespmem:s31+$0x37E0];
	v17 =	vperm.xlane v17, v57;
	v8 =	vadd.f32 v63, v62;
	v5 =	vadd.f32 v23, v5  }
0x2e8: {  	[tilespmem:s31+$0xF6E0] =	vst v20;
	v43 =	vld [tilespmem:s31+$0x37F0];
	v4 =	vadd.f32 v35, v4;
	v62 =	vmul.f32 v26, v58;
	v15 =	vmul.f32 v15, v18  }
0x2e9: {  	[tilespmem:s31+$0xF6A0] =	vst v38;
	v14 =	vld [tilespmem:s31+$0xB790];
	v0 =	vadd.f32 v40, v0;
	v13 =	vmul.f32 v13, v58;
	v10 =	vmul.f32 v10, v18  }
0x2ea: {  	[tilespmem:s31+$0xF6D0] =	vst v22;
	v9 =	vld [tilespmem:s31+$0x37A0];
	v3 =	vadd.f32 v3, v42;
	v33 =	vmul.f32 v21, v17;
	v42 =	vmul.f32 v45, v18  }
0x2eb: {  	v54 =	vld [tilespmem:s31+$0xB7B0];
	v1 =	vadd.f32 v1, v12;
	v44 =	vmul.f32 v50, v58;
	v45 =	vmul.f32 v52, v18;
	[tilespmem:s31+$0xF700] =	vst v8  }
0x2ec: {  	v49 =	vld [tilespmem:s31+$0x77F0];
	v2 =	vadd.f32 v60, v2;
	v47 =	vmul.f32 v47, v17;
	v50 =	vmul.f32 v56, v58;
	[tilespmem:s31+$0xF710] =	vst v5  }
0x2ed: {  	v63 =	vld [tilespmem:s31+$0x37D0];
	v6 =	vadd.f32 v55, v6;
	v51 =	vmul.f32 v59, v18;
	v56 =	vmul.f32 v30, v18;
	[tilespmem:s31+$0xF720] =	vst v4  }
0x2ee: {  	v3 =	vadd.f32 v46, v3;
	v46 =	vld [tilespmem:s31+$0x77E0];
	[tilespmem:s31+$0xF770] =	vst v2;
	v2 =	vmul.f32 v43, v58;
	v32 =	vadd.f32 v15, v62  }
0x2ef: {  	v34 =	vld [tilespmem:s31+$0xB7D0];
	[tilespmem:s31+$0xF730] =	vst v0;
	v37 =	vadd.f32 v10, v13;
	v38 =	vmul.f32 v14, v17;
	v41 =	vmul.f32 v9, v58  }
0x2f0: {  	v52 =	vld [tilespmem:s31+$0xB7E0];
	[tilespmem:s31+$0xF750] =	vst v1;
	v48 =	vmul.f32 v54, v17;
	v1 =	vadd.f32 v45, v44;
	v57 =	vadd.f32 v51, v50  }
0x2f1: {  	v55 =	vld [tilespmem:s31+$0xB7F0];
	v54 =	vmul.f32 v39, v58;
	[tilespmem:s31+$0xF740] =	vst v3;
	v40 =	vadd.f32 v33, v32;
	v3 =	vadd.f32 v42, v41  }
0x2f2: {  	[tilespmem:s31+$0xF760] =	vst v6;
	v60 =	vmul.f32 v49, v18;
	v0 =	vadd.f32 v38, v37;
	v53 =	vmul.f32 v63, v58  }
0x2f3: {  	v58 =	vmul.f32 v61, v17;
	v3 =	vadd.f32 v47, v3;
	[tilespmem:s31+$0xF780] =	vst v40;
	v59 =	vmul.f32 v46, v18  }
0x2f4: {  	v1 =	vadd.f32 v48, v1;
	v61 =	vmul.f32 v34, v17;
	[tilespmem:s31+$0xF790] =	vst v0;
	v0 =	vadd.f32 v56, v53  }
0x2f5: {  	p0 =	sne.s32 s29, $0x7;
	v63 =	vmul.f32 v52, v17;
	[tilespmem:s31+$0xF7A0] =	vst v3;
	v3 =	vadd.f32 v58, v57;
	v62 =	vadd.f32 v59, v54  }
.Ltmp0:
0x2f6: {  	[tilespmem:s31+$0xF7B0] =	vst v1;
	v1 =	vadd.f32 v60, v2;
	v2 =	vmul.f32 v55, v17;
	v0 =	vadd.f32 v61, v0;
	(pc) =	sbr.rel @p0 .LBB2_3-.Ltmp0, $4  }
0x2f7: {  	[tilespmem:s31+$0xF7C0] =	vst v3;
	v3 =	vadd.f32 v63, v62  }
0x2f8: {  	[tilespmem:s31+$0xF7D0] =	vst v0;
	v0 =	vadd.f32 v2, v1  }
0x2f9: {  	[tilespmem:s31+$0xF7E0] =	vst v3  }
0x2fa: {  	s29 =	sadd.s32 $0x1, s29;
	v1 =	vimm.s32 $0x0;
	[tilespmem:s31+$0xF7F0] =	vst v0  }
0x2fb: {  	s28 =	sadd.s32 s4, s28;
	s26 =	sadd.s32 $0x1, s26  }
0x2fc: {  	s28 =	sshll.u32 s28, $0x4;
	p0 =	sne.s32 s26, $0x10  }
.Ltmp1:
0x2fd: {  	s28 =	sadd.s32 s5, s28;
	(pc) =	sbr.rel @p0 .LBB2_2-.Ltmp1, $4  }
0x2fe: {  	[hbm4b:s28+s3] =	stream.linear.scatter [tilespmem:s24], [sflag:$0x2], $0x4000, $0x38;
	[tilespmem:$0x13000] =	vst v63  }
0x2ff: {  	_ =	swait.ge [sflag:s13], $0x4000  }
0x300: {  	[sflag:s13] =	ssyncset.done $0x0  }
0x301: {  	[sflag:s13] =	ssyncadd.s32 $0xFFFFC000  }
0x302: {  	s25 =	sadd.s32 $0x1, s25  }
0x303: {  	p0 =	sne.s32 s25, s12  }
.Ltmp2:
0x304: {  	_ = 	snop;
	(pc) =	sbr.rel @p0 .LBB2_1-.Ltmp2, $1  }
0x305: {  	_ =	sdelay $0x3  }
0x306: {  	_ =	sfence.sel $0x180000  }
0x307: {  	[bflag:$0x0] =	sbarrier.arrive $0xFFFF  }
0x308: {  	p0 =	sne.s32 s1, $0x0;
	_ =	strace $0x90000047  }
0x309: {  	s0 =	sadd.s32 @!p0 $0x100000, s0;
	[bflag:$0x2] =	sbarrier.arrive $0xFFFF  }
0x30a: {  	[sflag:s0] =	ssyncadd.tile.s32 @!p0 $0x1;
	_ =	shalt  }
.Lfunc_end2:
_tile_overlayer_lowered:
.L_overlay_start_2:
0x30b: {  	(tag) =	ssettag $0x2  }
0x30c: {  	s0 =	rddreg [dreg:$0x0];
	s2 =	stileid.u32  }
0x30d: {  	s1 =	rddreg [dreg:$0x1];
	p0 =	sne.s32 s2, $0x0  }
0x30e: {  	s3 =	rddreg [dreg:$0x2];
	[bflag:$0x3] =	sbarrier.arrive $0xFFFF;
	s2 =	simm.s32 @!p0 $0x1C02  }
0x30f: {  	[timem:s3], [sflag:s2] =	dma.local @!p0 [hbm:s0], s1  }
0x310: {  	s0 =	simm.s32 @!p0 $0x2  }
0x311: {  	_ =	swait.ge @!p0 [sflag:s0], s1  }
0x312: {  	s1 =	ssub.s32 @!p0 $0x0, s1;
	[sflag:s0] =	ssyncset.done @!p0 $0x0  }
0x313: {  	[sflag:s0] =	ssyncadd.s32 @!p0 s1  }
0x314: {  	[bflag:$0x3] =	sbarrier.arrive $0xFFFF  }
0x315: {  	_ =	shalt  }

</sc_bundles>
